<compile_context>
chip_gen: v7x
topology: tpu7x:2x2x1
jax: 0.10.2.dev20260603
libtpu: 0.0.44.dev20260713+nightly
codegen_flags: <defaults>
</compile_context>

<pallas_src>
import functools

import jax
import jax.numpy as jnp
from jax import lax
from jax.experimental import pallas as pl
from jax.experimental.pallas import tpu as pltpu
from jax.experimental.pallas import tpu_sc as plsc

N = 10000
E = 320000
D = 128
H = 8
C = 128
HC = H * C
D_INNER = 512
EPS = 1e-5

NC = 2
NS = 16
NW = NC * NS

EDGES = E + N
EP = 330240
SPAN = EP // NW
B = 40
ITERS = SPAN // B
BB = 48
SPAN_B = EP // NS
ITERS_B = SPAN_B // BB
NP = 10240
ZR = NP // NS
PR = NP // 8
PB = NP // 2
ZO = PB // NS

f32 = jnp.float32
i32 = jnp.int32


def _pre_body(x_ref, wl_ref, bl_ref, wr_ref, br_ref, xl_ref, xr_ref):
    x = x_ref[...]
    xl_ref[...] = jnp.dot(x, wl_ref[...], preferred_element_type=f32) + bl_ref[...]
    xr_ref[...] = jnp.dot(x, wr_ref[...], preferred_element_type=f32) + br_ref[...]


def _pre(x, W_l, b_l, W_r, b_r):
    blk = 1000
    grid = (N // blk,)
    return pl.pallas_call(
        _pre_body,
        grid=grid,
        in_specs=[
            pl.BlockSpec((blk, D), lambda i: (i, 0)),
            pl.BlockSpec((D, HC), lambda i: (0, 0)),
            pl.BlockSpec((1, HC), lambda i: (0, 0)),
            pl.BlockSpec((D, HC), lambda i: (0, 0)),
            pl.BlockSpec((1, HC), lambda i: (0, 0)),
        ],
        out_specs=[
            pl.BlockSpec((blk, HC), lambda i: (i, 0)),
            pl.BlockSpec((blk, HC), lambda i: (i, 0)),
        ],
        out_shape=[
            jax.ShapeDtypeStruct((N, HC), f32),
            jax.ShapeDtypeStruct((N, HC), f32),
        ],
    )(x, W_l, b_l.reshape(1, HC), W_r, b_r.reshape(1, HC))


def _passA_body(src_hbm, dst_hbm, row_hbm, xl_hbm, xr_hbm, att_hbm,
                ex_hbm, denom_hbm,
                idx_s, idx_d, rowidx, rows_l, rows_r, exd_v, exs_v, att_v,
                zbuf, denom_sh, sem, semg1, semg2):
    c = lax.axis_index("c")
    s = lax.axis_index("s")
    wid = c * NS + s
    lane = lax.iota(i32, 16)
    zrow = jnp.zeros((16,), f32)

    for k in range(8 * (C // 16)):
        zbuf[k // 8, pl.ds((k % 8) * 16, 16)] = zrow

    @pl.when(s < 2)
    def _():
        def zcopy(r, _):
            pltpu.sync_copy(zbuf, denom_sh.at[pl.ds(s * (PR // 2) + r * 8, 8)])
            return 0
        lax.fori_loop(0, PR // 16, zcopy, 0)

    pltpu.sync_copy(att_hbm, att_v)
    plsc.subcore_barrier()

    base = wid * SPAN

    def step(it, _):
        off = base + it * B
        m1 = pltpu.async_copy(src_hbm.at[pl.ds(off, B)], idx_s, sem)
        m2 = pltpu.async_copy(dst_hbm.at[pl.ds(off, B)], idx_d, sem)
        m3 = pltpu.async_copy(row_hbm.at[pl.ds(off, B)], rowidx, sem)
        m1.wait(); m2.wait(); m3.wait()
        g1 = pltpu.async_copy(xl_hbm.at[idx_s], rows_l, semg1)
        g2 = pltpu.async_copy(xr_hbm.at[idx_d], rows_r, semg2)
        g1.wait(); g2.wait()

        hmask = jnp.full((16,), -0x10000, i32)

        def edge(e, _):
            svec = jnp.full((16,), -1e30, f32)
            for h in range(H):
                acc = jnp.zeros((16,), f32)
                for g in range(C // 32):
                    o = h * (C // 2) + g * 16
                    ul = rows_l[e, pl.ds(o, 16)]
                    ur = rows_r[e, pl.ds(o, 16)]
                    lo = (plsc.bitcast(lax.shift_left(ul, 16), f32)
                          + plsc.bitcast(lax.shift_left(ur, 16), f32))
                    hi = (plsc.bitcast(ul & hmask, f32)
                          + plsc.bitcast(ur & hmask, f32))
                    llo = jnp.maximum(lo, lo * 0.2)
                    lhi = jnp.maximum(hi, hi * 0.2)
                    acc = acc + llo * att_v[h, pl.ds(g * 32, 16)]
                    acc = acc + lhi * att_v[h, pl.ds(g * 32 + 16, 16)]
                svec = jnp.where(lane == h, jnp.sum(acc), svec)
            ex = jnp.exp(svec)
            exs_v[e, :] = ex
            for k in range(C // 16):
                exd_v[e, pl.ds(k * 16, 16)] = zrow
            ebc = jnp.zeros((16,), i32) + e
            dbc = plsc.load_gather(idx_d, [ebc])
            col = (dbc & 7) * 16 + lane
            plsc.store_scatter(exd_v, [ebc, col], ex)
            return 0

        lax.fori_loop(0, B, edge, 0)
        pltpu.sync_copy(exd_v, denom_sh.at[rowidx], add=True)
        pltpu.sync_copy(exs_v, ex_hbm.at[pl.ds(off, B)])
        return 0

    lax.fori_loop(0, ITERS, step, 0)
    plsc.subcore_barrier()

    @pl.when(s < 2)
    def _():
        pltpu.sync_copy(denom_sh.at[pl.ds(s * (PR // 2), PR // 2)],
                        denom_hbm.at[c, pl.ds(s * (PR // 2), PR // 2)])


def _passA(src, dst, row, xl, xr, att):
    mesh = plsc.VectorSubcoreMesh(core_axis_name="c", subcore_axis_name="s")
    kern = pl.kernel(
        _passA_body,
        compiler_params=pltpu.CompilerParams(needs_layout_passes=False),
        out_type=[
            jax.ShapeDtypeStruct((EP, 16), f32),
            jax.ShapeDtypeStruct((NC, PR, C), f32),
        ],
        mesh=mesh,
        scratch_types=[
            pltpu.VMEM((B,), i32),
            pltpu.VMEM((B,), i32),
            pltpu.VMEM((B,), i32),
            pltpu.VMEM((B, HC // 2), i32),
            pltpu.VMEM((B, HC // 2), i32),
            pltpu.VMEM((B, C), f32),
            pltpu.VMEM((B, 16), f32),
            pltpu.VMEM((H, C), f32),
            pltpu.VMEM((8, C), f32),
            pltpu.VMEM_SHARED((PR, C), f32),
            pltpu.SemaphoreType.DMA,
            pltpu.SemaphoreType.DMA,
            pltpu.SemaphoreType.DMA,
        ],
    )
    return kern(src, dst, row, xl, xr, att)


def _passB_body(src2_hbm, dst_hbm, row_hbm, orow_hbm, ex_hbm, xlh_hbm,
                d_hbm,
                out_hbm,
                idx_s, idx_d, rowidx, orowidx, rows_l, ex_v, d_v,
                contrib, zbuf, out_sh, sem, semg1, semg2):
    c = lax.axis_index("c")
    s = lax.axis_index("s")
    wid = c * NS + s
    lane = lax.iota(i32, 16)

    zrow = jnp.zeros((16,), f32)
    for k in range(8 * (C // 16)):
        zbuf[k // 8, pl.ds((k % 8) * 16, 16)] = zrow

    def zcopy(r, _):
        pltpu.sync_copy(zbuf, out_sh.at[pl.ds(s * ZO + r * 8, 8)])
        return 0
    lax.fori_loop(0, ZO // 8, zcopy, 0)
    plsc.subcore_barrier()

    base = s * SPAN_B

    def step(it, _):
        off = base + it * BB
        m1 = pltpu.async_copy(src2_hbm.at[pl.ds(c * EP + off, BB)], idx_s, sem)
        m2 = pltpu.async_copy(dst_hbm.at[pl.ds(off, BB)], idx_d, sem)
        m3 = pltpu.async_copy(row_hbm.at[pl.ds(off, BB)], rowidx, sem)
        m5 = pltpu.async_copy(orow_hbm.at[pl.ds(off, BB)], orowidx, sem)
        m4 = pltpu.async_copy(ex_hbm.at[pl.ds(off, BB)], ex_v, sem)
        m1.wait(); m2.wait(); m3.wait(); m4.wait(); m5.wait()
        g1 = pltpu.async_copy(xlh_hbm.at[idx_s], rows_l, semg1)
        g2 = pltpu.async_copy(d_hbm.at[rowidx], d_v, semg2)
        g1.wait(); g2.wait()

        def edge(e, _):
            ebc = jnp.zeros((16,), i32) + e
            dbc = plsc.load_gather(idx_d, [ebc])
            col = (dbc & 7) * 16 + lane
            d = plsc.load_gather(d_v, [ebc, col])
            alpha = ex_v[e, :] / (d + 1e-16) * (1.0 / H)
            ah = [alpha.at[jnp.full((16,), h, i32)].get(mode="promise_in_bounds")
                  for h in range(H)]
            cb = (dbc & 1) * 64 + lane
            ncb = (1 - (dbc & 1)) * 64 + lane
            hmask = jnp.full((16,), -0x10000, i32)
            for g in range(2):
                acc_lo = jnp.zeros((16,), f32)
                acc_hi = jnp.zeros((16,), f32)
                for h in range(H):
                    u = rows_l[e, pl.ds(h * 32 + g * 16, 16)]
                    acc_lo = acc_lo + ah[h] * plsc.bitcast(
                        lax.shift_left(u, 16), f32)
                    acc_hi = acc_hi + ah[h] * plsc.bitcast(u & hmask, f32)
                plsc.store_scatter(contrib, [ebc, cb + g * 32], acc_lo)
                plsc.store_scatter(contrib, [ebc, cb + g * 32 + 16], acc_hi)
                plsc.store_scatter(contrib, [ebc, ncb + g * 32], zrow)
                plsc.store_scatter(contrib, [ebc, ncb + g * 32 + 16], zrow)
            return 0

        lax.fori_loop(0, BB, edge, 0)
        pltpu.sync_copy(contrib, out_sh.at[orowidx], add=True)
        return 0

    lax.fori_loop(0, ITERS_B, step, 0)
    plsc.subcore_barrier()
    pltpu.sync_copy(out_sh.at[pl.ds(s * ZO, ZO)],
                    out_hbm.at[c, pl.ds(s * ZO, ZO)])


def _passB(src2, dst, row, orow, ex, xlh, d):
    mesh = plsc.VectorSubcoreMesh(core_axis_name="c", subcore_axis_name="s")
    kern = pl.kernel(
        _passB_body,
        compiler_params=pltpu.CompilerParams(needs_layout_passes=False),
        out_type=jax.ShapeDtypeStruct((NC, PB, C), f32),
        mesh=mesh,
        scratch_types=[
            pltpu.VMEM((BB,), i32),
            pltpu.VMEM((BB,), i32),
            pltpu.VMEM((BB,), i32),
            pltpu.VMEM((BB,), i32),
            pltpu.VMEM((BB, HC // 4), i32),
            pltpu.VMEM((BB, 16), f32),
            pltpu.VMEM((BB, C), f32),
            pltpu.VMEM((BB, C), f32),
            pltpu.VMEM((8, C), f32),
            pltpu.VMEM_SHARED((PB, C), f32),
            pltpu.SemaphoreType.DMA,
            pltpu.SemaphoreType.DMA,
            pltpu.SemaphoreType.DMA,
        ],
    )
    return kern(src2, dst, row, orow, ex, xlh, d)


def _post_body(x_ref, olo_ref, ohi_ref, p_ref, w1_ref, b1_ref, w2_ref, out_ref):
    gat_bias = p_ref[0:1, :]
    g1, be1, m1, v1 = p_ref[1:2, :], p_ref[2:3, :], p_ref[3:4, :], p_ref[4:5, :]
    b2 = p_ref[5:6, :]
    g2, be2, m2, v2 = p_ref[6:7, :], p_ref[7:8, :], p_ref[8:9, :], p_ref[9:10, :]
    o = jnp.concatenate([olo_ref[...], ohi_ref[...]], axis=1)
    y = x_ref[...] + o + gat_bias
    y = (y - m1) * lax.rsqrt(v1 + EPS) * g1 + be1
    hid = jnp.maximum(jnp.dot(y, w1_ref[...], preferred_element_type=f32)
                      + b1_ref[...], 0.0)
    ff = jnp.dot(hid, w2_ref[...], preferred_element_type=f32) + b2
    z = y + ff
    out_ref[...] = (z - m2) * lax.rsqrt(v2 + EPS) * g2 + be2


def _post(x, olo, ohi, params, W1, b1, W2):
    blk = 1000
    grid = (N // blk,)
    return pl.pallas_call(
        _post_body,
        grid=grid,
        in_specs=[
            pl.BlockSpec((blk, D), lambda i: (i, 0)),
            pl.BlockSpec((blk, D // 2), lambda i: (i, 0)),
            pl.BlockSpec((blk, D // 2), lambda i: (i, 0)),
            pl.BlockSpec((10, D), lambda i: (0, 0)),
            pl.BlockSpec((D, D_INNER), lambda i: (0, 0)),
            pl.BlockSpec((1, D_INNER), lambda i: (0, 0)),
            pl.BlockSpec((D_INNER, D), lambda i: (0, 0)),
        ],
        out_specs=pl.BlockSpec((blk, D), lambda i: (i, 0)),
        out_shape=jax.ShapeDtypeStruct((N, D), f32),
    )(x, olo, ohi, params, W1, b1.reshape(1, D_INNER), W2)


def kernel(x, edge_index, W_l, b_l, W_r, b_r, att, gat_bias,
           bn1_gamma, bn1_beta, bn1_mean, bn1_var,
           W1, b1, W2, b2,
           bn2_gamma, bn2_beta, bn2_mean, bn2_var):
    loop = jnp.arange(N, dtype=i32)
    pad = EP - EDGES
    src = jnp.concatenate([edge_index[0].astype(i32), loop,
                           jnp.zeros((pad,), i32)])
    dst = jnp.concatenate([edge_index[1].astype(i32), loop,
                           jnp.full((pad,), N, i32)])

    row = lax.shift_right_logical(dst, 3)
    orow = lax.shift_right_logical(dst, 1)
    src2 = jnp.concatenate([src, src + N])

    xl, xr = _pre(x, W_l, b_l, W_r, b_r)

    def pack(a):
        m, w = a.shape
        t = a.reshape(m, w // 32, 2, 16).transpose(0, 1, 3, 2).reshape(m, w)
        return lax.bitcast_convert_type(
            t.astype(jnp.bfloat16).reshape(m, w // 2, 2), i32)

    xl_pk = pack(xl)
    xr_pk = pack(xr)
    ex, denom = _passA(src, dst, row, xl_pk, xr_pk, att)
    dsum = denom[0] + denom[1]
    xl3 = xl.reshape(N, H, C)
    xlh = jnp.concatenate([xl3[:, :, :C // 2].reshape(N, HC // 2),
                           xl3[:, :, C // 2:].reshape(N, HC // 2)], axis=0)
    out2 = _passB(src2, dst, row, orow, ex, pack(xlh), dsum)
    olo = out2[0].reshape(NP, C // 2)[:N]
    ohi = out2[1].reshape(NP, C // 2)[:N]

    params = jnp.stack([gat_bias, bn1_gamma, bn1_beta, bn1_mean, bn1_var,
                        b2, bn2_gamma, bn2_beta, bn2_mean, bn2_var])
    return _post(x, olo, ohi, params, W1, b1, W2)

# --- scband reference (transcript-rebuilt; emitter-appended) ---
"""Pipeline reference for scband-simple-gatv2-layer-48722109006010 (READ-ONLY COPY).

The authoritative reference and input builder live on the scoring server;
editing this copy changes nothing except your own understanding.
"""

import jax, jax.numpy as jnp
import numpy as np

N = 10000
E = 320000
D = 128
H = 8
C = 128
D_INNER = 512
EPS = 1e-5

def setup_inputs(seed: int = 0) -> dict:
    key = jax.random.key(seed)
    ks = jax.random.split(key, 16)
    inp = {}
    inp['x'] = jax.random.normal(ks[0], (N, D), dtype=jnp.float32)
    inp['edge_index'] = jax.random.randint(ks[1], (2, E), 0, N, dtype=jnp.int64 if jax.config.jax_enable_x64 else jnp.int32)
    # GATv2Conv params (heads=8, out_channels=128, concat=False, share_weights=False)
    inp['W_l'] = jax.random.normal(ks[2], (D, H * C), dtype=jnp.float32) * 0.05
    inp['b_l'] = jnp.zeros((H * C,), dtype=jnp.float32)
    inp['W_r'] = jax.random.normal(ks[3], (D, H * C), dtype=jnp.float32) * 0.05
    inp['b_r'] = jnp.zeros((H * C,), dtype=jnp.float32)
    inp['att'] = jax.random.normal(ks[4], (H, C), dtype=jnp.float32) * 0.05
    inp['gat_bias'] = jnp.zeros((C,), dtype=jnp.float32)
    # BatchNorm1d params (eval mode: running stats)
    inp['bn1_gamma'] = jnp.ones((D,), dtype=jnp.float32)
    inp['bn1_beta'] = jnp.zeros((D,), dtype=jnp.float32)
    inp['bn1_mean'] = jnp.zeros((D,), dtype=jnp.float32)
    inp['bn1_var'] = jnp.ones((D,), dtype=jnp.float32)
    # FFN params
    inp['W1'] = jax.random.normal(ks[5], (D, D_INNER), dtype=jnp.float32) * 0.05
    inp['b1'] = jnp.zeros((D_INNER,), dtype=jnp.float32)
    inp['W2'] = jax.random.normal(ks[6], (D_INNER, D), dtype=jnp.float32) * 0.05
    inp['b2'] = jnp.zeros((D,), dtype=jnp.float32)
    inp['bn2_gamma'] = jnp.ones((D,), dtype=jnp.float32)
    inp['bn2_beta'] = jnp.zeros((D,), dtype=jnp.float32)
    inp['bn2_mean'] = jnp.zeros((D,), dtype=jnp.float32)
    inp['bn2_var'] = jnp.ones((D,), dtype=jnp.float32)
    return inp

def _batchnorm_eval(x, gamma, beta, mean, var):
    return (x - mean) * jax.lax.rsqrt(var + EPS) * gamma + beta

def _gatv2(x, src, dst, W_l, b_l, W_r, b_r, att, gat_bias):
    n = x.shape[0]
    x_l = (x @ W_l + b_l).reshape(n, H, C)  # source transform
    x_r = (x @ W_r + b_r).reshape(n, H, C)  # target transform
    xj = jnp.take(x_l, src, axis=0)  # [E+N, H, C] messages from source
    xi = jnp.take(x_r, dst, axis=0)  # [E+N, H, C]
    e = jax.nn.leaky_relu(xi + xj, negative_slope=0.2)
    score = jnp.sum(e * att[None, :, :], axis=-1)  # [E+N, H]
    # edge softmax over destination nodes
    m = jax.ops.segment_max(score, dst, num_segments=n)
    score = score - jnp.take(m, dst, axis=0)
    ex = jnp.exp(score)
    denom = jax.ops.segment_sum(ex, dst, num_segments=n)
    alpha = ex / (jnp.take(denom, dst, axis=0) + 1e-16)  # [E+N, H]
    out = jax.ops.segment_sum(xj * alpha[:, :, None], dst, num_segments=n)  # [n, H, C]
    out = jnp.mean(out, axis=1) + gat_bias  # concat=False -> mean over heads
    return out

def reference(x, edge_index, W_l, b_l, W_r, b_r, att, gat_bias,
              bn1_gamma, bn1_beta, bn1_mean, bn1_var,
              W1, b1, W2, b2,
              bn2_gamma, bn2_beta, bn2_mean, bn2_var):
    n = x.shape[0]
    # GATv2Conv adds self-loops by default
    loop = jnp.arange(n, dtype=edge_index.dtype)
    src = jnp.concatenate([edge_index[0], loop])
    dst = jnp.concatenate([edge_index[1], loop])
    x2 = _gatv2(x, src, dst, W_l, b_l, W_r, b_r, att, gat_bias)
    x = x + x2  # dropout identity in eval
    x = _batchnorm_eval(x, bn1_gamma, bn1_beta, bn1_mean, bn1_var)
    ff = jax.nn.relu(x @ W1 + b1) @ W2 + b2
    x = x + ff
    x = _batchnorm_eval(x, bn2_gamma, bn2_beta, bn2_mean, bn2_var)
    return x

if __name__ == "__main__":
    import jax
    _d = setup_inputs()
    print(jax.jit(kernel)(*tuple(_d.values())))

</pallas_src>

<mosaic_0001>
#map = affine_map<(d0, d1) -> (0)>
#map1 = affine_map<(d0, d1) -> (0, 0)>
#map2 = affine_map<(d0, d1) -> (0, 0, 0)>
module attributes {stable_mosaic.version = 14 : i64} {
  func.func @_passA_body(%arg0: i32, %arg1: i32, %arg2: memref<330240xi32, #tpu.memory_space<hbm>>, %arg3: memref<330240xi32, #tpu.memory_space<hbm>>, %arg4: memref<330240xi32, #tpu.memory_space<hbm>>, %arg5: memref<10000x512xi32, #tpu.memory_space<hbm>>, %arg6: memref<10000x512xi32, #tpu.memory_space<hbm>>, %arg7: memref<8x128xf32, #tpu.memory_space<hbm>>, %arg8: memref<330240x16xf32, #tpu.memory_space<hbm>>, %arg9: memref<2x1280x128xf32, #tpu.memory_space<hbm>>, %arg10: memref<40xi32, #tpu.memory_space<vmem>>, %arg11: memref<40xi32, #tpu.memory_space<vmem>>, %arg12: memref<40xi32, #tpu.memory_space<vmem>>, %arg13: memref<40x512xi32, #tpu.memory_space<vmem>>, %arg14: memref<40x512xi32, #tpu.memory_space<vmem>>, %arg15: memref<40x128xf32, #tpu.memory_space<vmem>>, %arg16: memref<40x16xf32, #tpu.memory_space<vmem>>, %arg17: memref<8x128xf32, #tpu.memory_space<vmem>>, %arg18: memref<8x128xf32, #tpu.memory_space<vmem>>, %arg19: memref<1280x128xf32, #tpu.memory_space<vmem_shared>>, %arg20: memref<!tpu.dma_semaphore, #tpu.memory_space<semaphore_mem>>, %arg21: memref<!tpu.dma_semaphore, #tpu.memory_space<semaphore_mem>>, %arg22: memref<!tpu.dma_semaphore, #tpu.memory_space<semaphore_mem>>) attributes {dimension_semantics = [#tpu.dimension_semantics<core_parallel>, #tpu.dimension_semantics<subcore_parallel>], iteration_bounds = array<i64: 2, 16>, scalar_prefetch = 0 : i64, scratch_operands = 13 : i64, tpu.core_type = #tpu.core_type<sc_vector_subcore>, window_params = [{transform_indices = #map}, {transform_indices = #map}, {transform_indices = #map}, {transform_indices = #map1}, {transform_indices = #map1}, {transform_indices = #map1}, {transform_indices = #map1}, {transform_indices = #map2}]} {
    %mul3A = arith.constant 16 : i32
    %mul3A_0 = arith.muli %arg0, %mul3A : i32
    %add3A = arith.addi %mul3A_0, %arg1 : i32
    %iota3A = tpu.iota {dimensions = array<i32: 0>} : vector<16xi32>
    %broadcast_in_dim3A = arith.constant 0.000000e+00 : f32
    %broadcast_in_dim3A_1 = vector.broadcast %broadcast_in_dim3A : f32 to vector<16xf32>
    %swap3A = arith.constant 0 : i32
    %swap3A_2 = arith.index_cast %swap3A : i32 to index
    %swap3A_3 = arith.constant 0 : index
    %swap3A_4 = tpu.vector_load %arg18[%swap3A_2, %swap3A_3] {strides = array<i32>} : memref<8x128xf32, #tpu.memory_space<vmem>>, vector<16xf32>,
    tpu.vector_store %arg18[%swap3A_2, %swap3A_3], %broadcast_in_dim3A_1 {strides = array<i32>} : memref<8x128xf32, #tpu.memory_space<vmem>>, vector<16xf32>,
    %swap3A_5 = arith.constant 0 : i32
    %swap3A_6 = arith.index_cast %swap3A_5 : i32 to index
    %swap3A_7 = arith.constant 16 : index
    %swap3A_8 = tpu.vector_load %arg18[%swap3A_6, %swap3A_7] {strides = array<i32>} : memref<8x128xf32, #tpu.memory_space<vmem>>, vector<16xf32>,
    tpu.vector_store %arg18[%swap3A_6, %swap3A_7], %broadcast_in_dim3A_1 {strides = array<i32>} : memref<8x128xf32, #tpu.memory_space<vmem>>, vector<16xf32>,
    %swap3A_9 = arith.constant 0 : i32
    %swap3A_10 = arith.index_cast %swap3A_9 : i32 to index
    %swap3A_11 = arith.constant 32 : index
    %swap3A_12 = tpu.vector_load %arg18[%swap3A_10, %swap3A_11] {strides = array<i32>} : memref<8x128xf32, #tpu.memory_space<vmem>>, vector<16xf32>,
    tpu.vector_store %arg18[%swap3A_10, %swap3A_11], %broadcast_in_dim3A_1 {strides = array<i32>} : memref<8x128xf32, #tpu.memory_space<vmem>>, vector<16xf32>,
    %swap3A_13 = arith.constant 0 : i32
    %swap3A_14 = arith.index_cast %swap3A_13 : i32 to index
    %swap3A_15 = arith.constant 48 : index
    %swap3A_16 = tpu.vector_load %arg18[%swap3A_14, %swap3A_15] {strides = array<i32>} : memref<8x128xf32, #tpu.memory_space<vmem>>, vector<16xf32>,
    tpu.vector_store %arg18[%swap3A_14, %swap3A_15], %broadcast_in_dim3A_1 {strides = array<i32>} : memref<8x128xf32, #tpu.memory_space<vmem>>, vector<16xf32>,
    %swap3A_17 = arith.constant 0 : i32
    %swap3A_18 = arith.index_cast %swap3A_17 : i32 to index
    %swap3A_19 = arith.constant 64 : index
    %swap3A_20 = tpu.vector_load %arg18[%swap3A_18, %swap3A_19] {strides = array<i32>} : memref<8x128xf32, #tpu.memory_space<vmem>>, vector<16xf32>,
    tpu.vector_store %arg18[%swap3A_18, %swap3A_19], %broadcast_in_dim3A_1 {strides = array<i32>} : memref<8x128xf32, #tpu.memory_space<vmem>>, vector<16xf32>,
    %swap3A_21 = arith.constant 0 : i32
    %swap3A_22 = arith.index_cast %swap3A_21 : i32 to index
    %swap3A_23 = arith.constant 80 : index
    %swap3A_24 = tpu.vector_load %arg18[%swap3A_22, %swap3A_23] {strides = array<i32>} : memref<8x128xf32, #tpu.memory_space<vmem>>, vector<16xf32>,
    tpu.vector_store %arg18[%swap3A_22, %swap3A_23], %broadcast_in_dim3A_1 {strides = array<i32>} : memref<8x128xf32, #tpu.memory_space<vmem>>, vector<16xf32>,
    %swap3A_25 = arith.constant 0 : i32
    %swap3A_26 = arith.index_cast %swap3A_25 : i32 to index
    %swap3A_27 = arith.constant 96 : index
    %swap3A_28 = tpu.vector_load %arg18[%swap3A_26, %swap3A_27] {strides = array<i32>} : memref<8x128xf32, #tpu.memory_space<vmem>>, vector<16xf32>,
    tpu.vector_store %arg18[%swap3A_26, %swap3A_27], %broadcast_in_dim3A_1 {strides = array<i32>} : memref<8x128xf32, #tpu.memory_space<vmem>>, vector<16xf32>,
    %swap3A_29 = arith.constant 0 : i32
    %swap3A_30 = arith.index_cast %swap3A_29 : i32 to index
    %swap3A_31 = arith.constant 112 : index
    %swap3A_32 = tpu.vector_load %arg18[%swap3A_30, %swap3A_31] {strides = array<i32>} : memref<8x128xf32, #tpu.memory_space<vmem>>, vector<16xf32>,
    tpu.vector_store %arg18[%swap3A_30, %swap3A_31], %broadcast_in_dim3A_1 {strides = array<i32>} : memref<8x128xf32, #tpu.memory_space<vmem>>, vector<16xf32>,
    %swap3A_33 = arith.constant 1 : i32
    %swap3A_34 = arith.index_cast %swap3A_33 : i32 to index
    %swap3A_35 = arith.constant 0 : index
    %swap3A_36 = tpu.vector_load %arg18[%swap3A_34, %swap3A_35] {strides = array<i32>} : memref<8x128xf32, #tpu.memory_space<vmem>>, vector<16xf32>,
    tpu.vector_store %arg18[%swap3A_34, %swap3A_35], %broadcast_in_dim3A_1 {strides = array<i32>} : memref<8x128xf32, #tpu.memory_space<vmem>>, vector<16xf32>,
    %swap3A_37 = arith.constant 1 : i32
    %swap3A_38 = arith.index_cast %swap3A_37 : i32 to index
    %swap3A_39 = arith.constant 16 : index
    %swap3A_40 = tpu.vector_load %arg18[%swap3A_38, %swap3A_39] {strides = array<i32>} : memref<8x128xf32, #tpu.memory_space<vmem>>, vector<16xf32>,
    tpu.vector_store %arg18[%swap3A_38, %swap3A_39], %broadcast_in_dim3A_1 {strides = array<i32>} : memref<8x128xf32, #tpu.memory_space<vmem>>, vector<16xf32>,
    %swap3A_41 = arith.constant 1 : i32
    %swap3A_42 = arith.index_cast %swap3A_41 : i32 to index
    %swap3A_43 = arith.constant 32 : index
    %swap3A_44 = tpu.vector_load %arg18[%swap3A_42, %swap3A_43] {strides = array<i32>} : memref<8x128xf32, #tpu.memory_space<vmem>>, vector<16xf32>,
    tpu.vector_store %arg18[%swap3A_42, %swap3A_43], %broadcast_in_dim3A_1 {strides = array<i32>} : memref<8x128xf32, #tpu.memory_space<vmem>>, vector<16xf32>,
    %swap3A_45 = arith.constant 1 : i32
    %swap3A_46 = arith.index_cast %swap3A_45 : i32 to index
    %swap3A_47 = arith.constant 48 : index
    %swap3A_48 = tpu.vector_load %arg18[%swap3A_46, %swap3A_47] {strides = array<i32>} : memref<8x128xf32, #tpu.memory_space<vmem>>, vector<16xf32>,
    tpu.vector_store %arg18[%swap3A_46, %swap3A_47], %broadcast_in_dim3A_1 {strides = array<i32>} : memref<8x128xf32, #tpu.memory_space<vmem>>, vector<16xf32>,
    %swap3A_49 = arith.constant 1 : i32
    %swap3A_50 = arith.index_cast %swap3A_49 : i32 to index
    %swap3A_51 = arith.constant 64 : index
    %swap3A_52 = tpu.vector_load %arg18[%swap3A_50, %swap3A_51] {strides = array<i32>} : memref<8x128xf32, #tpu.memory_space<vmem>>, vector<16xf32>,
    tpu.vector_store %arg18[%swap3A_50, %swap3A_51], %broadcast_in_dim3A_1 {strides = array<i32>} : memref<8x128xf32, #tpu.memory_space<vmem>>, vector<16xf32>,
    %swap3A_53 = arith.constant 1 : i32
    %swap3A_54 = arith.index_cast %swap3A_53 : i32 to index
    %swap3A_55 = arith.constant 80 : index
    %swap3A_56 = tpu.vector_load %arg18[%swap3A_54, %swap3A_55] {strides = array<i32>} : memref<8x128xf32, #tpu.memory_space<vmem>>, vector<16xf32>,
    tpu.vector_store %arg18[%swap3A_54, %swap3A_55], %broadcast_in_dim3A_1 {strides = array<i32>} : memref<8x128xf32, #tpu.memory_space<vmem>>, vector<16xf32>,
    %swap3A_57 = arith.constant 1 : i32
    %swap3A_58 = arith.index_cast %swap3A_57 : i32 to index
    %swap3A_59 = arith.constant 96 : index
    %swap3A_60 = tpu.vector_load %arg18[%swap3A_58, %swap3A_59] {strides = array<i32>} : memref<8x128xf32, #tpu.memory_space<vmem>>, vector<16xf32>,
    tpu.vector_store %arg18[%swap3A_58, %swap3A_59], %broadcast_in_dim3A_1 {strides = array<i32>} : memref<8x128xf32, #tpu.memory_space<vmem>>, vector<16xf32>,
    %swap3A_61 = arith.constant 1 : i32
    %swap3A_62 = arith.index_cast %swap3A_61 : i32 to index
    %swap3A_63 = arith.constant 112 : index
    %swap3A_64 = tpu.vector_load %arg18[%swap3A_62, %swap3A_63] {strides = array<i32>} : memref<8x128xf32, #tpu.memory_space<vmem>>, vector<16xf32>,
    tpu.vector_store %arg18[%swap3A_62, %swap3A_63], %broadcast_in_dim3A_1 {strides = array<i32>} : memref<8x128xf32, #tpu.memory_space<vmem>>, vector<16xf32>,
    %swap3A_65 = arith.constant 2 : i32
    %swap3A_66 = arith.index_cast %swap3A_65 : i32 to index
    %swap3A_67 = arith.constant 0 : index
    %swap3A_68 = tpu.vector_load %arg18[%swap3A_66, %swap3A_67] {strides = array<i32>} : memref<8x128xf32, #tpu.memory_space<vmem>>, vector<16xf32>,
    tpu.vector_store %arg18[%swap3A_66, %swap3A_67], %broadcast_in_dim3A_1 {strides = array<i32>} : memref<8x128xf32, #tpu.memory_space<vmem>>, vector<16xf32>,
    %swap3A_69 = arith.constant 2 : i32
    %swap3A_70 = arith.index_cast %swap3A_69 : i32 to index
    %swap3A_71 = arith.constant 16 : index
    %swap3A_72 = tpu.vector_load %arg18[%swap3A_70, %swap3A_71] {strides = array<i32>} : memref<8x128xf32, #tpu.memory_space<vmem>>, vector<16xf32>,
    tpu.vector_store %arg18[%swap3A_70, %swap3A_71], %broadcast_in_dim3A_1 {strides = array<i32>} : memref<8x128xf32, #tpu.memory_space<vmem>>, vector<16xf32>,
    %swap3A_73 = arith.constant 2 : i32
    %swap3A_74 = arith.index_cast %swap3A_73 : i32 to index
    %swap3A_75 = arith.constant 32 : index
    %swap3A_76 = tpu.vector_load %arg18[%swap3A_74, %swap3A_75] {strides = array<i32>} : memref<8x128xf32, #tpu.memory_space<vmem>>, vector<16xf32>,
    tpu.vector_store %arg18[%swap3A_74, %swap3A_75], %broadcast_in_dim3A_1 {strides = array<i32>} : memref<8x128xf32, #tpu.memory_space<vmem>>, vector<16xf32>,
    %swap3A_77 = arith.constant 2 : i32
    %swap3A_78 = arith.index_cast %swap3A_77 : i32 to index
    %swap3A_79 = arith.constant 48 : index
    %swap3A_80 = tpu.vector_load %arg18[%swap3A_78, %swap3A_79] {strides = array<i32>} : memref<8x128xf32, #tpu.memory_space<vmem>>, vector<16xf32>,
    tpu.vector_store %arg18[%swap3A_78, %swap3A_79], %broadcast_in_dim3A_1 {strides = array<i32>} : memref<8x128xf32, #tpu.memory_space<vmem>>, vector<16xf32>,
    %swap3A_81 = arith.constant 2 : i32
    %swap3A_82 = arith.index_cast %swap3A_81 : i32 to index
    %swap3A_83 = arith.constant 64 : index
    %swap3A_84 = tpu.vector_load %arg18[%swap3A_82, %swap3A_83] {strides = array<i32>} : memref<8x128xf32, #tpu.memory_space<vmem>>, vector<16xf32>,
    tpu.vector_store %arg18[%swap3A_82, %swap3A_83], %broadcast_in_dim3A_1 {strides = array<i32>} : memref<8x128xf32, #tpu.memory_space<vmem>>, vector<16xf32>,
    %swap3A_85 = arith.constant 2 : i32
    %swap3A_86 = arith.index_cast %swap3A_85 : i32 to index
    %swap3A_87 = arith.constant 80 : index
    %swap3A_88 = tpu.vector_load %arg18[%swap3A_86, %swap3A_87] {strides = array<i32>} : memref<8x128xf32, #tpu.memory_space<vmem>>, vector<16xf32>,
    tpu.vector_store %arg18[%swap3A_86, %swap3A_87], %broadcast_in_dim3A_1 {strides = array<i32>} : memref<8x128xf32, #tpu.memory_space<vmem>>, vector<16xf32>,
    %swap3A_89 = arith.constant 2 : i32
    %swap3A_90 = arith.index_cast %swap3A_89 : i32 to index
    %swap3A_91 = arith.constant 96 : index
    %swap3A_92 = tpu.vector_load %arg18[%swap3A_90, %swap3A_91] {strides = array<i32>} : memref<8x128xf32, #tpu.memory_space<vmem>>, vector<16xf32>,
    tpu.vector_store %arg18[%swap3A_90, %swap3A_91], %broadcast_in_dim3A_1 {strides = array<i32>} : memref<8x128xf32, #tpu.memory_space<vmem>>, vector<16xf32>,
    %swap3A_93 = arith.constant 2 : i32
    %swap3A_94 = arith.index_cast %swap3A_93 : i32 to index
    %swap3A_95 = arith.constant 112 : index
    %swap3A_96 = tpu.vector_load %arg18[%swap3A_94, %swap3A_95] {strides = array<i32>} : memref<8x128xf32, #tpu.memory_space<vmem>>, vector<16xf32>,
    tpu.vector_store %arg18[%swap3A_94, %swap3A_95], %broadcast_in_dim3A_1 {strides = array<i32>} : memref<8x128xf32, #tpu.memory_space<vmem>>, vector<16xf32>,
    %swap3A_97 = arith.constant 3 : i32
    %swap3A_98 = arith.index_cast %swap3A_97 : i32 to index
    %swap3A_99 = arith.constant 0 : index
    %swap3A_100 = tpu.vector_load %arg18[%swap3A_98, %swap3A_99] {strides = array<i32>} : memref<8x128xf32, #tpu.memory_space<vmem>>, vector<16xf32>,
    tpu.vector_store %arg18[%swap3A_98, %swap3A_99], %broadcast_in_dim3A_1 {strides = array<i32>} : memref<8x128xf32, #tpu.memory_space<vmem>>, vector<16xf32>,
    %swap3A_101 = arith.constant 3 : i32
    %swap3A_102 = arith.index_cast %swap3A_101 : i32 to index
    %swap3A_103 = arith.constant 16 : index
    %swap3A_104 = tpu.vector_load %arg18[%swap3A_102, %swap3A_103] {strides = array<i32>} : memref<8x128xf32, #tpu.memory_space<vmem>>, vector<16xf32>,
    tpu.vector_store %arg18[%swap3A_102, %swap3A_103], %broadcast_in_dim3A_1 {strides = array<i32>} : memref<8x128xf32, #tpu.memory_space<vmem>>, vector<16xf32>,
    %swap3A_105 = arith.constant 3 : i32
    %swap3A_106 = arith.index_cast %swap3A_105 : i32 to index
    %swap3A_107 = arith.constant 32 : index
    %swap3A_108 = tpu.vector_load %arg18[%swap3A_106, %swap3A_107] {strides = array<i32>} : memref<8x128xf32, #tpu.memory_space<vmem>>, vector<16xf32>,
    tpu.vector_store %arg18[%swap3A_106, %swap3A_107], %broadcast_in_dim3A_1 {strides = array<i32>} : memref<8x128xf32, #tpu.memory_space<vmem>>, vector<16xf32>,
    %swap3A_109 = arith.constant 3 : i32
    %swap3A_110 = arith.index_cast %swap3A_109 : i32 to index
    %swap3A_111 = arith.constant 48 : index
    %swap3A_112 = tpu.vector_load %arg18[%swap3A_110, %swap3A_111] {strides = array<i32>} : memref<8x128xf32, #tpu.memory_space<vmem>>, vector<16xf32>,
    tpu.vector_store %arg18[%swap3A_110, %swap3A_111], %broadcast_in_dim3A_1 {strides = array<i32>} : memref<8x128xf32, #tpu.memory_space<vmem>>, vector<16xf32>,
    %swap3A_113 = arith.constant 3 : i32
    %swap3A_114 = arith.index_cast %swap3A_113 : i32 to index
    %swap3A_115 = arith.constant 64 : index
    %swap3A_116 = tpu.vector_load %arg18[%swap3A_114, %swap3A_115] {strides = array<i32>} : memref<8x128xf32, #tpu.memory_space<vmem>>, vector<16xf32>,
    tpu.vector_store %arg18[%swap3A_114, %swap3A_115], %broadcast_in_dim3A_1 {strides = array<i32>} : memref<8x128xf32, #tpu.memory_space<vmem>>, vector<16xf32>,
    %swap3A_117 = arith.constant 3 : i32
    %swap3A_118 = arith.index_cast %swap3A_117 : i32 to index
    %swap3A_119 = arith.constant 80 : index
    %swap3A_120 = tpu.vector_load %arg18[%swap3A_118, %swap3A_119] {strides = array<i32>} : memref<8x128xf32, #tpu.memory_space<vmem>>, vector<16xf32>,
    tpu.vector_store %arg18[%swap3A_118, %swap3A_119], %broadcast_in_dim3A_1 {strides = array<i32>} : memref<8x128xf32, #tpu.memory_space<vmem>>, vector<16xf32>,
    %swap3A_121 = arith.constant 3 : i32
    %swap3A_122 = arith.index_cast %swap3A_121 : i32 to index
    %swap3A_123 = arith.constant 96 : index
    %swap3A_124 = tpu.vector_load %arg18[%swap3A_122, %swap3A_123] {strides = array<i32>} : memref<8x128xf32, #tpu.memory_space<vmem>>, vector<16xf32>,
    tpu.vector_store %arg18[%swap3A_122, %swap3A_123], %broadcast_in_dim3A_1 {strides = array<i32>} : memref<8x128xf32, #tpu.memory_space<vmem>>, vector<16xf32>,
    %swap3A_125 = arith.constant 3 : i32
    %swap3A_126 = arith.index_cast %swap3A_125 : i32 to index
    %swap3A_127 = arith.constant 112 : index
    %swap3A_128 = tpu.vector_load %arg18[%swap3A_126, %swap3A_127] {strides = array<i32>} : memref<8x128xf32, #tpu.memory_space<vmem>>, vector<16xf32>,
    tpu.vector_store %arg18[%swap3A_126, %swap3A_127], %broadcast_in_dim3A_1 {strides = array<i32>} : memref<8x128xf32, #tpu.memory_space<vmem>>, vector<16xf32>,
    %swap3A_129 = arith.constant 4 : i32
    %swap3A_130 = arith.index_cast %swap3A_129 : i32 to index
    %swap3A_131 = arith.constant 0 : index
    %swap3A_132 = tpu.vector_load %arg18[%swap3A_130, %swap3A_131] {strides = array<i32>} : memref<8x128xf32, #tpu.memory_space<vmem>>, vector<16xf32>,
    tpu.vector_store %arg18[%swap3A_130, %swap3A_131], %broadcast_in_dim3A_1 {strides = array<i32>} : memref<8x128xf32, #tpu.memory_space<vmem>>, vector<16xf32>,
    %swap3A_133 = arith.constant 4 : i32
    %swap3A_134 = arith.index_cast %swap3A_133 : i32 to index
    %swap3A_135 = arith.constant 16 : index
    %swap3A_136 = tpu.vector_load %arg18[%swap3A_134, %swap3A_135] {strides = array<i32>} : memref<8x128xf32, #tpu.memory_space<vmem>>, vector<16xf32>,
    tpu.vector_store %arg18[%swap3A_134, %swap3A_135], %broadcast_in_dim3A_1 {strides = array<i32>} : memref<8x128xf32, #tpu.memory_space<vmem>>, vector<16xf32>,
    %swap3A_137 = arith.constant 4 : i32
    %swap3A_138 = arith.index_cast %swap3A_137 : i32 to index
    %swap3A_139 = arith.constant 32 : index
    %swap3A_140 = tpu.vector_load %arg18[%swap3A_138, %swap3A_139] {strides = array<i32>} : memref<8x128xf32, #tpu.memory_space<vmem>>, vector<16xf32>,
    tpu.vector_store %arg18[%swap3A_138, %swap3A_139], %broadcast_in_dim3A_1 {strides = array<i32>} : memref<8x128xf32, #tpu.memory_space<vmem>>, vector<16xf32>,
    %swap3A_141 = arith.constant 4 : i32
    %swap3A_142 = arith.index_cast %swap3A_141 : i32 to index
    %swap3A_143 = arith.constant 48 : index
    %swap3A_144 = tpu.vector_load %arg18[%swap3A_142, %swap3A_143] {strides = array<i32>} : memref<8x128xf32, #tpu.memory_space<vmem>>, vector<16xf32>,
    tpu.vector_store %arg18[%swap3A_142, %swap3A_143], %broadcast_in_dim3A_1 {strides = array<i32>} : memref<8x128xf32, #tpu.memory_space<vmem>>, vector<16xf32>,
    %swap3A_145 = arith.constant 4 : i32
    %swap3A_146 = arith.index_cast %swap3A_145 : i32 to index
    %swap3A_147 = arith.constant 64 : index
    %swap3A_148 = tpu.vector_load %arg18[%swap3A_146, %swap3A_147] {strides = array<i32>} : memref<8x128xf32, #tpu.memory_space<vmem>>, vector<16xf32>,
    tpu.vector_store %arg18[%swap3A_146, %swap3A_147], %broadcast_in_dim3A_1 {strides = array<i32>} : memref<8x128xf32, #tpu.memory_space<vmem>>, vector<16xf32>,
    %swap3A_149 = arith.constant 4 : i32
    %swap3A_150 = arith.index_cast %swap3A_149 : i32 to index
    %swap3A_151 = arith.constant 80 : index
    %swap3A_152 = tpu.vector_load %arg18[%swap3A_150, %swap3A_151] {strides = array<i32>} : memref<8x128xf32, #tpu.memory_space<vmem>>, vector<16xf32>,
    tpu.vector_store %arg18[%swap3A_150, %swap3A_151], %broadcast_in_dim3A_1 {strides = array<i32>} : memref<8x128xf32, #tpu.memory_space<vmem>>, vector<16xf32>,
    %swap3A_153 = arith.constant 4 : i32
    %swap3A_154 = arith.index_cast %swap3A_153 : i32 to index
    %swap3A_155 = arith.constant 96 : index
    %swap3A_156 = tpu.vector_load %arg18[%swap3A_154, %swap3A_155] {strides = array<i32>} : memref<8x128xf32, #tpu.memory_space<vmem>>, vector<16xf32>,
    tpu.vector_store %arg18[%swap3A_154, %swap3A_155], %broadcast_in_dim3A_1 {strides = array<i32>} : memref<8x128xf32, #tpu.memory_space<vmem>>, vector<16xf32>,
    %swap3A_157 = arith.constant 4 : i32
    %swap3A_158 = arith.index_cast %swap3A_157 : i32 to index
    %swap3A_159 = arith.constant 112 : index
    %swap3A_160 = tpu.vector_load %arg18[%swap3A_158, %swap3A_159] {strides = array<i32>} : memref<8x128xf32, #tpu.memory_space<vmem>>, vector<16xf32>,
    tpu.vector_store %arg18[%swap3A_158, %swap3A_159], %broadcast_in_dim3A_1 {strides = array<i32>} : memref<8x128xf32, #tpu.memory_space<vmem>>, vector<16xf32>,
    %swap3A_161 = arith.constant 5 : i32
    %swap3A_162 = arith.index_cast %swap3A_161 : i32 to index
    %swap3A_163 = arith.constant 0 : index
    %swap3A_164 = tpu.vector_load %arg18[%swap3A_162, %swap3A_163] {strides = array<i32>} : memref<8x128xf32, #tpu.memory_space<vmem>>, vector<16xf32>,
    tpu.vector_store %arg18[%swap3A_162, %swap3A_163], %broadcast_in_dim3A_1 {strides = array<i32>} : memref<8x128xf32, #tpu.memory_space<vmem>>, vector<16xf32>,
    %swap3A_165 = arith.constant 5 : i32
    %swap3A_166 = arith.index_cast %swap3A_165 : i32 to index
    %swap3A_167 = arith.constant 16 : index
    %swap3A_168 = tpu.vector_load %arg18[%swap3A_166, %swap3A_167] {strides = array<i32>} : memref<8x128xf32, #tpu.memory_space<vmem>>, vector<16xf32>,
    tpu.vector_store %arg18[%swap3A_166, %swap3A_167], %broadcast_in_dim3A_1 {strides = array<i32>} : memref<8x128xf32, #tpu.memory_space<vmem>>, vector<16xf32>,
    %swap3A_169 = arith.constant 5 : i32
    %swap3A_170 = arith.index_cast %swap3A_169 : i32 to index
    %swap3A_171 = arith.constant 32 : index
    %swap3A_172 = tpu.vector_load %arg18[%swap3A_170, %swap3A_171] {strides = array<i32>} : memref<8x128xf32, #tpu.memory_space<vmem>>, vector<16xf32>,
    tpu.vector_store %arg18[%swap3A_170, %swap3A_171], %broadcast_in_dim3A_1 {strides = array<i32>} : memref<8x128xf32, #tpu.memory_space<vmem>>, vector<16xf32>,
    %swap3A_173 = arith.constant 5 : i32
    %swap3A_174 = arith.index_cast %swap3A_173 : i32 to index
    %swap3A_175 = arith.constant 48 : index
    %swap3A_176 = tpu.vector_load %arg18[%swap3A_174, %swap3A_175] {strides = array<i32>} : memref<8x128xf32, #tpu.memory_space<vmem>>, vector<16xf32>,
    tpu.vector_store %arg18[%swap3A_174, %swap3A_175], %broadcast_in_dim3A_1 {strides = array<i32>} : memref<8x128xf32, #tpu.memory_space<vmem>>, vector<16xf32>,
    %swap3A_177 = arith.constant 5 : i32
    %swap3A_178 = arith.index_cast %swap3A_177 : i32 to index
    %swap3A_179 = arith.constant 64 : index
    %swap3A_180 = tpu.vector_load %arg18[%swap3A_178, %swap3A_179] {strides = array<i32>} : memref<8x128xf32, #tpu.memory_space<vmem>>, vector<16xf32>,
    tpu.vector_store %arg18[%swap3A_178, %swap3A_179], %broadcast_in_dim3A_1 {strides = array<i32>} : memref<8x128xf32, #tpu.memory_space<vmem>>, vector<16xf32>,
    %swap3A_181 = arith.constant 5 : i32
    %swap3A_182 = arith.index_cast %swap3A_181 : i32 to index
    %swap3A_183 = arith.constant 80 : index
    %swap3A_184 = tpu.vector_load %arg18[%swap3A_182, %swap3A_183] {strides = array<i32>} : memref<8x128xf32, #tpu.memory_space<vmem>>, vector<16xf32>,
    tpu.vector_store %arg18[%swap3A_182, %swap3A_183], %broadcast_in_dim3A_1 {strides = array<i32>} : memref<8x128xf32, #tpu.memory_space<vmem>>, vector<16xf32>,
    %swap3A_185 = arith.constant 5 : i32
    %swap3A_186 = arith.index_cast %swap3A_185 : i32 to index
    %swap3A_187 = arith.constant 96 : index
    %swap3A_188 = tpu.vector_load %arg18[%swap3A_186, %swap3A_187] {strides = array<i32>} : memref<8x128xf32, #tpu.memory_space<vmem>>, vector<16xf32>,
    tpu.vector_store %arg18[%swap3A_186, %swap3A_187], %broadcast_in_dim3A_1 {strides = array<i32>} : memref<8x128xf32, #tpu.memory_space<vmem>>, vector<16xf32>,
    %swap3A_189 = arith.constant 5 : i32
    %swap3A_190 = arith.index_cast %swap3A_189 : i32 to index
    %swap3A_191 = arith.constant 112 : index
    %swap3A_192 = tpu.vector_load %arg18[%swap3A_190, %swap3A_191] {strides = array<i32>} : memref<8x128xf32, #tpu.memory_space<vmem>>, vector<16xf32>,
    tpu.vector_store %arg18[%swap3A_190, %swap3A_191], %broadcast_in_dim3A_1 {strides = array<i32>} : memref<8x128xf32, #tpu.memory_space<vmem>>, vector<16xf32>,
    %swap3A_193 = arith.constant 6 : i32
    %swap3A_194 = arith.index_cast %swap3A_193 : i32 to index
    %swap3A_195 = arith.constant 0 : index
    %swap3A_196 = tpu.vector_load %arg18[%swap3A_194, %swap3A_195] {strides = array<i32>} : memref<8x128xf32, #tpu.memory_space<vmem>>, vector<16xf32>,
    tpu.vector_store %arg18[%swap3A_194, %swap3A_195], %broadcast_in_dim3A_1 {strides = array<i32>} : memref<8x128xf32, #tpu.memory_space<vmem>>, vector<16xf32>,
    %swap3A_197 = arith.constant 6 : i32
    %swap3A_198 = arith.index_cast %swap3A_197 : i32 to index
    %swap3A_199 = arith.constant 16 : index
    %swap3A_200 = tpu.vector_load %arg18[%swap3A_198, %swap3A_199] {strides = array<i32>} : memref<8x128xf32, #tpu.memory_space<vmem>>, vector<16xf32>,
    tpu.vector_store %arg18[%swap3A_198, %swap3A_199], %broadcast_in_dim3A_1 {strides = array<i32>} : memref<8x128xf32, #tpu.memory_space<vmem>>, vector<16xf32>,
    %swap3A_201 = arith.constant 6 : i32
    %swap3A_202 = arith.index_cast %swap3A_201 : i32 to index
    %swap3A_203 = arith.constant 32 : index
    %swap3A_204 = tpu.vector_load %arg18[%swap3A_202, %swap3A_203] {strides = array<i32>} : memref<8x128xf32, #tpu.memory_space<vmem>>, vector<16xf32>,
    tpu.vector_store %arg18[%swap3A_202, %swap3A_203], %broadcast_in_dim3A_1 {strides = array<i32>} : memref<8x128xf32, #tpu.memory_space<vmem>>, vector<16xf32>,
    %swap3A_205 = arith.constant 6 : i32
    %swap3A_206 = arith.index_cast %swap3A_205 : i32 to index
    %swap3A_207 = arith.constant 48 : index
    %swap3A_208 = tpu.vector_load %arg18[%swap3A_206, %swap3A_207] {strides = array<i32>} : memref<8x128xf32, #tpu.memory_space<vmem>>, vector<16xf32>,
    tpu.vector_store %arg18[%swap3A_206, %swap3A_207], %broadcast_in_dim3A_1 {strides = array<i32>} : memref<8x128xf32, #tpu.memory_space<vmem>>, vector<16xf32>,
    %swap3A_209 = arith.constant 6 : i32
    %swap3A_210 = arith.index_cast %swap3A_209 : i32 to index
    %swap3A_211 = arith.constant 64 : index
    %swap3A_212 = tpu.vector_load %arg18[%swap3A_210, %swap3A_211] {strides = array<i32>} : memref<8x128xf32, #tpu.memory_space<vmem>>, vector<16xf32>,
    tpu.vector_store %arg18[%swap3A_210, %swap3A_211], %broadcast_in_dim3A_1 {strides = array<i32>} : memref<8x128xf32, #tpu.memory_space<vmem>>, vector<16xf32>,
    %swap3A_213 = arith.constant 6 : i32
    %swap3A_214 = arith.index_cast %swap3A_213 : i32 to index
    %swap3A_215 = arith.constant 80 : index
    %swap3A_216 = tpu.vector_load %arg18[%swap3A_214, %swap3A_215] {strides = array<i32>} : memref<8x128xf32, #tpu.memory_space<vmem>>, vector<16xf32>,
    tpu.vector_store %arg18[%swap3A_214, %swap3A_215], %broadcast_in_dim3A_1 {strides = array<i32>} : memref<8x128xf32, #tpu.memory_space<vmem>>, vector<16xf32>,
    %swap3A_217 = arith.constant 6 : i32
    %swap3A_218 = arith.index_cast %swap3A_217 : i32 to index
    %swap3A_219 = arith.constant 96 : index
    %swap3A_220 = tpu.vector_load %arg18[%swap3A_218, %swap3A_219] {strides = array<i32>} : memref<8x128xf32, #tpu.memory_space<vmem>>, vector<16xf32>,
    tpu.vector_store %arg18[%swap3A_218, %swap3A_219], %broadcast_in_dim3A_1 {strides = array<i32>} : memref<8x128xf32, #tpu.memory_space<vmem>>, vector<16xf32>,
    %swap3A_221 = arith.constant 6 : i32
    %swap3A_222 = arith.index_cast %swap3A_221 : i32 to index
    %swap3A_223 = arith.constant 112 : index
    %swap3A_224 = tpu.vector_load %arg18[%swap3A_222, %swap3A_223] {strides = array<i32>} : memref<8x128xf32, #tpu.memory_space<vmem>>, vector<16xf32>,
    tpu.vector_store %arg18[%swap3A_222, %swap3A_223], %broadcast_in_dim3A_1 {strides = array<i32>} : memref<8x128xf32, #tpu.memory_space<vmem>>, vector<16xf32>,
    %swap3A_225 = arith.constant 7 : i32
    %swap3A_226 = arith.index_cast %swap3A_225 : i32 to index
    %swap3A_227 = arith.constant 0 : index
    %swap3A_228 = tpu.vector_load %arg18[%swap3A_226, %swap3A_227] {strides = array<i32>} : memref<8x128xf32, #tpu.memory_space<vmem>>, vector<16xf32>,
    tpu.vector_store %arg18[%swap3A_226, %swap3A_227], %broadcast_in_dim3A_1 {strides = array<i32>} : memref<8x128xf32, #tpu.memory_space<vmem>>, vector<16xf32>,
    %swap3A_229 = arith.constant 7 : i32
    %swap3A_230 = arith.index_cast %swap3A_229 : i32 to index
    %swap3A_231 = arith.constant 16 : index
    %swap3A_232 = tpu.vector_load %arg18[%swap3A_230, %swap3A_231] {strides = array<i32>} : memref<8x128xf32, #tpu.memory_space<vmem>>, vector<16xf32>,
    tpu.vector_store %arg18[%swap3A_230, %swap3A_231], %broadcast_in_dim3A_1 {strides = array<i32>} : memref<8x128xf32, #tpu.memory_space<vmem>>, vector<16xf32>,
    %swap3A_233 = arith.constant 7 : i32
    %swap3A_234 = arith.index_cast %swap3A_233 : i32 to index
    %swap3A_235 = arith.constant 32 : index
    %swap3A_236 = tpu.vector_load %arg18[%swap3A_234, %swap3A_235] {strides = array<i32>} : memref<8x128xf32, #tpu.memory_space<vmem>>, vector<16xf32>,
    tpu.vector_store %arg18[%swap3A_234, %swap3A_235], %broadcast_in_dim3A_1 {strides = array<i32>} : memref<8x128xf32, #tpu.memory_space<vmem>>, vector<16xf32>,
    %swap3A_237 = arith.constant 7 : i32
    %swap3A_238 = arith.index_cast %swap3A_237 : i32 to index
    %swap3A_239 = arith.constant 48 : index
    %swap3A_240 = tpu.vector_load %arg18[%swap3A_238, %swap3A_239] {strides = array<i32>} : memref<8x128xf32, #tpu.memory_space<vmem>>, vector<16xf32>,
    tpu.vector_store %arg18[%swap3A_238, %swap3A_239], %broadcast_in_dim3A_1 {strides = array<i32>} : memref<8x128xf32, #tpu.memory_space<vmem>>, vector<16xf32>,
    %swap3A_241 = arith.constant 7 : i32
    %swap3A_242 = arith.index_cast %swap3A_241 : i32 to index
    %swap3A_243 = arith.constant 64 : index
    %swap3A_244 = tpu.vector_load %arg18[%swap3A_242, %swap3A_243] {strides = array<i32>} : memref<8x128xf32, #tpu.memory_space<vmem>>, vector<16xf32>,
    tpu.vector_store %arg18[%swap3A_242, %swap3A_243], %broadcast_in_dim3A_1 {strides = array<i32>} : memref<8x128xf32, #tpu.memory_space<vmem>>, vector<16xf32>,
    %swap3A_245 = arith.constant 7 : i32
    %swap3A_246 = arith.index_cast %swap3A_245 : i32 to index
    %swap3A_247 = arith.constant 80 : index
    %swap3A_248 = tpu.vector_load %arg18[%swap3A_246, %swap3A_247] {strides = array<i32>} : memref<8x128xf32, #tpu.memory_space<vmem>>, vector<16xf32>,
    tpu.vector_store %arg18[%swap3A_246, %swap3A_247], %broadcast_in_dim3A_1 {strides = array<i32>} : memref<8x128xf32, #tpu.memory_space<vmem>>, vector<16xf32>,
    %swap3A_249 = arith.constant 7 : i32
    %swap3A_250 = arith.index_cast %swap3A_249 : i32 to index
    %swap3A_251 = arith.constant 96 : index
    %swap3A_252 = tpu.vector_load %arg18[%swap3A_250, %swap3A_251] {strides = array<i32>} : memref<8x128xf32, #tpu.memory_space<vmem>>, vector<16xf32>,
    tpu.vector_store %arg18[%swap3A_250, %swap3A_251], %broadcast_in_dim3A_1 {strides = array<i32>} : memref<8x128xf32, #tpu.memory_space<vmem>>, vector<16xf32>,
    %swap3A_253 = arith.constant 7 : i32
    %swap3A_254 = arith.index_cast %swap3A_253 : i32 to index
    %swap3A_255 = arith.constant 112 : index
    %swap3A_256 = tpu.vector_load %arg18[%swap3A_254, %swap3A_255] {strides = array<i32>} : memref<8x128xf32, #tpu.memory_space<vmem>>, vector<16xf32>,
    tpu.vector_store %arg18[%swap3A_254, %swap3A_255], %broadcast_in_dim3A_1 {strides = array<i32>} : memref<8x128xf32, #tpu.memory_space<vmem>>, vector<16xf32>,
    %lt3A = arith.constant 2 : i32
    %lt3A_257 = arith.cmpi slt, %arg1, %lt3A : i32
    %convert_element_type3A = arith.extui %lt3A_257 : i1 to i32
    %cond3A = arith.constant 0 : i32
    %cond3A_258 = arith.cmpi ne, %convert_element_type3A, %cond3A : i32
    scf.if %cond3A_258 {
      %scan3A_273 = arith.constant 0 : i32
      %scan3A_274 = arith.constant 0 : i32
      %scan3A_275 = arith.constant 80 : i32
      %scan3A_276 = arith.addi %scan3A_274, %scan3A_275 : i32
      %scan3A_277 = arith.constant 1 : i32
      %scan3A_278 = scf.for %scan3A_280 = %scan3A_274 to %scan3A_276 step %scan3A_277 iter_args(%scan3A_281 = %scan3A_273) -> (i32)  : i32 {
        %mul3A_282 = arith.constant 640 : i32
        %mul3A_283 = arith.muli %arg1, %mul3A_282 : i32
        %mul3A_284 = arith.constant 8 : i32
        %mul3A_285 = arith.muli %scan3A_280, %mul3A_284 : i32
        %add3A_286 = arith.addi %mul3A_283, %mul3A_285 : i32
        "tpu.region"() ({
          %run_scoped3A = tpu.sem_alloc : memref<!tpu.dma_semaphore, #tpu.memory_space<semaphore_mem>>
          %dma_start3A = arith.constant 0 : i32
          %dma_start3A_288 = tpu.memref_slice %arg19[%add3A_286, %dma_start3A] : memref<1280x128xf32, #tpu.memory_space<vmem_shared>> -> memref<8x128xf32, #tpu.memory_space<vmem_shared>>
          %dma_start3A_289 = arith.constant 0 : i32
          %dma_start3A_290 = tpu.memref_slice %arg19[%add3A_286, %dma_start3A_289] : memref<1280x128xf32, #tpu.memory_space<vmem_shared>> -> memref<8x128xf32, #tpu.memory_space<vmem_shared>>
          tpu.enqueue_dma source(%arg18 : memref<8x128xf32, #tpu.memory_space<vmem>>) target(%dma_start3A_290 : memref<8x128xf32, #tpu.memory_space<vmem_shared>>) target_semaphore(%run_scoped3A : memref<!tpu.dma_semaphore, #tpu.memory_space<semaphore_mem>>)
          %dma_wait3A = arith.constant 0 : i32
          %dma_wait3A_291 = tpu.memref_slice %arg19[%add3A_286, %dma_wait3A] : memref<1280x128xf32, #tpu.memory_space<vmem_shared>> -> memref<8x128xf32, #tpu.memory_space<vmem_shared>>
          %dma_wait3A_292 = arith.constant 0 : i32
          %dma_wait3A_293 = tpu.memref_slice %arg19[%add3A_286, %dma_wait3A_292] : memref<1280x128xf32, #tpu.memory_space<vmem_shared>> -> memref<8x128xf32, #tpu.memory_space<vmem_shared>>
          tpu.wait_dma2 semaphore(%run_scoped3A : memref<!tpu.dma_semaphore, #tpu.memory_space<semaphore_mem>>) src(%arg18 : memref<8x128xf32, #tpu.memory_space<vmem>>) dst(%dma_wait3A_293 : memref<8x128xf32, #tpu.memory_space<vmem_shared>>)
          tpu.yield
        }) : () -> ()
        %scan3A_287 = arith.constant 0 : i32
        scf.yield %scan3A_287 : i32
      }
      %scan3A_279 = arith.constant 80 : i32
    } else {
    }
    "tpu.region"() ({
      %run_scoped3A = tpu.sem_alloc : memref<!tpu.dma_semaphore, #tpu.memory_space<semaphore_mem>>
      tpu.enqueue_dma source(%arg7 : memref<8x128xf32, #tpu.memory_space<hbm>>) target(%arg17 : memref<8x128xf32, #tpu.memory_space<vmem>>) target_semaphore(%run_scoped3A : memref<!tpu.dma_semaphore, #tpu.memory_space<semaphore_mem>>)
      tpu.wait_dma2 semaphore(%run_scoped3A : memref<!tpu.dma_semaphore, #tpu.memory_space<semaphore_mem>>) src(%arg7 : memref<8x128xf32, #tpu.memory_space<hbm>>) dst(%arg17 : memref<8x128xf32, #tpu.memory_space<vmem>>)
      tpu.yield
    }) : () -> ()
    %barrier3A = arith.constant 0 : index
    tpu.barrier barrier_id(%barrier3A)
    %mul3A_259 = arith.constant 10320 : i32
    %mul3A_260 = arith.muli %add3A, %mul3A_259 : i32
    %scan3A = arith.constant 0 : i32
    %scan3A_261 = arith.constant 0 : i32
    %scan3A_262 = arith.constant 258 : i32
    %scan3A_263 = arith.addi %scan3A_261, %scan3A_262 : i32
    %scan3A_264 = arith.constant 1 : i32
    %scan3A_265 = scf.for %scan3A_273 = %scan3A_261 to %scan3A_263 step %scan3A_264 iter_args(%scan3A_274 = %scan3A) -> (i32)  : i32 {
      %mul3A_275 = arith.constant 40 : i32
      %mul3A_276 = arith.muli %scan3A_273, %mul3A_275 : i32
      %add3A_277 = arith.addi %mul3A_260, %mul3A_276 : i32
      %dma_start3A = tpu.memref_slice %arg2[%add3A_277] : memref<330240xi32, #tpu.memory_space<hbm>> -> memref<40xi32, #tpu.memory_space<hbm>>
      %dma_start3A_278 = tpu.memref_slice %arg2[%add3A_277] : memref<330240xi32, #tpu.memory_space<hbm>> -> memref<40xi32, #tpu.memory_space<hbm>>
      tpu.enqueue_dma source(%dma_start3A_278 : memref<40xi32, #tpu.memory_space<hbm>>) target(%arg10 : memref<40xi32, #tpu.memory_space<vmem>>) target_semaphore(%arg20 : memref<!tpu.dma_semaphore, #tpu.memory_space<semaphore_mem>>)
      %dma_start3A_279 = tpu.memref_slice %arg3[%add3A_277] : memref<330240xi32, #tpu.memory_space<hbm>> -> memref<40xi32, #tpu.memory_space<hbm>>
      %dma_start3A_280 = tpu.memref_slice %arg3[%add3A_277] : memref<330240xi32, #tpu.memory_space<hbm>> -> memref<40xi32, #tpu.memory_space<hbm>>
      tpu.enqueue_dma source(%dma_start3A_280 : memref<40xi32, #tpu.memory_space<hbm>>) target(%arg11 : memref<40xi32, #tpu.memory_space<vmem>>) target_semaphore(%arg20 : memref<!tpu.dma_semaphore, #tpu.memory_space<semaphore_mem>>)
      %dma_start3A_281 = tpu.memref_slice %arg4[%add3A_277] : memref<330240xi32, #tpu.memory_space<hbm>> -> memref<40xi32, #tpu.memory_space<hbm>>
      %dma_start3A_282 = tpu.memref_slice %arg4[%add3A_277] : memref<330240xi32, #tpu.memory_space<hbm>> -> memref<40xi32, #tpu.memory_space<hbm>>
      tpu.enqueue_dma source(%dma_start3A_282 : memref<40xi32, #tpu.memory_space<hbm>>) target(%arg12 : memref<40xi32, #tpu.memory_space<vmem>>) target_semaphore(%arg20 : memref<!tpu.dma_semaphore, #tpu.memory_space<semaphore_mem>>)
      %dma_wait3A = tpu.memref_slice %arg2[%add3A_277] : memref<330240xi32, #tpu.memory_space<hbm>> -> memref<40xi32, #tpu.memory_space<hbm>>
      %dma_wait3A_283 = tpu.memref_slice %arg2[%add3A_277] : memref<330240xi32, #tpu.memory_space<hbm>> -> memref<40xi32, #tpu.memory_space<hbm>>
      tpu.wait_dma2 semaphore(%arg20 : memref<!tpu.dma_semaphore, #tpu.memory_space<semaphore_mem>>) src(%dma_wait3A_283 : memref<40xi32, #tpu.memory_space<hbm>>) dst(%arg10 : memref<40xi32, #tpu.memory_space<vmem>>)
      %dma_wait3A_284 = tpu.memref_slice %arg3[%add3A_277] : memref<330240xi32, #tpu.memory_space<hbm>> -> memref<40xi32, #tpu.memory_space<hbm>>
      %dma_wait3A_285 = tpu.memref_slice %arg3[%add3A_277] : memref<330240xi32, #tpu.memory_space<hbm>> -> memref<40xi32, #tpu.memory_space<hbm>>
      tpu.wait_dma2 semaphore(%arg20 : memref<!tpu.dma_semaphore, #tpu.memory_space<semaphore_mem>>) src(%dma_wait3A_285 : memref<40xi32, #tpu.memory_space<hbm>>) dst(%arg11 : memref<40xi32, #tpu.memory_space<vmem>>)
      %dma_wait3A_286 = tpu.memref_slice %arg4[%add3A_277] : memref<330240xi32, #tpu.memory_space<hbm>> -> memref<40xi32, #tpu.memory_space<hbm>>
      %dma_wait3A_287 = tpu.memref_slice %arg4[%add3A_277] : memref<330240xi32, #tpu.memory_space<hbm>> -> memref<40xi32, #tpu.memory_space<hbm>>
      tpu.wait_dma2 semaphore(%arg20 : memref<!tpu.dma_semaphore, #tpu.memory_space<semaphore_mem>>) src(%dma_wait3A_287 : memref<40xi32, #tpu.memory_space<hbm>>) dst(%arg12 : memref<40xi32, #tpu.memory_space<vmem>>)
      %dma_start3A_288 = arith.constant 0 : i32
      %dma_start3A_289 = arith.constant 0 : i32
      %dma_start3A_290 = tpu.memref_slice %arg5[%dma_start3A_288, %dma_start3A_289] : memref<10000x512xi32, #tpu.memory_space<hbm>> -> memref<10000x512xi32, #tpu.memory_space<hbm>>
      tpu.enqueue_indirect_dma source(%dma_start3A_290 : memref<10000x512xi32, #tpu.memory_space<hbm>>) target(%arg13 : memref<40x512xi32, #tpu.memory_space<vmem>>) offsets(%arg10 : memref<40xi32, #tpu.memory_space<vmem>>) semaphore(%arg21 : memref<!tpu.dma_semaphore, #tpu.memory_space<semaphore_mem>>)
      %dma_start3A_291 = arith.constant 0 : i32
      %dma_start3A_292 = arith.constant 0 : i32
      %dma_start3A_293 = tpu.memref_slice %arg6[%dma_start3A_291, %dma_start3A_292] : memref<10000x512xi32, #tpu.memory_space<hbm>> -> memref<10000x512xi32, #tpu.memory_space<hbm>>
      tpu.enqueue_indirect_dma source(%dma_start3A_293 : memref<10000x512xi32, #tpu.memory_space<hbm>>) target(%arg14 : memref<40x512xi32, #tpu.memory_space<vmem>>) offsets(%arg11 : memref<40xi32, #tpu.memory_space<vmem>>) semaphore(%arg22 : memref<!tpu.dma_semaphore, #tpu.memory_space<semaphore_mem>>)
      %dma_wait3A_294 = arith.constant 0 : i32
      %dma_wait3A_295 = arith.constant 0 : i32
      %dma_wait3A_296 = tpu.memref_slice %arg5[%dma_wait3A_294, %dma_wait3A_295] : memref<10000x512xi32, #tpu.memory_space<hbm>> -> memref<10000x512xi32, #tpu.memory_space<hbm>>
      tpu.wait_indirect_dma semaphore(%arg21 : memref<!tpu.dma_semaphore, #tpu.memory_space<semaphore_mem>>) src(%dma_wait3A_296 : memref<10000x512xi32, #tpu.memory_space<hbm>>) dst(%arg13 : memref<40x512xi32, #tpu.memory_space<vmem>>)
      %dma_wait3A_297 = arith.constant 0 : i32
      %dma_wait3A_298 = arith.constant 0 : i32
      %dma_wait3A_299 = tpu.memref_slice %arg6[%dma_wait3A_297, %dma_wait3A_298] : memref<10000x512xi32, #tpu.memory_space<hbm>> -> memref<10000x512xi32, #tpu.memory_space<hbm>>
      tpu.wait_indirect_dma semaphore(%arg22 : memref<!tpu.dma_semaphore, #tpu.memory_space<semaphore_mem>>) src(%dma_wait3A_299 : memref<10000x512xi32, #tpu.memory_space<hbm>>) dst(%arg14 : memref<40x512xi32, #tpu.memory_space<vmem>>)
      %broadcast_in_dim3A_300 = arith.constant -65536 : i32
      %broadcast_in_dim3A_301 = vector.broadcast %broadcast_in_dim3A_300 : i32 to vector<16xi32>
      %scan3A_302 = arith.constant 0 : i32
      %scan3A_303 = arith.constant 0 : i32
      %scan3A_304 = arith.constant 40 : i32
      %scan3A_305 = arith.addi %scan3A_303, %scan3A_304 : i32
      %scan3A_306 = arith.constant 1 : i32
      %scan3A_307 = scf.for %scan3A_310 = %scan3A_303 to %scan3A_305 step %scan3A_306 iter_args(%scan3A_311 = %scan3A_302) -> (i32)  : i32 {
        %broadcast_in_dim3A_312 = arith.constant -1.000000e+30 : f32
        %broadcast_in_dim3A_313 = vector.broadcast %broadcast_in_dim3A_312 : f32 to vector<16xf32>
        %broadcast_in_dim3A_314 = arith.constant 0.000000e+00 : f32
        %broadcast_in_dim3A_315 = vector.broadcast %broadcast_in_dim3A_314 : f32 to vector<16xf32>
        %get3A = arith.index_cast %scan3A_310 : i32 to index
        %get3A_316 = arith.constant 0 : index
        %get3A_317 = tpu.vector_load %arg13[%get3A, %get3A_316] {strides = array<i32>} : memref<40x512xi32, #tpu.memory_space<vmem>>, vector<16xi32>,
        %get3A_318 = arith.index_cast %scan3A_310 : i32 to index
        %get3A_319 = arith.constant 0 : index
        %get3A_320 = tpu.vector_load %arg14[%get3A_318, %get3A_319] {strides = array<i32>} : memref<40x512xi32, #tpu.memory_space<vmem>>, vector<16xi32>,
        %shift_left3A = arith.constant 16 : i32
        %shift_left3A_321 = vector.broadcast %shift_left3A : i32 to vector<16xi32>
        %shift_left3A_322 = arith.shli %get3A_317, %shift_left3A_321 : vector<16xi32>
        %bitcast3A = vector.bitcast %shift_left3A_322 : vector<16xi32> to vector<16xf32>
        %shift_left3A_323 = arith.constant 16 : i32
        %shift_left3A_324 = vector.broadcast %shift_left3A_323 : i32 to vector<16xi32>
        %shift_left3A_325 = arith.shli %get3A_320, %shift_left3A_324 : vector<16xi32>
        %bitcast3A_326 = vector.bitcast %shift_left3A_325 : vector<16xi32> to vector<16xf32>
        %add3A_327 = arith.addf %bitcast3A, %bitcast3A_326 : vector<16xf32>
        %and3A = arith.andi %get3A_317, %broadcast_in_dim3A_301 : vector<16xi32>
        %bitcast3A_328 = vector.bitcast %and3A : vector<16xi32> to vector<16xf32>
        %and3A_329 = arith.andi %get3A_320, %broadcast_in_dim3A_301 : vector<16xi32>
        %bitcast3A_330 = vector.bitcast %and3A_329 : vector<16xi32> to vector<16xf32>
        %add3A_331 = arith.addf %bitcast3A_328, %bitcast3A_330 : vector<16xf32>
        %mul3A_332 = arith.constant 2.000000e-01 : f32
        %mul3A_333 = vector.broadcast %mul3A_332 : f32 to vector<16xf32>
        %mul3A_334 = arith.mulf %add3A_327, %mul3A_333 : vector<16xf32>
        %max3A = arith.maximumf %add3A_327, %mul3A_334 : vector<16xf32>
        %mul3A_335 = arith.constant 2.000000e-01 : f32
        %mul3A_336 = vector.broadcast %mul3A_335 : f32 to vector<16xf32>
        %mul3A_337 = arith.mulf %add3A_331, %mul3A_336 : vector<16xf32>
        %max3A_338 = arith.maximumf %add3A_331, %mul3A_337 : vector<16xf32>
        %get3A_339 = arith.constant 0 : i32
        %get3A_340 = arith.index_cast %get3A_339 : i32 to index
        %get3A_341 = arith.constant 0 : index
        %get3A_342 = tpu.vector_load %arg17[%get3A_340, %get3A_341] {strides = array<i32>} : memref<8x128xf32, #tpu.memory_space<vmem>>, vector<16xf32>,
        %mul3A_343 = arith.mulf %max3A, %get3A_342 : vector<16xf32>
        %add3A_344 = arith.addf %broadcast_in_dim3A_315, %mul3A_343 : vector<16xf32>
        %get3A_345 = arith.constant 0 : i32
        %get3A_346 = arith.index_cast %get3A_345 : i32 to index
        %get3A_347 = arith.constant 16 : index
        %get3A_348 = tpu.vector_load %arg17[%get3A_346, %get3A_347] {strides = array<i32>} : memref<8x128xf32, #tpu.memory_space<vmem>>, vector<16xf32>,
        %mul3A_349 = arith.mulf %max3A_338, %get3A_348 : vector<16xf32>
        %add3A_350 = arith.addf %add3A_344, %mul3A_349 : vector<16xf32>
        %get3A_351 = arith.index_cast %scan3A_310 : i32 to index
        %get3A_352 = arith.constant 16 : index
        %get3A_353 = tpu.vector_load %arg13[%get3A_351, %get3A_352] {strides = array<i32>} : memref<40x512xi32, #tpu.memory_space<vmem>>, vector<16xi32>,
        %get3A_354 = arith.index_cast %scan3A_310 : i32 to index
        %get3A_355 = arith.constant 16 : index
        %get3A_356 = tpu.vector_load %arg14[%get3A_354, %get3A_355] {strides = array<i32>} : memref<40x512xi32, #tpu.memory_space<vmem>>, vector<16xi32>,
        %shift_left3A_357 = arith.constant 16 : i32
        %shift_left3A_358 = vector.broadcast %shift_left3A_357 : i32 to vector<16xi32>
        %shift_left3A_359 = arith.shli %get3A_353, %shift_left3A_358 : vector<16xi32>
        %bitcast3A_360 = vector.bitcast %shift_left3A_359 : vector<16xi32> to vector<16xf32>
        %shift_left3A_361 = arith.constant 16 : i32
        %shift_left3A_362 = vector.broadcast %shift_left3A_361 : i32 to vector<16xi32>
        %shift_left3A_363 = arith.shli %get3A_356, %shift_left3A_362 : vector<16xi32>
        %bitcast3A_364 = vector.bitcast %shift_left3A_363 : vector<16xi32> to vector<16xf32>
        %add3A_365 = arith.addf %bitcast3A_360, %bitcast3A_364 : vector<16xf32>
        %and3A_366 = arith.andi %get3A_353, %broadcast_in_dim3A_301 : vector<16xi32>
        %bitcast3A_367 = vector.bitcast %and3A_366 : vector<16xi32> to vector<16xf32>
        %and3A_368 = arith.andi %get3A_356, %broadcast_in_dim3A_301 : vector<16xi32>
        %bitcast3A_369 = vector.bitcast %and3A_368 : vector<16xi32> to vector<16xf32>
        %add3A_370 = arith.addf %bitcast3A_367, %bitcast3A_369 : vector<16xf32>
        %mul3A_371 = arith.constant 2.000000e-01 : f32
        %mul3A_372 = vector.broadcast %mul3A_371 : f32 to vector<16xf32>
        %mul3A_373 = arith.mulf %add3A_365, %mul3A_372 : vector<16xf32>
        %max3A_374 = arith.maximumf %add3A_365, %mul3A_373 : vector<16xf32>
        %mul3A_375 = arith.constant 2.000000e-01 : f32
        %mul3A_376 = vector.broadcast %mul3A_375 : f32 to vector<16xf32>
        %mul3A_377 = arith.mulf %add3A_370, %mul3A_376 : vector<16xf32>
        %max3A_378 = arith.maximumf %add3A_370, %mul3A_377 : vector<16xf32>
        %get3A_379 = arith.constant 0 : i32
        %get3A_380 = arith.index_cast %get3A_379 : i32 to index
        %get3A_381 = arith.constant 32 : index
        %get3A_382 = tpu.vector_load %arg17[%get3A_380, %get3A_381] {strides = array<i32>} : memref<8x128xf32, #tpu.memory_space<vmem>>, vector<16xf32>,
        %mul3A_383 = arith.mulf %max3A_374, %get3A_382 : vector<16xf32>
        %add3A_384 = arith.addf %add3A_350, %mul3A_383 : vector<16xf32>
        %get3A_385 = arith.constant 0 : i32
        %get3A_386 = arith.index_cast %get3A_385 : i32 to index
        %get3A_387 = arith.constant 48 : index
        %get3A_388 = tpu.vector_load %arg17[%get3A_386, %get3A_387] {strides = array<i32>} : memref<8x128xf32, #tpu.memory_space<vmem>>, vector<16xf32>,
        %mul3A_389 = arith.mulf %max3A_378, %get3A_388 : vector<16xf32>
        %add3A_390 = arith.addf %add3A_384, %mul3A_389 : vector<16xf32>
        %get3A_391 = arith.index_cast %scan3A_310 : i32 to index
        %get3A_392 = arith.constant 32 : index
        %get3A_393 = tpu.vector_load %arg13[%get3A_391, %get3A_392] {strides = array<i32>} : memref<40x512xi32, #tpu.memory_space<vmem>>, vector<16xi32>,
        %get3A_394 = arith.index_cast %scan3A_310 : i32 to index
        %get3A_395 = arith.constant 32 : index
        %get3A_396 = tpu.vector_load %arg14[%get3A_394, %get3A_395] {strides = array<i32>} : memref<40x512xi32, #tpu.memory_space<vmem>>, vector<16xi32>,
        %shift_left3A_397 = arith.constant 16 : i32
        %shift_left3A_398 = vector.broadcast %shift_left3A_397 : i32 to vector<16xi32>
        %shift_left3A_399 = arith.shli %get3A_393, %shift_left3A_398 : vector<16xi32>
        %bitcast3A_400 = vector.bitcast %shift_left3A_399 : vector<16xi32> to vector<16xf32>
        %shift_left3A_401 = arith.constant 16 : i32
        %shift_left3A_402 = vector.broadcast %shift_left3A_401 : i32 to vector<16xi32>
        %shift_left3A_403 = arith.shli %get3A_396, %shift_left3A_402 : vector<16xi32>
        %bitcast3A_404 = vector.bitcast %shift_left3A_403 : vector<16xi32> to vector<16xf32>
        %add3A_405 = arith.addf %bitcast3A_400, %bitcast3A_404 : vector<16xf32>
        %and3A_406 = arith.andi %get3A_393, %broadcast_in_dim3A_301 : vector<16xi32>
        %bitcast3A_407 = vector.bitcast %and3A_406 : vector<16xi32> to vector<16xf32>
        %and3A_408 = arith.andi %get3A_396, %broadcast_in_dim3A_301 : vector<16xi32>
        %bitcast3A_409 = vector.bitcast %and3A_408 : vector<16xi32> to vector<16xf32>
        %add3A_410 = arith.addf %bitcast3A_407, %bitcast3A_409 : vector<16xf32>
        %mul3A_411 = arith.constant 2.000000e-01 : f32
        %mul3A_412 = vector.broadcast %mul3A_411 : f32 to vector<16xf32>
        %mul3A_413 = arith.mulf %add3A_405, %mul3A_412 : vector<16xf32>
        %max3A_414 = arith.maximumf %add3A_405, %mul3A_413 : vector<16xf32>
        %mul3A_415 = arith.constant 2.000000e-01 : f32
        %mul3A_416 = vector.broadcast %mul3A_415 : f32 to vector<16xf32>
        %mul3A_417 = arith.mulf %add3A_410, %mul3A_416 : vector<16xf32>
        %max3A_418 = arith.maximumf %add3A_410, %mul3A_417 : vector<16xf32>
        %get3A_419 = arith.constant 0 : i32
        %get3A_420 = arith.index_cast %get3A_419 : i32 to index
        %get3A_421 = arith.constant 64 : index
        %get3A_422 = tpu.vector_load %arg17[%get3A_420, %get3A_421] {strides = array<i32>} : memref<8x128xf32, #tpu.memory_space<vmem>>, vector<16xf32>,
        %mul3A_423 = arith.mulf %max3A_414, %get3A_422 : vector<16xf32>
        %add3A_424 = arith.addf %add3A_390, %mul3A_423 : vector<16xf32>
        %get3A_425 = arith.constant 0 : i32
        %get3A_426 = arith.index_cast %get3A_425 : i32 to index
        %get3A_427 = arith.constant 80 : index
        %get3A_428 = tpu.vector_load %arg17[%get3A_426, %get3A_427] {strides = array<i32>} : memref<8x128xf32, #tpu.memory_space<vmem>>, vector<16xf32>,
        %mul3A_429 = arith.mulf %max3A_418, %get3A_428 : vector<16xf32>
        %add3A_430 = arith.addf %add3A_424, %mul3A_429 : vector<16xf32>
        %get3A_431 = arith.index_cast %scan3A_310 : i32 to index
        %get3A_432 = arith.constant 48 : index
        %get3A_433 = tpu.vector_load %arg13[%get3A_431, %get3A_432] {strides = array<i32>} : memref<40x512xi32, #tpu.memory_space<vmem>>, vector<16xi32>,
        %get3A_434 = arith.index_cast %scan3A_310 : i32 to index
        %get3A_435 = arith.constant 48 : index
        %get3A_436 = tpu.vector_load %arg14[%get3A_434, %get3A_435] {strides = array<i32>} : memref<40x512xi32, #tpu.memory_space<vmem>>, vector<16xi32>,
        %shift_left3A_437 = arith.constant 16 : i32
        %shift_left3A_438 = vector.broadcast %shift_left3A_437 : i32 to vector<16xi32>
        %shift_left3A_439 = arith.shli %get3A_433, %shift_left3A_438 : vector<16xi32>
        %bitcast3A_440 = vector.bitcast %shift_left3A_439 : vector<16xi32> to vector<16xf32>
        %shift_left3A_441 = arith.constant 16 : i32
        %shift_left3A_442 = vector.broadcast %shift_left3A_441 : i32 to vector<16xi32>
        %shift_left3A_443 = arith.shli %get3A_436, %shift_left3A_442 : vector<16xi32>
        %bitcast3A_444 = vector.bitcast %shift_left3A_443 : vector<16xi32> to vector<16xf32>
        %add3A_445 = arith.addf %bitcast3A_440, %bitcast3A_444 : vector<16xf32>
        %and3A_446 = arith.andi %get3A_433, %broadcast_in_dim3A_301 : vector<16xi32>
        %bitcast3A_447 = vector.bitcast %and3A_446 : vector<16xi32> to vector<16xf32>
        %and3A_448 = arith.andi %get3A_436, %broadcast_in_dim3A_301 : vector<16xi32>
        %bitcast3A_449 = vector.bitcast %and3A_448 : vector<16xi32> to vector<16xf32>
        %add3A_450 = arith.addf %bitcast3A_447, %bitcast3A_449 : vector<16xf32>
        %mul3A_451 = arith.constant 2.000000e-01 : f32
        %mul3A_452 = vector.broadcast %mul3A_451 : f32 to vector<16xf32>
        %mul3A_453 = arith.mulf %add3A_445, %mul3A_452 : vector<16xf32>
        %max3A_454 = arith.maximumf %add3A_445, %mul3A_453 : vector<16xf32>
        %mul3A_455 = arith.constant 2.000000e-01 : f32
        %mul3A_456 = vector.broadcast %mul3A_455 : f32 to vector<16xf32>
        %mul3A_457 = arith.mulf %add3A_450, %mul3A_456 : vector<16xf32>
        %max3A_458 = arith.maximumf %add3A_450, %mul3A_457 : vector<16xf32>
        %get3A_459 = arith.constant 0 : i32
        %get3A_460 = arith.index_cast %get3A_459 : i32 to index
        %get3A_461 = arith.constant 96 : index
        %get3A_462 = tpu.vector_load %arg17[%get3A_460, %get3A_461] {strides = array<i32>} : memref<8x128xf32, #tpu.memory_space<vmem>>, vector<16xf32>,
        %mul3A_463 = arith.mulf %max3A_454, %get3A_462 : vector<16xf32>
        %add3A_464 = arith.addf %add3A_430, %mul3A_463 : vector<16xf32>
        %get3A_465 = arith.constant 0 : i32
        %get3A_466 = arith.index_cast %get3A_465 : i32 to index
        %get3A_467 = arith.constant 112 : index
        %get3A_468 = tpu.vector_load %arg17[%get3A_466, %get3A_467] {strides = array<i32>} : memref<8x128xf32, #tpu.memory_space<vmem>>, vector<16xf32>,
        %mul3A_469 = arith.mulf %max3A_458, %get3A_468 : vector<16xf32>
        %add3A_470 = arith.addf %add3A_464, %mul3A_469 : vector<16xf32>
        %eq3A = arith.constant 0 : i32
        %eq3A_471 = vector.broadcast %eq3A : i32 to vector<16xi32>
        %eq3A_472 = arith.cmpi eq, %iota3A, %eq3A_471 : vector<16xi32>
        %reduce_sum3A = arith.constant true
        %reduce_sum3A_473 = vector.broadcast %reduce_sum3A : i1 to vector<16xi1>
        %reduce_sum3A_474 = tpu.scan <sum>, %add3A_470 masked %reduce_sum3A_473 : vector<16xf32>, vector<16xi1> -> vector<16xf32>
        %reduce_sum3A_475 = vector.extract %reduce_sum3A_474[15] : f32 from vector<16xf32>
        %broadcast_in_dim3A_476 = vector.broadcast %reduce_sum3A_475 : f32 to vector<16xf32>
        %select_n3A = arith.select %eq3A_472, %broadcast_in_dim3A_476, %broadcast_in_dim3A_313 : vector<16xi1>, vector<16xf32>
        %broadcast_in_dim3A_477 = arith.constant 0.000000e+00 : f32
        %broadcast_in_dim3A_478 = vector.broadcast %broadcast_in_dim3A_477 : f32 to vector<16xf32>
        %get3A_479 = arith.index_cast %scan3A_310 : i32 to index
        %get3A_480 = arith.constant 64 : index
        %get3A_481 = tpu.vector_load %arg13[%get3A_479, %get3A_480] {strides = array<i32>} : memref<40x512xi32, #tpu.memory_space<vmem>>, vector<16xi32>,
        %get3A_482 = arith.index_cast %scan3A_310 : i32 to index
        %get3A_483 = arith.constant 64 : index
        %get3A_484 = tpu.vector_load %arg14[%get3A_482, %get3A_483] {strides = array<i32>} : memref<40x512xi32, #tpu.memory_space<vmem>>, vector<16xi32>,
        %shift_left3A_485 = arith.constant 16 : i32
        %shift_left3A_486 = vector.broadcast %shift_left3A_485 : i32 to vector<16xi32>
        %shift_left3A_487 = arith.shli %get3A_481, %shift_left3A_486 : vector<16xi32>
        %bitcast3A_488 = vector.bitcast %shift_left3A_487 : vector<16xi32> to vector<16xf32>
        %shift_left3A_489 = arith.constant 16 : i32
        %shift_left3A_490 = vector.broadcast %shift_left3A_489 : i32 to vector<16xi32>
        %shift_left3A_491 = arith.shli %get3A_484, %shift_left3A_490 : vector<16xi32>
        %bitcast3A_492 = vector.bitcast %shift_left3A_491 : vector<16xi32> to vector<16xf32>
        %add3A_493 = arith.addf %bitcast3A_488, %bitcast3A_492 : vector<16xf32>
        %and3A_494 = arith.andi %get3A_481, %broadcast_in_dim3A_301 : vector<16xi32>
        %bitcast3A_495 = vector.bitcast %and3A_494 : vector<16xi32> to vector<16xf32>
        %and3A_496 = arith.andi %get3A_484, %broadcast_in_dim3A_301 : vector<16xi32>
        %bitcast3A_497 = vector.bitcast %and3A_496 : vector<16xi32> to vector<16xf32>
        %add3A_498 = arith.addf %bitcast3A_495, %bitcast3A_497 : vector<16xf32>
        %mul3A_499 = arith.constant 2.000000e-01 : f32
        %mul3A_500 = vector.broadcast %mul3A_499 : f32 to vector<16xf32>
        %mul3A_501 = arith.mulf %add3A_493, %mul3A_500 : vector<16xf32>
        %max3A_502 = arith.maximumf %add3A_493, %mul3A_501 : vector<16xf32>
        %mul3A_503 = arith.constant 2.000000e-01 : f32
        %mul3A_504 = vector.broadcast %mul3A_503 : f32 to vector<16xf32>
        %mul3A_505 = arith.mulf %add3A_498, %mul3A_504 : vector<16xf32>
        %max3A_506 = arith.maximumf %add3A_498, %mul3A_505 : vector<16xf32>
        %get3A_507 = arith.constant 1 : i32
        %get3A_508 = arith.index_cast %get3A_507 : i32 to index
        %get3A_509 = arith.constant 0 : index
        %get3A_510 = tpu.vector_load %arg17[%get3A_508, %get3A_509] {strides = array<i32>} : memref<8x128xf32, #tpu.memory_space<vmem>>, vector<16xf32>,
        %mul3A_511 = arith.mulf %max3A_502, %get3A_510 : vector<16xf32>
        %add3A_512 = arith.addf %broadcast_in_dim3A_478, %mul3A_511 : vector<16xf32>
        %get3A_513 = arith.constant 1 : i32
        %get3A_514 = arith.index_cast %get3A_513 : i32 to index
        %get3A_515 = arith.constant 16 : index
        %get3A_516 = tpu.vector_load %arg17[%get3A_514, %get3A_515] {strides = array<i32>} : memref<8x128xf32, #tpu.memory_space<vmem>>, vector<16xf32>,
        %mul3A_517 = arith.mulf %max3A_506, %get3A_516 : vector<16xf32>
        %add3A_518 = arith.addf %add3A_512, %mul3A_517 : vector<16xf32>
        %get3A_519 = arith.index_cast %scan3A_310 : i32 to index
        %get3A_520 = arith.constant 80 : index
        %get3A_521 = tpu.vector_load %arg13[%get3A_519, %get3A_520] {strides = array<i32>} : memref<40x512xi32, #tpu.memory_space<vmem>>, vector<16xi32>,
        %get3A_522 = arith.index_cast %scan3A_310 : i32 to index
        %get3A_523 = arith.constant 80 : index
        %get3A_524 = tpu.vector_load %arg14[%get3A_522, %get3A_523] {strides = array<i32>} : memref<40x512xi32, #tpu.memory_space<vmem>>, vector<16xi32>,
        %shift_left3A_525 = arith.constant 16 : i32
        %shift_left3A_526 = vector.broadcast %shift_left3A_525 : i32 to vector<16xi32>
        %shift_left3A_527 = arith.shli %get3A_521, %shift_left3A_526 : vector<16xi32>
        %bitcast3A_528 = vector.bitcast %shift_left3A_527 : vector<16xi32> to vector<16xf32>
        %shift_left3A_529 = arith.constant 16 : i32
        %shift_left3A_530 = vector.broadcast %shift_left3A_529 : i32 to vector<16xi32>
        %shift_left3A_531 = arith.shli %get3A_524, %shift_left3A_530 : vector<16xi32>
        %bitcast3A_532 = vector.bitcast %shift_left3A_531 : vector<16xi32> to vector<16xf32>
        %add3A_533 = arith.addf %bitcast3A_528, %bitcast3A_532 : vector<16xf32>
        %and3A_534 = arith.andi %get3A_521, %broadcast_in_dim3A_301 : vector<16xi32>
        %bitcast3A_535 = vector.bitcast %and3A_534 : vector<16xi32> to vector<16xf32>
        %and3A_536 = arith.andi %get3A_524, %broadcast_in_dim3A_301 : vector<16xi32>
        %bitcast3A_537 = vector.bitcast %and3A_536 : vector<16xi32> to vector<16xf32>
        %add3A_538 = arith.addf %bitcast3A_535, %bitcast3A_537 : vector<16xf32>
        %mul3A_539 = arith.constant 2.000000e-01 : f32
        %mul3A_540 = vector.broadcast %mul3A_539 : f32 to vector<16xf32>
        %mul3A_541 = arith.mulf %add3A_533, %mul3A_540 : vector<16xf32>
        %max3A_542 = arith.maximumf %add3A_533, %mul3A_541 : vector<16xf32>
        %mul3A_543 = arith.constant 2.000000e-01 : f32
        %mul3A_544 = vector.broadcast %mul3A_543 : f32 to vector<16xf32>
        %mul3A_545 = arith.mulf %add3A_538, %mul3A_544 : vector<16xf32>
        %max3A_546 = arith.maximumf %add3A_538, %mul3A_545 : vector<16xf32>
        %get3A_547 = arith.constant 1 : i32
        %get3A_548 = arith.index_cast %get3A_547 : i32 to index
        %get3A_549 = arith.constant 32 : index
        %get3A_550 = tpu.vector_load %arg17[%get3A_548, %get3A_549] {strides = array<i32>} : memref<8x128xf32, #tpu.memory_space<vmem>>, vector<16xf32>,
        %mul3A_551 = arith.mulf %max3A_542, %get3A_550 : vector<16xf32>
        %add3A_552 = arith.addf %add3A_518, %mul3A_551 : vector<16xf32>
        %get3A_553 = arith.constant 1 : i32
        %get3A_554 = arith.index_cast %get3A_553 : i32 to index
        %get3A_555 = arith.constant 48 : index
        %get3A_556 = tpu.vector_load %arg17[%get3A_554, %get3A_555] {strides = array<i32>} : memref<8x128xf32, #tpu.memory_space<vmem>>, vector<16xf32>,
        %mul3A_557 = arith.mulf %max3A_546, %get3A_556 : vector<16xf32>
        %add3A_558 = arith.addf %add3A_552, %mul3A_557 : vector<16xf32>
        %get3A_559 = arith.index_cast %scan3A_310 : i32 to index
        %get3A_560 = arith.constant 96 : index
        %get3A_561 = tpu.vector_load %arg13[%get3A_559, %get3A_560] {strides = array<i32>} : memref<40x512xi32, #tpu.memory_space<vmem>>, vector<16xi32>,
        %get3A_562 = arith.index_cast %scan3A_310 : i32 to index
        %get3A_563 = arith.constant 96 : index
        %get3A_564 = tpu.vector_load %arg14[%get3A_562, %get3A_563] {strides = array<i32>} : memref<40x512xi32, #tpu.memory_space<vmem>>, vector<16xi32>,
        %shift_left3A_565 = arith.constant 16 : i32
        %shift_left3A_566 = vector.broadcast %shift_left3A_565 : i32 to vector<16xi32>
        %shift_left3A_567 = arith.shli %get3A_561, %shift_left3A_566 : vector<16xi32>
        %bitcast3A_568 = vector.bitcast %shift_left3A_567 : vector<16xi32> to vector<16xf32>
        %shift_left3A_569 = arith.constant 16 : i32
        %shift_left3A_570 = vector.broadcast %shift_left3A_569 : i32 to vector<16xi32>
        %shift_left3A_571 = arith.shli %get3A_564, %shift_left3A_570 : vector<16xi32>
        %bitcast3A_572 = vector.bitcast %shift_left3A_571 : vector<16xi32> to vector<16xf32>
        %add3A_573 = arith.addf %bitcast3A_568, %bitcast3A_572 : vector<16xf32>
        %and3A_574 = arith.andi %get3A_561, %broadcast_in_dim3A_301 : vector<16xi32>
        %bitcast3A_575 = vector.bitcast %and3A_574 : vector<16xi32> to vector<16xf32>
        %and3A_576 = arith.andi %get3A_564, %broadcast_in_dim3A_301 : vector<16xi32>
        %bitcast3A_577 = vector.bitcast %and3A_576 : vector<16xi32> to vector<16xf32>
        %add3A_578 = arith.addf %bitcast3A_575, %bitcast3A_577 : vector<16xf32>
        %mul3A_579 = arith.constant 2.000000e-01 : f32
        %mul3A_580 = vector.broadcast %mul3A_579 : f32 to vector<16xf32>
        %mul3A_581 = arith.mulf %add3A_573, %mul3A_580 : vector<16xf32>
        %max3A_582 = arith.maximumf %add3A_573, %mul3A_581 : vector<16xf32>
        %mul3A_583 = arith.constant 2.000000e-01 : f32
        %mul3A_584 = vector.broadcast %mul3A_583 : f32 to vector<16xf32>
        %mul3A_585 = arith.mulf %add3A_578, %mul3A_584 : vector<16xf32>
        %max3A_586 = arith.maximumf %add3A_578, %mul3A_585 : vector<16xf32>
        %get3A_587 = arith.constant 1 : i32
        %get3A_588 = arith.index_cast %get3A_587 : i32 to index
        %get3A_589 = arith.constant 64 : index
        %get3A_590 = tpu.vector_load %arg17[%get3A_588, %get3A_589] {strides = array<i32>} : memref<8x128xf32, #tpu.memory_space<vmem>>, vector<16xf32>,
        %mul3A_591 = arith.mulf %max3A_582, %get3A_590 : vector<16xf32>
        %add3A_592 = arith.addf %add3A_558, %mul3A_591 : vector<16xf32>
        %get3A_593 = arith.constant 1 : i32
        %get3A_594 = arith.index_cast %get3A_593 : i32 to index
        %get3A_595 = arith.constant 80 : index
        %get3A_596 = tpu.vector_load %arg17[%get3A_594, %get3A_595] {strides = array<i32>} : memref<8x128xf32, #tpu.memory_space<vmem>>, vector<16xf32>,
        %mul3A_597 = arith.mulf %max3A_586, %get3A_596 : vector<16xf32>
        %add3A_598 = arith.addf %add3A_592, %mul3A_597 : vector<16xf32>
        %get3A_599 = arith.index_cast %scan3A_310 : i32 to index
        %get3A_600 = arith.constant 112 : index
        %get3A_601 = tpu.vector_load %arg13[%get3A_599, %get3A_600] {strides = array<i32>} : memref<40x512xi32, #tpu.memory_space<vmem>>, vector<16xi32>,
        %get3A_602 = arith.index_cast %scan3A_310 : i32 to index
        %get3A_603 = arith.constant 112 : index
        %get3A_604 = tpu.vector_load %arg14[%get3A_602, %get3A_603] {strides = array<i32>} : memref<40x512xi32, #tpu.memory_space<vmem>>, vector<16xi32>,
        %shift_left3A_605 = arith.constant 16 : i32
        %shift_left3A_606 = vector.broadcast %shift_left3A_605 : i32 to vector<16xi32>
        %shift_left3A_607 = arith.shli %get3A_601, %shift_left3A_606 : vector<16xi32>
        %bitcast3A_608 = vector.bitcast %shift_left3A_607 : vector<16xi32> to vector<16xf32>
        %shift_left3A_609 = arith.constant 16 : i32
        %shift_left3A_610 = vector.broadcast %shift_left3A_609 : i32 to vector<16xi32>
        %shift_left3A_611 = arith.shli %get3A_604, %shift_left3A_610 : vector<16xi32>
        %bitcast3A_612 = vector.bitcast %shift_left3A_611 : vector<16xi32> to vector<16xf32>
        %add3A_613 = arith.addf %bitcast3A_608, %bitcast3A_612 : vector<16xf32>
        %and3A_614 = arith.andi %get3A_601, %broadcast_in_dim3A_301 : vector<16xi32>
        %bitcast3A_615 = vector.bitcast %and3A_614 : vector<16xi32> to vector<16xf32>
        %and3A_616 = arith.andi %get3A_604, %broadcast_in_dim3A_301 : vector<16xi32>
        %bitcast3A_617 = vector.bitcast %and3A_616 : vector<16xi32> to vector<16xf32>
        %add3A_618 = arith.addf %bitcast3A_615, %bitcast3A_617 : vector<16xf32>
        %mul3A_619 = arith.constant 2.000000e-01 : f32
        %mul3A_620 = vector.broadcast %mul3A_619 : f32 to vector<16xf32>
        %mul3A_621 = arith.mulf %add3A_613, %mul3A_620 : vector<16xf32>
        %max3A_622 = arith.maximumf %add3A_613, %mul3A_621 : vector<16xf32>
        %mul3A_623 = arith.constant 2.000000e-01 : f32
        %mul3A_624 = vector.broadcast %mul3A_623 : f32 to vector<16xf32>
        %mul3A_625 = arith.mulf %add3A_618, %mul3A_624 : vector<16xf32>
        %max3A_626 = arith.maximumf %add3A_618, %mul3A_625 : vector<16xf32>
        %get3A_627 = arith.constant 1 : i32
        %get3A_628 = arith.index_cast %get3A_627 : i32 to index
        %get3A_629 = arith.constant 96 : index
        %get3A_630 = tpu.vector_load %arg17[%get3A_628, %get3A_629] {strides = array<i32>} : memref<8x128xf32, #tpu.memory_space<vmem>>, vector<16xf32>,
        %mul3A_631 = arith.mulf %max3A_622, %get3A_630 : vector<16xf32>
        %add3A_632 = arith.addf %add3A_598, %mul3A_631 : vector<16xf32>
        %get3A_633 = arith.constant 1 : i32
        %get3A_634 = arith.index_cast %get3A_633 : i32 to index
        %get3A_635 = arith.constant 112 : index
        %get3A_636 = tpu.vector_load %arg17[%get3A_634, %get3A_635] {strides = array<i32>} : memref<8x128xf32, #tpu.memory_space<vmem>>, vector<16xf32>,
        %mul3A_637 = arith.mulf %max3A_626, %get3A_636 : vector<16xf32>
        %add3A_638 = arith.addf %add3A_632, %mul3A_637 : vector<16xf32>
        %eq3A_639 = arith.constant 1 : i32
        %eq3A_640 = vector.broadcast %eq3A_639 : i32 to vector<16xi32>
        %eq3A_641 = arith.cmpi eq, %iota3A, %eq3A_640 : vector<16xi32>
        %reduce_sum3A_642 = arith.constant true
        %reduce_sum3A_643 = vector.broadcast %reduce_sum3A_642 : i1 to vector<16xi1>
        %reduce_sum3A_644 = tpu.scan <sum>, %add3A_638 masked %reduce_sum3A_643 : vector<16xf32>, vector<16xi1> -> vector<16xf32>
        %reduce_sum3A_645 = vector.extract %reduce_sum3A_644[15] : f32 from vector<16xf32>
        %broadcast_in_dim3A_646 = vector.broadcast %reduce_sum3A_645 : f32 to vector<16xf32>
        %select_n3A_647 = arith.select %eq3A_641, %broadcast_in_dim3A_646, %select_n3A : vector<16xi1>, vector<16xf32>
        %broadcast_in_dim3A_648 = arith.constant 0.000000e+00 : f32
        %broadcast_in_dim3A_649 = vector.broadcast %broadcast_in_dim3A_648 : f32 to vector<16xf32>
        %get3A_650 = arith.index_cast %scan3A_310 : i32 to index
        %get3A_651 = arith.constant 128 : index
        %get3A_652 = tpu.vector_load %arg13[%get3A_650, %get3A_651] {strides = array<i32>} : memref<40x512xi32, #tpu.memory_space<vmem>>, vector<16xi32>,
        %get3A_653 = arith.index_cast %scan3A_310 : i32 to index
        %get3A_654 = arith.constant 128 : index
        %get3A_655 = tpu.vector_load %arg14[%get3A_653, %get3A_654] {strides = array<i32>} : memref<40x512xi32, #tpu.memory_space<vmem>>, vector<16xi32>,
        %shift_left3A_656 = arith.constant 16 : i32
        %shift_left3A_657 = vector.broadcast %shift_left3A_656 : i32 to vector<16xi32>
        %shift_left3A_658 = arith.shli %get3A_652, %shift_left3A_657 : vector<16xi32>
        %bitcast3A_659 = vector.bitcast %shift_left3A_658 : vector<16xi32> to vector<16xf32>
        %shift_left3A_660 = arith.constant 16 : i32
        %shift_left3A_661 = vector.broadcast %shift_left3A_660 : i32 to vector<16xi32>
        %shift_left3A_662 = arith.shli %get3A_655, %shift_left3A_661 : vector<16xi32>
        %bitcast3A_663 = vector.bitcast %shift_left3A_662 : vector<16xi32> to vector<16xf32>
        %add3A_664 = arith.addf %bitcast3A_659, %bitcast3A_663 : vector<16xf32>
        %and3A_665 = arith.andi %get3A_652, %broadcast_in_dim3A_301 : vector<16xi32>
        %bitcast3A_666 = vector.bitcast %and3A_665 : vector<16xi32> to vector<16xf32>
        %and3A_667 = arith.andi %get3A_655, %broadcast_in_dim3A_301 : vector<16xi32>
        %bitcast3A_668 = vector.bitcast %and3A_667 : vector<16xi32> to vector<16xf32>
        %add3A_669 = arith.addf %bitcast3A_666, %bitcast3A_668 : vector<16xf32>
        %mul3A_670 = arith.constant 2.000000e-01 : f32
        %mul3A_671 = vector.broadcast %mul3A_670 : f32 to vector<16xf32>
        %mul3A_672 = arith.mulf %add3A_664, %mul3A_671 : vector<16xf32>
        %max3A_673 = arith.maximumf %add3A_664, %mul3A_672 : vector<16xf32>
        %mul3A_674 = arith.constant 2.000000e-01 : f32
        %mul3A_675 = vector.broadcast %mul3A_674 : f32 to vector<16xf32>
        %mul3A_676 = arith.mulf %add3A_669, %mul3A_675 : vector<16xf32>
        %max3A_677 = arith.maximumf %add3A_669, %mul3A_676 : vector<16xf32>
        %get3A_678 = arith.constant 2 : i32
        %get3A_679 = arith.index_cast %get3A_678 : i32 to index
        %get3A_680 = arith.constant 0 : index
        %get3A_681 = tpu.vector_load %arg17[%get3A_679, %get3A_680] {strides = array<i32>} : memref<8x128xf32, #tpu.memory_space<vmem>>, vector<16xf32>,
        %mul3A_682 = arith.mulf %max3A_673, %get3A_681 : vector<16xf32>
        %add3A_683 = arith.addf %broadcast_in_dim3A_649, %mul3A_682 : vector<16xf32>
        %get3A_684 = arith.constant 2 : i32
        %get3A_685 = arith.index_cast %get3A_684 : i32 to index
        %get3A_686 = arith.constant 16 : index
        %get3A_687 = tpu.vector_load %arg17[%get3A_685, %get3A_686] {strides = array<i32>} : memref<8x128xf32, #tpu.memory_space<vmem>>, vector<16xf32>,
        %mul3A_688 = arith.mulf %max3A_677, %get3A_687 : vector<16xf32>
        %add3A_689 = arith.addf %add3A_683, %mul3A_688 : vector<16xf32>
        %get3A_690 = arith.index_cast %scan3A_310 : i32 to index
        %get3A_691 = arith.constant 144 : index
        %get3A_692 = tpu.vector_load %arg13[%get3A_690, %get3A_691] {strides = array<i32>} : memref<40x512xi32, #tpu.memory_space<vmem>>, vector<16xi32>,
        %get3A_693 = arith.index_cast %scan3A_310 : i32 to index
        %get3A_694 = arith.constant 144 : index
        %get3A_695 = tpu.vector_load %arg14[%get3A_693, %get3A_694] {strides = array<i32>} : memref<40x512xi32, #tpu.memory_space<vmem>>, vector<16xi32>,
        %shift_left3A_696 = arith.constant 16 : i32
        %shift_left3A_697 = vector.broadcast %shift_left3A_696 : i32 to vector<16xi32>
        %shift_left3A_698 = arith.shli %get3A_692, %shift_left3A_697 : vector<16xi32>
        %bitcast3A_699 = vector.bitcast %shift_left3A_698 : vector<16xi32> to vector<16xf32>
        %shift_left3A_700 = arith.constant 16 : i32
        %shift_left3A_701 = vector.broadcast %shift_left3A_700 : i32 to vector<16xi32>
        %shift_left3A_702 = arith.shli %get3A_695, %shift_left3A_701 : vector<16xi32>
        %bitcast3A_703 = vector.bitcast %shift_left3A_702 : vector<16xi32> to vector<16xf32>
        %add3A_704 = arith.addf %bitcast3A_699, %bitcast3A_703 : vector<16xf32>
        %and3A_705 = arith.andi %get3A_692, %broadcast_in_dim3A_301 : vector<16xi32>
        %bitcast3A_706 = vector.bitcast %and3A_705 : vector<16xi32> to vector<16xf32>
        %and3A_707 = arith.andi %get3A_695, %broadcast_in_dim3A_301 : vector<16xi32>
        %bitcast3A_708 = vector.bitcast %and3A_707 : vector<16xi32> to vector<16xf32>
        %add3A_709 = arith.addf %bitcast3A_706, %bitcast3A_708 : vector<16xf32>
        %mul3A_710 = arith.constant 2.000000e-01 : f32
        %mul3A_711 = vector.broadcast %mul3A_710 : f32 to vector<16xf32>
        %mul3A_712 = arith.mulf %add3A_704, %mul3A_711 : vector<16xf32>
        %max3A_713 = arith.maximumf %add3A_704, %mul3A_712 : vector<16xf32>
        %mul3A_714 = arith.constant 2.000000e-01 : f32
        %mul3A_715 = vector.broadcast %mul3A_714 : f32 to vector<16xf32>
        %mul3A_716 = arith.mulf %add3A_709, %mul3A_715 : vector<16xf32>
        %max3A_717 = arith.maximumf %add3A_709, %mul3A_716 : vector<16xf32>
        %get3A_718 = arith.constant 2 : i32
        %get3A_719 = arith.index_cast %get3A_718 : i32 to index
        %get3A_720 = arith.constant 32 : index
        %get3A_721 = tpu.vector_load %arg17[%get3A_719, %get3A_720] {strides = array<i32>} : memref<8x128xf32, #tpu.memory_space<vmem>>, vector<16xf32>,
        %mul3A_722 = arith.mulf %max3A_713, %get3A_721 : vector<16xf32>
        %add3A_723 = arith.addf %add3A_689, %mul3A_722 : vector<16xf32>
        %get3A_724 = arith.constant 2 : i32
        %get3A_725 = arith.index_cast %get3A_724 : i32 to index
        %get3A_726 = arith.constant 48 : index
        %get3A_727 = tpu.vector_load %arg17[%get3A_725, %get3A_726] {strides = array<i32>} : memref<8x128xf32, #tpu.memory_space<vmem>>, vector<16xf32>,
        %mul3A_728 = arith.mulf %max3A_717, %get3A_727 : vector<16xf32>
        %add3A_729 = arith.addf %add3A_723, %mul3A_728 : vector<16xf32>
        %get3A_730 = arith.index_cast %scan3A_310 : i32 to index
        %get3A_731 = arith.constant 160 : index
        %get3A_732 = tpu.vector_load %arg13[%get3A_730, %get3A_731] {strides = array<i32>} : memref<40x512xi32, #tpu.memory_space<vmem>>, vector<16xi32>,
        %get3A_733 = arith.index_cast %scan3A_310 : i32 to index
        %get3A_734 = arith.constant 160 : index
        %get3A_735 = tpu.vector_load %arg14[%get3A_733, %get3A_734] {strides = array<i32>} : memref<40x512xi32, #tpu.memory_space<vmem>>, vector<16xi32>,
        %shift_left3A_736 = arith.constant 16 : i32
        %shift_left3A_737 = vector.broadcast %shift_left3A_736 : i32 to vector<16xi32>
        %shift_left3A_738 = arith.shli %get3A_732, %shift_left3A_737 : vector<16xi32>
        %bitcast3A_739 = vector.bitcast %shift_left3A_738 : vector<16xi32> to vector<16xf32>
        %shift_left3A_740 = arith.constant 16 : i32
        %shift_left3A_741 = vector.broadcast %shift_left3A_740 : i32 to vector<16xi32>
        %shift_left3A_742 = arith.shli %get3A_735, %shift_left3A_741 : vector<16xi32>
        %bitcast3A_743 = vector.bitcast %shift_left3A_742 : vector<16xi32> to vector<16xf32>
        %add3A_744 = arith.addf %bitcast3A_739, %bitcast3A_743 : vector<16xf32>
        %and3A_745 = arith.andi %get3A_732, %broadcast_in_dim3A_301 : vector<16xi32>
        %bitcast3A_746 = vector.bitcast %and3A_745 : vector<16xi32> to vector<16xf32>
        %and3A_747 = arith.andi %get3A_735, %broadcast_in_dim3A_301 : vector<16xi32>
        %bitcast3A_748 = vector.bitcast %and3A_747 : vector<16xi32> to vector<16xf32>
        %add3A_749 = arith.addf %bitcast3A_746, %bitcast3A_748 : vector<16xf32>
        %mul3A_750 = arith.constant 2.000000e-01 : f32
        %mul3A_751 = vector.broadcast %mul3A_750 : f32 to vector<16xf32>
        %mul3A_752 = arith.mulf %add3A_744, %mul3A_751 : vector<16xf32>
        %max3A_753 = arith.maximumf %add3A_744, %mul3A_752 : vector<16xf32>
        %mul3A_754 = arith.constant 2.000000e-01 : f32
        %mul3A_755 = vector.broadcast %mul3A_754 : f32 to vector<16xf32>
        %mul3A_756 = arith.mulf %add3A_749, %mul3A_755 : vector<16xf32>
        %max3A_757 = arith.maximumf %add3A_749, %mul3A_756 : vector<16xf32>
        %get3A_758 = arith.constant 2 : i32
        %get3A_759 = arith.index_cast %get3A_758 : i32 to index
        %get3A_760 = arith.constant 64 : index
        %get3A_761 = tpu.vector_load %arg17[%get3A_759, %get3A_760] {strides = array<i32>} : memref<8x128xf32, #tpu.memory_space<vmem>>, vector<16xf32>,
        %mul3A_762 = arith.mulf %max3A_753, %get3A_761 : vector<16xf32>
        %add3A_763 = arith.addf %add3A_729, %mul3A_762 : vector<16xf32>
        %get3A_764 = arith.constant 2 : i32
        %get3A_765 = arith.index_cast %get3A_764 : i32 to index
        %get3A_766 = arith.constant 80 : index
        %get3A_767 = tpu.vector_load %arg17[%get3A_765, %get3A_766] {strides = array<i32>} : memref<8x128xf32, #tpu.memory_space<vmem>>, vector<16xf32>,
        %mul3A_768 = arith.mulf %max3A_757, %get3A_767 : vector<16xf32>
        %add3A_769 = arith.addf %add3A_763, %mul3A_768 : vector<16xf32>
        %get3A_770 = arith.index_cast %scan3A_310 : i32 to index
        %get3A_771 = arith.constant 176 : index
        %get3A_772 = tpu.vector_load %arg13[%get3A_770, %get3A_771] {strides = array<i32>} : memref<40x512xi32, #tpu.memory_space<vmem>>, vector<16xi32>,
        %get3A_773 = arith.index_cast %scan3A_310 : i32 to index
        %get3A_774 = arith.constant 176 : index
        %get3A_775 = tpu.vector_load %arg14[%get3A_773, %get3A_774] {strides = array<i32>} : memref<40x512xi32, #tpu.memory_space<vmem>>, vector<16xi32>,
        %shift_left3A_776 = arith.constant 16 : i32
        %shift_left3A_777 = vector.broadcast %shift_left3A_776 : i32 to vector<16xi32>
        %shift_left3A_778 = arith.shli %get3A_772, %shift_left3A_777 : vector<16xi32>
        %bitcast3A_779 = vector.bitcast %shift_left3A_778 : vector<16xi32> to vector<16xf32>
        %shift_left3A_780 = arith.constant 16 : i32
        %shift_left3A_781 = vector.broadcast %shift_left3A_780 : i32 to vector<16xi32>
        %shift_left3A_782 = arith.shli %get3A_775, %shift_left3A_781 : vector<16xi32>
        %bitcast3A_783 = vector.bitcast %shift_left3A_782 : vector<16xi32> to vector<16xf32>
        %add3A_784 = arith.addf %bitcast3A_779, %bitcast3A_783 : vector<16xf32>
        %and3A_785 = arith.andi %get3A_772, %broadcast_in_dim3A_301 : vector<16xi32>
        %bitcast3A_786 = vector.bitcast %and3A_785 : vector<16xi32> to vector<16xf32>
        %and3A_787 = arith.andi %get3A_775, %broadcast_in_dim3A_301 : vector<16xi32>
        %bitcast3A_788 = vector.bitcast %and3A_787 : vector<16xi32> to vector<16xf32>
        %add3A_789 = arith.addf %bitcast3A_786, %bitcast3A_788 : vector<16xf32>
        %mul3A_790 = arith.constant 2.000000e-01 : f32
        %mul3A_791 = vector.broadcast %mul3A_790 : f32 to vector<16xf32>
        %mul3A_792 = arith.mulf %add3A_784, %mul3A_791 : vector<16xf32>
        %max3A_793 = arith.maximumf %add3A_784, %mul3A_792 : vector<16xf32>
        %mul3A_794 = arith.constant 2.000000e-01 : f32
        %mul3A_795 = vector.broadcast %mul3A_794 : f32 to vector<16xf32>
        %mul3A_796 = arith.mulf %add3A_789, %mul3A_795 : vector<16xf32>
        %max3A_797 = arith.maximumf %add3A_789, %mul3A_796 : vector<16xf32>
        %get3A_798 = arith.constant 2 : i32
        %get3A_799 = arith.index_cast %get3A_798 : i32 to index
        %get3A_800 = arith.constant 96 : index
        %get3A_801 = tpu.vector_load %arg17[%get3A_799, %get3A_800] {strides = array<i32>} : memref<8x128xf32, #tpu.memory_space<vmem>>, vector<16xf32>,
        %mul3A_802 = arith.mulf %max3A_793, %get3A_801 : vector<16xf32>
        %add3A_803 = arith.addf %add3A_769, %mul3A_802 : vector<16xf32>
        %get3A_804 = arith.constant 2 : i32
        %get3A_805 = arith.index_cast %get3A_804 : i32 to index
        %get3A_806 = arith.constant 112 : index
        %get3A_807 = tpu.vector_load %arg17[%get3A_805, %get3A_806] {strides = array<i32>} : memref<8x128xf32, #tpu.memory_space<vmem>>, vector<16xf32>,
        %mul3A_808 = arith.mulf %max3A_797, %get3A_807 : vector<16xf32>
        %add3A_809 = arith.addf %add3A_803, %mul3A_808 : vector<16xf32>
        %eq3A_810 = arith.constant 2 : i32
        %eq3A_811 = vector.broadcast %eq3A_810 : i32 to vector<16xi32>
        %eq3A_812 = arith.cmpi eq, %iota3A, %eq3A_811 : vector<16xi32>
        %reduce_sum3A_813 = arith.constant true
        %reduce_sum3A_814 = vector.broadcast %reduce_sum3A_813 : i1 to vector<16xi1>
        %reduce_sum3A_815 = tpu.scan <sum>, %add3A_809 masked %reduce_sum3A_814 : vector<16xf32>, vector<16xi1> -> vector<16xf32>
        %reduce_sum3A_816 = vector.extract %reduce_sum3A_815[15] : f32 from vector<16xf32>
        %broadcast_in_dim3A_817 = vector.broadcast %reduce_sum3A_816 : f32 to vector<16xf32>
        %select_n3A_818 = arith.select %eq3A_812, %broadcast_in_dim3A_817, %select_n3A_647 : vector<16xi1>, vector<16xf32>
        %broadcast_in_dim3A_819 = arith.constant 0.000000e+00 : f32
        %broadcast_in_dim3A_820 = vector.broadcast %broadcast_in_dim3A_819 : f32 to vector<16xf32>
        %get3A_821 = arith.index_cast %scan3A_310 : i32 to index
        %get3A_822 = arith.constant 192 : index
        %get3A_823 = tpu.vector_load %arg13[%get3A_821, %get3A_822] {strides = array<i32>} : memref<40x512xi32, #tpu.memory_space<vmem>>, vector<16xi32>,
        %get3A_824 = arith.index_cast %scan3A_310 : i32 to index
        %get3A_825 = arith.constant 192 : index
        %get3A_826 = tpu.vector_load %arg14[%get3A_824, %get3A_825] {strides = array<i32>} : memref<40x512xi32, #tpu.memory_space<vmem>>, vector<16xi32>,
        %shift_left3A_827 = arith.constant 16 : i32
        %shift_left3A_828 = vector.broadcast %shift_left3A_827 : i32 to vector<16xi32>
        %shift_left3A_829 = arith.shli %get3A_823, %shift_left3A_828 : vector<16xi32>
        %bitcast3A_830 = vector.bitcast %shift_left3A_829 : vector<16xi32> to vector<16xf32>
        %shift_left3A_831 = arith.constant 16 : i32
        %shift_left3A_832 = vector.broadcast %shift_left3A_831 : i32 to vector<16xi32>
        %shift_left3A_833 = arith.shli %get3A_826, %shift_left3A_832 : vector<16xi32>
        %bitcast3A_834 = vector.bitcast %shift_left3A_833 : vector<16xi32> to vector<16xf32>
        %add3A_835 = arith.addf %bitcast3A_830, %bitcast3A_834 : vector<16xf32>
        %and3A_836 = arith.andi %get3A_823, %broadcast_in_dim3A_301 : vector<16xi32>
        %bitcast3A_837 = vector.bitcast %and3A_836 : vector<16xi32> to vector<16xf32>
        %and3A_838 = arith.andi %get3A_826, %broadcast_in_dim3A_301 : vector<16xi32>
        %bitcast3A_839 = vector.bitcast %and3A_838 : vector<16xi32> to vector<16xf32>
        %add3A_840 = arith.addf %bitcast3A_837, %bitcast3A_839 : vector<16xf32>
        %mul3A_841 = arith.constant 2.000000e-01 : f32
        %mul3A_842 = vector.broadcast %mul3A_841 : f32 to vector<16xf32>
        %mul3A_843 = arith.mulf %add3A_835, %mul3A_842 : vector<16xf32>
        %max3A_844 = arith.maximumf %add3A_835, %mul3A_843 : vector<16xf32>
        %mul3A_845 = arith.constant 2.000000e-01 : f32
        %mul3A_846 = vector.broadcast %mul3A_845 : f32 to vector<16xf32>
        %mul3A_847 = arith.mulf %add3A_840, %mul3A_846 : vector<16xf32>
        %max3A_848 = arith.maximumf %add3A_840, %mul3A_847 : vector<16xf32>
        %get3A_849 = arith.constant 3 : i32
        %get3A_850 = arith.index_cast %get3A_849 : i32 to index
        %get3A_851 = arith.constant 0 : index
        %get3A_852 = tpu.vector_load %arg17[%get3A_850, %get3A_851] {strides = array<i32>} : memref<8x128xf32, #tpu.memory_space<vmem>>, vector<16xf32>,
        %mul3A_853 = arith.mulf %max3A_844, %get3A_852 : vector<16xf32>
        %add3A_854 = arith.addf %broadcast_in_dim3A_820, %mul3A_853 : vector<16xf32>
        %get3A_855 = arith.constant 3 : i32
        %get3A_856 = arith.index_cast %get3A_855 : i32 to index
        %get3A_857 = arith.constant 16 : index
        %get3A_858 = tpu.vector_load %arg17[%get3A_856, %get3A_857] {strides = array<i32>} : memref<8x128xf32, #tpu.memory_space<vmem>>, vector<16xf32>,
        %mul3A_859 = arith.mulf %max3A_848, %get3A_858 : vector<16xf32>
        %add3A_860 = arith.addf %add3A_854, %mul3A_859 : vector<16xf32>
        %get3A_861 = arith.index_cast %scan3A_310 : i32 to index
        %get3A_862 = arith.constant 208 : index
        %get3A_863 = tpu.vector_load %arg13[%get3A_861, %get3A_862] {strides = array<i32>} : memref<40x512xi32, #tpu.memory_space<vmem>>, vector<16xi32>,
        %get3A_864 = arith.index_cast %scan3A_310 : i32 to index
        %get3A_865 = arith.constant 208 : index
        %get3A_866 = tpu.vector_load %arg14[%get3A_864, %get3A_865] {strides = array<i32>} : memref<40x512xi32, #tpu.memory_space<vmem>>, vector<16xi32>,
        %shift_left3A_867 = arith.constant 16 : i32
        %shift_left3A_868 = vector.broadcast %shift_left3A_867 : i32 to vector<16xi32>
        %shift_left3A_869 = arith.shli %get3A_863, %shift_left3A_868 : vector<16xi32>
        %bitcast3A_870 = vector.bitcast %shift_left3A_869 : vector<16xi32> to vector<16xf32>
        %shift_left3A_871 = arith.constant 16 : i32
        %shift_left3A_872 = vector.broadcast %shift_left3A_871 : i32 to vector<16xi32>
        %shift_left3A_873 = arith.shli %get3A_866, %shift_left3A_872 : vector<16xi32>
        %bitcast3A_874 = vector.bitcast %shift_left3A_873 : vector<16xi32> to vector<16xf32>
        %add3A_875 = arith.addf %bitcast3A_870, %bitcast3A_874 : vector<16xf32>
        %and3A_876 = arith.andi %get3A_863, %broadcast_in_dim3A_301 : vector<16xi32>
        %bitcast3A_877 = vector.bitcast %and3A_876 : vector<16xi32> to vector<16xf32>
        %and3A_878 = arith.andi %get3A_866, %broadcast_in_dim3A_301 : vector<16xi32>
        %bitcast3A_879 = vector.bitcast %and3A_878 : vector<16xi32> to vector<16xf32>
        %add3A_880 = arith.addf %bitcast3A_877, %bitcast3A_879 : vector<16xf32>
        %mul3A_881 = arith.constant 2.000000e-01 : f32
        %mul3A_882 = vector.broadcast %mul3A_881 : f32 to vector<16xf32>
        %mul3A_883 = arith.mulf %add3A_875, %mul3A_882 : vector<16xf32>
        %max3A_884 = arith.maximumf %add3A_875, %mul3A_883 : vector<16xf32>
        %mul3A_885 = arith.constant 2.000000e-01 : f32
        %mul3A_886 = vector.broadcast %mul3A_885 : f32 to vector<16xf32>
        %mul3A_887 = arith.mulf %add3A_880, %mul3A_886 : vector<16xf32>
        %max3A_888 = arith.maximumf %add3A_880, %mul3A_887 : vector<16xf32>
        %get3A_889 = arith.constant 3 : i32
        %get3A_890 = arith.index_cast %get3A_889 : i32 to index
        %get3A_891 = arith.constant 32 : index
        %get3A_892 = tpu.vector_load %arg17[%get3A_890, %get3A_891] {strides = array<i32>} : memref<8x128xf32, #tpu.memory_space<vmem>>, vector<16xf32>,
        %mul3A_893 = arith.mulf %max3A_884, %get3A_892 : vector<16xf32>
        %add3A_894 = arith.addf %add3A_860, %mul3A_893 : vector<16xf32>
        %get3A_895 = arith.constant 3 : i32
        %get3A_896 = arith.index_cast %get3A_895 : i32 to index
        %get3A_897 = arith.constant 48 : index
        %get3A_898 = tpu.vector_load %arg17[%get3A_896, %get3A_897] {strides = array<i32>} : memref<8x128xf32, #tpu.memory_space<vmem>>, vector<16xf32>,
        %mul3A_899 = arith.mulf %max3A_888, %get3A_898 : vector<16xf32>
        %add3A_900 = arith.addf %add3A_894, %mul3A_899 : vector<16xf32>
        %get3A_901 = arith.index_cast %scan3A_310 : i32 to index
        %get3A_902 = arith.constant 224 : index
        %get3A_903 = tpu.vector_load %arg13[%get3A_901, %get3A_902] {strides = array<i32>} : memref<40x512xi32, #tpu.memory_space<vmem>>, vector<16xi32>,
        %get3A_904 = arith.index_cast %scan3A_310 : i32 to index
        %get3A_905 = arith.constant 224 : index
        %get3A_906 = tpu.vector_load %arg14[%get3A_904, %get3A_905] {strides = array<i32>} : memref<40x512xi32, #tpu.memory_space<vmem>>, vector<16xi32>,
        %shift_left3A_907 = arith.constant 16 : i32
        %shift_left3A_908 = vector.broadcast %shift_left3A_907 : i32 to vector<16xi32>
        %shift_left3A_909 = arith.shli %get3A_903, %shift_left3A_908 : vector<16xi32>
        %bitcast3A_910 = vector.bitcast %shift_left3A_909 : vector<16xi32> to vector<16xf32>
        %shift_left3A_911 = arith.constant 16 : i32
        %shift_left3A_912 = vector.broadcast %shift_left3A_911 : i32 to vector<16xi32>
        %shift_left3A_913 = arith.shli %get3A_906, %shift_left3A_912 : vector<16xi32>
        %bitcast3A_914 = vector.bitcast %shift_left3A_913 : vector<16xi32> to vector<16xf32>
        %add3A_915 = arith.addf %bitcast3A_910, %bitcast3A_914 : vector<16xf32>
        %and3A_916 = arith.andi %get3A_903, %broadcast_in_dim3A_301 : vector<16xi32>
        %bitcast3A_917 = vector.bitcast %and3A_916 : vector<16xi32> to vector<16xf32>
        %and3A_918 = arith.andi %get3A_906, %broadcast_in_dim3A_301 : vector<16xi32>
        %bitcast3A_919 = vector.bitcast %and3A_918 : vector<16xi32> to vector<16xf32>
        %add3A_920 = arith.addf %bitcast3A_917, %bitcast3A_919 : vector<16xf32>
        %mul3A_921 = arith.constant 2.000000e-01 : f32
        %mul3A_922 = vector.broadcast %mul3A_921 : f32 to vector<16xf32>
        %mul3A_923 = arith.mulf %add3A_915, %mul3A_922 : vector<16xf32>
        %max3A_924 = arith.maximumf %add3A_915, %mul3A_923 : vector<16xf32>
        %mul3A_925 = arith.constant 2.000000e-01 : f32
        %mul3A_926 = vector.broadcast %mul3A_925 : f32 to vector<16xf32>
        %mul3A_927 = arith.mulf %add3A_920, %mul3A_926 : vector<16xf32>
        %max3A_928 = arith.maximumf %add3A_920, %mul3A_927 : vector<16xf32>
        %get3A_929 = arith.constant 3 : i32
        %get3A_930 = arith.index_cast %get3A_929 : i32 to index
        %get3A_931 = arith.constant 64 : index
        %get3A_932 = tpu.vector_load %arg17[%get3A_930, %get3A_931] {strides = array<i32>} : memref<8x128xf32, #tpu.memory_space<vmem>>, vector<16xf32>,
        %mul3A_933 = arith.mulf %max3A_924, %get3A_932 : vector<16xf32>
        %add3A_934 = arith.addf %add3A_900, %mul3A_933 : vector<16xf32>
        %get3A_935 = arith.constant 3 : i32
        %get3A_936 = arith.index_cast %get3A_935 : i32 to index
        %get3A_937 = arith.constant 80 : index
        %get3A_938 = tpu.vector_load %arg17[%get3A_936, %get3A_937] {strides = array<i32>} : memref<8x128xf32, #tpu.memory_space<vmem>>, vector<16xf32>,
        %mul3A_939 = arith.mulf %max3A_928, %get3A_938 : vector<16xf32>
        %add3A_940 = arith.addf %add3A_934, %mul3A_939 : vector<16xf32>
        %get3A_941 = arith.index_cast %scan3A_310 : i32 to index
        %get3A_942 = arith.constant 240 : index
        %get3A_943 = tpu.vector_load %arg13[%get3A_941, %get3A_942] {strides = array<i32>} : memref<40x512xi32, #tpu.memory_space<vmem>>, vector<16xi32>,
        %get3A_944 = arith.index_cast %scan3A_310 : i32 to index
        %get3A_945 = arith.constant 240 : index
        %get3A_946 = tpu.vector_load %arg14[%get3A_944, %get3A_945] {strides = array<i32>} : memref<40x512xi32, #tpu.memory_space<vmem>>, vector<16xi32>,
        %shift_left3A_947 = arith.constant 16 : i32
        %shift_left3A_948 = vector.broadcast %shift_left3A_947 : i32 to vector<16xi32>
        %shift_left3A_949 = arith.shli %get3A_943, %shift_left3A_948 : vector<16xi32>
        %bitcast3A_950 = vector.bitcast %shift_left3A_949 : vector<16xi32> to vector<16xf32>
        %shift_left3A_951 = arith.constant 16 : i32
        %shift_left3A_952 = vector.broadcast %shift_left3A_951 : i32 to vector<16xi32>
        %shift_left3A_953 = arith.shli %get3A_946, %shift_left3A_952 : vector<16xi32>
        %bitcast3A_954 = vector.bitcast %shift_left3A_953 : vector<16xi32> to vector<16xf32>
        %add3A_955 = arith.addf %bitcast3A_950, %bitcast3A_954 : vector<16xf32>
        %and3A_956 = arith.andi %get3A_943, %broadcast_in_dim3A_301 : vector<16xi32>
        %bitcast3A_957 = vector.bitcast %and3A_956 : vector<16xi32> to vector<16xf32>
        %and3A_958 = arith.andi %get3A_946, %broadcast_in_dim3A_301 : vector<16xi32>
        %bitcast3A_959 = vector.bitcast %and3A_958 : vector<16xi32> to vector<16xf32>
        %add3A_960 = arith.addf %bitcast3A_957, %bitcast3A_959 : vector<16xf32>
        %mul3A_961 = arith.constant 2.000000e-01 : f32
        %mul3A_962 = vector.broadcast %mul3A_961 : f32 to vector<16xf32>
        %mul3A_963 = arith.mulf %add3A_955, %mul3A_962 : vector<16xf32>
        %max3A_964 = arith.maximumf %add3A_955, %mul3A_963 : vector<16xf32>
        %mul3A_965 = arith.constant 2.000000e-01 : f32
        %mul3A_966 = vector.broadcast %mul3A_965 : f32 to vector<16xf32>
        %mul3A_967 = arith.mulf %add3A_960, %mul3A_966 : vector<16xf32>
        %max3A_968 = arith.maximumf %add3A_960, %mul3A_967 : vector<16xf32>
        %get3A_969 = arith.constant 3 : i32
        %get3A_970 = arith.index_cast %get3A_969 : i32 to index
        %get3A_971 = arith.constant 96 : index
        %get3A_972 = tpu.vector_load %arg17[%get3A_970, %get3A_971] {strides = array<i32>} : memref<8x128xf32, #tpu.memory_space<vmem>>, vector<16xf32>,
        %mul3A_973 = arith.mulf %max3A_964, %get3A_972 : vector<16xf32>
        %add3A_974 = arith.addf %add3A_940, %mul3A_973 : vector<16xf32>
        %get3A_975 = arith.constant 3 : i32
        %get3A_976 = arith.index_cast %get3A_975 : i32 to index
        %get3A_977 = arith.constant 112 : index
        %get3A_978 = tpu.vector_load %arg17[%get3A_976, %get3A_977] {strides = array<i32>} : memref<8x128xf32, #tpu.memory_space<vmem>>, vector<16xf32>,
        %mul3A_979 = arith.mulf %max3A_968, %get3A_978 : vector<16xf32>
        %add3A_980 = arith.addf %add3A_974, %mul3A_979 : vector<16xf32>
        %eq3A_981 = arith.constant 3 : i32
        %eq3A_982 = vector.broadcast %eq3A_981 : i32 to vector<16xi32>
        %eq3A_983 = arith.cmpi eq, %iota3A, %eq3A_982 : vector<16xi32>
        %reduce_sum3A_984 = arith.constant true
        %reduce_sum3A_985 = vector.broadcast %reduce_sum3A_984 : i1 to vector<16xi1>
        %reduce_sum3A_986 = tpu.scan <sum>, %add3A_980 masked %reduce_sum3A_985 : vector<16xf32>, vector<16xi1> -> vector<16xf32>
        %reduce_sum3A_987 = vector.extract %reduce_sum3A_986[15] : f32 from vector<16xf32>
        %broadcast_in_dim3A_988 = vector.broadcast %reduce_sum3A_987 : f32 to vector<16xf32>
        %select_n3A_989 = arith.select %eq3A_983, %broadcast_in_dim3A_988, %select_n3A_818 : vector<16xi1>, vector<16xf32>
        %broadcast_in_dim3A_990 = arith.constant 0.000000e+00 : f32
        %broadcast_in_dim3A_991 = vector.broadcast %broadcast_in_dim3A_990 : f32 to vector<16xf32>
        %get3A_992 = arith.index_cast %scan3A_310 : i32 to index
        %get3A_993 = arith.constant 256 : index
        %get3A_994 = tpu.vector_load %arg13[%get3A_992, %get3A_993] {strides = array<i32>} : memref<40x512xi32, #tpu.memory_space<vmem>>, vector<16xi32>,
        %get3A_995 = arith.index_cast %scan3A_310 : i32 to index
        %get3A_996 = arith.constant 256 : index
        %get3A_997 = tpu.vector_load %arg14[%get3A_995, %get3A_996] {strides = array<i32>} : memref<40x512xi32, #tpu.memory_space<vmem>>, vector<16xi32>,
        %shift_left3A_998 = arith.constant 16 : i32
        %shift_left3A_999 = vector.broadcast %shift_left3A_998 : i32 to vector<16xi32>
        %shift_left3A_1000 = arith.shli %get3A_994, %shift_left3A_999 : vector<16xi32>
        %bitcast3A_1001 = vector.bitcast %shift_left3A_1000 : vector<16xi32> to vector<16xf32>
        %shift_left3A_1002 = arith.constant 16 : i32
        %shift_left3A_1003 = vector.broadcast %shift_left3A_1002 : i32 to vector<16xi32>
        %shift_left3A_1004 = arith.shli %get3A_997, %shift_left3A_1003 : vector<16xi32>
        %bitcast3A_1005 = vector.bitcast %shift_left3A_1004 : vector<16xi32> to vector<16xf32>
        %add3A_1006 = arith.addf %bitcast3A_1001, %bitcast3A_1005 : vector<16xf32>
        %and3A_1007 = arith.andi %get3A_994, %broadcast_in_dim3A_301 : vector<16xi32>
        %bitcast3A_1008 = vector.bitcast %and3A_1007 : vector<16xi32> to vector<16xf32>
        %and3A_1009 = arith.andi %get3A_997, %broadcast_in_dim3A_301 : vector<16xi32>
        %bitcast3A_1010 = vector.bitcast %and3A_1009 : vector<16xi32> to vector<16xf32>
        %add3A_1011 = arith.addf %bitcast3A_1008, %bitcast3A_1010 : vector<16xf32>
        %mul3A_1012 = arith.constant 2.000000e-01 : f32
        %mul3A_1013 = vector.broadcast %mul3A_1012 : f32 to vector<16xf32>
        %mul3A_1014 = arith.mulf %add3A_1006, %mul3A_1013 : vector<16xf32>
        %max3A_1015 = arith.maximumf %add3A_1006, %mul3A_1014 : vector<16xf32>
        %mul3A_1016 = arith.constant 2.000000e-01 : f32
        %mul3A_1017 = vector.broadcast %mul3A_1016 : f32 to vector<16xf32>
        %mul3A_1018 = arith.mulf %add3A_1011, %mul3A_1017 : vector<16xf32>
        %max3A_1019 = arith.maximumf %add3A_1011, %mul3A_1018 : vector<16xf32>
        %get3A_1020 = arith.constant 4 : i32
        %get3A_1021 = arith.index_cast %get3A_1020 : i32 to index
        %get3A_1022 = arith.constant 0 : index
        %get3A_1023 = tpu.vector_load %arg17[%get3A_1021, %get3A_1022] {strides = array<i32>} : memref<8x128xf32, #tpu.memory_space<vmem>>, vector<16xf32>,
        %mul3A_1024 = arith.mulf %max3A_1015, %get3A_1023 : vector<16xf32>
        %add3A_1025 = arith.addf %broadcast_in_dim3A_991, %mul3A_1024 : vector<16xf32>
        %get3A_1026 = arith.constant 4 : i32
        %get3A_1027 = arith.index_cast %get3A_1026 : i32 to index
        %get3A_1028 = arith.constant 16 : index
        %get3A_1029 = tpu.vector_load %arg17[%get3A_1027, %get3A_1028] {strides = array<i32>} : memref<8x128xf32, #tpu.memory_space<vmem>>, vector<16xf32>,
        %mul3A_1030 = arith.mulf %max3A_1019, %get3A_1029 : vector<16xf32>
        %add3A_1031 = arith.addf %add3A_1025, %mul3A_1030 : vector<16xf32>
        %get3A_1032 = arith.index_cast %scan3A_310 : i32 to index
        %get3A_1033 = arith.constant 272 : index
        %get3A_1034 = tpu.vector_load %arg13[%get3A_1032, %get3A_1033] {strides = array<i32>} : memref<40x512xi32, #tpu.memory_space<vmem>>, vector<16xi32>,
        %get3A_1035 = arith.index_cast %scan3A_310 : i32 to index
        %get3A_1036 = arith.constant 272 : index
        %get3A_1037 = tpu.vector_load %arg14[%get3A_1035, %get3A_1036] {strides = array<i32>} : memref<40x512xi32, #tpu.memory_space<vmem>>, vector<16xi32>,
        %shift_left3A_1038 = arith.constant 16 : i32
        %shift_left3A_1039 = vector.broadcast %shift_left3A_1038 : i32 to vector<16xi32>
        %shift_left3A_1040 = arith.shli %get3A_1034, %shift_left3A_1039 : vector<16xi32>
        %bitcast3A_1041 = vector.bitcast %shift_left3A_1040 : vector<16xi32> to vector<16xf32>
        %shift_left3A_1042 = arith.constant 16 : i32
        %shift_left3A_1043 = vector.broadcast %shift_left3A_1042 : i32 to vector<16xi32>
        %shift_left3A_1044 = arith.shli %get3A_1037, %shift_left3A_1043 : vector<16xi32>
        %bitcast3A_1045 = vector.bitcast %shift_left3A_1044 : vector<16xi32> to vector<16xf32>
        %add3A_1046 = arith.addf %bitcast3A_1041, %bitcast3A_1045 : vector<16xf32>
        %and3A_1047 = arith.andi %get3A_1034, %broadcast_in_dim3A_301 : vector<16xi32>
        %bitcast3A_1048 = vector.bitcast %and3A_1047 : vector<16xi32> to vector<16xf32>
        %and3A_1049 = arith.andi %get3A_1037, %broadcast_in_dim3A_301 : vector<16xi32>
        %bitcast3A_1050 = vector.bitcast %and3A_1049 : vector<16xi32> to vector<16xf32>
        %add3A_1051 = arith.addf %bitcast3A_1048, %bitcast3A_1050 : vector<16xf32>
        %mul3A_1052 = arith.constant 2.000000e-01 : f32
        %mul3A_1053 = vector.broadcast %mul3A_1052 : f32 to vector<16xf32>
        %mul3A_1054 = arith.mulf %add3A_1046, %mul3A_1053 : vector<16xf32>
        %max3A_1055 = arith.maximumf %add3A_1046, %mul3A_1054 : vector<16xf32>
        %mul3A_1056 = arith.constant 2.000000e-01 : f32
        %mul3A_1057 = vector.broadcast %mul3A_1056 : f32 to vector<16xf32>
        %mul3A_1058 = arith.mulf %add3A_1051, %mul3A_1057 : vector<16xf32>
        %max3A_1059 = arith.maximumf %add3A_1051, %mul3A_1058 : vector<16xf32>
        %get3A_1060 = arith.constant 4 : i32
        %get3A_1061 = arith.index_cast %get3A_1060 : i32 to index
        %get3A_1062 = arith.constant 32 : index
        %get3A_1063 = tpu.vector_load %arg17[%get3A_1061, %get3A_1062] {strides = array<i32>} : memref<8x128xf32, #tpu.memory_space<vmem>>, vector<16xf32>,
        %mul3A_1064 = arith.mulf %max3A_1055, %get3A_1063 : vector<16xf32>
        %add3A_1065 = arith.addf %add3A_1031, %mul3A_1064 : vector<16xf32>
        %get3A_1066 = arith.constant 4 : i32
        %get3A_1067 = arith.index_cast %get3A_1066 : i32 to index
        %get3A_1068 = arith.constant 48 : index
        %get3A_1069 = tpu.vector_load %arg17[%get3A_1067, %get3A_1068] {strides = array<i32>} : memref<8x128xf32, #tpu.memory_space<vmem>>, vector<16xf32>,
        %mul3A_1070 = arith.mulf %max3A_1059, %get3A_1069 : vector<16xf32>
        %add3A_1071 = arith.addf %add3A_1065, %mul3A_1070 : vector<16xf32>
        %get3A_1072 = arith.index_cast %scan3A_310 : i32 to index
        %get3A_1073 = arith.constant 288 : index
        %get3A_1074 = tpu.vector_load %arg13[%get3A_1072, %get3A_1073] {strides = array<i32>} : memref<40x512xi32, #tpu.memory_space<vmem>>, vector<16xi32>,
        %get3A_1075 = arith.index_cast %scan3A_310 : i32 to index
        %get3A_1076 = arith.constant 288 : index
        %get3A_1077 = tpu.vector_load %arg14[%get3A_1075, %get3A_1076] {strides = array<i32>} : memref<40x512xi32, #tpu.memory_space<vmem>>, vector<16xi32>,
        %shift_left3A_1078 = arith.constant 16 : i32
        %shift_left3A_1079 = vector.broadcast %shift_left3A_1078 : i32 to vector<16xi32>
        %shift_left3A_1080 = arith.shli %get3A_1074, %shift_left3A_1079 : vector<16xi32>
        %bitcast3A_1081 = vector.bitcast %shift_left3A_1080 : vector<16xi32> to vector<16xf32>
        %shift_left3A_1082 = arith.constant 16 : i32
        %shift_left3A_1083 = vector.broadcast %shift_left3A_1082 : i32 to vector<16xi32>
        %shift_left3A_1084 = arith.shli %get3A_1077, %shift_left3A_1083 : vector<16xi32>
        %bitcast3A_1085 = vector.bitcast %shift_left3A_1084 : vector<16xi32> to vector<16xf32>
        %add3A_1086 = arith.addf %bitcast3A_1081, %bitcast3A_1085 : vector<16xf32>
        %and3A_1087 = arith.andi %get3A_1074, %broadcast_in_dim3A_301 : vector<16xi32>
        %bitcast3A_1088 = vector.bitcast %and3A_1087 : vector<16xi32> to vector<16xf32>
        %and3A_1089 = arith.andi %get3A_1077, %broadcast_in_dim3A_301 : vector<16xi32>
        %bitcast3A_1090 = vector.bitcast %and3A_1089 : vector<16xi32> to vector<16xf32>
        %add3A_1091 = arith.addf %bitcast3A_1088, %bitcast3A_1090 : vector<16xf32>
        %mul3A_1092 = arith.constant 2.000000e-01 : f32
        %mul3A_1093 = vector.broadcast %mul3A_1092 : f32 to vector<16xf32>
        %mul3A_1094 = arith.mulf %add3A_1086, %mul3A_1093 : vector<16xf32>
        %max3A_1095 = arith.maximumf %add3A_1086, %mul3A_1094 : vector<16xf32>
        %mul3A_1096 = arith.constant 2.000000e-01 : f32
        %mul3A_1097 = vector.broadcast %mul3A_1096 : f32 to vector<16xf32>
        %mul3A_1098 = arith.mulf %add3A_1091, %mul3A_1097 : vector<16xf32>
        %max3A_1099 = arith.maximumf %add3A_1091, %mul3A_1098 : vector<16xf32>
        %get3A_1100 = arith.constant 4 : i32
        %get3A_1101 = arith.index_cast %get3A_1100 : i32 to index
        %get3A_1102 = arith.constant 64 : index
        %get3A_1103 = tpu.vector_load %arg17[%get3A_1101, %get3A_1102] {strides = array<i32>} : memref<8x128xf32, #tpu.memory_space<vmem>>, vector<16xf32>,
        %mul3A_1104 = arith.mulf %max3A_1095, %get3A_1103 : vector<16xf32>
        %add3A_1105 = arith.addf %add3A_1071, %mul3A_1104 : vector<16xf32>
        %get3A_1106 = arith.constant 4 : i32
        %get3A_1107 = arith.index_cast %get3A_1106 : i32 to index
        %get3A_1108 = arith.constant 80 : index
        %get3A_1109 = tpu.vector_load %arg17[%get3A_1107, %get3A_1108] {strides = array<i32>} : memref<8x128xf32, #tpu.memory_space<vmem>>, vector<16xf32>,
        %mul3A_1110 = arith.mulf %max3A_1099, %get3A_1109 : vector<16xf32>
        %add3A_1111 = arith.addf %add3A_1105, %mul3A_1110 : vector<16xf32>
        %get3A_1112 = arith.index_cast %scan3A_310 : i32 to index
        %get3A_1113 = arith.constant 304 : index
        %get3A_1114 = tpu.vector_load %arg13[%get3A_1112, %get3A_1113] {strides = array<i32>} : memref<40x512xi32, #tpu.memory_space<vmem>>, vector<16xi32>,
        %get3A_1115 = arith.index_cast %scan3A_310 : i32 to index
        %get3A_1116 = arith.constant 304 : index
        %get3A_1117 = tpu.vector_load %arg14[%get3A_1115, %get3A_1116] {strides = array<i32>} : memref<40x512xi32, #tpu.memory_space<vmem>>, vector<16xi32>,
        %shift_left3A_1118 = arith.constant 16 : i32
        %shift_left3A_1119 = vector.broadcast %shift_left3A_1118 : i32 to vector<16xi32>
        %shift_left3A_1120 = arith.shli %get3A_1114, %shift_left3A_1119 : vector<16xi32>
        %bitcast3A_1121 = vector.bitcast %shift_left3A_1120 : vector<16xi32> to vector<16xf32>
        %shift_left3A_1122 = arith.constant 16 : i32
        %shift_left3A_1123 = vector.broadcast %shift_left3A_1122 : i32 to vector<16xi32>
        %shift_left3A_1124 = arith.shli %get3A_1117, %shift_left3A_1123 : vector<16xi32>
        %bitcast3A_1125 = vector.bitcast %shift_left3A_1124 : vector<16xi32> to vector<16xf32>
        %add3A_1126 = arith.addf %bitcast3A_1121, %bitcast3A_1125 : vector<16xf32>
        %and3A_1127 = arith.andi %get3A_1114, %broadcast_in_dim3A_301 : vector<16xi32>
        %bitcast3A_1128 = vector.bitcast %and3A_1127 : vector<16xi32> to vector<16xf32>
        %and3A_1129 = arith.andi %get3A_1117, %broadcast_in_dim3A_301 : vector<16xi32>
        %bitcast3A_1130 = vector.bitcast %and3A_1129 : vector<16xi32> to vector<16xf32>
        %add3A_1131 = arith.addf %bitcast3A_1128, %bitcast3A_1130 : vector<16xf32>
        %mul3A_1132 = arith.constant 2.000000e-01 : f32
        %mul3A_1133 = vector.broadcast %mul3A_1132 : f32 to vector<16xf32>
        %mul3A_1134 = arith.mulf %add3A_1126, %mul3A_1133 : vector<16xf32>
        %max3A_1135 = arith.maximumf %add3A_1126, %mul3A_1134 : vector<16xf32>
        %mul3A_1136 = arith.constant 2.000000e-01 : f32
        %mul3A_1137 = vector.broadcast %mul3A_1136 : f32 to vector<16xf32>
        %mul3A_1138 = arith.mulf %add3A_1131, %mul3A_1137 : vector<16xf32>
        %max3A_1139 = arith.maximumf %add3A_1131, %mul3A_1138 : vector<16xf32>
        %get3A_1140 = arith.constant 4 : i32
        %get3A_1141 = arith.index_cast %get3A_1140 : i32 to index
        %get3A_1142 = arith.constant 96 : index
        %get3A_1143 = tpu.vector_load %arg17[%get3A_1141, %get3A_1142] {strides = array<i32>} : memref<8x128xf32, #tpu.memory_space<vmem>>, vector<16xf32>,
        %mul3A_1144 = arith.mulf %max3A_1135, %get3A_1143 : vector<16xf32>
        %add3A_1145 = arith.addf %add3A_1111, %mul3A_1144 : vector<16xf32>
        %get3A_1146 = arith.constant 4 : i32
        %get3A_1147 = arith.index_cast %get3A_1146 : i32 to index
        %get3A_1148 = arith.constant 112 : index
        %get3A_1149 = tpu.vector_load %arg17[%get3A_1147, %get3A_1148] {strides = array<i32>} : memref<8x128xf32, #tpu.memory_space<vmem>>, vector<16xf32>,
        %mul3A_1150 = arith.mulf %max3A_1139, %get3A_1149 : vector<16xf32>
        %add3A_1151 = arith.addf %add3A_1145, %mul3A_1150 : vector<16xf32>
        %eq3A_1152 = arith.constant 4 : i32
        %eq3A_1153 = vector.broadcast %eq3A_1152 : i32 to vector<16xi32>
        %eq3A_1154 = arith.cmpi eq, %iota3A, %eq3A_1153 : vector<16xi32>
        %reduce_sum3A_1155 = arith.constant true
        %reduce_sum3A_1156 = vector.broadcast %reduce_sum3A_1155 : i1 to vector<16xi1>
        %reduce_sum3A_1157 = tpu.scan <sum>, %add3A_1151 masked %reduce_sum3A_1156 : vector<16xf32>, vector<16xi1> -> vector<16xf32>
        %reduce_sum3A_1158 = vector.extract %reduce_sum3A_1157[15] : f32 from vector<16xf32>
        %broadcast_in_dim3A_1159 = vector.broadcast %reduce_sum3A_1158 : f32 to vector<16xf32>
        %select_n3A_1160 = arith.select %eq3A_1154, %broadcast_in_dim3A_1159, %select_n3A_989 : vector<16xi1>, vector<16xf32>
        %broadcast_in_dim3A_1161 = arith.constant 0.000000e+00 : f32
        %broadcast_in_dim3A_1162 = vector.broadcast %broadcast_in_dim3A_1161 : f32 to vector<16xf32>
        %get3A_1163 = arith.index_cast %scan3A_310 : i32 to index
        %get3A_1164 = arith.constant 320 : index
        %get3A_1165 = tpu.vector_load %arg13[%get3A_1163, %get3A_1164] {strides = array<i32>} : memref<40x512xi32, #tpu.memory_space<vmem>>, vector<16xi32>,
        %get3A_1166 = arith.index_cast %scan3A_310 : i32 to index
        %get3A_1167 = arith.constant 320 : index
        %get3A_1168 = tpu.vector_load %arg14[%get3A_1166, %get3A_1167] {strides = array<i32>} : memref<40x512xi32, #tpu.memory_space<vmem>>, vector<16xi32>,
        %shift_left3A_1169 = arith.constant 16 : i32
        %shift_left3A_1170 = vector.broadcast %shift_left3A_1169 : i32 to vector<16xi32>
        %shift_left3A_1171 = arith.shli %get3A_1165, %shift_left3A_1170 : vector<16xi32>
        %bitcast3A_1172 = vector.bitcast %shift_left3A_1171 : vector<16xi32> to vector<16xf32>
        %shift_left3A_1173 = arith.constant 16 : i32
        %shift_left3A_1174 = vector.broadcast %shift_left3A_1173 : i32 to vector<16xi32>
        %shift_left3A_1175 = arith.shli %get3A_1168, %shift_left3A_1174 : vector<16xi32>
        %bitcast3A_1176 = vector.bitcast %shift_left3A_1175 : vector<16xi32> to vector<16xf32>
        %add3A_1177 = arith.addf %bitcast3A_1172, %bitcast3A_1176 : vector<16xf32>
        %and3A_1178 = arith.andi %get3A_1165, %broadcast_in_dim3A_301 : vector<16xi32>
        %bitcast3A_1179 = vector.bitcast %and3A_1178 : vector<16xi32> to vector<16xf32>
        %and3A_1180 = arith.andi %get3A_1168, %broadcast_in_dim3A_301 : vector<16xi32>
        %bitcast3A_1181 = vector.bitcast %and3A_1180 : vector<16xi32> to vector<16xf32>
        %add3A_1182 = arith.addf %bitcast3A_1179, %bitcast3A_1181 : vector<16xf32>
        %mul3A_1183 = arith.constant 2.000000e-01 : f32
        %mul3A_1184 = vector.broadcast %mul3A_1183 : f32 to vector<16xf32>
        %mul3A_1185 = arith.mulf %add3A_1177, %mul3A_1184 : vector<16xf32>
        %max3A_1186 = arith.maximumf %add3A_1177, %mul3A_1185 : vector<16xf32>
        %mul3A_1187 = arith.constant 2.000000e-01 : f32
        %mul3A_1188 = vector.broadcast %mul3A_1187 : f32 to vector<16xf32>
        %mul3A_1189 = arith.mulf %add3A_1182, %mul3A_1188 : vector<16xf32>
        %max3A_1190 = arith.maximumf %add3A_1182, %mul3A_1189 : vector<16xf32>
        %get3A_1191 = arith.constant 5 : i32
        %get3A_1192 = arith.index_cast %get3A_1191 : i32 to index
        %get3A_1193 = arith.constant 0 : index
        %get3A_1194 = tpu.vector_load %arg17[%get3A_1192, %get3A_1193] {strides = array<i32>} : memref<8x128xf32, #tpu.memory_space<vmem>>, vector<16xf32>,
        %mul3A_1195 = arith.mulf %max3A_1186, %get3A_1194 : vector<16xf32>
        %add3A_1196 = arith.addf %broadcast_in_dim3A_1162, %mul3A_1195 : vector<16xf32>
        %get3A_1197 = arith.constant 5 : i32
        %get3A_1198 = arith.index_cast %get3A_1197 : i32 to index
        %get3A_1199 = arith.constant 16 : index
        %get3A_1200 = tpu.vector_load %arg17[%get3A_1198, %get3A_1199] {strides = array<i32>} : memref<8x128xf32, #tpu.memory_space<vmem>>, vector<16xf32>,
        %mul3A_1201 = arith.mulf %max3A_1190, %get3A_1200 : vector<16xf32>
        %add3A_1202 = arith.addf %add3A_1196, %mul3A_1201 : vector<16xf32>
        %get3A_1203 = arith.index_cast %scan3A_310 : i32 to index
        %get3A_1204 = arith.constant 336 : index
        %get3A_1205 = tpu.vector_load %arg13[%get3A_1203, %get3A_1204] {strides = array<i32>} : memref<40x512xi32, #tpu.memory_space<vmem>>, vector<16xi32>,
        %get3A_1206 = arith.index_cast %scan3A_310 : i32 to index
        %get3A_1207 = arith.constant 336 : index
        %get3A_1208 = tpu.vector_load %arg14[%get3A_1206, %get3A_1207] {strides = array<i32>} : memref<40x512xi32, #tpu.memory_space<vmem>>, vector<16xi32>,
        %shift_left3A_1209 = arith.constant 16 : i32
        %shift_left3A_1210 = vector.broadcast %shift_left3A_1209 : i32 to vector<16xi32>
        %shift_left3A_1211 = arith.shli %get3A_1205, %shift_left3A_1210 : vector<16xi32>
        %bitcast3A_1212 = vector.bitcast %shift_left3A_1211 : vector<16xi32> to vector<16xf32>
        %shift_left3A_1213 = arith.constant 16 : i32
        %shift_left3A_1214 = vector.broadcast %shift_left3A_1213 : i32 to vector<16xi32>
        %shift_left3A_1215 = arith.shli %get3A_1208, %shift_left3A_1214 : vector<16xi32>
        %bitcast3A_1216 = vector.bitcast %shift_left3A_1215 : vector<16xi32> to vector<16xf32>
        %add3A_1217 = arith.addf %bitcast3A_1212, %bitcast3A_1216 : vector<16xf32>
        %and3A_1218 = arith.andi %get3A_1205, %broadcast_in_dim3A_301 : vector<16xi32>
        %bitcast3A_1219 = vector.bitcast %and3A_1218 : vector<16xi32> to vector<16xf32>
        %and3A_1220 = arith.andi %get3A_1208, %broadcast_in_dim3A_301 : vector<16xi32>
        %bitcast3A_1221 = vector.bitcast %and3A_1220 : vector<16xi32> to vector<16xf32>
        %add3A_1222 = arith.addf %bitcast3A_1219, %bitcast3A_1221 : vector<16xf32>
        %mul3A_1223 = arith.constant 2.000000e-01 : f32
        %mul3A_1224 = vector.broadcast %mul3A_1223 : f32 to vector<16xf32>
        %mul3A_1225 = arith.mulf %add3A_1217, %mul3A_1224 : vector<16xf32>
        %max3A_1226 = arith.maximumf %add3A_1217, %mul3A_1225 : vector<16xf32>
        %mul3A_1227 = arith.constant 2.000000e-01 : f32
        %mul3A_1228 = vector.broadcast %mul3A_1227 : f32 to vector<16xf32>
        %mul3A_1229 = arith.mulf %add3A_1222, %mul3A_1228 : vector<16xf32>
        %max3A_1230 = arith.maximumf %add3A_1222, %mul3A_1229 : vector<16xf32>
        %get3A_1231 = arith.constant 5 : i32
        %get3A_1232 = arith.index_cast %get3A_1231 : i32 to index
        %get3A_1233 = arith.constant 32 : index
        %get3A_1234 = tpu.vector_load %arg17[%get3A_1232, %get3A_1233] {strides = array<i32>} : memref<8x128xf32, #tpu.memory_space<vmem>>, vector<16xf32>,
        %mul3A_1235 = arith.mulf %max3A_1226, %get3A_1234 : vector<16xf32>
        %add3A_1236 = arith.addf %add3A_1202, %mul3A_1235 : vector<16xf32>
        %get3A_1237 = arith.constant 5 : i32
        %get3A_1238 = arith.index_cast %get3A_1237 : i32 to index
        %get3A_1239 = arith.constant 48 : index
        %get3A_1240 = tpu.vector_load %arg17[%get3A_1238, %get3A_1239] {strides = array<i32>} : memref<8x128xf32, #tpu.memory_space<vmem>>, vector<16xf32>,
        %mul3A_1241 = arith.mulf %max3A_1230, %get3A_1240 : vector<16xf32>
        %add3A_1242 = arith.addf %add3A_1236, %mul3A_1241 : vector<16xf32>
        %get3A_1243 = arith.index_cast %scan3A_310 : i32 to index
        %get3A_1244 = arith.constant 352 : index
        %get3A_1245 = tpu.vector_load %arg13[%get3A_1243, %get3A_1244] {strides = array<i32>} : memref<40x512xi32, #tpu.memory_space<vmem>>, vector<16xi32>,
        %get3A_1246 = arith.index_cast %scan3A_310 : i32 to index
        %get3A_1247 = arith.constant 352 : index
        %get3A_1248 = tpu.vector_load %arg14[%get3A_1246, %get3A_1247] {strides = array<i32>} : memref<40x512xi32, #tpu.memory_space<vmem>>, vector<16xi32>,
        %shift_left3A_1249 = arith.constant 16 : i32
        %shift_left3A_1250 = vector.broadcast %shift_left3A_1249 : i32 to vector<16xi32>
        %shift_left3A_1251 = arith.shli %get3A_1245, %shift_left3A_1250 : vector<16xi32>
        %bitcast3A_1252 = vector.bitcast %shift_left3A_1251 : vector<16xi32> to vector<16xf32>
        %shift_left3A_1253 = arith.constant 16 : i32
        %shift_left3A_1254 = vector.broadcast %shift_left3A_1253 : i32 to vector<16xi32>
        %shift_left3A_1255 = arith.shli %get3A_1248, %shift_left3A_1254 : vector<16xi32>
        %bitcast3A_1256 = vector.bitcast %shift_left3A_1255 : vector<16xi32> to vector<16xf32>
        %add3A_1257 = arith.addf %bitcast3A_1252, %bitcast3A_1256 : vector<16xf32>
        %and3A_1258 = arith.andi %get3A_1245, %broadcast_in_dim3A_301 : vector<16xi32>
        %bitcast3A_1259 = vector.bitcast %and3A_1258 : vector<16xi32> to vector<16xf32>
        %and3A_1260 = arith.andi %get3A_1248, %broadcast_in_dim3A_301 : vector<16xi32>
        %bitcast3A_1261 = vector.bitcast %and3A_1260 : vector<16xi32> to vector<16xf32>
        %add3A_1262 = arith.addf %bitcast3A_1259, %bitcast3A_1261 : vector<16xf32>
        %mul3A_1263 = arith.constant 2.000000e-01 : f32
        %mul3A_1264 = vector.broadcast %mul3A_1263 : f32 to vector<16xf32>
        %mul3A_1265 = arith.mulf %add3A_1257, %mul3A_1264 : vector<16xf32>
        %max3A_1266 = arith.maximumf %add3A_1257, %mul3A_1265 : vector<16xf32>
        %mul3A_1267 = arith.constant 2.000000e-01 : f32
        %mul3A_1268 = vector.broadcast %mul3A_1267 : f32 to vector<16xf32>
        %mul3A_1269 = arith.mulf %add3A_1262, %mul3A_1268 : vector<16xf32>
        %max3A_1270 = arith.maximumf %add3A_1262, %mul3A_1269 : vector<16xf32>
        %get3A_1271 = arith.constant 5 : i32
        %get3A_1272 = arith.index_cast %get3A_1271 : i32 to index
        %get3A_1273 = arith.constant 64 : index
        %get3A_1274 = tpu.vector_load %arg17[%get3A_1272, %get3A_1273] {strides = array<i32>} : memref<8x128xf32, #tpu.memory_space<vmem>>, vector<16xf32>,
        %mul3A_1275 = arith.mulf %max3A_1266, %get3A_1274 : vector<16xf32>
        %add3A_1276 = arith.addf %add3A_1242, %mul3A_1275 : vector<16xf32>
        %get3A_1277 = arith.constant 5 : i32
        %get3A_1278 = arith.index_cast %get3A_1277 : i32 to index
        %get3A_1279 = arith.constant 80 : index
        %get3A_1280 = tpu.vector_load %arg17[%get3A_1278, %get3A_1279] {strides = array<i32>} : memref<8x128xf32, #tpu.memory_space<vmem>>, vector<16xf32>,
        %mul3A_1281 = arith.mulf %max3A_1270, %get3A_1280 : vector<16xf32>
        %add3A_1282 = arith.addf %add3A_1276, %mul3A_1281 : vector<16xf32>
        %get3A_1283 = arith.index_cast %scan3A_310 : i32 to index
        %get3A_1284 = arith.constant 368 : index
        %get3A_1285 = tpu.vector_load %arg13[%get3A_1283, %get3A_1284] {strides = array<i32>} : memref<40x512xi32, #tpu.memory_space<vmem>>, vector<16xi32>,
        %get3A_1286 = arith.index_cast %scan3A_310 : i32 to index
        %get3A_1287 = arith.constant 368 : index
        %get3A_1288 = tpu.vector_load %arg14[%get3A_1286, %get3A_1287] {strides = array<i32>} : memref<40x512xi32, #tpu.memory_space<vmem>>, vector<16xi32>,
        %shift_left3A_1289 = arith.constant 16 : i32
        %shift_left3A_1290 = vector.broadcast %shift_left3A_1289 : i32 to vector<16xi32>
        %shift_left3A_1291 = arith.shli %get3A_1285, %shift_left3A_1290 : vector<16xi32>
        %bitcast3A_1292 = vector.bitcast %shift_left3A_1291 : vector<16xi32> to vector<16xf32>
        %shift_left3A_1293 = arith.constant 16 : i32
        %shift_left3A_1294 = vector.broadcast %shift_left3A_1293 : i32 to vector<16xi32>
        %shift_left3A_1295 = arith.shli %get3A_1288, %shift_left3A_1294 : vector<16xi32>
        %bitcast3A_1296 = vector.bitcast %shift_left3A_1295 : vector<16xi32> to vector<16xf32>
        %add3A_1297 = arith.addf %bitcast3A_1292, %bitcast3A_1296 : vector<16xf32>
        %and3A_1298 = arith.andi %get3A_1285, %broadcast_in_dim3A_301 : vector<16xi32>
        %bitcast3A_1299 = vector.bitcast %and3A_1298 : vector<16xi32> to vector<16xf32>
        %and3A_1300 = arith.andi %get3A_1288, %broadcast_in_dim3A_301 : vector<16xi32>
        %bitcast3A_1301 = vector.bitcast %and3A_1300 : vector<16xi32> to vector<16xf32>
        %add3A_1302 = arith.addf %bitcast3A_1299, %bitcast3A_1301 : vector<16xf32>
        %mul3A_1303 = arith.constant 2.000000e-01 : f32
        %mul3A_1304 = vector.broadcast %mul3A_1303 : f32 to vector<16xf32>
        %mul3A_1305 = arith.mulf %add3A_1297, %mul3A_1304 : vector<16xf32>
        %max3A_1306 = arith.maximumf %add3A_1297, %mul3A_1305 : vector<16xf32>
        %mul3A_1307 = arith.constant 2.000000e-01 : f32
        %mul3A_1308 = vector.broadcast %mul3A_1307 : f32 to vector<16xf32>
        %mul3A_1309 = arith.mulf %add3A_1302, %mul3A_1308 : vector<16xf32>
        %max3A_1310 = arith.maximumf %add3A_1302, %mul3A_1309 : vector<16xf32>
        %get3A_1311 = arith.constant 5 : i32
        %get3A_1312 = arith.index_cast %get3A_1311 : i32 to index
        %get3A_1313 = arith.constant 96 : index
        %get3A_1314 = tpu.vector_load %arg17[%get3A_1312, %get3A_1313] {strides = array<i32>} : memref<8x128xf32, #tpu.memory_space<vmem>>, vector<16xf32>,
        %mul3A_1315 = arith.mulf %max3A_1306, %get3A_1314 : vector<16xf32>
        %add3A_1316 = arith.addf %add3A_1282, %mul3A_1315 : vector<16xf32>
        %get3A_1317 = arith.constant 5 : i32
        %get3A_1318 = arith.index_cast %get3A_1317 : i32 to index
        %get3A_1319 = arith.constant 112 : index
        %get3A_1320 = tpu.vector_load %arg17[%get3A_1318, %get3A_1319] {strides = array<i32>} : memref<8x128xf32, #tpu.memory_space<vmem>>, vector<16xf32>,
        %mul3A_1321 = arith.mulf %max3A_1310, %get3A_1320 : vector<16xf32>
        %add3A_1322 = arith.addf %add3A_1316, %mul3A_1321 : vector<16xf32>
        %eq3A_1323 = arith.constant 5 : i32
        %eq3A_1324 = vector.broadcast %eq3A_1323 : i32 to vector<16xi32>
        %eq3A_1325 = arith.cmpi eq, %iota3A, %eq3A_1324 : vector<16xi32>
        %reduce_sum3A_1326 = arith.constant true
        %reduce_sum3A_1327 = vector.broadcast %reduce_sum3A_1326 : i1 to vector<16xi1>
        %reduce_sum3A_1328 = tpu.scan <sum>, %add3A_1322 masked %reduce_sum3A_1327 : vector<16xf32>, vector<16xi1> -> vector<16xf32>
        %reduce_sum3A_1329 = vector.extract %reduce_sum3A_1328[15] : f32 from vector<16xf32>
        %broadcast_in_dim3A_1330 = vector.broadcast %reduce_sum3A_1329 : f32 to vector<16xf32>
        %select_n3A_1331 = arith.select %eq3A_1325, %broadcast_in_dim3A_1330, %select_n3A_1160 : vector<16xi1>, vector<16xf32>
        %broadcast_in_dim3A_1332 = arith.constant 0.000000e+00 : f32
        %broadcast_in_dim3A_1333 = vector.broadcast %broadcast_in_dim3A_1332 : f32 to vector<16xf32>
        %get3A_1334 = arith.index_cast %scan3A_310 : i32 to index
        %get3A_1335 = arith.constant 384 : index
        %get3A_1336 = tpu.vector_load %arg13[%get3A_1334, %get3A_1335] {strides = array<i32>} : memref<40x512xi32, #tpu.memory_space<vmem>>, vector<16xi32>,
        %get3A_1337 = arith.index_cast %scan3A_310 : i32 to index
        %get3A_1338 = arith.constant 384 : index
        %get3A_1339 = tpu.vector_load %arg14[%get3A_1337, %get3A_1338] {strides = array<i32>} : memref<40x512xi32, #tpu.memory_space<vmem>>, vector<16xi32>,
        %shift_left3A_1340 = arith.constant 16 : i32
        %shift_left3A_1341 = vector.broadcast %shift_left3A_1340 : i32 to vector<16xi32>
        %shift_left3A_1342 = arith.shli %get3A_1336, %shift_left3A_1341 : vector<16xi32>
        %bitcast3A_1343 = vector.bitcast %shift_left3A_1342 : vector<16xi32> to vector<16xf32>
        %shift_left3A_1344 = arith.constant 16 : i32
        %shift_left3A_1345 = vector.broadcast %shift_left3A_1344 : i32 to vector<16xi32>
        %shift_left3A_1346 = arith.shli %get3A_1339, %shift_left3A_1345 : vector<16xi32>
        %bitcast3A_1347 = vector.bitcast %shift_left3A_1346 : vector<16xi32> to vector<16xf32>
        %add3A_1348 = arith.addf %bitcast3A_1343, %bitcast3A_1347 : vector<16xf32>
        %and3A_1349 = arith.andi %get3A_1336, %broadcast_in_dim3A_301 : vector<16xi32>
        %bitcast3A_1350 = vector.bitcast %and3A_1349 : vector<16xi32> to vector<16xf32>
        %and3A_1351 = arith.andi %get3A_1339, %broadcast_in_dim3A_301 : vector<16xi32>
        %bitcast3A_1352 = vector.bitcast %and3A_1351 : vector<16xi32> to vector<16xf32>
        %add3A_1353 = arith.addf %bitcast3A_1350, %bitcast3A_1352 : vector<16xf32>
        %mul3A_1354 = arith.constant 2.000000e-01 : f32
        %mul3A_1355 = vector.broadcast %mul3A_1354 : f32 to vector<16xf32>
        %mul3A_1356 = arith.mulf %add3A_1348, %mul3A_1355 : vector<16xf32>
        %max3A_1357 = arith.maximumf %add3A_1348, %mul3A_1356 : vector<16xf32>
        %mul3A_1358 = arith.constant 2.000000e-01 : f32
        %mul3A_1359 = vector.broadcast %mul3A_1358 : f32 to vector<16xf32>
        %mul3A_1360 = arith.mulf %add3A_1353, %mul3A_1359 : vector<16xf32>
        %max3A_1361 = arith.maximumf %add3A_1353, %mul3A_1360 : vector<16xf32>
        %get3A_1362 = arith.constant 6 : i32
        %get3A_1363 = arith.index_cast %get3A_1362 : i32 to index
        %get3A_1364 = arith.constant 0 : index
        %get3A_1365 = tpu.vector_load %arg17[%get3A_1363, %get3A_1364] {strides = array<i32>} : memref<8x128xf32, #tpu.memory_space<vmem>>, vector<16xf32>,
        %mul3A_1366 = arith.mulf %max3A_1357, %get3A_1365 : vector<16xf32>
        %add3A_1367 = arith.addf %broadcast_in_dim3A_1333, %mul3A_1366 : vector<16xf32>
        %get3A_1368 = arith.constant 6 : i32
        %get3A_1369 = arith.index_cast %get3A_1368 : i32 to index
        %get3A_1370 = arith.constant 16 : index
        %get3A_1371 = tpu.vector_load %arg17[%get3A_1369, %get3A_1370] {strides = array<i32>} : memref<8x128xf32, #tpu.memory_space<vmem>>, vector<16xf32>,
        %mul3A_1372 = arith.mulf %max3A_1361, %get3A_1371 : vector<16xf32>
        %add3A_1373 = arith.addf %add3A_1367, %mul3A_1372 : vector<16xf32>
        %get3A_1374 = arith.index_cast %scan3A_310 : i32 to index
        %get3A_1375 = arith.constant 400 : index
        %get3A_1376 = tpu.vector_load %arg13[%get3A_1374, %get3A_1375] {strides = array<i32>} : memref<40x512xi32, #tpu.memory_space<vmem>>, vector<16xi32>,
        %get3A_1377 = arith.index_cast %scan3A_310 : i32 to index
        %get3A_1378 = arith.constant 400 : index
        %get3A_1379 = tpu.vector_load %arg14[%get3A_1377, %get3A_1378] {strides = array<i32>} : memref<40x512xi32, #tpu.memory_space<vmem>>, vector<16xi32>,
        %shift_left3A_1380 = arith.constant 16 : i32
        %shift_left3A_1381 = vector.broadcast %shift_left3A_1380 : i32 to vector<16xi32>
        %shift_left3A_1382 = arith.shli %get3A_1376, %shift_left3A_1381 : vector<16xi32>
        %bitcast3A_1383 = vector.bitcast %shift_left3A_1382 : vector<16xi32> to vector<16xf32>
        %shift_left3A_1384 = arith.constant 16 : i32
        %shift_left3A_1385 = vector.broadcast %shift_left3A_1384 : i32 to vector<16xi32>
        %shift_left3A_1386 = arith.shli %get3A_1379, %shift_left3A_1385 : vector<16xi32>
        %bitcast3A_1387 = vector.bitcast %shift_left3A_1386 : vector<16xi32> to vector<16xf32>
        %add3A_1388 = arith.addf %bitcast3A_1383, %bitcast3A_1387 : vector<16xf32>
        %and3A_1389 = arith.andi %get3A_1376, %broadcast_in_dim3A_301 : vector<16xi32>
        %bitcast3A_1390 = vector.bitcast %and3A_1389 : vector<16xi32> to vector<16xf32>
        %and3A_1391 = arith.andi %get3A_1379, %broadcast_in_dim3A_301 : vector<16xi32>
        %bitcast3A_1392 = vector.bitcast %and3A_1391 : vector<16xi32> to vector<16xf32>
        %add3A_1393 = arith.addf %bitcast3A_1390, %bitcast3A_1392 : vector<16xf32>
        %mul3A_1394 = arith.constant 2.000000e-01 : f32
        %mul3A_1395 = vector.broadcast %mul3A_1394 : f32 to vector<16xf32>
        %mul3A_1396 = arith.mulf %add3A_1388, %mul3A_1395 : vector<16xf32>
        %max3A_1397 = arith.maximumf %add3A_1388, %mul3A_1396 : vector<16xf32>
        %mul3A_1398 = arith.constant 2.000000e-01 : f32
        %mul3A_1399 = vector.broadcast %mul3A_1398 : f32 to vector<16xf32>
        %mul3A_1400 = arith.mulf %add3A_1393, %mul3A_1399 : vector<16xf32>
        %max3A_1401 = arith.maximumf %add3A_1393, %mul3A_1400 : vector<16xf32>
        %get3A_1402 = arith.constant 6 : i32
        %get3A_1403 = arith.index_cast %get3A_1402 : i32 to index
        %get3A_1404 = arith.constant 32 : index
        %get3A_1405 = tpu.vector_load %arg17[%get3A_1403, %get3A_1404] {strides = array<i32>} : memref<8x128xf32, #tpu.memory_space<vmem>>, vector<16xf32>,
        %mul3A_1406 = arith.mulf %max3A_1397, %get3A_1405 : vector<16xf32>
        %add3A_1407 = arith.addf %add3A_1373, %mul3A_1406 : vector<16xf32>
        %get3A_1408 = arith.constant 6 : i32
        %get3A_1409 = arith.index_cast %get3A_1408 : i32 to index
        %get3A_1410 = arith.constant 48 : index
        %get3A_1411 = tpu.vector_load %arg17[%get3A_1409, %get3A_1410] {strides = array<i32>} : memref<8x128xf32, #tpu.memory_space<vmem>>, vector<16xf32>,
        %mul3A_1412 = arith.mulf %max3A_1401, %get3A_1411 : vector<16xf32>
        %add3A_1413 = arith.addf %add3A_1407, %mul3A_1412 : vector<16xf32>
        %get3A_1414 = arith.index_cast %scan3A_310 : i32 to index
        %get3A_1415 = arith.constant 416 : index
        %get3A_1416 = tpu.vector_load %arg13[%get3A_1414, %get3A_1415] {strides = array<i32>} : memref<40x512xi32, #tpu.memory_space<vmem>>, vector<16xi32>,
        %get3A_1417 = arith.index_cast %scan3A_310 : i32 to index
        %get3A_1418 = arith.constant 416 : index
        %get3A_1419 = tpu.vector_load %arg14[%get3A_1417, %get3A_1418] {strides = array<i32>} : memref<40x512xi32, #tpu.memory_space<vmem>>, vector<16xi32>,
        %shift_left3A_1420 = arith.constant 16 : i32
        %shift_left3A_1421 = vector.broadcast %shift_left3A_1420 : i32 to vector<16xi32>
        %shift_left3A_1422 = arith.shli %get3A_1416, %shift_left3A_1421 : vector<16xi32>
        %bitcast3A_1423 = vector.bitcast %shift_left3A_1422 : vector<16xi32> to vector<16xf32>
        %shift_left3A_1424 = arith.constant 16 : i32
        %shift_left3A_1425 = vector.broadcast %shift_left3A_1424 : i32 to vector<16xi32>
        %shift_left3A_1426 = arith.shli %get3A_1419, %shift_left3A_1425 : vector<16xi32>
        %bitcast3A_1427 = vector.bitcast %shift_left3A_1426 : vector<16xi32> to vector<16xf32>
        %add3A_1428 = arith.addf %bitcast3A_1423, %bitcast3A_1427 : vector<16xf32>
        %and3A_1429 = arith.andi %get3A_1416, %broadcast_in_dim3A_301 : vector<16xi32>
        %bitcast3A_1430 = vector.bitcast %and3A_1429 : vector<16xi32> to vector<16xf32>
        %and3A_1431 = arith.andi %get3A_1419, %broadcast_in_dim3A_301 : vector<16xi32>
        %bitcast3A_1432 = vector.bitcast %and3A_1431 : vector<16xi32> to vector<16xf32>
        %add3A_1433 = arith.addf %bitcast3A_1430, %bitcast3A_1432 : vector<16xf32>
        %mul3A_1434 = arith.constant 2.000000e-01 : f32
        %mul3A_1435 = vector.broadcast %mul3A_1434 : f32 to vector<16xf32>
        %mul3A_1436 = arith.mulf %add3A_1428, %mul3A_1435 : vector<16xf32>
        %max3A_1437 = arith.maximumf %add3A_1428, %mul3A_1436 : vector<16xf32>
        %mul3A_1438 = arith.constant 2.000000e-01 : f32
        %mul3A_1439 = vector.broadcast %mul3A_1438 : f32 to vector<16xf32>
        %mul3A_1440 = arith.mulf %add3A_1433, %mul3A_1439 : vector<16xf32>
        %max3A_1441 = arith.maximumf %add3A_1433, %mul3A_1440 : vector<16xf32>
        %get3A_1442 = arith.constant 6 : i32
        %get3A_1443 = arith.index_cast %get3A_1442 : i32 to index
        %get3A_1444 = arith.constant 64 : index
        %get3A_1445 = tpu.vector_load %arg17[%get3A_1443, %get3A_1444] {strides = array<i32>} : memref<8x128xf32, #tpu.memory_space<vmem>>, vector<16xf32>,
        %mul3A_1446 = arith.mulf %max3A_1437, %get3A_1445 : vector<16xf32>
        %add3A_1447 = arith.addf %add3A_1413, %mul3A_1446 : vector<16xf32>
        %get3A_1448 = arith.constant 6 : i32
        %get3A_1449 = arith.index_cast %get3A_1448 : i32 to index
        %get3A_1450 = arith.constant 80 : index
        %get3A_1451 = tpu.vector_load %arg17[%get3A_1449, %get3A_1450] {strides = array<i32>} : memref<8x128xf32, #tpu.memory_space<vmem>>, vector<16xf32>,
        %mul3A_1452 = arith.mulf %max3A_1441, %get3A_1451 : vector<16xf32>
        %add3A_1453 = arith.addf %add3A_1447, %mul3A_1452 : vector<16xf32>
        %get3A_1454 = arith.index_cast %scan3A_310 : i32 to index
        %get3A_1455 = arith.constant 432 : index
        %get3A_1456 = tpu.vector_load %arg13[%get3A_1454, %get3A_1455] {strides = array<i32>} : memref<40x512xi32, #tpu.memory_space<vmem>>, vector<16xi32>,
        %get3A_1457 = arith.index_cast %scan3A_310 : i32 to index
        %get3A_1458 = arith.constant 432 : index
        %get3A_1459 = tpu.vector_load %arg14[%get3A_1457, %get3A_1458] {strides = array<i32>} : memref<40x512xi32, #tpu.memory_space<vmem>>, vector<16xi32>,
        %shift_left3A_1460 = arith.constant 16 : i32
        %shift_left3A_1461 = vector.broadcast %shift_left3A_1460 : i32 to vector<16xi32>
        %shift_left3A_1462 = arith.shli %get3A_1456, %shift_left3A_1461 : vector<16xi32>
        %bitcast3A_1463 = vector.bitcast %shift_left3A_1462 : vector<16xi32> to vector<16xf32>
        %shift_left3A_1464 = arith.constant 16 : i32
        %shift_left3A_1465 = vector.broadcast %shift_left3A_1464 : i32 to vector<16xi32>
        %shift_left3A_1466 = arith.shli %get3A_1459, %shift_left3A_1465 : vector<16xi32>
        %bitcast3A_1467 = vector.bitcast %shift_left3A_1466 : vector<16xi32> to vector<16xf32>
        %add3A_1468 = arith.addf %bitcast3A_1463, %bitcast3A_1467 : vector<16xf32>
        %and3A_1469 = arith.andi %get3A_1456, %broadcast_in_dim3A_301 : vector<16xi32>
        %bitcast3A_1470 = vector.bitcast %and3A_1469 : vector<16xi32> to vector<16xf32>
        %and3A_1471 = arith.andi %get3A_1459, %broadcast_in_dim3A_301 : vector<16xi32>
        %bitcast3A_1472 = vector.bitcast %and3A_1471 : vector<16xi32> to vector<16xf32>
        %add3A_1473 = arith.addf %bitcast3A_1470, %bitcast3A_1472 : vector<16xf32>
        %mul3A_1474 = arith.constant 2.000000e-01 : f32
        %mul3A_1475 = vector.broadcast %mul3A_1474 : f32 to vector<16xf32>
        %mul3A_1476 = arith.mulf %add3A_1468, %mul3A_1475 : vector<16xf32>
        %max3A_1477 = arith.maximumf %add3A_1468, %mul3A_1476 : vector<16xf32>
        %mul3A_1478 = arith.constant 2.000000e-01 : f32
        %mul3A_1479 = vector.broadcast %mul3A_1478 : f32 to vector<16xf32>
        %mul3A_1480 = arith.mulf %add3A_1473, %mul3A_1479 : vector<16xf32>
        %max3A_1481 = arith.maximumf %add3A_1473, %mul3A_1480 : vector<16xf32>
        %get3A_1482 = arith.constant 6 : i32
        %get3A_1483 = arith.index_cast %get3A_1482 : i32 to index
        %get3A_1484 = arith.constant 96 : index
        %get3A_1485 = tpu.vector_load %arg17[%get3A_1483, %get3A_1484] {strides = array<i32>} : memref<8x128xf32, #tpu.memory_space<vmem>>, vector<16xf32>,
        %mul3A_1486 = arith.mulf %max3A_1477, %get3A_1485 : vector<16xf32>
        %add3A_1487 = arith.addf %add3A_1453, %mul3A_1486 : vector<16xf32>
        %get3A_1488 = arith.constant 6 : i32
        %get3A_1489 = arith.index_cast %get3A_1488 : i32 to index
        %get3A_1490 = arith.constant 112 : index
        %get3A_1491 = tpu.vector_load %arg17[%get3A_1489, %get3A_1490] {strides = array<i32>} : memref<8x128xf32, #tpu.memory_space<vmem>>, vector<16xf32>,
        %mul3A_1492 = arith.mulf %max3A_1481, %get3A_1491 : vector<16xf32>
        %add3A_1493 = arith.addf %add3A_1487, %mul3A_1492 : vector<16xf32>
        %eq3A_1494 = arith.constant 6 : i32
        %eq3A_1495 = vector.broadcast %eq3A_1494 : i32 to vector<16xi32>
        %eq3A_1496 = arith.cmpi eq, %iota3A, %eq3A_1495 : vector<16xi32>
        %reduce_sum3A_1497 = arith.constant true
        %reduce_sum3A_1498 = vector.broadcast %reduce_sum3A_1497 : i1 to vector<16xi1>
        %reduce_sum3A_1499 = tpu.scan <sum>, %add3A_1493 masked %reduce_sum3A_1498 : vector<16xf32>, vector<16xi1> -> vector<16xf32>
        %reduce_sum3A_1500 = vector.extract %reduce_sum3A_1499[15] : f32 from vector<16xf32>
        %broadcast_in_dim3A_1501 = vector.broadcast %reduce_sum3A_1500 : f32 to vector<16xf32>
        %select_n3A_1502 = arith.select %eq3A_1496, %broadcast_in_dim3A_1501, %select_n3A_1331 : vector<16xi1>, vector<16xf32>
        %broadcast_in_dim3A_1503 = arith.constant 0.000000e+00 : f32
        %broadcast_in_dim3A_1504 = vector.broadcast %broadcast_in_dim3A_1503 : f32 to vector<16xf32>
        %get3A_1505 = arith.index_cast %scan3A_310 : i32 to index
        %get3A_1506 = arith.constant 448 : index
        %get3A_1507 = tpu.vector_load %arg13[%get3A_1505, %get3A_1506] {strides = array<i32>} : memref<40x512xi32, #tpu.memory_space<vmem>>, vector<16xi32>,
        %get3A_1508 = arith.index_cast %scan3A_310 : i32 to index
        %get3A_1509 = arith.constant 448 : index
        %get3A_1510 = tpu.vector_load %arg14[%get3A_1508, %get3A_1509] {strides = array<i32>} : memref<40x512xi32, #tpu.memory_space<vmem>>, vector<16xi32>,
        %shift_left3A_1511 = arith.constant 16 : i32
        %shift_left3A_1512 = vector.broadcast %shift_left3A_1511 : i32 to vector<16xi32>
        %shift_left3A_1513 = arith.shli %get3A_1507, %shift_left3A_1512 : vector<16xi32>
        %bitcast3A_1514 = vector.bitcast %shift_left3A_1513 : vector<16xi32> to vector<16xf32>
        %shift_left3A_1515 = arith.constant 16 : i32
        %shift_left3A_1516 = vector.broadcast %shift_left3A_1515 : i32 to vector<16xi32>
        %shift_left3A_1517 = arith.shli %get3A_1510, %shift_left3A_1516 : vector<16xi32>
        %bitcast3A_1518 = vector.bitcast %shift_left3A_1517 : vector<16xi32> to vector<16xf32>
        %add3A_1519 = arith.addf %bitcast3A_1514, %bitcast3A_1518 : vector<16xf32>
        %and3A_1520 = arith.andi %get3A_1507, %broadcast_in_dim3A_301 : vector<16xi32>
        %bitcast3A_1521 = vector.bitcast %and3A_1520 : vector<16xi32> to vector<16xf32>
        %and3A_1522 = arith.andi %get3A_1510, %broadcast_in_dim3A_301 : vector<16xi32>
        %bitcast3A_1523 = vector.bitcast %and3A_1522 : vector<16xi32> to vector<16xf32>
        %add3A_1524 = arith.addf %bitcast3A_1521, %bitcast3A_1523 : vector<16xf32>
        %mul3A_1525 = arith.constant 2.000000e-01 : f32
        %mul3A_1526 = vector.broadcast %mul3A_1525 : f32 to vector<16xf32>
        %mul3A_1527 = arith.mulf %add3A_1519, %mul3A_1526 : vector<16xf32>
        %max3A_1528 = arith.maximumf %add3A_1519, %mul3A_1527 : vector<16xf32>
        %mul3A_1529 = arith.constant 2.000000e-01 : f32
        %mul3A_1530 = vector.broadcast %mul3A_1529 : f32 to vector<16xf32>
        %mul3A_1531 = arith.mulf %add3A_1524, %mul3A_1530 : vector<16xf32>
        %max3A_1532 = arith.maximumf %add3A_1524, %mul3A_1531 : vector<16xf32>
        %get3A_1533 = arith.constant 7 : i32
        %get3A_1534 = arith.index_cast %get3A_1533 : i32 to index
        %get3A_1535 = arith.constant 0 : index
        %get3A_1536 = tpu.vector_load %arg17[%get3A_1534, %get3A_1535] {strides = array<i32>} : memref<8x128xf32, #tpu.memory_space<vmem>>, vector<16xf32>,
        %mul3A_1537 = arith.mulf %max3A_1528, %get3A_1536 : vector<16xf32>
        %add3A_1538 = arith.addf %broadcast_in_dim3A_1504, %mul3A_1537 : vector<16xf32>
        %get3A_1539 = arith.constant 7 : i32
        %get3A_1540 = arith.index_cast %get3A_1539 : i32 to index
        %get3A_1541 = arith.constant 16 : index
        %get3A_1542 = tpu.vector_load %arg17[%get3A_1540, %get3A_1541] {strides = array<i32>} : memref<8x128xf32, #tpu.memory_space<vmem>>, vector<16xf32>,
        %mul3A_1543 = arith.mulf %max3A_1532, %get3A_1542 : vector<16xf32>
        %add3A_1544 = arith.addf %add3A_1538, %mul3A_1543 : vector<16xf32>
        %get3A_1545 = arith.index_cast %scan3A_310 : i32 to index
        %get3A_1546 = arith.constant 464 : index
        %get3A_1547 = tpu.vector_load %arg13[%get3A_1545, %get3A_1546] {strides = array<i32>} : memref<40x512xi32, #tpu.memory_space<vmem>>, vector<16xi32>,
        %get3A_1548 = arith.index_cast %scan3A_310 : i32 to index
        %get3A_1549 = arith.constant 464 : index
        %get3A_1550 = tpu.vector_load %arg14[%get3A_1548, %get3A_1549] {strides = array<i32>} : memref<40x512xi32, #tpu.memory_space<vmem>>, vector<16xi32>,
        %shift_left3A_1551 = arith.constant 16 : i32
        %shift_left3A_1552 = vector.broadcast %shift_left3A_1551 : i32 to vector<16xi32>
        %shift_left3A_1553 = arith.shli %get3A_1547, %shift_left3A_1552 : vector<16xi32>
        %bitcast3A_1554 = vector.bitcast %shift_left3A_1553 : vector<16xi32> to vector<16xf32>
        %shift_left3A_1555 = arith.constant 16 : i32
        %shift_left3A_1556 = vector.broadcast %shift_left3A_1555 : i32 to vector<16xi32>
        %shift_left3A_1557 = arith.shli %get3A_1550, %shift_left3A_1556 : vector<16xi32>
        %bitcast3A_1558 = vector.bitcast %shift_left3A_1557 : vector<16xi32> to vector<16xf32>
        %add3A_1559 = arith.addf %bitcast3A_1554, %bitcast3A_1558 : vector<16xf32>
        %and3A_1560 = arith.andi %get3A_1547, %broadcast_in_dim3A_301 : vector<16xi32>
        %bitcast3A_1561 = vector.bitcast %and3A_1560 : vector<16xi32> to vector<16xf32>
        %and3A_1562 = arith.andi %get3A_1550, %broadcast_in_dim3A_301 : vector<16xi32>
        %bitcast3A_1563 = vector.bitcast %and3A_1562 : vector<16xi32> to vector<16xf32>
        %add3A_1564 = arith.addf %bitcast3A_1561, %bitcast3A_1563 : vector<16xf32>
        %mul3A_1565 = arith.constant 2.000000e-01 : f32
        %mul3A_1566 = vector.broadcast %mul3A_1565 : f32 to vector<16xf32>
        %mul3A_1567 = arith.mulf %add3A_1559, %mul3A_1566 : vector<16xf32>
        %max3A_1568 = arith.maximumf %add3A_1559, %mul3A_1567 : vector<16xf32>
        %mul3A_1569 = arith.constant 2.000000e-01 : f32
        %mul3A_1570 = vector.broadcast %mul3A_1569 : f32 to vector<16xf32>
        %mul3A_1571 = arith.mulf %add3A_1564, %mul3A_1570 : vector<16xf32>
        %max3A_1572 = arith.maximumf %add3A_1564, %mul3A_1571 : vector<16xf32>
        %get3A_1573 = arith.constant 7 : i32
        %get3A_1574 = arith.index_cast %get3A_1573 : i32 to index
        %get3A_1575 = arith.constant 32 : index
        %get3A_1576 = tpu.vector_load %arg17[%get3A_1574, %get3A_1575] {strides = array<i32>} : memref<8x128xf32, #tpu.memory_space<vmem>>, vector<16xf32>,
        %mul3A_1577 = arith.mulf %max3A_1568, %get3A_1576 : vector<16xf32>
        %add3A_1578 = arith.addf %add3A_1544, %mul3A_1577 : vector<16xf32>
        %get3A_1579 = arith.constant 7 : i32
        %get3A_1580 = arith.index_cast %get3A_1579 : i32 to index
        %get3A_1581 = arith.constant 48 : index
        %get3A_1582 = tpu.vector_load %arg17[%get3A_1580, %get3A_1581] {strides = array<i32>} : memref<8x128xf32, #tpu.memory_space<vmem>>, vector<16xf32>,
        %mul3A_1583 = arith.mulf %max3A_1572, %get3A_1582 : vector<16xf32>
        %add3A_1584 = arith.addf %add3A_1578, %mul3A_1583 : vector<16xf32>
        %get3A_1585 = arith.index_cast %scan3A_310 : i32 to index
        %get3A_1586 = arith.constant 480 : index
        %get3A_1587 = tpu.vector_load %arg13[%get3A_1585, %get3A_1586] {strides = array<i32>} : memref<40x512xi32, #tpu.memory_space<vmem>>, vector<16xi32>,
        %get3A_1588 = arith.index_cast %scan3A_310 : i32 to index
        %get3A_1589 = arith.constant 480 : index
        %get3A_1590 = tpu.vector_load %arg14[%get3A_1588, %get3A_1589] {strides = array<i32>} : memref<40x512xi32, #tpu.memory_space<vmem>>, vector<16xi32>,
        %shift_left3A_1591 = arith.constant 16 : i32
        %shift_left3A_1592 = vector.broadcast %shift_left3A_1591 : i32 to vector<16xi32>
        %shift_left3A_1593 = arith.shli %get3A_1587, %shift_left3A_1592 : vector<16xi32>
        %bitcast3A_1594 = vector.bitcast %shift_left3A_1593 : vector<16xi32> to vector<16xf32>
        %shift_left3A_1595 = arith.constant 16 : i32
        %shift_left3A_1596 = vector.broadcast %shift_left3A_1595 : i32 to vector<16xi32>
        %shift_left3A_1597 = arith.shli %get3A_1590, %shift_left3A_1596 : vector<16xi32>
        %bitcast3A_1598 = vector.bitcast %shift_left3A_1597 : vector<16xi32> to vector<16xf32>
        %add3A_1599 = arith.addf %bitcast3A_1594, %bitcast3A_1598 : vector<16xf32>
        %and3A_1600 = arith.andi %get3A_1587, %broadcast_in_dim3A_301 : vector<16xi32>
        %bitcast3A_1601 = vector.bitcast %and3A_1600 : vector<16xi32> to vector<16xf32>
        %and3A_1602 = arith.andi %get3A_1590, %broadcast_in_dim3A_301 : vector<16xi32>
        %bitcast3A_1603 = vector.bitcast %and3A_1602 : vector<16xi32> to vector<16xf32>
        %add3A_1604 = arith.addf %bitcast3A_1601, %bitcast3A_1603 : vector<16xf32>
        %mul3A_1605 = arith.constant 2.000000e-01 : f32
        %mul3A_1606 = vector.broadcast %mul3A_1605 : f32 to vector<16xf32>
        %mul3A_1607 = arith.mulf %add3A_1599, %mul3A_1606 : vector<16xf32>
        %max3A_1608 = arith.maximumf %add3A_1599, %mul3A_1607 : vector<16xf32>
        %mul3A_1609 = arith.constant 2.000000e-01 : f32
        %mul3A_1610 = vector.broadcast %mul3A_1609 : f32 to vector<16xf32>
        %mul3A_1611 = arith.mulf %add3A_1604, %mul3A_1610 : vector<16xf32>
        %max3A_1612 = arith.maximumf %add3A_1604, %mul3A_1611 : vector<16xf32>
        %get3A_1613 = arith.constant 7 : i32
        %get3A_1614 = arith.index_cast %get3A_1613 : i32 to index
        %get3A_1615 = arith.constant 64 : index
        %get3A_1616 = tpu.vector_load %arg17[%get3A_1614, %get3A_1615] {strides = array<i32>} : memref<8x128xf32, #tpu.memory_space<vmem>>, vector<16xf32>,
        %mul3A_1617 = arith.mulf %max3A_1608, %get3A_1616 : vector<16xf32>
        %add3A_1618 = arith.addf %add3A_1584, %mul3A_1617 : vector<16xf32>
        %get3A_1619 = arith.constant 7 : i32
        %get3A_1620 = arith.index_cast %get3A_1619 : i32 to index
        %get3A_1621 = arith.constant 80 : index
        %get3A_1622 = tpu.vector_load %arg17[%get3A_1620, %get3A_1621] {strides = array<i32>} : memref<8x128xf32, #tpu.memory_space<vmem>>, vector<16xf32>,
        %mul3A_1623 = arith.mulf %max3A_1612, %get3A_1622 : vector<16xf32>
        %add3A_1624 = arith.addf %add3A_1618, %mul3A_1623 : vector<16xf32>
        %get3A_1625 = arith.index_cast %scan3A_310 : i32 to index
        %get3A_1626 = arith.constant 496 : index
        %get3A_1627 = tpu.vector_load %arg13[%get3A_1625, %get3A_1626] {strides = array<i32>} : memref<40x512xi32, #tpu.memory_space<vmem>>, vector<16xi32>,
        %get3A_1628 = arith.index_cast %scan3A_310 : i32 to index
        %get3A_1629 = arith.constant 496 : index
        %get3A_1630 = tpu.vector_load %arg14[%get3A_1628, %get3A_1629] {strides = array<i32>} : memref<40x512xi32, #tpu.memory_space<vmem>>, vector<16xi32>,
        %shift_left3A_1631 = arith.constant 16 : i32
        %shift_left3A_1632 = vector.broadcast %shift_left3A_1631 : i32 to vector<16xi32>
        %shift_left3A_1633 = arith.shli %get3A_1627, %shift_left3A_1632 : vector<16xi32>
        %bitcast3A_1634 = vector.bitcast %shift_left3A_1633 : vector<16xi32> to vector<16xf32>
        %shift_left3A_1635 = arith.constant 16 : i32
        %shift_left3A_1636 = vector.broadcast %shift_left3A_1635 : i32 to vector<16xi32>
        %shift_left3A_1637 = arith.shli %get3A_1630, %shift_left3A_1636 : vector<16xi32>
        %bitcast3A_1638 = vector.bitcast %shift_left3A_1637 : vector<16xi32> to vector<16xf32>
        %add3A_1639 = arith.addf %bitcast3A_1634, %bitcast3A_1638 : vector<16xf32>
        %and3A_1640 = arith.andi %get3A_1627, %broadcast_in_dim3A_301 : vector<16xi32>
        %bitcast3A_1641 = vector.bitcast %and3A_1640 : vector<16xi32> to vector<16xf32>
        %and3A_1642 = arith.andi %get3A_1630, %broadcast_in_dim3A_301 : vector<16xi32>
        %bitcast3A_1643 = vector.bitcast %and3A_1642 : vector<16xi32> to vector<16xf32>
        %add3A_1644 = arith.addf %bitcast3A_1641, %bitcast3A_1643 : vector<16xf32>
        %mul3A_1645 = arith.constant 2.000000e-01 : f32
        %mul3A_1646 = vector.broadcast %mul3A_1645 : f32 to vector<16xf32>
        %mul3A_1647 = arith.mulf %add3A_1639, %mul3A_1646 : vector<16xf32>
        %max3A_1648 = arith.maximumf %add3A_1639, %mul3A_1647 : vector<16xf32>
        %mul3A_1649 = arith.constant 2.000000e-01 : f32
        %mul3A_1650 = vector.broadcast %mul3A_1649 : f32 to vector<16xf32>
        %mul3A_1651 = arith.mulf %add3A_1644, %mul3A_1650 : vector<16xf32>
        %max3A_1652 = arith.maximumf %add3A_1644, %mul3A_1651 : vector<16xf32>
        %get3A_1653 = arith.constant 7 : i32
        %get3A_1654 = arith.index_cast %get3A_1653 : i32 to index
        %get3A_1655 = arith.constant 96 : index
        %get3A_1656 = tpu.vector_load %arg17[%get3A_1654, %get3A_1655] {strides = array<i32>} : memref<8x128xf32, #tpu.memory_space<vmem>>, vector<16xf32>,
        %mul3A_1657 = arith.mulf %max3A_1648, %get3A_1656 : vector<16xf32>
        %add3A_1658 = arith.addf %add3A_1624, %mul3A_1657 : vector<16xf32>
        %get3A_1659 = arith.constant 7 : i32
        %get3A_1660 = arith.index_cast %get3A_1659 : i32 to index
        %get3A_1661 = arith.constant 112 : index
        %get3A_1662 = tpu.vector_load %arg17[%get3A_1660, %get3A_1661] {strides = array<i32>} : memref<8x128xf32, #tpu.memory_space<vmem>>, vector<16xf32>,
        %mul3A_1663 = arith.mulf %max3A_1652, %get3A_1662 : vector<16xf32>
        %add3A_1664 = arith.addf %add3A_1658, %mul3A_1663 : vector<16xf32>
        %eq3A_1665 = arith.constant 7 : i32
        %eq3A_1666 = vector.broadcast %eq3A_1665 : i32 to vector<16xi32>
        %eq3A_1667 = arith.cmpi eq, %iota3A, %eq3A_1666 : vector<16xi32>
        %reduce_sum3A_1668 = arith.constant true
        %reduce_sum3A_1669 = vector.broadcast %reduce_sum3A_1668 : i1 to vector<16xi1>
        %reduce_sum3A_1670 = tpu.scan <sum>, %add3A_1664 masked %reduce_sum3A_1669 : vector<16xf32>, vector<16xi1> -> vector<16xf32>
        %reduce_sum3A_1671 = vector.extract %reduce_sum3A_1670[15] : f32 from vector<16xf32>
        %broadcast_in_dim3A_1672 = vector.broadcast %reduce_sum3A_1671 : f32 to vector<16xf32>
        %select_n3A_1673 = arith.select %eq3A_1667, %broadcast_in_dim3A_1672, %select_n3A_1502 : vector<16xi1>, vector<16xf32>
        %exp3A = math.exp %select_n3A_1673 : vector<16xf32>
        %swap3A_1674 = arith.index_cast %scan3A_310 : i32 to index
        %swap3A_1675 = arith.constant 0 : index
        %swap3A_1676 = tpu.vector_load %arg16[%swap3A_1674, %swap3A_1675] {strides = array<i32>} : memref<40x16xf32, #tpu.memory_space<vmem>>, vector<16xf32>,
        tpu.vector_store %arg16[%swap3A_1674, %swap3A_1675], %exp3A {strides = array<i32>} : memref<40x16xf32, #tpu.memory_space<vmem>>, vector<16xf32>,
        %swap3A_1677 = arith.index_cast %scan3A_310 : i32 to index
        %swap3A_1678 = arith.constant 0 : index
        %swap3A_1679 = tpu.vector_load %arg15[%swap3A_1677, %swap3A_1678] {strides = array<i32>} : memref<40x128xf32, #tpu.memory_space<vmem>>, vector<16xf32>,
        tpu.vector_store %arg15[%swap3A_1677, %swap3A_1678], %broadcast_in_dim3A_1 {strides = array<i32>} : memref<40x128xf32, #tpu.memory_space<vmem>>, vector<16xf32>,
        %swap3A_1680 = arith.index_cast %scan3A_310 : i32 to index
        %swap3A_1681 = arith.constant 16 : index
        %swap3A_1682 = tpu.vector_load %arg15[%swap3A_1680, %swap3A_1681] {strides = array<i32>} : memref<40x128xf32, #tpu.memory_space<vmem>>, vector<16xf32>,
        tpu.vector_store %arg15[%swap3A_1680, %swap3A_1681], %broadcast_in_dim3A_1 {strides = array<i32>} : memref<40x128xf32, #tpu.memory_space<vmem>>, vector<16xf32>,
        %swap3A_1683 = arith.index_cast %scan3A_310 : i32 to index
        %swap3A_1684 = arith.constant 32 : index
        %swap3A_1685 = tpu.vector_load %arg15[%swap3A_1683, %swap3A_1684] {strides = array<i32>} : memref<40x128xf32, #tpu.memory_space<vmem>>, vector<16xf32>,
        tpu.vector_store %arg15[%swap3A_1683, %swap3A_1684], %broadcast_in_dim3A_1 {strides = array<i32>} : memref<40x128xf32, #tpu.memory_space<vmem>>, vector<16xf32>,
        %swap3A_1686 = arith.index_cast %scan3A_310 : i32 to index
        %swap3A_1687 = arith.constant 48 : index
        %swap3A_1688 = tpu.vector_load %arg15[%swap3A_1686, %swap3A_1687] {strides = array<i32>} : memref<40x128xf32, #tpu.memory_space<vmem>>, vector<16xf32>,
        tpu.vector_store %arg15[%swap3A_1686, %swap3A_1687], %broadcast_in_dim3A_1 {strides = array<i32>} : memref<40x128xf32, #tpu.memory_space<vmem>>, vector<16xf32>,
        %swap3A_1689 = arith.index_cast %scan3A_310 : i32 to index
        %swap3A_1690 = arith.constant 64 : index
        %swap3A_1691 = tpu.vector_load %arg15[%swap3A_1689, %swap3A_1690] {strides = array<i32>} : memref<40x128xf32, #tpu.memory_space<vmem>>, vector<16xf32>,
        tpu.vector_store %arg15[%swap3A_1689, %swap3A_1690], %broadcast_in_dim3A_1 {strides = array<i32>} : memref<40x128xf32, #tpu.memory_space<vmem>>, vector<16xf32>,
        %swap3A_1692 = arith.index_cast %scan3A_310 : i32 to index
        %swap3A_1693 = arith.constant 80 : index
        %swap3A_1694 = tpu.vector_load %arg15[%swap3A_1692, %swap3A_1693] {strides = array<i32>} : memref<40x128xf32, #tpu.memory_space<vmem>>, vector<16xf32>,
        tpu.vector_store %arg15[%swap3A_1692, %swap3A_1693], %broadcast_in_dim3A_1 {strides = array<i32>} : memref<40x128xf32, #tpu.memory_space<vmem>>, vector<16xf32>,
        %swap3A_1695 = arith.index_cast %scan3A_310 : i32 to index
        %swap3A_1696 = arith.constant 96 : index
        %swap3A_1697 = tpu.vector_load %arg15[%swap3A_1695, %swap3A_1696] {strides = array<i32>} : memref<40x128xf32, #tpu.memory_space<vmem>>, vector<16xf32>,
        tpu.vector_store %arg15[%swap3A_1695, %swap3A_1696], %broadcast_in_dim3A_1 {strides = array<i32>} : memref<40x128xf32, #tpu.memory_space<vmem>>, vector<16xf32>,
        %swap3A_1698 = arith.index_cast %scan3A_310 : i32 to index
        %swap3A_1699 = arith.constant 112 : index
        %swap3A_1700 = tpu.vector_load %arg15[%swap3A_1698, %swap3A_1699] {strides = array<i32>} : memref<40x128xf32, #tpu.memory_space<vmem>>, vector<16xf32>,
        tpu.vector_store %arg15[%swap3A_1698, %swap3A_1699], %broadcast_in_dim3A_1 {strides = array<i32>} : memref<40x128xf32, #tpu.memory_space<vmem>>, vector<16xf32>,
        %broadcast_in_dim3A_1701 = arith.constant 0 : i32
        %broadcast_in_dim3A_1702 = vector.broadcast %broadcast_in_dim3A_1701 : i32 to vector<16xi32>
        %add3A_1703 = vector.broadcast %scan3A_310 : i32 to vector<16xi32>
        %add3A_1704 = arith.addi %broadcast_in_dim3A_1702, %add3A_1703 : vector<16xi32>
        %gather3A = tpu.vector_load_idx %arg11[%add3A_1704] : memref<40xi32, #tpu.memory_space<vmem>>[vector<16xi32>], vector<16xi32>,
        %and3A_1705 = arith.constant 7 : i32
        %and3A_1706 = vector.broadcast %and3A_1705 : i32 to vector<16xi32>
        %and3A_1707 = arith.andi %gather3A, %and3A_1706 : vector<16xi32>
        %mul3A_1708 = arith.constant 16 : i32
        %mul3A_1709 = vector.broadcast %mul3A_1708 : i32 to vector<16xi32>
        %mul3A_1710 = arith.muli %and3A_1707, %mul3A_1709 : vector<16xi32>
        %add3A_1711 = arith.addi %mul3A_1710, %iota3A : vector<16xi32>
        tpu.vector_store_idx %arg15[%add3A_1704, %add3A_1711], %exp3A : memref<40x128xf32, #tpu.memory_space<vmem>>[vector<16xi32>, vector<16xi32>], vector<16xf32>,
        %scan3A_1712 = arith.constant 0 : i32
        scf.yield %scan3A_1712 : i32
      }
      %scan3A_308 = arith.constant 40 : i32
      "tpu.region"() ({
        %run_scoped3A = tpu.sem_alloc : memref<!tpu.dma_semaphore, #tpu.memory_space<semaphore_mem>>
        %dma_start3A_310 = arith.constant 0 : i32
        %dma_start3A_311 = arith.constant 0 : i32
        %dma_start3A_312 = tpu.memref_slice %arg19[%dma_start3A_310, %dma_start3A_311] : memref<1280x128xf32, #tpu.memory_space<vmem_shared>> -> memref<1280x128xf32, #tpu.memory_space<vmem_shared>>
        tpu.enqueue_indirect_dma source(%arg15 : memref<40x128xf32, #tpu.memory_space<vmem>>) target(%dma_start3A_312 : memref<1280x128xf32, #tpu.memory_space<vmem_shared>>) offsets(%arg12 : memref<40xi32, #tpu.memory_space<vmem>>) semaphore(%run_scoped3A : memref<!tpu.dma_semaphore, #tpu.memory_space<semaphore_mem>>) {add = true}
        %dma_wait3A_313 = arith.constant 0 : i32
        %dma_wait3A_314 = arith.constant 0 : i32
        %dma_wait3A_315 = tpu.memref_slice %arg19[%dma_wait3A_313, %dma_wait3A_314] : memref<1280x128xf32, #tpu.memory_space<vmem_shared>> -> memref<1280x128xf32, #tpu.memory_space<vmem_shared>>
        tpu.wait_indirect_dma semaphore(%run_scoped3A : memref<!tpu.dma_semaphore, #tpu.memory_space<semaphore_mem>>) src(%arg15 : memref<40x128xf32, #tpu.memory_space<vmem>>) dst(%dma_wait3A_315 : memref<1280x128xf32, #tpu.memory_space<vmem_shared>>)
        tpu.yield
      }) : () -> ()
      "tpu.region"() ({
        %run_scoped3A = tpu.sem_alloc : memref<!tpu.dma_semaphore, #tpu.memory_space<semaphore_mem>>
        %dma_start3A_310 = arith.constant 0 : i32
        %dma_start3A_311 = tpu.memref_slice %arg8[%add3A_277, %dma_start3A_310] : memref<330240x16xf32, #tpu.memory_space<hbm>> -> memref<40x16xf32, #tpu.memory_space<hbm>>
        %dma_start3A_312 = arith.constant 0 : i32
        %dma_start3A_313 = tpu.memref_slice %arg8[%add3A_277, %dma_start3A_312] : memref<330240x16xf32, #tpu.memory_space<hbm>> -> memref<40x16xf32, #tpu.memory_space<hbm>>
        tpu.enqueue_dma source(%arg16 : memref<40x16xf32, #tpu.memory_space<vmem>>) target(%dma_start3A_313 : memref<40x16xf32, #tpu.memory_space<hbm>>) target_semaphore(%run_scoped3A : memref<!tpu.dma_semaphore, #tpu.memory_space<semaphore_mem>>)
        %dma_wait3A_314 = arith.constant 0 : i32
        %dma_wait3A_315 = tpu.memref_slice %arg8[%add3A_277, %dma_wait3A_314] : memref<330240x16xf32, #tpu.memory_space<hbm>> -> memref<40x16xf32, #tpu.memory_space<hbm>>
        %dma_wait3A_316 = arith.constant 0 : i32
        %dma_wait3A_317 = tpu.memref_slice %arg8[%add3A_277, %dma_wait3A_316] : memref<330240x16xf32, #tpu.memory_space<hbm>> -> memref<40x16xf32, #tpu.memory_space<hbm>>
        tpu.wait_dma2 semaphore(%run_scoped3A : memref<!tpu.dma_semaphore, #tpu.memory_space<semaphore_mem>>) src(%arg16 : memref<40x16xf32, #tpu.memory_space<vmem>>) dst(%dma_wait3A_317 : memref<40x16xf32, #tpu.memory_space<hbm>>)
        tpu.yield
      }) : () -> ()
      %scan3A_309 = arith.constant 0 : i32
      scf.yield %scan3A_309 : i32
    }
    %scan3A_266 = arith.constant 258 : i32
    %barrier3A_267 = arith.constant 0 : index
    tpu.barrier barrier_id(%barrier3A_267)
    %lt3A_268 = arith.constant 2 : i32
    %lt3A_269 = arith.cmpi slt, %arg1, %lt3A_268 : i32
    %convert_element_type3A_270 = arith.extui %lt3A_269 : i1 to i32
    %cond3A_271 = arith.constant 0 : i32
    %cond3A_272 = arith.cmpi ne, %convert_element_type3A_270, %cond3A_271 : i32
    scf.if %cond3A_272 {
      %mul3A_273 = arith.constant 640 : i32
      %mul3A_274 = arith.muli %arg1, %mul3A_273 : i32
      %mul3A_275 = arith.constant 640 : i32
      %mul3A_276 = arith.muli %arg1, %mul3A_275 : i32
      "tpu.region"() ({
        %run_scoped3A = tpu.sem_alloc : memref<!tpu.dma_semaphore, #tpu.memory_space<semaphore_mem>>
        %dma_start3A = arith.constant 0 : i32
        %dma_start3A_277 = tpu.memref_slice %arg9[%arg0, %mul3A_276, %dma_start3A] : memref<2x1280x128xf32, #tpu.memory_space<hbm>> -> memref<1x640x128xf32, #tpu.memory_space<hbm>>
        %dma_start3A_278 = tpu.memref_squeeze %dma_start3A_277 : memref<1x640x128xf32, #tpu.memory_space<hbm>> -> memref<640x128xf32, #tpu.memory_space<hbm>>
        %dma_start3A_279 = arith.constant 0 : i32
        %dma_start3A_280 = tpu.memref_slice %arg19[%mul3A_274, %dma_start3A_279] : memref<1280x128xf32, #tpu.memory_space<vmem_shared>> -> memref<640x128xf32, #tpu.memory_space<vmem_shared>>
        tpu.enqueue_dma source(%dma_start3A_280 : memref<640x128xf32, #tpu.memory_space<vmem_shared>>) target(%dma_start3A_278 : memref<640x128xf32, #tpu.memory_space<hbm>>) target_semaphore(%run_scoped3A : memref<!tpu.dma_semaphore, #tpu.memory_space<semaphore_mem>>)
        %dma_wait3A = arith.constant 0 : i32
        %dma_wait3A_281 = tpu.memref_slice %arg9[%arg0, %mul3A_276, %dma_wait3A] : memref<2x1280x128xf32, #tpu.memory_space<hbm>> -> memref<1x640x128xf32, #tpu.memory_space<hbm>>
        %dma_wait3A_282 = tpu.memref_squeeze %dma_wait3A_281 : memref<1x640x128xf32, #tpu.memory_space<hbm>> -> memref<640x128xf32, #tpu.memory_space<hbm>>
        %dma_wait3A_283 = arith.constant 0 : i32
        %dma_wait3A_284 = tpu.memref_slice %arg19[%mul3A_274, %dma_wait3A_283] : memref<1280x128xf32, #tpu.memory_space<vmem_shared>> -> memref<640x128xf32, #tpu.memory_space<vmem_shared>>
        tpu.wait_dma2 semaphore(%run_scoped3A : memref<!tpu.dma_semaphore, #tpu.memory_space<semaphore_mem>>) src(%dma_wait3A_284 : memref<640x128xf32, #tpu.memory_space<vmem_shared>>) dst(%dma_wait3A_282 : memref<640x128xf32, #tpu.memory_space<hbm>>)
        tpu.yield
      }) : () -> ()
    } else {
    }
    return
  }
}

#map = affine_map<(d0, d1) -> (0)>
#map1 = affine_map<(d0, d1) -> (0, 0)>
#map2 = affine_map<(d0, d1) -> (0, 0, 0)>
module attributes {stable_mosaic.version = 14 : i64} {
  func.func @_passB_body(%arg0: i32, %arg1: i32, %arg2: memref<660480xi32, #tpu.memory_space<hbm>>, %arg3: memref<330240xi32, #tpu.memory_space<hbm>>, %arg4: memref<330240xi32, #tpu.memory_space<hbm>>, %arg5: memref<330240xi32, #tpu.memory_space<hbm>>, %arg6: memref<330240x16xf32, #tpu.memory_space<hbm>>, %arg7: memref<20000x256xi32, #tpu.memory_space<hbm>>, %arg8: memref<1280x128xf32, #tpu.memory_space<hbm>>, %arg9: memref<2x5120x128xf32, #tpu.memory_space<hbm>>, %arg10: memref<48xi32, #tpu.memory_space<vmem>>, %arg11: memref<48xi32, #tpu.memory_space<vmem>>, %arg12: memref<48xi32, #tpu.memory_space<vmem>>, %arg13: memref<48xi32, #tpu.memory_space<vmem>>, %arg14: memref<48x256xi32, #tpu.memory_space<vmem>>, %arg15: memref<48x16xf32, #tpu.memory_space<vmem>>, %arg16: memref<48x128xf32, #tpu.memory_space<vmem>>, %arg17: memref<48x128xf32, #tpu.memory_space<vmem>>, %arg18: memref<8x128xf32, #tpu.memory_space<vmem>>, %arg19: memref<5120x128xf32, #tpu.memory_space<vmem_shared>>, %arg20: memref<!tpu.dma_semaphore, #tpu.memory_space<semaphore_mem>>, %arg21: memref<!tpu.dma_semaphore, #tpu.memory_space<semaphore_mem>>, %arg22: memref<!tpu.dma_semaphore, #tpu.memory_space<semaphore_mem>>) attributes {dimension_semantics = [#tpu.dimension_semantics<core_parallel>, #tpu.dimension_semantics<subcore_parallel>], iteration_bounds = array<i64: 2, 16>, scalar_prefetch = 0 : i64, scratch_operands = 13 : i64, tpu.core_type = #tpu.core_type<sc_vector_subcore>, window_params = [{transform_indices = #map}, {transform_indices = #map}, {transform_indices = #map}, {transform_indices = #map}, {transform_indices = #map1}, {transform_indices = #map1}, {transform_indices = #map1}, {transform_indices = #map2}]} {
    %mul3A = arith.constant 16 : i32
    %mul3A_0 = arith.muli %arg0, %mul3A : i32
    %add3A = arith.addi %mul3A_0, %arg1 : i32
    %iota3A = tpu.iota {dimensions = array<i32: 0>} : vector<16xi32>
    %broadcast_in_dim3A = arith.constant 0.000000e+00 : f32
    %broadcast_in_dim3A_1 = vector.broadcast %broadcast_in_dim3A : f32 to vector<16xf32>
    %swap3A = arith.constant 0 : i32
    %swap3A_2 = arith.index_cast %swap3A : i32 to index
    %swap3A_3 = arith.constant 0 : index
    %swap3A_4 = tpu.vector_load %arg18[%swap3A_2, %swap3A_3] {strides = array<i32>} : memref<8x128xf32, #tpu.memory_space<vmem>>, vector<16xf32>,
    tpu.vector_store %arg18[%swap3A_2, %swap3A_3], %broadcast_in_dim3A_1 {strides = array<i32>} : memref<8x128xf32, #tpu.memory_space<vmem>>, vector<16xf32>,
    %swap3A_5 = arith.constant 0 : i32
    %swap3A_6 = arith.index_cast %swap3A_5 : i32 to index
    %swap3A_7 = arith.constant 16 : index
    %swap3A_8 = tpu.vector_load %arg18[%swap3A_6, %swap3A_7] {strides = array<i32>} : memref<8x128xf32, #tpu.memory_space<vmem>>, vector<16xf32>,
    tpu.vector_store %arg18[%swap3A_6, %swap3A_7], %broadcast_in_dim3A_1 {strides = array<i32>} : memref<8x128xf32, #tpu.memory_space<vmem>>, vector<16xf32>,
    %swap3A_9 = arith.constant 0 : i32
    %swap3A_10 = arith.index_cast %swap3A_9 : i32 to index
    %swap3A_11 = arith.constant 32 : index
    %swap3A_12 = tpu.vector_load %arg18[%swap3A_10, %swap3A_11] {strides = array<i32>} : memref<8x128xf32, #tpu.memory_space<vmem>>, vector<16xf32>,
    tpu.vector_store %arg18[%swap3A_10, %swap3A_11], %broadcast_in_dim3A_1 {strides = array<i32>} : memref<8x128xf32, #tpu.memory_space<vmem>>, vector<16xf32>,
    %swap3A_13 = arith.constant 0 : i32
    %swap3A_14 = arith.index_cast %swap3A_13 : i32 to index
    %swap3A_15 = arith.constant 48 : index
    %swap3A_16 = tpu.vector_load %arg18[%swap3A_14, %swap3A_15] {strides = array<i32>} : memref<8x128xf32, #tpu.memory_space<vmem>>, vector<16xf32>,
    tpu.vector_store %arg18[%swap3A_14, %swap3A_15], %broadcast_in_dim3A_1 {strides = array<i32>} : memref<8x128xf32, #tpu.memory_space<vmem>>, vector<16xf32>,
    %swap3A_17 = arith.constant 0 : i32
    %swap3A_18 = arith.index_cast %swap3A_17 : i32 to index
    %swap3A_19 = arith.constant 64 : index
    %swap3A_20 = tpu.vector_load %arg18[%swap3A_18, %swap3A_19] {strides = array<i32>} : memref<8x128xf32, #tpu.memory_space<vmem>>, vector<16xf32>,
    tpu.vector_store %arg18[%swap3A_18, %swap3A_19], %broadcast_in_dim3A_1 {strides = array<i32>} : memref<8x128xf32, #tpu.memory_space<vmem>>, vector<16xf32>,
    %swap3A_21 = arith.constant 0 : i32
    %swap3A_22 = arith.index_cast %swap3A_21 : i32 to index
    %swap3A_23 = arith.constant 80 : index
    %swap3A_24 = tpu.vector_load %arg18[%swap3A_22, %swap3A_23] {strides = array<i32>} : memref<8x128xf32, #tpu.memory_space<vmem>>, vector<16xf32>,
    tpu.vector_store %arg18[%swap3A_22, %swap3A_23], %broadcast_in_dim3A_1 {strides = array<i32>} : memref<8x128xf32, #tpu.memory_space<vmem>>, vector<16xf32>,
    %swap3A_25 = arith.constant 0 : i32
    %swap3A_26 = arith.index_cast %swap3A_25 : i32 to index
    %swap3A_27 = arith.constant 96 : index
    %swap3A_28 = tpu.vector_load %arg18[%swap3A_26, %swap3A_27] {strides = array<i32>} : memref<8x128xf32, #tpu.memory_space<vmem>>, vector<16xf32>,
    tpu.vector_store %arg18[%swap3A_26, %swap3A_27], %broadcast_in_dim3A_1 {strides = array<i32>} : memref<8x128xf32, #tpu.memory_space<vmem>>, vector<16xf32>,
    %swap3A_29 = arith.constant 0 : i32
    %swap3A_30 = arith.index_cast %swap3A_29 : i32 to index
    %swap3A_31 = arith.constant 112 : index
    %swap3A_32 = tpu.vector_load %arg18[%swap3A_30, %swap3A_31] {strides = array<i32>} : memref<8x128xf32, #tpu.memory_space<vmem>>, vector<16xf32>,
    tpu.vector_store %arg18[%swap3A_30, %swap3A_31], %broadcast_in_dim3A_1 {strides = array<i32>} : memref<8x128xf32, #tpu.memory_space<vmem>>, vector<16xf32>,
    %swap3A_33 = arith.constant 1 : i32
    %swap3A_34 = arith.index_cast %swap3A_33 : i32 to index
    %swap3A_35 = arith.constant 0 : index
    %swap3A_36 = tpu.vector_load %arg18[%swap3A_34, %swap3A_35] {strides = array<i32>} : memref<8x128xf32, #tpu.memory_space<vmem>>, vector<16xf32>,
    tpu.vector_store %arg18[%swap3A_34, %swap3A_35], %broadcast_in_dim3A_1 {strides = array<i32>} : memref<8x128xf32, #tpu.memory_space<vmem>>, vector<16xf32>,
    %swap3A_37 = arith.constant 1 : i32
    %swap3A_38 = arith.index_cast %swap3A_37 : i32 to index
    %swap3A_39 = arith.constant 16 : index
    %swap3A_40 = tpu.vector_load %arg18[%swap3A_38, %swap3A_39] {strides = array<i32>} : memref<8x128xf32, #tpu.memory_space<vmem>>, vector<16xf32>,
    tpu.vector_store %arg18[%swap3A_38, %swap3A_39], %broadcast_in_dim3A_1 {strides = array<i32>} : memref<8x128xf32, #tpu.memory_space<vmem>>, vector<16xf32>,
    %swap3A_41 = arith.constant 1 : i32
    %swap3A_42 = arith.index_cast %swap3A_41 : i32 to index
    %swap3A_43 = arith.constant 32 : index
    %swap3A_44 = tpu.vector_load %arg18[%swap3A_42, %swap3A_43] {strides = array<i32>} : memref<8x128xf32, #tpu.memory_space<vmem>>, vector<16xf32>,
    tpu.vector_store %arg18[%swap3A_42, %swap3A_43], %broadcast_in_dim3A_1 {strides = array<i32>} : memref<8x128xf32, #tpu.memory_space<vmem>>, vector<16xf32>,
    %swap3A_45 = arith.constant 1 : i32
    %swap3A_46 = arith.index_cast %swap3A_45 : i32 to index
    %swap3A_47 = arith.constant 48 : index
    %swap3A_48 = tpu.vector_load %arg18[%swap3A_46, %swap3A_47] {strides = array<i32>} : memref<8x128xf32, #tpu.memory_space<vmem>>, vector<16xf32>,
    tpu.vector_store %arg18[%swap3A_46, %swap3A_47], %broadcast_in_dim3A_1 {strides = array<i32>} : memref<8x128xf32, #tpu.memory_space<vmem>>, vector<16xf32>,
    %swap3A_49 = arith.constant 1 : i32
    %swap3A_50 = arith.index_cast %swap3A_49 : i32 to index
    %swap3A_51 = arith.constant 64 : index
    %swap3A_52 = tpu.vector_load %arg18[%swap3A_50, %swap3A_51] {strides = array<i32>} : memref<8x128xf32, #tpu.memory_space<vmem>>, vector<16xf32>,
    tpu.vector_store %arg18[%swap3A_50, %swap3A_51], %broadcast_in_dim3A_1 {strides = array<i32>} : memref<8x128xf32, #tpu.memory_space<vmem>>, vector<16xf32>,
    %swap3A_53 = arith.constant 1 : i32
    %swap3A_54 = arith.index_cast %swap3A_53 : i32 to index
    %swap3A_55 = arith.constant 80 : index
    %swap3A_56 = tpu.vector_load %arg18[%swap3A_54, %swap3A_55] {strides = array<i32>} : memref<8x128xf32, #tpu.memory_space<vmem>>, vector<16xf32>,
    tpu.vector_store %arg18[%swap3A_54, %swap3A_55], %broadcast_in_dim3A_1 {strides = array<i32>} : memref<8x128xf32, #tpu.memory_space<vmem>>, vector<16xf32>,
    %swap3A_57 = arith.constant 1 : i32
    %swap3A_58 = arith.index_cast %swap3A_57 : i32 to index
    %swap3A_59 = arith.constant 96 : index
    %swap3A_60 = tpu.vector_load %arg18[%swap3A_58, %swap3A_59] {strides = array<i32>} : memref<8x128xf32, #tpu.memory_space<vmem>>, vector<16xf32>,
    tpu.vector_store %arg18[%swap3A_58, %swap3A_59], %broadcast_in_dim3A_1 {strides = array<i32>} : memref<8x128xf32, #tpu.memory_space<vmem>>, vector<16xf32>,
    %swap3A_61 = arith.constant 1 : i32
    %swap3A_62 = arith.index_cast %swap3A_61 : i32 to index
    %swap3A_63 = arith.constant 112 : index
    %swap3A_64 = tpu.vector_load %arg18[%swap3A_62, %swap3A_63] {strides = array<i32>} : memref<8x128xf32, #tpu.memory_space<vmem>>, vector<16xf32>,
    tpu.vector_store %arg18[%swap3A_62, %swap3A_63], %broadcast_in_dim3A_1 {strides = array<i32>} : memref<8x128xf32, #tpu.memory_space<vmem>>, vector<16xf32>,
    %swap3A_65 = arith.constant 2 : i32
    %swap3A_66 = arith.index_cast %swap3A_65 : i32 to index
    %swap3A_67 = arith.constant 0 : index
    %swap3A_68 = tpu.vector_load %arg18[%swap3A_66, %swap3A_67] {strides = array<i32>} : memref<8x128xf32, #tpu.memory_space<vmem>>, vector<16xf32>,
    tpu.vector_store %arg18[%swap3A_66, %swap3A_67], %broadcast_in_dim3A_1 {strides = array<i32>} : memref<8x128xf32, #tpu.memory_space<vmem>>, vector<16xf32>,
    %swap3A_69 = arith.constant 2 : i32
    %swap3A_70 = arith.index_cast %swap3A_69 : i32 to index
    %swap3A_71 = arith.constant 16 : index
    %swap3A_72 = tpu.vector_load %arg18[%swap3A_70, %swap3A_71] {strides = array<i32>} : memref<8x128xf32, #tpu.memory_space<vmem>>, vector<16xf32>,
    tpu.vector_store %arg18[%swap3A_70, %swap3A_71], %broadcast_in_dim3A_1 {strides = array<i32>} : memref<8x128xf32, #tpu.memory_space<vmem>>, vector<16xf32>,
    %swap3A_73 = arith.constant 2 : i32
    %swap3A_74 = arith.index_cast %swap3A_73 : i32 to index
    %swap3A_75 = arith.constant 32 : index
    %swap3A_76 = tpu.vector_load %arg18[%swap3A_74, %swap3A_75] {strides = array<i32>} : memref<8x128xf32, #tpu.memory_space<vmem>>, vector<16xf32>,
    tpu.vector_store %arg18[%swap3A_74, %swap3A_75], %broadcast_in_dim3A_1 {strides = array<i32>} : memref<8x128xf32, #tpu.memory_space<vmem>>, vector<16xf32>,
    %swap3A_77 = arith.constant 2 : i32
    %swap3A_78 = arith.index_cast %swap3A_77 : i32 to index
    %swap3A_79 = arith.constant 48 : index
    %swap3A_80 = tpu.vector_load %arg18[%swap3A_78, %swap3A_79] {strides = array<i32>} : memref<8x128xf32, #tpu.memory_space<vmem>>, vector<16xf32>,
    tpu.vector_store %arg18[%swap3A_78, %swap3A_79], %broadcast_in_dim3A_1 {strides = array<i32>} : memref<8x128xf32, #tpu.memory_space<vmem>>, vector<16xf32>,
    %swap3A_81 = arith.constant 2 : i32
    %swap3A_82 = arith.index_cast %swap3A_81 : i32 to index
    %swap3A_83 = arith.constant 64 : index
    %swap3A_84 = tpu.vector_load %arg18[%swap3A_82, %swap3A_83] {strides = array<i32>} : memref<8x128xf32, #tpu.memory_space<vmem>>, vector<16xf32>,
    tpu.vector_store %arg18[%swap3A_82, %swap3A_83], %broadcast_in_dim3A_1 {strides = array<i32>} : memref<8x128xf32, #tpu.memory_space<vmem>>, vector<16xf32>,
    %swap3A_85 = arith.constant 2 : i32
    %swap3A_86 = arith.index_cast %swap3A_85 : i32 to index
    %swap3A_87 = arith.constant 80 : index
    %swap3A_88 = tpu.vector_load %arg18[%swap3A_86, %swap3A_87] {strides = array<i32>} : memref<8x128xf32, #tpu.memory_space<vmem>>, vector<16xf32>,
    tpu.vector_store %arg18[%swap3A_86, %swap3A_87], %broadcast_in_dim3A_1 {strides = array<i32>} : memref<8x128xf32, #tpu.memory_space<vmem>>, vector<16xf32>,
    %swap3A_89 = arith.constant 2 : i32
    %swap3A_90 = arith.index_cast %swap3A_89 : i32 to index
    %swap3A_91 = arith.constant 96 : index
    %swap3A_92 = tpu.vector_load %arg18[%swap3A_90, %swap3A_91] {strides = array<i32>} : memref<8x128xf32, #tpu.memory_space<vmem>>, vector<16xf32>,
    tpu.vector_store %arg18[%swap3A_90, %swap3A_91], %broadcast_in_dim3A_1 {strides = array<i32>} : memref<8x128xf32, #tpu.memory_space<vmem>>, vector<16xf32>,
    %swap3A_93 = arith.constant 2 : i32
    %swap3A_94 = arith.index_cast %swap3A_93 : i32 to index
    %swap3A_95 = arith.constant 112 : index
    %swap3A_96 = tpu.vector_load %arg18[%swap3A_94, %swap3A_95] {strides = array<i32>} : memref<8x128xf32, #tpu.memory_space<vmem>>, vector<16xf32>,
    tpu.vector_store %arg18[%swap3A_94, %swap3A_95], %broadcast_in_dim3A_1 {strides = array<i32>} : memref<8x128xf32, #tpu.memory_space<vmem>>, vector<16xf32>,
    %swap3A_97 = arith.constant 3 : i32
    %swap3A_98 = arith.index_cast %swap3A_97 : i32 to index
    %swap3A_99 = arith.constant 0 : index
    %swap3A_100 = tpu.vector_load %arg18[%swap3A_98, %swap3A_99] {strides = array<i32>} : memref<8x128xf32, #tpu.memory_space<vmem>>, vector<16xf32>,
    tpu.vector_store %arg18[%swap3A_98, %swap3A_99], %broadcast_in_dim3A_1 {strides = array<i32>} : memref<8x128xf32, #tpu.memory_space<vmem>>, vector<16xf32>,
    %swap3A_101 = arith.constant 3 : i32
    %swap3A_102 = arith.index_cast %swap3A_101 : i32 to index
    %swap3A_103 = arith.constant 16 : index
    %swap3A_104 = tpu.vector_load %arg18[%swap3A_102, %swap3A_103] {strides = array<i32>} : memref<8x128xf32, #tpu.memory_space<vmem>>, vector<16xf32>,
    tpu.vector_store %arg18[%swap3A_102, %swap3A_103], %broadcast_in_dim3A_1 {strides = array<i32>} : memref<8x128xf32, #tpu.memory_space<vmem>>, vector<16xf32>,
    %swap3A_105 = arith.constant 3 : i32
    %swap3A_106 = arith.index_cast %swap3A_105 : i32 to index
    %swap3A_107 = arith.constant 32 : index
    %swap3A_108 = tpu.vector_load %arg18[%swap3A_106, %swap3A_107] {strides = array<i32>} : memref<8x128xf32, #tpu.memory_space<vmem>>, vector<16xf32>,
    tpu.vector_store %arg18[%swap3A_106, %swap3A_107], %broadcast_in_dim3A_1 {strides = array<i32>} : memref<8x128xf32, #tpu.memory_space<vmem>>, vector<16xf32>,
    %swap3A_109 = arith.constant 3 : i32
    %swap3A_110 = arith.index_cast %swap3A_109 : i32 to index
    %swap3A_111 = arith.constant 48 : index
    %swap3A_112 = tpu.vector_load %arg18[%swap3A_110, %swap3A_111] {strides = array<i32>} : memref<8x128xf32, #tpu.memory_space<vmem>>, vector<16xf32>,
    tpu.vector_store %arg18[%swap3A_110, %swap3A_111], %broadcast_in_dim3A_1 {strides = array<i32>} : memref<8x128xf32, #tpu.memory_space<vmem>>, vector<16xf32>,
    %swap3A_113 = arith.constant 3 : i32
    %swap3A_114 = arith.index_cast %swap3A_113 : i32 to index
    %swap3A_115 = arith.constant 64 : index
    %swap3A_116 = tpu.vector_load %arg18[%swap3A_114, %swap3A_115] {strides = array<i32>} : memref<8x128xf32, #tpu.memory_space<vmem>>, vector<16xf32>,
    tpu.vector_store %arg18[%swap3A_114, %swap3A_115], %broadcast_in_dim3A_1 {strides = array<i32>} : memref<8x128xf32, #tpu.memory_space<vmem>>, vector<16xf32>,
    %swap3A_117 = arith.constant 3 : i32
    %swap3A_118 = arith.index_cast %swap3A_117 : i32 to index
    %swap3A_119 = arith.constant 80 : index
    %swap3A_120 = tpu.vector_load %arg18[%swap3A_118, %swap3A_119] {strides = array<i32>} : memref<8x128xf32, #tpu.memory_space<vmem>>, vector<16xf32>,
    tpu.vector_store %arg18[%swap3A_118, %swap3A_119], %broadcast_in_dim3A_1 {strides = array<i32>} : memref<8x128xf32, #tpu.memory_space<vmem>>, vector<16xf32>,
    %swap3A_121 = arith.constant 3 : i32
    %swap3A_122 = arith.index_cast %swap3A_121 : i32 to index
    %swap3A_123 = arith.constant 96 : index
    %swap3A_124 = tpu.vector_load %arg18[%swap3A_122, %swap3A_123] {strides = array<i32>} : memref<8x128xf32, #tpu.memory_space<vmem>>, vector<16xf32>,
    tpu.vector_store %arg18[%swap3A_122, %swap3A_123], %broadcast_in_dim3A_1 {strides = array<i32>} : memref<8x128xf32, #tpu.memory_space<vmem>>, vector<16xf32>,
    %swap3A_125 = arith.constant 3 : i32
    %swap3A_126 = arith.index_cast %swap3A_125 : i32 to index
    %swap3A_127 = arith.constant 112 : index
    %swap3A_128 = tpu.vector_load %arg18[%swap3A_126, %swap3A_127] {strides = array<i32>} : memref<8x128xf32, #tpu.memory_space<vmem>>, vector<16xf32>,
    tpu.vector_store %arg18[%swap3A_126, %swap3A_127], %broadcast_in_dim3A_1 {strides = array<i32>} : memref<8x128xf32, #tpu.memory_space<vmem>>, vector<16xf32>,
    %swap3A_129 = arith.constant 4 : i32
    %swap3A_130 = arith.index_cast %swap3A_129 : i32 to index
    %swap3A_131 = arith.constant 0 : index
    %swap3A_132 = tpu.vector_load %arg18[%swap3A_130, %swap3A_131] {strides = array<i32>} : memref<8x128xf32, #tpu.memory_space<vmem>>, vector<16xf32>,
    tpu.vector_store %arg18[%swap3A_130, %swap3A_131], %broadcast_in_dim3A_1 {strides = array<i32>} : memref<8x128xf32, #tpu.memory_space<vmem>>, vector<16xf32>,
    %swap3A_133 = arith.constant 4 : i32
    %swap3A_134 = arith.index_cast %swap3A_133 : i32 to index
    %swap3A_135 = arith.constant 16 : index
    %swap3A_136 = tpu.vector_load %arg18[%swap3A_134, %swap3A_135] {strides = array<i32>} : memref<8x128xf32, #tpu.memory_space<vmem>>, vector<16xf32>,
    tpu.vector_store %arg18[%swap3A_134, %swap3A_135], %broadcast_in_dim3A_1 {strides = array<i32>} : memref<8x128xf32, #tpu.memory_space<vmem>>, vector<16xf32>,
    %swap3A_137 = arith.constant 4 : i32
    %swap3A_138 = arith.index_cast %swap3A_137 : i32 to index
    %swap3A_139 = arith.constant 32 : index
    %swap3A_140 = tpu.vector_load %arg18[%swap3A_138, %swap3A_139] {strides = array<i32>} : memref<8x128xf32, #tpu.memory_space<vmem>>, vector<16xf32>,
    tpu.vector_store %arg18[%swap3A_138, %swap3A_139], %broadcast_in_dim3A_1 {strides = array<i32>} : memref<8x128xf32, #tpu.memory_space<vmem>>, vector<16xf32>,
    %swap3A_141 = arith.constant 4 : i32
    %swap3A_142 = arith.index_cast %swap3A_141 : i32 to index
    %swap3A_143 = arith.constant 48 : index
    %swap3A_144 = tpu.vector_load %arg18[%swap3A_142, %swap3A_143] {strides = array<i32>} : memref<8x128xf32, #tpu.memory_space<vmem>>, vector<16xf32>,
    tpu.vector_store %arg18[%swap3A_142, %swap3A_143], %broadcast_in_dim3A_1 {strides = array<i32>} : memref<8x128xf32, #tpu.memory_space<vmem>>, vector<16xf32>,
    %swap3A_145 = arith.constant 4 : i32
    %swap3A_146 = arith.index_cast %swap3A_145 : i32 to index
    %swap3A_147 = arith.constant 64 : index
    %swap3A_148 = tpu.vector_load %arg18[%swap3A_146, %swap3A_147] {strides = array<i32>} : memref<8x128xf32, #tpu.memory_space<vmem>>, vector<16xf32>,
    tpu.vector_store %arg18[%swap3A_146, %swap3A_147], %broadcast_in_dim3A_1 {strides = array<i32>} : memref<8x128xf32, #tpu.memory_space<vmem>>, vector<16xf32>,
    %swap3A_149 = arith.constant 4 : i32
    %swap3A_150 = arith.index_cast %swap3A_149 : i32 to index
    %swap3A_151 = arith.constant 80 : index
    %swap3A_152 = tpu.vector_load %arg18[%swap3A_150, %swap3A_151] {strides = array<i32>} : memref<8x128xf32, #tpu.memory_space<vmem>>, vector<16xf32>,
    tpu.vector_store %arg18[%swap3A_150, %swap3A_151], %broadcast_in_dim3A_1 {strides = array<i32>} : memref<8x128xf32, #tpu.memory_space<vmem>>, vector<16xf32>,
    %swap3A_153 = arith.constant 4 : i32
    %swap3A_154 = arith.index_cast %swap3A_153 : i32 to index
    %swap3A_155 = arith.constant 96 : index
    %swap3A_156 = tpu.vector_load %arg18[%swap3A_154, %swap3A_155] {strides = array<i32>} : memref<8x128xf32, #tpu.memory_space<vmem>>, vector<16xf32>,
    tpu.vector_store %arg18[%swap3A_154, %swap3A_155], %broadcast_in_dim3A_1 {strides = array<i32>} : memref<8x128xf32, #tpu.memory_space<vmem>>, vector<16xf32>,
    %swap3A_157 = arith.constant 4 : i32
    %swap3A_158 = arith.index_cast %swap3A_157 : i32 to index
    %swap3A_159 = arith.constant 112 : index
    %swap3A_160 = tpu.vector_load %arg18[%swap3A_158, %swap3A_159] {strides = array<i32>} : memref<8x128xf32, #tpu.memory_space<vmem>>, vector<16xf32>,
    tpu.vector_store %arg18[%swap3A_158, %swap3A_159], %broadcast_in_dim3A_1 {strides = array<i32>} : memref<8x128xf32, #tpu.memory_space<vmem>>, vector<16xf32>,
    %swap3A_161 = arith.constant 5 : i32
    %swap3A_162 = arith.index_cast %swap3A_161 : i32 to index
    %swap3A_163 = arith.constant 0 : index
    %swap3A_164 = tpu.vector_load %arg18[%swap3A_162, %swap3A_163] {strides = array<i32>} : memref<8x128xf32, #tpu.memory_space<vmem>>, vector<16xf32>,
    tpu.vector_store %arg18[%swap3A_162, %swap3A_163], %broadcast_in_dim3A_1 {strides = array<i32>} : memref<8x128xf32, #tpu.memory_space<vmem>>, vector<16xf32>,
    %swap3A_165 = arith.constant 5 : i32
    %swap3A_166 = arith.index_cast %swap3A_165 : i32 to index
    %swap3A_167 = arith.constant 16 : index
    %swap3A_168 = tpu.vector_load %arg18[%swap3A_166, %swap3A_167] {strides = array<i32>} : memref<8x128xf32, #tpu.memory_space<vmem>>, vector<16xf32>,
    tpu.vector_store %arg18[%swap3A_166, %swap3A_167], %broadcast_in_dim3A_1 {strides = array<i32>} : memref<8x128xf32, #tpu.memory_space<vmem>>, vector<16xf32>,
    %swap3A_169 = arith.constant 5 : i32
    %swap3A_170 = arith.index_cast %swap3A_169 : i32 to index
    %swap3A_171 = arith.constant 32 : index
    %swap3A_172 = tpu.vector_load %arg18[%swap3A_170, %swap3A_171] {strides = array<i32>} : memref<8x128xf32, #tpu.memory_space<vmem>>, vector<16xf32>,
    tpu.vector_store %arg18[%swap3A_170, %swap3A_171], %broadcast_in_dim3A_1 {strides = array<i32>} : memref<8x128xf32, #tpu.memory_space<vmem>>, vector<16xf32>,
    %swap3A_173 = arith.constant 5 : i32
    %swap3A_174 = arith.index_cast %swap3A_173 : i32 to index
    %swap3A_175 = arith.constant 48 : index
    %swap3A_176 = tpu.vector_load %arg18[%swap3A_174, %swap3A_175] {strides = array<i32>} : memref<8x128xf32, #tpu.memory_space<vmem>>, vector<16xf32>,
    tpu.vector_store %arg18[%swap3A_174, %swap3A_175], %broadcast_in_dim3A_1 {strides = array<i32>} : memref<8x128xf32, #tpu.memory_space<vmem>>, vector<16xf32>,
    %swap3A_177 = arith.constant 5 : i32
    %swap3A_178 = arith.index_cast %swap3A_177 : i32 to index
    %swap3A_179 = arith.constant 64 : index
    %swap3A_180 = tpu.vector_load %arg18[%swap3A_178, %swap3A_179] {strides = array<i32>} : memref<8x128xf32, #tpu.memory_space<vmem>>, vector<16xf32>,
    tpu.vector_store %arg18[%swap3A_178, %swap3A_179], %broadcast_in_dim3A_1 {strides = array<i32>} : memref<8x128xf32, #tpu.memory_space<vmem>>, vector<16xf32>,
    %swap3A_181 = arith.constant 5 : i32
    %swap3A_182 = arith.index_cast %swap3A_181 : i32 to index
    %swap3A_183 = arith.constant 80 : index
    %swap3A_184 = tpu.vector_load %arg18[%swap3A_182, %swap3A_183] {strides = array<i32>} : memref<8x128xf32, #tpu.memory_space<vmem>>, vector<16xf32>,
    tpu.vector_store %arg18[%swap3A_182, %swap3A_183], %broadcast_in_dim3A_1 {strides = array<i32>} : memref<8x128xf32, #tpu.memory_space<vmem>>, vector<16xf32>,
    %swap3A_185 = arith.constant 5 : i32
    %swap3A_186 = arith.index_cast %swap3A_185 : i32 to index
    %swap3A_187 = arith.constant 96 : index
    %swap3A_188 = tpu.vector_load %arg18[%swap3A_186, %swap3A_187] {strides = array<i32>} : memref<8x128xf32, #tpu.memory_space<vmem>>, vector<16xf32>,
    tpu.vector_store %arg18[%swap3A_186, %swap3A_187], %broadcast_in_dim3A_1 {strides = array<i32>} : memref<8x128xf32, #tpu.memory_space<vmem>>, vector<16xf32>,
    %swap3A_189 = arith.constant 5 : i32
    %swap3A_190 = arith.index_cast %swap3A_189 : i32 to index
    %swap3A_191 = arith.constant 112 : index
    %swap3A_192 = tpu.vector_load %arg18[%swap3A_190, %swap3A_191] {strides = array<i32>} : memref<8x128xf32, #tpu.memory_space<vmem>>, vector<16xf32>,
    tpu.vector_store %arg18[%swap3A_190, %swap3A_191], %broadcast_in_dim3A_1 {strides = array<i32>} : memref<8x128xf32, #tpu.memory_space<vmem>>, vector<16xf32>,
    %swap3A_193 = arith.constant 6 : i32
    %swap3A_194 = arith.index_cast %swap3A_193 : i32 to index
    %swap3A_195 = arith.constant 0 : index
    %swap3A_196 = tpu.vector_load %arg18[%swap3A_194, %swap3A_195] {strides = array<i32>} : memref<8x128xf32, #tpu.memory_space<vmem>>, vector<16xf32>,
    tpu.vector_store %arg18[%swap3A_194, %swap3A_195], %broadcast_in_dim3A_1 {strides = array<i32>} : memref<8x128xf32, #tpu.memory_space<vmem>>, vector<16xf32>,
    %swap3A_197 = arith.constant 6 : i32
    %swap3A_198 = arith.index_cast %swap3A_197 : i32 to index
    %swap3A_199 = arith.constant 16 : index
    %swap3A_200 = tpu.vector_load %arg18[%swap3A_198, %swap3A_199] {strides = array<i32>} : memref<8x128xf32, #tpu.memory_space<vmem>>, vector<16xf32>,
    tpu.vector_store %arg18[%swap3A_198, %swap3A_199], %broadcast_in_dim3A_1 {strides = array<i32>} : memref<8x128xf32, #tpu.memory_space<vmem>>, vector<16xf32>,
    %swap3A_201 = arith.constant 6 : i32
    %swap3A_202 = arith.index_cast %swap3A_201 : i32 to index
    %swap3A_203 = arith.constant 32 : index
    %swap3A_204 = tpu.vector_load %arg18[%swap3A_202, %swap3A_203] {strides = array<i32>} : memref<8x128xf32, #tpu.memory_space<vmem>>, vector<16xf32>,
    tpu.vector_store %arg18[%swap3A_202, %swap3A_203], %broadcast_in_dim3A_1 {strides = array<i32>} : memref<8x128xf32, #tpu.memory_space<vmem>>, vector<16xf32>,
    %swap3A_205 = arith.constant 6 : i32
    %swap3A_206 = arith.index_cast %swap3A_205 : i32 to index
    %swap3A_207 = arith.constant 48 : index
    %swap3A_208 = tpu.vector_load %arg18[%swap3A_206, %swap3A_207] {strides = array<i32>} : memref<8x128xf32, #tpu.memory_space<vmem>>, vector<16xf32>,
    tpu.vector_store %arg18[%swap3A_206, %swap3A_207], %broadcast_in_dim3A_1 {strides = array<i32>} : memref<8x128xf32, #tpu.memory_space<vmem>>, vector<16xf32>,
    %swap3A_209 = arith.constant 6 : i32
    %swap3A_210 = arith.index_cast %swap3A_209 : i32 to index
    %swap3A_211 = arith.constant 64 : index
    %swap3A_212 = tpu.vector_load %arg18[%swap3A_210, %swap3A_211] {strides = array<i32>} : memref<8x128xf32, #tpu.memory_space<vmem>>, vector<16xf32>,
    tpu.vector_store %arg18[%swap3A_210, %swap3A_211], %broadcast_in_dim3A_1 {strides = array<i32>} : memref<8x128xf32, #tpu.memory_space<vmem>>, vector<16xf32>,
    %swap3A_213 = arith.constant 6 : i32
    %swap3A_214 = arith.index_cast %swap3A_213 : i32 to index
    %swap3A_215 = arith.constant 80 : index
    %swap3A_216 = tpu.vector_load %arg18[%swap3A_214, %swap3A_215] {strides = array<i32>} : memref<8x128xf32, #tpu.memory_space<vmem>>, vector<16xf32>,
    tpu.vector_store %arg18[%swap3A_214, %swap3A_215], %broadcast_in_dim3A_1 {strides = array<i32>} : memref<8x128xf32, #tpu.memory_space<vmem>>, vector<16xf32>,
    %swap3A_217 = arith.constant 6 : i32
    %swap3A_218 = arith.index_cast %swap3A_217 : i32 to index
    %swap3A_219 = arith.constant 96 : index
    %swap3A_220 = tpu.vector_load %arg18[%swap3A_218, %swap3A_219] {strides = array<i32>} : memref<8x128xf32, #tpu.memory_space<vmem>>, vector<16xf32>,
    tpu.vector_store %arg18[%swap3A_218, %swap3A_219], %broadcast_in_dim3A_1 {strides = array<i32>} : memref<8x128xf32, #tpu.memory_space<vmem>>, vector<16xf32>,
    %swap3A_221 = arith.constant 6 : i32
    %swap3A_222 = arith.index_cast %swap3A_221 : i32 to index
    %swap3A_223 = arith.constant 112 : index
    %swap3A_224 = tpu.vector_load %arg18[%swap3A_222, %swap3A_223] {strides = array<i32>} : memref<8x128xf32, #tpu.memory_space<vmem>>, vector<16xf32>,
    tpu.vector_store %arg18[%swap3A_222, %swap3A_223], %broadcast_in_dim3A_1 {strides = array<i32>} : memref<8x128xf32, #tpu.memory_space<vmem>>, vector<16xf32>,
    %swap3A_225 = arith.constant 7 : i32
    %swap3A_226 = arith.index_cast %swap3A_225 : i32 to index
    %swap3A_227 = arith.constant 0 : index
    %swap3A_228 = tpu.vector_load %arg18[%swap3A_226, %swap3A_227] {strides = array<i32>} : memref<8x128xf32, #tpu.memory_space<vmem>>, vector<16xf32>,
    tpu.vector_store %arg18[%swap3A_226, %swap3A_227], %broadcast_in_dim3A_1 {strides = array<i32>} : memref<8x128xf32, #tpu.memory_space<vmem>>, vector<16xf32>,
    %swap3A_229 = arith.constant 7 : i32
    %swap3A_230 = arith.index_cast %swap3A_229 : i32 to index
    %swap3A_231 = arith.constant 16 : index
    %swap3A_232 = tpu.vector_load %arg18[%swap3A_230, %swap3A_231] {strides = array<i32>} : memref<8x128xf32, #tpu.memory_space<vmem>>, vector<16xf32>,
    tpu.vector_store %arg18[%swap3A_230, %swap3A_231], %broadcast_in_dim3A_1 {strides = array<i32>} : memref<8x128xf32, #tpu.memory_space<vmem>>, vector<16xf32>,
    %swap3A_233 = arith.constant 7 : i32
    %swap3A_234 = arith.index_cast %swap3A_233 : i32 to index
    %swap3A_235 = arith.constant 32 : index
    %swap3A_236 = tpu.vector_load %arg18[%swap3A_234, %swap3A_235] {strides = array<i32>} : memref<8x128xf32, #tpu.memory_space<vmem>>, vector<16xf32>,
    tpu.vector_store %arg18[%swap3A_234, %swap3A_235], %broadcast_in_dim3A_1 {strides = array<i32>} : memref<8x128xf32, #tpu.memory_space<vmem>>, vector<16xf32>,
    %swap3A_237 = arith.constant 7 : i32
    %swap3A_238 = arith.index_cast %swap3A_237 : i32 to index
    %swap3A_239 = arith.constant 48 : index
    %swap3A_240 = tpu.vector_load %arg18[%swap3A_238, %swap3A_239] {strides = array<i32>} : memref<8x128xf32, #tpu.memory_space<vmem>>, vector<16xf32>,
    tpu.vector_store %arg18[%swap3A_238, %swap3A_239], %broadcast_in_dim3A_1 {strides = array<i32>} : memref<8x128xf32, #tpu.memory_space<vmem>>, vector<16xf32>,
    %swap3A_241 = arith.constant 7 : i32
    %swap3A_242 = arith.index_cast %swap3A_241 : i32 to index
    %swap3A_243 = arith.constant 64 : index
    %swap3A_244 = tpu.vector_load %arg18[%swap3A_242, %swap3A_243] {strides = array<i32>} : memref<8x128xf32, #tpu.memory_space<vmem>>, vector<16xf32>,
    tpu.vector_store %arg18[%swap3A_242, %swap3A_243], %broadcast_in_dim3A_1 {strides = array<i32>} : memref<8x128xf32, #tpu.memory_space<vmem>>, vector<16xf32>,
    %swap3A_245 = arith.constant 7 : i32
    %swap3A_246 = arith.index_cast %swap3A_245 : i32 to index
    %swap3A_247 = arith.constant 80 : index
    %swap3A_248 = tpu.vector_load %arg18[%swap3A_246, %swap3A_247] {strides = array<i32>} : memref<8x128xf32, #tpu.memory_space<vmem>>, vector<16xf32>,
    tpu.vector_store %arg18[%swap3A_246, %swap3A_247], %broadcast_in_dim3A_1 {strides = array<i32>} : memref<8x128xf32, #tpu.memory_space<vmem>>, vector<16xf32>,
    %swap3A_249 = arith.constant 7 : i32
    %swap3A_250 = arith.index_cast %swap3A_249 : i32 to index
    %swap3A_251 = arith.constant 96 : index
    %swap3A_252 = tpu.vector_load %arg18[%swap3A_250, %swap3A_251] {strides = array<i32>} : memref<8x128xf32, #tpu.memory_space<vmem>>, vector<16xf32>,
    tpu.vector_store %arg18[%swap3A_250, %swap3A_251], %broadcast_in_dim3A_1 {strides = array<i32>} : memref<8x128xf32, #tpu.memory_space<vmem>>, vector<16xf32>,
    %swap3A_253 = arith.constant 7 : i32
    %swap3A_254 = arith.index_cast %swap3A_253 : i32 to index
    %swap3A_255 = arith.constant 112 : index
    %swap3A_256 = tpu.vector_load %arg18[%swap3A_254, %swap3A_255] {strides = array<i32>} : memref<8x128xf32, #tpu.memory_space<vmem>>, vector<16xf32>,
    tpu.vector_store %arg18[%swap3A_254, %swap3A_255], %broadcast_in_dim3A_1 {strides = array<i32>} : memref<8x128xf32, #tpu.memory_space<vmem>>, vector<16xf32>,
    %scan3A = arith.constant 0 : i32
    %scan3A_257 = arith.constant 0 : i32
    %scan3A_258 = arith.constant 40 : i32
    %scan3A_259 = arith.addi %scan3A_257, %scan3A_258 : i32
    %scan3A_260 = arith.constant 1 : i32
    %scan3A_261 = scf.for %scan3A_277 = %scan3A_257 to %scan3A_259 step %scan3A_260 iter_args(%scan3A_278 = %scan3A) -> (i32)  : i32 {
      %mul3A_279 = arith.constant 320 : i32
      %mul3A_280 = arith.muli %arg1, %mul3A_279 : i32
      %mul3A_281 = arith.constant 8 : i32
      %mul3A_282 = arith.muli %scan3A_277, %mul3A_281 : i32
      %add3A_283 = arith.addi %mul3A_280, %mul3A_282 : i32
      "tpu.region"() ({
        %run_scoped3A = tpu.sem_alloc : memref<!tpu.dma_semaphore, #tpu.memory_space<semaphore_mem>>
        %dma_start3A = arith.constant 0 : i32
        %dma_start3A_285 = tpu.memref_slice %arg19[%add3A_283, %dma_start3A] : memref<5120x128xf32, #tpu.memory_space<vmem_shared>> -> memref<8x128xf32, #tpu.memory_space<vmem_shared>>
        %dma_start3A_286 = arith.constant 0 : i32
        %dma_start3A_287 = tpu.memref_slice %arg19[%add3A_283, %dma_start3A_286] : memref<5120x128xf32, #tpu.memory_space<vmem_shared>> -> memref<8x128xf32, #tpu.memory_space<vmem_shared>>
        tpu.enqueue_dma source(%arg18 : memref<8x128xf32, #tpu.memory_space<vmem>>) target(%dma_start3A_287 : memref<8x128xf32, #tpu.memory_space<vmem_shared>>) target_semaphore(%run_scoped3A : memref<!tpu.dma_semaphore, #tpu.memory_space<semaphore_mem>>)
        %dma_wait3A = arith.constant 0 : i32
        %dma_wait3A_288 = tpu.memref_slice %arg19[%add3A_283, %dma_wait3A] : memref<5120x128xf32, #tpu.memory_space<vmem_shared>> -> memref<8x128xf32, #tpu.memory_space<vmem_shared>>
        %dma_wait3A_289 = arith.constant 0 : i32
        %dma_wait3A_290 = tpu.memref_slice %arg19[%add3A_283, %dma_wait3A_289] : memref<5120x128xf32, #tpu.memory_space<vmem_shared>> -> memref<8x128xf32, #tpu.memory_space<vmem_shared>>
        tpu.wait_dma2 semaphore(%run_scoped3A : memref<!tpu.dma_semaphore, #tpu.memory_space<semaphore_mem>>) src(%arg18 : memref<8x128xf32, #tpu.memory_space<vmem>>) dst(%dma_wait3A_290 : memref<8x128xf32, #tpu.memory_space<vmem_shared>>)
        tpu.yield
      }) : () -> ()
      %scan3A_284 = arith.constant 0 : i32
      scf.yield %scan3A_284 : i32
    }
    %scan3A_262 = arith.constant 40 : i32
    %barrier3A = arith.constant 0 : index
    tpu.barrier barrier_id(%barrier3A)
    %mul3A_263 = arith.constant 20640 : i32
    %mul3A_264 = arith.muli %arg1, %mul3A_263 : i32
    %scan3A_265 = arith.constant 0 : i32
    %scan3A_266 = arith.constant 0 : i32
    %scan3A_267 = arith.constant 430 : i32
    %scan3A_268 = arith.addi %scan3A_266, %scan3A_267 : i32
    %scan3A_269 = arith.constant 1 : i32
    %scan3A_270 = scf.for %scan3A_277 = %scan3A_266 to %scan3A_268 step %scan3A_269 iter_args(%scan3A_278 = %scan3A_265) -> (i32)  : i32 {
      %mul3A_279 = arith.constant 48 : i32
      %mul3A_280 = arith.muli %scan3A_277, %mul3A_279 : i32
      %add3A_281 = arith.addi %mul3A_264, %mul3A_280 : i32
      %mul3A_282 = arith.constant 330240 : i32
      %mul3A_283 = arith.muli %arg0, %mul3A_282 : i32
      %add3A_284 = arith.addi %mul3A_283, %add3A_281 : i32
      %dma_start3A = tpu.memref_slice %arg2[%add3A_284] : memref<660480xi32, #tpu.memory_space<hbm>> -> memref<48xi32, #tpu.memory_space<hbm>>
      %dma_start3A_285 = tpu.memref_slice %arg2[%add3A_284] : memref<660480xi32, #tpu.memory_space<hbm>> -> memref<48xi32, #tpu.memory_space<hbm>>
      tpu.enqueue_dma source(%dma_start3A_285 : memref<48xi32, #tpu.memory_space<hbm>>) target(%arg10 : memref<48xi32, #tpu.memory_space<vmem>>) target_semaphore(%arg20 : memref<!tpu.dma_semaphore, #tpu.memory_space<semaphore_mem>>)
      %dma_start3A_286 = tpu.memref_slice %arg3[%add3A_281] : memref<330240xi32, #tpu.memory_space<hbm>> -> memref<48xi32, #tpu.memory_space<hbm>>
      %dma_start3A_287 = tpu.memref_slice %arg3[%add3A_281] : memref<330240xi32, #tpu.memory_space<hbm>> -> memref<48xi32, #tpu.memory_space<hbm>>
      tpu.enqueue_dma source(%dma_start3A_287 : memref<48xi32, #tpu.memory_space<hbm>>) target(%arg11 : memref<48xi32, #tpu.memory_space<vmem>>) target_semaphore(%arg20 : memref<!tpu.dma_semaphore, #tpu.memory_space<semaphore_mem>>)
      %dma_start3A_288 = tpu.memref_slice %arg4[%add3A_281] : memref<330240xi32, #tpu.memory_space<hbm>> -> memref<48xi32, #tpu.memory_space<hbm>>
      %dma_start3A_289 = tpu.memref_slice %arg4[%add3A_281] : memref<330240xi32, #tpu.memory_space<hbm>> -> memref<48xi32, #tpu.memory_space<hbm>>
      tpu.enqueue_dma source(%dma_start3A_289 : memref<48xi32, #tpu.memory_space<hbm>>) target(%arg12 : memref<48xi32, #tpu.memory_space<vmem>>) target_semaphore(%arg20 : memref<!tpu.dma_semaphore, #tpu.memory_space<semaphore_mem>>)
      %dma_start3A_290 = tpu.memref_slice %arg5[%add3A_281] : memref<330240xi32, #tpu.memory_space<hbm>> -> memref<48xi32, #tpu.memory_space<hbm>>
      %dma_start3A_291 = tpu.memref_slice %arg5[%add3A_281] : memref<330240xi32, #tpu.memory_space<hbm>> -> memref<48xi32, #tpu.memory_space<hbm>>
      tpu.enqueue_dma source(%dma_start3A_291 : memref<48xi32, #tpu.memory_space<hbm>>) target(%arg13 : memref<48xi32, #tpu.memory_space<vmem>>) target_semaphore(%arg20 : memref<!tpu.dma_semaphore, #tpu.memory_space<semaphore_mem>>)
      %dma_start3A_292 = arith.constant 0 : i32
      %dma_start3A_293 = tpu.memref_slice %arg6[%add3A_281, %dma_start3A_292] : memref<330240x16xf32, #tpu.memory_space<hbm>> -> memref<48x16xf32, #tpu.memory_space<hbm>>
      %dma_start3A_294 = arith.constant 0 : i32
      %dma_start3A_295 = tpu.memref_slice %arg6[%add3A_281, %dma_start3A_294] : memref<330240x16xf32, #tpu.memory_space<hbm>> -> memref<48x16xf32, #tpu.memory_space<hbm>>
      tpu.enqueue_dma source(%dma_start3A_295 : memref<48x16xf32, #tpu.memory_space<hbm>>) target(%arg15 : memref<48x16xf32, #tpu.memory_space<vmem>>) target_semaphore(%arg20 : memref<!tpu.dma_semaphore, #tpu.memory_space<semaphore_mem>>)
      %dma_wait3A = tpu.memref_slice %arg2[%add3A_284] : memref<660480xi32, #tpu.memory_space<hbm>> -> memref<48xi32, #tpu.memory_space<hbm>>
      %dma_wait3A_296 = tpu.memref_slice %arg2[%add3A_284] : memref<660480xi32, #tpu.memory_space<hbm>> -> memref<48xi32, #tpu.memory_space<hbm>>
      tpu.wait_dma2 semaphore(%arg20 : memref<!tpu.dma_semaphore, #tpu.memory_space<semaphore_mem>>) src(%dma_wait3A_296 : memref<48xi32, #tpu.memory_space<hbm>>) dst(%arg10 : memref<48xi32, #tpu.memory_space<vmem>>)
      %dma_wait3A_297 = tpu.memref_slice %arg3[%add3A_281] : memref<330240xi32, #tpu.memory_space<hbm>> -> memref<48xi32, #tpu.memory_space<hbm>>
      %dma_wait3A_298 = tpu.memref_slice %arg3[%add3A_281] : memref<330240xi32, #tpu.memory_space<hbm>> -> memref<48xi32, #tpu.memory_space<hbm>>
      tpu.wait_dma2 semaphore(%arg20 : memref<!tpu.dma_semaphore, #tpu.memory_space<semaphore_mem>>) src(%dma_wait3A_298 : memref<48xi32, #tpu.memory_space<hbm>>) dst(%arg11 : memref<48xi32, #tpu.memory_space<vmem>>)
      %dma_wait3A_299 = tpu.memref_slice %arg4[%add3A_281] : memref<330240xi32, #tpu.memory_space<hbm>> -> memref<48xi32, #tpu.memory_space<hbm>>
      %dma_wait3A_300 = tpu.memref_slice %arg4[%add3A_281] : memref<330240xi32, #tpu.memory_space<hbm>> -> memref<48xi32, #tpu.memory_space<hbm>>
      tpu.wait_dma2 semaphore(%arg20 : memref<!tpu.dma_semaphore, #tpu.memory_space<semaphore_mem>>) src(%dma_wait3A_300 : memref<48xi32, #tpu.memory_space<hbm>>) dst(%arg12 : memref<48xi32, #tpu.memory_space<vmem>>)
      %dma_wait3A_301 = arith.constant 0 : i32
      %dma_wait3A_302 = tpu.memref_slice %arg6[%add3A_281, %dma_wait3A_301] : memref<330240x16xf32, #tpu.memory_space<hbm>> -> memref<48x16xf32, #tpu.memory_space<hbm>>
      %dma_wait3A_303 = arith.constant 0 : i32
      %dma_wait3A_304 = tpu.memref_slice %arg6[%add3A_281, %dma_wait3A_303] : memref<330240x16xf32, #tpu.memory_space<hbm>> -> memref<48x16xf32, #tpu.memory_space<hbm>>
      tpu.wait_dma2 semaphore(%arg20 : memref<!tpu.dma_semaphore, #tpu.memory_space<semaphore_mem>>) src(%dma_wait3A_304 : memref<48x16xf32, #tpu.memory_space<hbm>>) dst(%arg15 : memref<48x16xf32, #tpu.memory_space<vmem>>)
      %dma_wait3A_305 = tpu.memref_slice %arg5[%add3A_281] : memref<330240xi32, #tpu.memory_space<hbm>> -> memref<48xi32, #tpu.memory_space<hbm>>
      %dma_wait3A_306 = tpu.memref_slice %arg5[%add3A_281] : memref<330240xi32, #tpu.memory_space<hbm>> -> memref<48xi32, #tpu.memory_space<hbm>>
      tpu.wait_dma2 semaphore(%arg20 : memref<!tpu.dma_semaphore, #tpu.memory_space<semaphore_mem>>) src(%dma_wait3A_306 : memref<48xi32, #tpu.memory_space<hbm>>) dst(%arg13 : memref<48xi32, #tpu.memory_space<vmem>>)
      %dma_start3A_307 = arith.constant 0 : i32
      %dma_start3A_308 = arith.constant 0 : i32
      %dma_start3A_309 = tpu.memref_slice %arg7[%dma_start3A_307, %dma_start3A_308] : memref<20000x256xi32, #tpu.memory_space<hbm>> -> memref<20000x256xi32, #tpu.memory_space<hbm>>
      tpu.enqueue_indirect_dma source(%dma_start3A_309 : memref<20000x256xi32, #tpu.memory_space<hbm>>) target(%arg14 : memref<48x256xi32, #tpu.memory_space<vmem>>) offsets(%arg10 : memref<48xi32, #tpu.memory_space<vmem>>) semaphore(%arg21 : memref<!tpu.dma_semaphore, #tpu.memory_space<semaphore_mem>>)
      %dma_start3A_310 = arith.constant 0 : i32
      %dma_start3A_311 = arith.constant 0 : i32
      %dma_start3A_312 = tpu.memref_slice %arg8[%dma_start3A_310, %dma_start3A_311] : memref<1280x128xf32, #tpu.memory_space<hbm>> -> memref<1280x128xf32, #tpu.memory_space<hbm>>
      tpu.enqueue_indirect_dma source(%dma_start3A_312 : memref<1280x128xf32, #tpu.memory_space<hbm>>) target(%arg16 : memref<48x128xf32, #tpu.memory_space<vmem>>) offsets(%arg12 : memref<48xi32, #tpu.memory_space<vmem>>) semaphore(%arg22 : memref<!tpu.dma_semaphore, #tpu.memory_space<semaphore_mem>>)
      %dma_wait3A_313 = arith.constant 0 : i32
      %dma_wait3A_314 = arith.constant 0 : i32
      %dma_wait3A_315 = tpu.memref_slice %arg7[%dma_wait3A_313, %dma_wait3A_314] : memref<20000x256xi32, #tpu.memory_space<hbm>> -> memref<20000x256xi32, #tpu.memory_space<hbm>>
      tpu.wait_indirect_dma semaphore(%arg21 : memref<!tpu.dma_semaphore, #tpu.memory_space<semaphore_mem>>) src(%dma_wait3A_315 : memref<20000x256xi32, #tpu.memory_space<hbm>>) dst(%arg14 : memref<48x256xi32, #tpu.memory_space<vmem>>)
      %dma_wait3A_316 = arith.constant 0 : i32
      %dma_wait3A_317 = arith.constant 0 : i32
      %dma_wait3A_318 = tpu.memref_slice %arg8[%dma_wait3A_316, %dma_wait3A_317] : memref<1280x128xf32, #tpu.memory_space<hbm>> -> memref<1280x128xf32, #tpu.memory_space<hbm>>
      tpu.wait_indirect_dma semaphore(%arg22 : memref<!tpu.dma_semaphore, #tpu.memory_space<semaphore_mem>>) src(%dma_wait3A_318 : memref<1280x128xf32, #tpu.memory_space<hbm>>) dst(%arg16 : memref<48x128xf32, #tpu.memory_space<vmem>>)
      %scan3A_319 = arith.constant 0 : i32
      %scan3A_320 = arith.constant 0 : i32
      %scan3A_321 = arith.constant 48 : i32
      %scan3A_322 = arith.addi %scan3A_320, %scan3A_321 : i32
      %scan3A_323 = arith.constant 1 : i32
      %scan3A_324 = scf.for %scan3A_327 = %scan3A_320 to %scan3A_322 step %scan3A_323 iter_args(%scan3A_328 = %scan3A_319) -> (i32)  : i32 {
        %broadcast_in_dim3A_329 = arith.constant 0 : i32
        %broadcast_in_dim3A_330 = vector.broadcast %broadcast_in_dim3A_329 : i32 to vector<16xi32>
        %add3A_331 = vector.broadcast %scan3A_327 : i32 to vector<16xi32>
        %add3A_332 = arith.addi %broadcast_in_dim3A_330, %add3A_331 : vector<16xi32>
        %gather3A = tpu.vector_load_idx %arg11[%add3A_332] : memref<48xi32, #tpu.memory_space<vmem>>[vector<16xi32>], vector<16xi32>,
        %and3A = arith.constant 7 : i32
        %and3A_333 = vector.broadcast %and3A : i32 to vector<16xi32>
        %and3A_334 = arith.andi %gather3A, %and3A_333 : vector<16xi32>
        %mul3A_335 = arith.constant 16 : i32
        %mul3A_336 = vector.broadcast %mul3A_335 : i32 to vector<16xi32>
        %mul3A_337 = arith.muli %and3A_334, %mul3A_336 : vector<16xi32>
        %add3A_338 = arith.addi %mul3A_337, %iota3A : vector<16xi32>
        %gather3A_339 = tpu.vector_load_idx %arg16[%add3A_332, %add3A_338] : memref<48x128xf32, #tpu.memory_space<vmem>>[vector<16xi32>, vector<16xi32>], vector<16xf32>,
        %get3A = arith.index_cast %scan3A_327 : i32 to index
        %get3A_340 = arith.constant 0 : index
        %get3A_341 = tpu.vector_load %arg15[%get3A, %get3A_340] {strides = array<i32>} : memref<48x16xf32, #tpu.memory_space<vmem>>, vector<16xf32>,
        %add3A_342 = arith.constant 1.000000e-16 : f32
        %add3A_343 = vector.broadcast %add3A_342 : f32 to vector<16xf32>
        %add3A_344 = arith.addf %gather3A_339, %add3A_343 : vector<16xf32>
        %div3A = arith.divf %get3A_341, %add3A_344 : vector<16xf32>
        %mul3A_345 = arith.constant 1.250000e-01 : f32
        %mul3A_346 = vector.broadcast %mul3A_345 : f32 to vector<16xf32>
        %mul3A_347 = arith.mulf %div3A, %mul3A_346 : vector<16xf32>
        %broadcast_in_dim3A_348 = arith.constant 0 : i32
        %broadcast_in_dim3A_349 = vector.broadcast %broadcast_in_dim3A_348 : i32 to vector<16xi32>
        %lt3A = arith.constant 0 : i32
        %lt3A_350 = vector.broadcast %lt3A : i32 to vector<16xi32>
        %lt3A_351 = arith.cmpi slt, %broadcast_in_dim3A_349, %lt3A_350 : vector<16xi32>
        %add3A_352 = arith.constant 16 : i32
        %add3A_353 = vector.broadcast %add3A_352 : i32 to vector<16xi32>
        %add3A_354 = arith.addi %broadcast_in_dim3A_349, %add3A_353 : vector<16xi32>
        %select_n3A = arith.select %lt3A_351, %add3A_354, %broadcast_in_dim3A_349 : vector<16xi1>, vector<16xi32>
        %broadcast_in_dim3A_355 = vector.shape_cast %select_n3A : vector<16xi32> to vector<16x1xi32>
        %gather3A_356 = vector.shape_cast %broadcast_in_dim3A_355 : vector<16x1xi32> to vector<16xi32>
        %gather3A_357 = tpu.dynamic_gather %mul3A_347[%gather3A_356] in [0] : vector<16xf32>, vector<16xi32> -> vector<16xf32>
        %broadcast_in_dim3A_358 = arith.constant 1 : i32
        %broadcast_in_dim3A_359 = vector.broadcast %broadcast_in_dim3A_358 : i32 to vector<16xi32>
        %lt3A_360 = arith.constant 0 : i32
        %lt3A_361 = vector.broadcast %lt3A_360 : i32 to vector<16xi32>
        %lt3A_362 = arith.cmpi slt, %broadcast_in_dim3A_359, %lt3A_361 : vector<16xi32>
        %add3A_363 = arith.constant 16 : i32
        %add3A_364 = vector.broadcast %add3A_363 : i32 to vector<16xi32>
        %add3A_365 = arith.addi %broadcast_in_dim3A_359, %add3A_364 : vector<16xi32>
        %select_n3A_366 = arith.select %lt3A_362, %add3A_365, %broadcast_in_dim3A_359 : vector<16xi1>, vector<16xi32>
        %broadcast_in_dim3A_367 = vector.shape_cast %select_n3A_366 : vector<16xi32> to vector<16x1xi32>
        %gather3A_368 = vector.shape_cast %broadcast_in_dim3A_367 : vector<16x1xi32> to vector<16xi32>
        %gather3A_369 = tpu.dynamic_gather %mul3A_347[%gather3A_368] in [0] : vector<16xf32>, vector<16xi32> -> vector<16xf32>
        %broadcast_in_dim3A_370 = arith.constant 2 : i32
        %broadcast_in_dim3A_371 = vector.broadcast %broadcast_in_dim3A_370 : i32 to vector<16xi32>
        %lt3A_372 = arith.constant 0 : i32
        %lt3A_373 = vector.broadcast %lt3A_372 : i32 to vector<16xi32>
        %lt3A_374 = arith.cmpi slt, %broadcast_in_dim3A_371, %lt3A_373 : vector<16xi32>
        %add3A_375 = arith.constant 16 : i32
        %add3A_376 = vector.broadcast %add3A_375 : i32 to vector<16xi32>
        %add3A_377 = arith.addi %broadcast_in_dim3A_371, %add3A_376 : vector<16xi32>
        %select_n3A_378 = arith.select %lt3A_374, %add3A_377, %broadcast_in_dim3A_371 : vector<16xi1>, vector<16xi32>
        %broadcast_in_dim3A_379 = vector.shape_cast %select_n3A_378 : vector<16xi32> to vector<16x1xi32>
        %gather3A_380 = vector.shape_cast %broadcast_in_dim3A_379 : vector<16x1xi32> to vector<16xi32>
        %gather3A_381 = tpu.dynamic_gather %mul3A_347[%gather3A_380] in [0] : vector<16xf32>, vector<16xi32> -> vector<16xf32>
        %broadcast_in_dim3A_382 = arith.constant 3 : i32
        %broadcast_in_dim3A_383 = vector.broadcast %broadcast_in_dim3A_382 : i32 to vector<16xi32>
        %lt3A_384 = arith.constant 0 : i32
        %lt3A_385 = vector.broadcast %lt3A_384 : i32 to vector<16xi32>
        %lt3A_386 = arith.cmpi slt, %broadcast_in_dim3A_383, %lt3A_385 : vector<16xi32>
        %add3A_387 = arith.constant 16 : i32
        %add3A_388 = vector.broadcast %add3A_387 : i32 to vector<16xi32>
        %add3A_389 = arith.addi %broadcast_in_dim3A_383, %add3A_388 : vector<16xi32>
        %select_n3A_390 = arith.select %lt3A_386, %add3A_389, %broadcast_in_dim3A_383 : vector<16xi1>, vector<16xi32>
        %broadcast_in_dim3A_391 = vector.shape_cast %select_n3A_390 : vector<16xi32> to vector<16x1xi32>
        %gather3A_392 = vector.shape_cast %broadcast_in_dim3A_391 : vector<16x1xi32> to vector<16xi32>
        %gather3A_393 = tpu.dynamic_gather %mul3A_347[%gather3A_392] in [0] : vector<16xf32>, vector<16xi32> -> vector<16xf32>
        %broadcast_in_dim3A_394 = arith.constant 4 : i32
        %broadcast_in_dim3A_395 = vector.broadcast %broadcast_in_dim3A_394 : i32 to vector<16xi32>
        %lt3A_396 = arith.constant 0 : i32
        %lt3A_397 = vector.broadcast %lt3A_396 : i32 to vector<16xi32>
        %lt3A_398 = arith.cmpi slt, %broadcast_in_dim3A_395, %lt3A_397 : vector<16xi32>
        %add3A_399 = arith.constant 16 : i32
        %add3A_400 = vector.broadcast %add3A_399 : i32 to vector<16xi32>
        %add3A_401 = arith.addi %broadcast_in_dim3A_395, %add3A_400 : vector<16xi32>
        %select_n3A_402 = arith.select %lt3A_398, %add3A_401, %broadcast_in_dim3A_395 : vector<16xi1>, vector<16xi32>
        %broadcast_in_dim3A_403 = vector.shape_cast %select_n3A_402 : vector<16xi32> to vector<16x1xi32>
        %gather3A_404 = vector.shape_cast %broadcast_in_dim3A_403 : vector<16x1xi32> to vector<16xi32>
        %gather3A_405 = tpu.dynamic_gather %mul3A_347[%gather3A_404] in [0] : vector<16xf32>, vector<16xi32> -> vector<16xf32>
        %broadcast_in_dim3A_406 = arith.constant 5 : i32
        %broadcast_in_dim3A_407 = vector.broadcast %broadcast_in_dim3A_406 : i32 to vector<16xi32>
        %lt3A_408 = arith.constant 0 : i32
        %lt3A_409 = vector.broadcast %lt3A_408 : i32 to vector<16xi32>
        %lt3A_410 = arith.cmpi slt, %broadcast_in_dim3A_407, %lt3A_409 : vector<16xi32>
        %add3A_411 = arith.constant 16 : i32
        %add3A_412 = vector.broadcast %add3A_411 : i32 to vector<16xi32>
        %add3A_413 = arith.addi %broadcast_in_dim3A_407, %add3A_412 : vector<16xi32>
        %select_n3A_414 = arith.select %lt3A_410, %add3A_413, %broadcast_in_dim3A_407 : vector<16xi1>, vector<16xi32>
        %broadcast_in_dim3A_415 = vector.shape_cast %select_n3A_414 : vector<16xi32> to vector<16x1xi32>
        %gather3A_416 = vector.shape_cast %broadcast_in_dim3A_415 : vector<16x1xi32> to vector<16xi32>
        %gather3A_417 = tpu.dynamic_gather %mul3A_347[%gather3A_416] in [0] : vector<16xf32>, vector<16xi32> -> vector<16xf32>
        %broadcast_in_dim3A_418 = arith.constant 6 : i32
        %broadcast_in_dim3A_419 = vector.broadcast %broadcast_in_dim3A_418 : i32 to vector<16xi32>
        %lt3A_420 = arith.constant 0 : i32
        %lt3A_421 = vector.broadcast %lt3A_420 : i32 to vector<16xi32>
        %lt3A_422 = arith.cmpi slt, %broadcast_in_dim3A_419, %lt3A_421 : vector<16xi32>
        %add3A_423 = arith.constant 16 : i32
        %add3A_424 = vector.broadcast %add3A_423 : i32 to vector<16xi32>
        %add3A_425 = arith.addi %broadcast_in_dim3A_419, %add3A_424 : vector<16xi32>
        %select_n3A_426 = arith.select %lt3A_422, %add3A_425, %broadcast_in_dim3A_419 : vector<16xi1>, vector<16xi32>
        %broadcast_in_dim3A_427 = vector.shape_cast %select_n3A_426 : vector<16xi32> to vector<16x1xi32>
        %gather3A_428 = vector.shape_cast %broadcast_in_dim3A_427 : vector<16x1xi32> to vector<16xi32>
        %gather3A_429 = tpu.dynamic_gather %mul3A_347[%gather3A_428] in [0] : vector<16xf32>, vector<16xi32> -> vector<16xf32>
        %broadcast_in_dim3A_430 = arith.constant 7 : i32
        %broadcast_in_dim3A_431 = vector.broadcast %broadcast_in_dim3A_430 : i32 to vector<16xi32>
        %lt3A_432 = arith.constant 0 : i32
        %lt3A_433 = vector.broadcast %lt3A_432 : i32 to vector<16xi32>
        %lt3A_434 = arith.cmpi slt, %broadcast_in_dim3A_431, %lt3A_433 : vector<16xi32>
        %add3A_435 = arith.constant 16 : i32
        %add3A_436 = vector.broadcast %add3A_435 : i32 to vector<16xi32>
        %add3A_437 = arith.addi %broadcast_in_dim3A_431, %add3A_436 : vector<16xi32>
        %select_n3A_438 = arith.select %lt3A_434, %add3A_437, %broadcast_in_dim3A_431 : vector<16xi1>, vector<16xi32>
        %broadcast_in_dim3A_439 = vector.shape_cast %select_n3A_438 : vector<16xi32> to vector<16x1xi32>
        %gather3A_440 = vector.shape_cast %broadcast_in_dim3A_439 : vector<16x1xi32> to vector<16xi32>
        %gather3A_441 = tpu.dynamic_gather %mul3A_347[%gather3A_440] in [0] : vector<16xf32>, vector<16xi32> -> vector<16xf32>
        %and3A_442 = arith.constant 1 : i32
        %and3A_443 = vector.broadcast %and3A_442 : i32 to vector<16xi32>
        %and3A_444 = arith.andi %gather3A, %and3A_443 : vector<16xi32>
        %mul3A_445 = arith.constant 64 : i32
        %mul3A_446 = vector.broadcast %mul3A_445 : i32 to vector<16xi32>
        %mul3A_447 = arith.muli %and3A_444, %mul3A_446 : vector<16xi32>
        %add3A_448 = arith.addi %mul3A_447, %iota3A : vector<16xi32>
        %and3A_449 = arith.constant 1 : i32
        %and3A_450 = vector.broadcast %and3A_449 : i32 to vector<16xi32>
        %and3A_451 = arith.andi %gather3A, %and3A_450 : vector<16xi32>
        %sub3A = arith.constant 1 : i32
        %sub3A_452 = vector.broadcast %sub3A : i32 to vector<16xi32>
        %sub3A_453 = arith.subi %sub3A_452, %and3A_451 : vector<16xi32>
        %mul3A_454 = arith.constant 64 : i32
        %mul3A_455 = vector.broadcast %mul3A_454 : i32 to vector<16xi32>
        %mul3A_456 = arith.muli %sub3A_453, %mul3A_455 : vector<16xi32>
        %add3A_457 = arith.addi %mul3A_456, %iota3A : vector<16xi32>
        %broadcast_in_dim3A_458 = arith.constant -65536 : i32
        %broadcast_in_dim3A_459 = vector.broadcast %broadcast_in_dim3A_458 : i32 to vector<16xi32>
        %broadcast_in_dim3A_460 = arith.constant 0.000000e+00 : f32
        %broadcast_in_dim3A_461 = vector.broadcast %broadcast_in_dim3A_460 : f32 to vector<16xf32>
        %broadcast_in_dim3A_462 = arith.constant 0.000000e+00 : f32
        %broadcast_in_dim3A_463 = vector.broadcast %broadcast_in_dim3A_462 : f32 to vector<16xf32>
        %get3A_464 = arith.index_cast %scan3A_327 : i32 to index
        %get3A_465 = arith.constant 0 : index
        %get3A_466 = tpu.vector_load %arg14[%get3A_464, %get3A_465] {strides = array<i32>} : memref<48x256xi32, #tpu.memory_space<vmem>>, vector<16xi32>,
        %shift_left3A = arith.constant 16 : i32
        %shift_left3A_467 = vector.broadcast %shift_left3A : i32 to vector<16xi32>
        %shift_left3A_468 = arith.shli %get3A_466, %shift_left3A_467 : vector<16xi32>
        %bitcast3A = vector.bitcast %shift_left3A_468 : vector<16xi32> to vector<16xf32>
        %mul3A_469 = arith.mulf %gather3A_357, %bitcast3A : vector<16xf32>
        %add3A_470 = arith.addf %broadcast_in_dim3A_461, %mul3A_469 : vector<16xf32>
        %and3A_471 = arith.andi %get3A_466, %broadcast_in_dim3A_459 : vector<16xi32>
        %bitcast3A_472 = vector.bitcast %and3A_471 : vector<16xi32> to vector<16xf32>
        %mul3A_473 = arith.mulf %gather3A_357, %bitcast3A_472 : vector<16xf32>
        %add3A_474 = arith.addf %broadcast_in_dim3A_463, %mul3A_473 : vector<16xf32>
        %get3A_475 = arith.index_cast %scan3A_327 : i32 to index
        %get3A_476 = arith.constant 32 : index
        %get3A_477 = tpu.vector_load %arg14[%get3A_475, %get3A_476] {strides = array<i32>} : memref<48x256xi32, #tpu.memory_space<vmem>>, vector<16xi32>,
        %shift_left3A_478 = arith.constant 16 : i32
        %shift_left3A_479 = vector.broadcast %shift_left3A_478 : i32 to vector<16xi32>
        %shift_left3A_480 = arith.shli %get3A_477, %shift_left3A_479 : vector<16xi32>
        %bitcast3A_481 = vector.bitcast %shift_left3A_480 : vector<16xi32> to vector<16xf32>
        %mul3A_482 = arith.mulf %gather3A_369, %bitcast3A_481 : vector<16xf32>
        %add3A_483 = arith.addf %add3A_470, %mul3A_482 : vector<16xf32>
        %and3A_484 = arith.andi %get3A_477, %broadcast_in_dim3A_459 : vector<16xi32>
        %bitcast3A_485 = vector.bitcast %and3A_484 : vector<16xi32> to vector<16xf32>
        %mul3A_486 = arith.mulf %gather3A_369, %bitcast3A_485 : vector<16xf32>
        %add3A_487 = arith.addf %add3A_474, %mul3A_486 : vector<16xf32>
        %get3A_488 = arith.index_cast %scan3A_327 : i32 to index
        %get3A_489 = arith.constant 64 : index
        %get3A_490 = tpu.vector_load %arg14[%get3A_488, %get3A_489] {strides = array<i32>} : memref<48x256xi32, #tpu.memory_space<vmem>>, vector<16xi32>,
        %shift_left3A_491 = arith.constant 16 : i32
        %shift_left3A_492 = vector.broadcast %shift_left3A_491 : i32 to vector<16xi32>
        %shift_left3A_493 = arith.shli %get3A_490, %shift_left3A_492 : vector<16xi32>
        %bitcast3A_494 = vector.bitcast %shift_left3A_493 : vector<16xi32> to vector<16xf32>
        %mul3A_495 = arith.mulf %gather3A_381, %bitcast3A_494 : vector<16xf32>
        %add3A_496 = arith.addf %add3A_483, %mul3A_495 : vector<16xf32>
        %and3A_497 = arith.andi %get3A_490, %broadcast_in_dim3A_459 : vector<16xi32>
        %bitcast3A_498 = vector.bitcast %and3A_497 : vector<16xi32> to vector<16xf32>
        %mul3A_499 = arith.mulf %gather3A_381, %bitcast3A_498 : vector<16xf32>
        %add3A_500 = arith.addf %add3A_487, %mul3A_499 : vector<16xf32>
        %get3A_501 = arith.index_cast %scan3A_327 : i32 to index
        %get3A_502 = arith.constant 96 : index
        %get3A_503 = tpu.vector_load %arg14[%get3A_501, %get3A_502] {strides = array<i32>} : memref<48x256xi32, #tpu.memory_space<vmem>>, vector<16xi32>,
        %shift_left3A_504 = arith.constant 16 : i32
        %shift_left3A_505 = vector.broadcast %shift_left3A_504 : i32 to vector<16xi32>
        %shift_left3A_506 = arith.shli %get3A_503, %shift_left3A_505 : vector<16xi32>
        %bitcast3A_507 = vector.bitcast %shift_left3A_506 : vector<16xi32> to vector<16xf32>
        %mul3A_508 = arith.mulf %gather3A_393, %bitcast3A_507 : vector<16xf32>
        %add3A_509 = arith.addf %add3A_496, %mul3A_508 : vector<16xf32>
        %and3A_510 = arith.andi %get3A_503, %broadcast_in_dim3A_459 : vector<16xi32>
        %bitcast3A_511 = vector.bitcast %and3A_510 : vector<16xi32> to vector<16xf32>
        %mul3A_512 = arith.mulf %gather3A_393, %bitcast3A_511 : vector<16xf32>
        %add3A_513 = arith.addf %add3A_500, %mul3A_512 : vector<16xf32>
        %get3A_514 = arith.index_cast %scan3A_327 : i32 to index
        %get3A_515 = arith.constant 128 : index
        %get3A_516 = tpu.vector_load %arg14[%get3A_514, %get3A_515] {strides = array<i32>} : memref<48x256xi32, #tpu.memory_space<vmem>>, vector<16xi32>,
        %shift_left3A_517 = arith.constant 16 : i32
        %shift_left3A_518 = vector.broadcast %shift_left3A_517 : i32 to vector<16xi32>
        %shift_left3A_519 = arith.shli %get3A_516, %shift_left3A_518 : vector<16xi32>
        %bitcast3A_520 = vector.bitcast %shift_left3A_519 : vector<16xi32> to vector<16xf32>
        %mul3A_521 = arith.mulf %gather3A_405, %bitcast3A_520 : vector<16xf32>
        %add3A_522 = arith.addf %add3A_509, %mul3A_521 : vector<16xf32>
        %and3A_523 = arith.andi %get3A_516, %broadcast_in_dim3A_459 : vector<16xi32>
        %bitcast3A_524 = vector.bitcast %and3A_523 : vector<16xi32> to vector<16xf32>
        %mul3A_525 = arith.mulf %gather3A_405, %bitcast3A_524 : vector<16xf32>
        %add3A_526 = arith.addf %add3A_513, %mul3A_525 : vector<16xf32>
        %get3A_527 = arith.index_cast %scan3A_327 : i32 to index
        %get3A_528 = arith.constant 160 : index
        %get3A_529 = tpu.vector_load %arg14[%get3A_527, %get3A_528] {strides = array<i32>} : memref<48x256xi32, #tpu.memory_space<vmem>>, vector<16xi32>,
        %shift_left3A_530 = arith.constant 16 : i32
        %shift_left3A_531 = vector.broadcast %shift_left3A_530 : i32 to vector<16xi32>
        %shift_left3A_532 = arith.shli %get3A_529, %shift_left3A_531 : vector<16xi32>
        %bitcast3A_533 = vector.bitcast %shift_left3A_532 : vector<16xi32> to vector<16xf32>
        %mul3A_534 = arith.mulf %gather3A_417, %bitcast3A_533 : vector<16xf32>
        %add3A_535 = arith.addf %add3A_522, %mul3A_534 : vector<16xf32>
        %and3A_536 = arith.andi %get3A_529, %broadcast_in_dim3A_459 : vector<16xi32>
        %bitcast3A_537 = vector.bitcast %and3A_536 : vector<16xi32> to vector<16xf32>
        %mul3A_538 = arith.mulf %gather3A_417, %bitcast3A_537 : vector<16xf32>
        %add3A_539 = arith.addf %add3A_526, %mul3A_538 : vector<16xf32>
        %get3A_540 = arith.index_cast %scan3A_327 : i32 to index
        %get3A_541 = arith.constant 192 : index
        %get3A_542 = tpu.vector_load %arg14[%get3A_540, %get3A_541] {strides = array<i32>} : memref<48x256xi32, #tpu.memory_space<vmem>>, vector<16xi32>,
        %shift_left3A_543 = arith.constant 16 : i32
        %shift_left3A_544 = vector.broadcast %shift_left3A_543 : i32 to vector<16xi32>
        %shift_left3A_545 = arith.shli %get3A_542, %shift_left3A_544 : vector<16xi32>
        %bitcast3A_546 = vector.bitcast %shift_left3A_545 : vector<16xi32> to vector<16xf32>
        %mul3A_547 = arith.mulf %gather3A_429, %bitcast3A_546 : vector<16xf32>
        %add3A_548 = arith.addf %add3A_535, %mul3A_547 : vector<16xf32>
        %and3A_549 = arith.andi %get3A_542, %broadcast_in_dim3A_459 : vector<16xi32>
        %bitcast3A_550 = vector.bitcast %and3A_549 : vector<16xi32> to vector<16xf32>
        %mul3A_551 = arith.mulf %gather3A_429, %bitcast3A_550 : vector<16xf32>
        %add3A_552 = arith.addf %add3A_539, %mul3A_551 : vector<16xf32>
        %get3A_553 = arith.index_cast %scan3A_327 : i32 to index
        %get3A_554 = arith.constant 224 : index
        %get3A_555 = tpu.vector_load %arg14[%get3A_553, %get3A_554] {strides = array<i32>} : memref<48x256xi32, #tpu.memory_space<vmem>>, vector<16xi32>,
        %shift_left3A_556 = arith.constant 16 : i32
        %shift_left3A_557 = vector.broadcast %shift_left3A_556 : i32 to vector<16xi32>
        %shift_left3A_558 = arith.shli %get3A_555, %shift_left3A_557 : vector<16xi32>
        %bitcast3A_559 = vector.bitcast %shift_left3A_558 : vector<16xi32> to vector<16xf32>
        %mul3A_560 = arith.mulf %gather3A_441, %bitcast3A_559 : vector<16xf32>
        %add3A_561 = arith.addf %add3A_548, %mul3A_560 : vector<16xf32>
        %and3A_562 = arith.andi %get3A_555, %broadcast_in_dim3A_459 : vector<16xi32>
        %bitcast3A_563 = vector.bitcast %and3A_562 : vector<16xi32> to vector<16xf32>
        %mul3A_564 = arith.mulf %gather3A_441, %bitcast3A_563 : vector<16xf32>
        %add3A_565 = arith.addf %add3A_552, %mul3A_564 : vector<16xf32>
        %add3A_566 = arith.constant 0 : i32
        %add3A_567 = vector.broadcast %add3A_566 : i32 to vector<16xi32>
        %add3A_568 = arith.addi %add3A_448, %add3A_567 : vector<16xi32>
        tpu.vector_store_idx %arg17[%add3A_332, %add3A_568], %add3A_561 : memref<48x128xf32, #tpu.memory_space<vmem>>[vector<16xi32>, vector<16xi32>], vector<16xf32>,
        %add3A_569 = arith.constant 0 : i32
        %add3A_570 = vector.broadcast %add3A_569 : i32 to vector<16xi32>
        %add3A_571 = arith.addi %add3A_448, %add3A_570 : vector<16xi32>
        %add3A_572 = arith.constant 16 : i32
        %add3A_573 = vector.broadcast %add3A_572 : i32 to vector<16xi32>
        %add3A_574 = arith.addi %add3A_571, %add3A_573 : vector<16xi32>
        tpu.vector_store_idx %arg17[%add3A_332, %add3A_574], %add3A_565 : memref<48x128xf32, #tpu.memory_space<vmem>>[vector<16xi32>, vector<16xi32>], vector<16xf32>,
        %add3A_575 = arith.constant 0 : i32
        %add3A_576 = vector.broadcast %add3A_575 : i32 to vector<16xi32>
        %add3A_577 = arith.addi %add3A_457, %add3A_576 : vector<16xi32>
        tpu.vector_store_idx %arg17[%add3A_332, %add3A_577], %broadcast_in_dim3A_1 : memref<48x128xf32, #tpu.memory_space<vmem>>[vector<16xi32>, vector<16xi32>], vector<16xf32>,
        %add3A_578 = arith.constant 0 : i32
        %add3A_579 = vector.broadcast %add3A_578 : i32 to vector<16xi32>
        %add3A_580 = arith.addi %add3A_457, %add3A_579 : vector<16xi32>
        %add3A_581 = arith.constant 16 : i32
        %add3A_582 = vector.broadcast %add3A_581 : i32 to vector<16xi32>
        %add3A_583 = arith.addi %add3A_580, %add3A_582 : vector<16xi32>
        tpu.vector_store_idx %arg17[%add3A_332, %add3A_583], %broadcast_in_dim3A_1 : memref<48x128xf32, #tpu.memory_space<vmem>>[vector<16xi32>, vector<16xi32>], vector<16xf32>,
        %broadcast_in_dim3A_584 = arith.constant 0.000000e+00 : f32
        %broadcast_in_dim3A_585 = vector.broadcast %broadcast_in_dim3A_584 : f32 to vector<16xf32>
        %broadcast_in_dim3A_586 = arith.constant 0.000000e+00 : f32
        %broadcast_in_dim3A_587 = vector.broadcast %broadcast_in_dim3A_586 : f32 to vector<16xf32>
        %get3A_588 = arith.index_cast %scan3A_327 : i32 to index
        %get3A_589 = arith.constant 16 : index
        %get3A_590 = tpu.vector_load %arg14[%get3A_588, %get3A_589] {strides = array<i32>} : memref<48x256xi32, #tpu.memory_space<vmem>>, vector<16xi32>,
        %shift_left3A_591 = arith.constant 16 : i32
        %shift_left3A_592 = vector.broadcast %shift_left3A_591 : i32 to vector<16xi32>
        %shift_left3A_593 = arith.shli %get3A_590, %shift_left3A_592 : vector<16xi32>
        %bitcast3A_594 = vector.bitcast %shift_left3A_593 : vector<16xi32> to vector<16xf32>
        %mul3A_595 = arith.mulf %gather3A_357, %bitcast3A_594 : vector<16xf32>
        %add3A_596 = arith.addf %broadcast_in_dim3A_585, %mul3A_595 : vector<16xf32>
        %and3A_597 = arith.andi %get3A_590, %broadcast_in_dim3A_459 : vector<16xi32>
        %bitcast3A_598 = vector.bitcast %and3A_597 : vector<16xi32> to vector<16xf32>
        %mul3A_599 = arith.mulf %gather3A_357, %bitcast3A_598 : vector<16xf32>
        %add3A_600 = arith.addf %broadcast_in_dim3A_587, %mul3A_599 : vector<16xf32>
        %get3A_601 = arith.index_cast %scan3A_327 : i32 to index
        %get3A_602 = arith.constant 48 : index
        %get3A_603 = tpu.vector_load %arg14[%get3A_601, %get3A_602] {strides = array<i32>} : memref<48x256xi32, #tpu.memory_space<vmem>>, vector<16xi32>,
        %shift_left3A_604 = arith.constant 16 : i32
        %shift_left3A_605 = vector.broadcast %shift_left3A_604 : i32 to vector<16xi32>
        %shift_left3A_606 = arith.shli %get3A_603, %shift_left3A_605 : vector<16xi32>
        %bitcast3A_607 = vector.bitcast %shift_left3A_606 : vector<16xi32> to vector<16xf32>
        %mul3A_608 = arith.mulf %gather3A_369, %bitcast3A_607 : vector<16xf32>
        %add3A_609 = arith.addf %add3A_596, %mul3A_608 : vector<16xf32>
        %and3A_610 = arith.andi %get3A_603, %broadcast_in_dim3A_459 : vector<16xi32>
        %bitcast3A_611 = vector.bitcast %and3A_610 : vector<16xi32> to vector<16xf32>
        %mul3A_612 = arith.mulf %gather3A_369, %bitcast3A_611 : vector<16xf32>
        %add3A_613 = arith.addf %add3A_600, %mul3A_612 : vector<16xf32>
        %get3A_614 = arith.index_cast %scan3A_327 : i32 to index
        %get3A_615 = arith.constant 80 : index
        %get3A_616 = tpu.vector_load %arg14[%get3A_614, %get3A_615] {strides = array<i32>} : memref<48x256xi32, #tpu.memory_space<vmem>>, vector<16xi32>,
        %shift_left3A_617 = arith.constant 16 : i32
        %shift_left3A_618 = vector.broadcast %shift_left3A_617 : i32 to vector<16xi32>
        %shift_left3A_619 = arith.shli %get3A_616, %shift_left3A_618 : vector<16xi32>
        %bitcast3A_620 = vector.bitcast %shift_left3A_619 : vector<16xi32> to vector<16xf32>
        %mul3A_621 = arith.mulf %gather3A_381, %bitcast3A_620 : vector<16xf32>
        %add3A_622 = arith.addf %add3A_609, %mul3A_621 : vector<16xf32>
        %and3A_623 = arith.andi %get3A_616, %broadcast_in_dim3A_459 : vector<16xi32>
        %bitcast3A_624 = vector.bitcast %and3A_623 : vector<16xi32> to vector<16xf32>
        %mul3A_625 = arith.mulf %gather3A_381, %bitcast3A_624 : vector<16xf32>
        %add3A_626 = arith.addf %add3A_613, %mul3A_625 : vector<16xf32>
        %get3A_627 = arith.index_cast %scan3A_327 : i32 to index
        %get3A_628 = arith.constant 112 : index
        %get3A_629 = tpu.vector_load %arg14[%get3A_627, %get3A_628] {strides = array<i32>} : memref<48x256xi32, #tpu.memory_space<vmem>>, vector<16xi32>,
        %shift_left3A_630 = arith.constant 16 : i32
        %shift_left3A_631 = vector.broadcast %shift_left3A_630 : i32 to vector<16xi32>
        %shift_left3A_632 = arith.shli %get3A_629, %shift_left3A_631 : vector<16xi32>
        %bitcast3A_633 = vector.bitcast %shift_left3A_632 : vector<16xi32> to vector<16xf32>
        %mul3A_634 = arith.mulf %gather3A_393, %bitcast3A_633 : vector<16xf32>
        %add3A_635 = arith.addf %add3A_622, %mul3A_634 : vector<16xf32>
        %and3A_636 = arith.andi %get3A_629, %broadcast_in_dim3A_459 : vector<16xi32>
        %bitcast3A_637 = vector.bitcast %and3A_636 : vector<16xi32> to vector<16xf32>
        %mul3A_638 = arith.mulf %gather3A_393, %bitcast3A_637 : vector<16xf32>
        %add3A_639 = arith.addf %add3A_626, %mul3A_638 : vector<16xf32>
        %get3A_640 = arith.index_cast %scan3A_327 : i32 to index
        %get3A_641 = arith.constant 144 : index
        %get3A_642 = tpu.vector_load %arg14[%get3A_640, %get3A_641] {strides = array<i32>} : memref<48x256xi32, #tpu.memory_space<vmem>>, vector<16xi32>,
        %shift_left3A_643 = arith.constant 16 : i32
        %shift_left3A_644 = vector.broadcast %shift_left3A_643 : i32 to vector<16xi32>
        %shift_left3A_645 = arith.shli %get3A_642, %shift_left3A_644 : vector<16xi32>
        %bitcast3A_646 = vector.bitcast %shift_left3A_645 : vector<16xi32> to vector<16xf32>
        %mul3A_647 = arith.mulf %gather3A_405, %bitcast3A_646 : vector<16xf32>
        %add3A_648 = arith.addf %add3A_635, %mul3A_647 : vector<16xf32>
        %and3A_649 = arith.andi %get3A_642, %broadcast_in_dim3A_459 : vector<16xi32>
        %bitcast3A_650 = vector.bitcast %and3A_649 : vector<16xi32> to vector<16xf32>
        %mul3A_651 = arith.mulf %gather3A_405, %bitcast3A_650 : vector<16xf32>
        %add3A_652 = arith.addf %add3A_639, %mul3A_651 : vector<16xf32>
        %get3A_653 = arith.index_cast %scan3A_327 : i32 to index
        %get3A_654 = arith.constant 176 : index
        %get3A_655 = tpu.vector_load %arg14[%get3A_653, %get3A_654] {strides = array<i32>} : memref<48x256xi32, #tpu.memory_space<vmem>>, vector<16xi32>,
        %shift_left3A_656 = arith.constant 16 : i32
        %shift_left3A_657 = vector.broadcast %shift_left3A_656 : i32 to vector<16xi32>
        %shift_left3A_658 = arith.shli %get3A_655, %shift_left3A_657 : vector<16xi32>
        %bitcast3A_659 = vector.bitcast %shift_left3A_658 : vector<16xi32> to vector<16xf32>
        %mul3A_660 = arith.mulf %gather3A_417, %bitcast3A_659 : vector<16xf32>
        %add3A_661 = arith.addf %add3A_648, %mul3A_660 : vector<16xf32>
        %and3A_662 = arith.andi %get3A_655, %broadcast_in_dim3A_459 : vector<16xi32>
        %bitcast3A_663 = vector.bitcast %and3A_662 : vector<16xi32> to vector<16xf32>
        %mul3A_664 = arith.mulf %gather3A_417, %bitcast3A_663 : vector<16xf32>
        %add3A_665 = arith.addf %add3A_652, %mul3A_664 : vector<16xf32>
        %get3A_666 = arith.index_cast %scan3A_327 : i32 to index
        %get3A_667 = arith.constant 208 : index
        %get3A_668 = tpu.vector_load %arg14[%get3A_666, %get3A_667] {strides = array<i32>} : memref<48x256xi32, #tpu.memory_space<vmem>>, vector<16xi32>,
        %shift_left3A_669 = arith.constant 16 : i32
        %shift_left3A_670 = vector.broadcast %shift_left3A_669 : i32 to vector<16xi32>
        %shift_left3A_671 = arith.shli %get3A_668, %shift_left3A_670 : vector<16xi32>
        %bitcast3A_672 = vector.bitcast %shift_left3A_671 : vector<16xi32> to vector<16xf32>
        %mul3A_673 = arith.mulf %gather3A_429, %bitcast3A_672 : vector<16xf32>
        %add3A_674 = arith.addf %add3A_661, %mul3A_673 : vector<16xf32>
        %and3A_675 = arith.andi %get3A_668, %broadcast_in_dim3A_459 : vector<16xi32>
        %bitcast3A_676 = vector.bitcast %and3A_675 : vector<16xi32> to vector<16xf32>
        %mul3A_677 = arith.mulf %gather3A_429, %bitcast3A_676 : vector<16xf32>
        %add3A_678 = arith.addf %add3A_665, %mul3A_677 : vector<16xf32>
        %get3A_679 = arith.index_cast %scan3A_327 : i32 to index
        %get3A_680 = arith.constant 240 : index
        %get3A_681 = tpu.vector_load %arg14[%get3A_679, %get3A_680] {strides = array<i32>} : memref<48x256xi32, #tpu.memory_space<vmem>>, vector<16xi32>,
        %shift_left3A_682 = arith.constant 16 : i32
        %shift_left3A_683 = vector.broadcast %shift_left3A_682 : i32 to vector<16xi32>
        %shift_left3A_684 = arith.shli %get3A_681, %shift_left3A_683 : vector<16xi32>
        %bitcast3A_685 = vector.bitcast %shift_left3A_684 : vector<16xi32> to vector<16xf32>
        %mul3A_686 = arith.mulf %gather3A_441, %bitcast3A_685 : vector<16xf32>
        %add3A_687 = arith.addf %add3A_674, %mul3A_686 : vector<16xf32>
        %and3A_688 = arith.andi %get3A_681, %broadcast_in_dim3A_459 : vector<16xi32>
        %bitcast3A_689 = vector.bitcast %and3A_688 : vector<16xi32> to vector<16xf32>
        %mul3A_690 = arith.mulf %gather3A_441, %bitcast3A_689 : vector<16xf32>
        %add3A_691 = arith.addf %add3A_678, %mul3A_690 : vector<16xf32>
        %add3A_692 = arith.constant 32 : i32
        %add3A_693 = vector.broadcast %add3A_692 : i32 to vector<16xi32>
        %add3A_694 = arith.addi %add3A_448, %add3A_693 : vector<16xi32>
        tpu.vector_store_idx %arg17[%add3A_332, %add3A_694], %add3A_687 : memref<48x128xf32, #tpu.memory_space<vmem>>[vector<16xi32>, vector<16xi32>], vector<16xf32>,
        %add3A_695 = arith.constant 32 : i32
        %add3A_696 = vector.broadcast %add3A_695 : i32 to vector<16xi32>
        %add3A_697 = arith.addi %add3A_448, %add3A_696 : vector<16xi32>
        %add3A_698 = arith.constant 16 : i32
        %add3A_699 = vector.broadcast %add3A_698 : i32 to vector<16xi32>
        %add3A_700 = arith.addi %add3A_697, %add3A_699 : vector<16xi32>
        tpu.vector_store_idx %arg17[%add3A_332, %add3A_700], %add3A_691 : memref<48x128xf32, #tpu.memory_space<vmem>>[vector<16xi32>, vector<16xi32>], vector<16xf32>,
        %add3A_701 = arith.constant 32 : i32
        %add3A_702 = vector.broadcast %add3A_701 : i32 to vector<16xi32>
        %add3A_703 = arith.addi %add3A_457, %add3A_702 : vector<16xi32>
        tpu.vector_store_idx %arg17[%add3A_332, %add3A_703], %broadcast_in_dim3A_1 : memref<48x128xf32, #tpu.memory_space<vmem>>[vector<16xi32>, vector<16xi32>], vector<16xf32>,
        %add3A_704 = arith.constant 32 : i32
        %add3A_705 = vector.broadcast %add3A_704 : i32 to vector<16xi32>
        %add3A_706 = arith.addi %add3A_457, %add3A_705 : vector<16xi32>
        %add3A_707 = arith.constant 16 : i32
        %add3A_708 = vector.broadcast %add3A_707 : i32 to vector<16xi32>
        %add3A_709 = arith.addi %add3A_706, %add3A_708 : vector<16xi32>
        tpu.vector_store_idx %arg17[%add3A_332, %add3A_709], %broadcast_in_dim3A_1 : memref<48x128xf32, #tpu.memory_space<vmem>>[vector<16xi32>, vector<16xi32>], vector<16xf32>,
        %scan3A_710 = arith.constant 0 : i32
        scf.yield %scan3A_710 : i32
      }
      %scan3A_325 = arith.constant 48 : i32
      "tpu.region"() ({
        %run_scoped3A = tpu.sem_alloc : memref<!tpu.dma_semaphore, #tpu.memory_space<semaphore_mem>>
        %dma_start3A_327 = arith.constant 0 : i32
        %dma_start3A_328 = arith.constant 0 : i32
        %dma_start3A_329 = tpu.memref_slice %arg19[%dma_start3A_327, %dma_start3A_328] : memref<5120x128xf32, #tpu.memory_space<vmem_shared>> -> memref<5120x128xf32, #tpu.memory_space<vmem_shared>>
        tpu.enqueue_indirect_dma source(%arg17 : memref<48x128xf32, #tpu.memory_space<vmem>>) target(%dma_start3A_329 : memref<5120x128xf32, #tpu.memory_space<vmem_shared>>) offsets(%arg13 : memref<48xi32, #tpu.memory_space<vmem>>) semaphore(%run_scoped3A : memref<!tpu.dma_semaphore, #tpu.memory_space<semaphore_mem>>) {add = true}
        %dma_wait3A_330 = arith.constant 0 : i32
        %dma_wait3A_331 = arith.constant 0 : i32
        %dma_wait3A_332 = tpu.memref_slice %arg19[%dma_wait3A_330, %dma_wait3A_331] : memref<5120x128xf32, #tpu.memory_space<vmem_shared>> -> memref<5120x128xf32, #tpu.memory_space<vmem_shared>>
        tpu.wait_indirect_dma semaphore(%run_scoped3A : memref<!tpu.dma_semaphore, #tpu.memory_space<semaphore_mem>>) src(%arg17 : memref<48x128xf32, #tpu.memory_space<vmem>>) dst(%dma_wait3A_332 : memref<5120x128xf32, #tpu.memory_space<vmem_shared>>)
        tpu.yield
      }) : () -> ()
      %scan3A_326 = arith.constant 0 : i32
      scf.yield %scan3A_326 : i32
    }
    %scan3A_271 = arith.constant 430 : i32
    %barrier3A_272 = arith.constant 0 : index
    tpu.barrier barrier_id(%barrier3A_272)
    %mul3A_273 = arith.constant 320 : i32
    %mul3A_274 = arith.muli %arg1, %mul3A_273 : i32
    %mul3A_275 = arith.constant 320 : i32
    %mul3A_276 = arith.muli %arg1, %mul3A_275 : i32
    "tpu.region"() ({
      %run_scoped3A = tpu.sem_alloc : memref<!tpu.dma_semaphore, #tpu.memory_space<semaphore_mem>>
      %dma_start3A = arith.constant 0 : i32
      %dma_start3A_277 = tpu.memref_slice %arg9[%arg0, %mul3A_276, %dma_start3A] : memref<2x5120x128xf32, #tpu.memory_space<hbm>> -> memref<1x320x128xf32, #tpu.memory_space<hbm>>
      %dma_start3A_278 = tpu.memref_squeeze %dma_start3A_277 : memref<1x320x128xf32, #tpu.memory_space<hbm>> -> memref<320x128xf32, #tpu.memory_space<hbm>>
      %dma_start3A_279 = arith.constant 0 : i32
      %dma_start3A_280 = tpu.memref_slice %arg19[%mul3A_274, %dma_start3A_279] : memref<5120x128xf32, #tpu.memory_space<vmem_shared>> -> memref<320x128xf32, #tpu.memory_space<vmem_shared>>
      tpu.enqueue_dma source(%dma_start3A_280 : memref<320x128xf32, #tpu.memory_space<vmem_shared>>) target(%dma_start3A_278 : memref<320x128xf32, #tpu.memory_space<hbm>>) target_semaphore(%run_scoped3A : memref<!tpu.dma_semaphore, #tpu.memory_space<semaphore_mem>>)
      %dma_wait3A = arith.constant 0 : i32
      %dma_wait3A_281 = tpu.memref_slice %arg9[%arg0, %mul3A_276, %dma_wait3A] : memref<2x5120x128xf32, #tpu.memory_space<hbm>> -> memref<1x320x128xf32, #tpu.memory_space<hbm>>
      %dma_wait3A_282 = tpu.memref_squeeze %dma_wait3A_281 : memref<1x320x128xf32, #tpu.memory_space<hbm>> -> memref<320x128xf32, #tpu.memory_space<hbm>>
      %dma_wait3A_283 = arith.constant 0 : i32
      %dma_wait3A_284 = tpu.memref_slice %arg19[%mul3A_274, %dma_wait3A_283] : memref<5120x128xf32, #tpu.memory_space<vmem_shared>> -> memref<320x128xf32, #tpu.memory_space<vmem_shared>>
      tpu.wait_dma2 semaphore(%run_scoped3A : memref<!tpu.dma_semaphore, #tpu.memory_space<semaphore_mem>>) src(%dma_wait3A_284 : memref<320x128xf32, #tpu.memory_space<vmem_shared>>) dst(%dma_wait3A_282 : memref<320x128xf32, #tpu.memory_space<hbm>>)
      tpu.yield
    }) : () -> ()
    return
  }
}

module attributes {stable_mosaic.version = 14 : i64} {
  func.func @_pre_body(%arg0: i32, %arg1: memref<1000x128xf32, #tpu.memory_space<vmem>>, %arg2: memref<128x1024xf32, #tpu.memory_space<vmem>>, %arg3: memref<1x1024xf32, #tpu.memory_space<vmem>>, %arg4: memref<128x1024xf32, #tpu.memory_space<vmem>>, %arg5: memref<1x1024xf32, #tpu.memory_space<vmem>>, %arg6: memref<1000x1024xf32, #tpu.memory_space<vmem>>, %arg7: memref<1000x1024xf32, #tpu.memory_space<vmem>>) attributes {dimension_semantics = [#tpu.dimension_semantics<arbitrary>], iteration_bounds = array<i64: 10>, scalar_prefetch = 0 : i64, scratch_operands = 0 : i64, tpu.core_type = #tpu.core_type<tc>, window_params = [{transform_indices = @transform_0, window_bounds = array<i64: 1000, 128>}, {pipeline_mode = #tpu.pipeline_mode<synchronous>, transform_indices = @transform_1, window_bounds = array<i64: 128, 1024>}, {pipeline_mode = #tpu.pipeline_mode<synchronous>, transform_indices = @transform_2, window_bounds = array<i64: 1, 1024>}, {pipeline_mode = #tpu.pipeline_mode<synchronous>, transform_indices = @transform_3, window_bounds = array<i64: 128, 1024>}, {pipeline_mode = #tpu.pipeline_mode<synchronous>, transform_indices = @transform_4, window_bounds = array<i64: 1, 1024>}, {transform_indices = @transform_5, window_bounds = array<i64: 1000, 1024>}, {transform_indices = @transform_6, window_bounds = array<i64: 1000, 1024>}]} {
    %get3A = arith.constant 0 : index
    %get3A_0 = arith.constant 0 : index
    %get3A_1 = vector.load %arg1[%get3A, %get3A_0] : memref<1000x128xf32, #tpu.memory_space<vmem>>, vector<1000x128xf32>
    %get3A_2 = arith.constant 0 : index
    %get3A_3 = arith.constant 0 : index
    %get3A_4 = vector.load %arg2[%get3A_2, %get3A_3] : memref<128x1024xf32, #tpu.memory_space<vmem>>, vector<128x1024xf32>
    %dot_general3A = arith.constant dense<0.000000e+00> : vector<1000x1024xf32>
    %dot_general3A_5 = tpu.matmul %get3A_1, %get3A_4, %dot_general3A {dimension_numbers = #tpu.dot_dimension_numbers<[1], [0], [0], [1], [0, 0, 1, 1], [], []>, transpose_lhs_hint = false} : vector<1000x128xf32>, vector<128x1024xf32>, vector<1000x1024xf32> -> vector<1000x1024xf32>
    %get3A_6 = arith.constant 0 : index
    %get3A_7 = arith.constant 0 : index
    %get3A_8 = vector.load %arg3[%get3A_6, %get3A_7] : memref<1x1024xf32, #tpu.memory_space<vmem>>, vector<1x1024xf32>
    %add3A = vector.broadcast %get3A_8 : vector<1x1024xf32> to vector<1000x1024xf32>
    %add3A_9 = arith.addf %dot_general3A_5, %add3A : vector<1000x1024xf32>
    %swap3A = arith.constant 0 : index
    %swap3A_10 = arith.constant 0 : index
    %swap3A_11 = vector.load %arg6[%swap3A, %swap3A_10] : memref<1000x1024xf32, #tpu.memory_space<vmem>>, vector<1000x1024xf32>
    tpu.vector_store %arg6[%swap3A, %swap3A_10], %add3A_9 {strides = array<i32>} : memref<1000x1024xf32, #tpu.memory_space<vmem>>, vector<1000x1024xf32>,
    %get3A_12 = arith.constant 0 : index
    %get3A_13 = arith.constant 0 : index
    %get3A_14 = vector.load %arg4[%get3A_12, %get3A_13] : memref<128x1024xf32, #tpu.memory_space<vmem>>, vector<128x1024xf32>
    %dot_general3A_15 = arith.constant dense<0.000000e+00> : vector<1000x1024xf32>
    %dot_general3A_16 = tpu.matmul %get3A_1, %get3A_14, %dot_general3A_15 {dimension_numbers = #tpu.dot_dimension_numbers<[1], [0], [0], [1], [0, 0, 1, 1], [], []>, transpose_lhs_hint = false} : vector<1000x128xf32>, vector<128x1024xf32>, vector<1000x1024xf32> -> vector<1000x1024xf32>
    %get3A_17 = arith.constant 0 : index
    %get3A_18 = arith.constant 0 : index
    %get3A_19 = vector.load %arg5[%get3A_17, %get3A_18] : memref<1x1024xf32, #tpu.memory_space<vmem>>, vector<1x1024xf32>
    %add3A_20 = vector.broadcast %get3A_19 : vector<1x1024xf32> to vector<1000x1024xf32>
    %add3A_21 = arith.addf %dot_general3A_16, %add3A_20 : vector<1000x1024xf32>
    %swap3A_22 = arith.constant 0 : index
    %swap3A_23 = arith.constant 0 : index
    %swap3A_24 = vector.load %arg7[%swap3A_22, %swap3A_23] : memref<1000x1024xf32, #tpu.memory_space<vmem>>, vector<1000x1024xf32>
    tpu.vector_store %arg7[%swap3A_22, %swap3A_23], %add3A_21 {strides = array<i32>} : memref<1000x1024xf32, #tpu.memory_space<vmem>>, vector<1000x1024xf32>,
    return
  }
  func.func @transform_0(%arg0: i32) -> (i32, i32) {
    %c0_i32 = arith.constant 0 : i32
    %c0_i32_0 = arith.constant 0 : i32
    return %arg0, %c0_i32 : i32, i32
  }
  func.func @transform_1(%arg0: i32) -> (i32, i32) {
    %c0_i32 = arith.constant 0 : i32
    %c0_i32_0 = arith.constant 0 : i32
    %c0_i32_1 = arith.constant 0 : i32
    return %c0_i32, %c0_i32_0 : i32, i32
  }
  func.func @transform_2(%arg0: i32) -> (i32, i32) {
    %c0_i32 = arith.constant 0 : i32
    %c0_i32_0 = arith.constant 0 : i32
    %c0_i32_1 = arith.constant 0 : i32
    return %c0_i32, %c0_i32_0 : i32, i32
  }
  func.func @transform_3(%arg0: i32) -> (i32, i32) {
    %c0_i32 = arith.constant 0 : i32
    %c0_i32_0 = arith.constant 0 : i32
    %c0_i32_1 = arith.constant 0 : i32
    return %c0_i32, %c0_i32_0 : i32, i32
  }
  func.func @transform_4(%arg0: i32) -> (i32, i32) {
    %c0_i32 = arith.constant 0 : i32
    %c0_i32_0 = arith.constant 0 : i32
    %c0_i32_1 = arith.constant 0 : i32
    return %c0_i32, %c0_i32_0 : i32, i32
  }
  func.func @transform_5(%arg0: i32) -> (i32, i32) {
    %c0_i32 = arith.constant 0 : i32
    %c0_i32_0 = arith.constant 0 : i32
    return %arg0, %c0_i32 : i32, i32
  }
  func.func @transform_6(%arg0: i32) -> (i32, i32) {
    %c0_i32 = arith.constant 0 : i32
    %c0_i32_0 = arith.constant 0 : i32
    return %arg0, %c0_i32 : i32, i32
  }
}

module attributes {stable_mosaic.version = 14 : i64} {
  func.func @_post_body(%arg0: i32, %arg1: memref<1000x128xf32, #tpu.memory_space<vmem>>, %arg2: memref<1000x64xf32, #tpu.memory_space<vmem>>, %arg3: memref<1000x64xf32, #tpu.memory_space<vmem>>, %arg4: memref<10x128xf32, #tpu.memory_space<vmem>>, %arg5: memref<128x512xf32, #tpu.memory_space<vmem>>, %arg6: memref<1x512xf32, #tpu.memory_space<vmem>>, %arg7: memref<512x128xf32, #tpu.memory_space<vmem>>, %arg8: memref<1000x128xf32, #tpu.memory_space<vmem>>) attributes {dimension_semantics = [#tpu.dimension_semantics<arbitrary>], iteration_bounds = array<i64: 10>, scalar_prefetch = 0 : i64, scratch_operands = 0 : i64, tpu.core_type = #tpu.core_type<tc>, window_params = [{transform_indices = @transform_0, window_bounds = array<i64: 1000, 128>}, {transform_indices = @transform_1, window_bounds = array<i64: 1000, 64>}, {transform_indices = @transform_2, window_bounds = array<i64: 1000, 64>}, {pipeline_mode = #tpu.pipeline_mode<synchronous>, transform_indices = @transform_3, window_bounds = array<i64: 10, 128>}, {pipeline_mode = #tpu.pipeline_mode<synchronous>, transform_indices = @transform_4, window_bounds = array<i64: 128, 512>}, {pipeline_mode = #tpu.pipeline_mode<synchronous>, transform_indices = @transform_5, window_bounds = array<i64: 1, 512>}, {pipeline_mode = #tpu.pipeline_mode<synchronous>, transform_indices = @transform_6, window_bounds = array<i64: 512, 128>}, {transform_indices = @transform_7, window_bounds = array<i64: 1000, 128>}]} {
    %get3A = arith.constant 0 : index
    %get3A_0 = arith.constant 0 : index
    %get3A_1 = vector.load %arg4[%get3A, %get3A_0] : memref<10x128xf32, #tpu.memory_space<vmem>>, vector<1x128xf32>
    %get3A_2 = arith.constant 1 : index
    %get3A_3 = arith.constant 0 : index
    %get3A_4 = vector.load %arg4[%get3A_2, %get3A_3] : memref<10x128xf32, #tpu.memory_space<vmem>>, vector<1x128xf32>
    %get3A_5 = arith.constant 2 : index
    %get3A_6 = arith.constant 0 : index
    %get3A_7 = vector.load %arg4[%get3A_5, %get3A_6] : memref<10x128xf32, #tpu.memory_space<vmem>>, vector<1x128xf32>
    %get3A_8 = arith.constant 3 : index
    %get3A_9 = arith.constant 0 : index
    %get3A_10 = vector.load %arg4[%get3A_8, %get3A_9] : memref<10x128xf32, #tpu.memory_space<vmem>>, vector<1x128xf32>
    %get3A_11 = arith.constant 4 : index
    %get3A_12 = arith.constant 0 : index
    %get3A_13 = vector.load %arg4[%get3A_11, %get3A_12] : memref<10x128xf32, #tpu.memory_space<vmem>>, vector<1x128xf32>
    %get3A_14 = arith.constant 5 : index
    %get3A_15 = arith.constant 0 : index
    %get3A_16 = vector.load %arg4[%get3A_14, %get3A_15] : memref<10x128xf32, #tpu.memory_space<vmem>>, vector<1x128xf32>
    %get3A_17 = arith.constant 6 : index
    %get3A_18 = arith.constant 0 : index
    %get3A_19 = vector.load %arg4[%get3A_17, %get3A_18] : memref<10x128xf32, #tpu.memory_space<vmem>>, vector<1x128xf32>
    %get3A_20 = arith.constant 7 : index
    %get3A_21 = arith.constant 0 : index
    %get3A_22 = vector.load %arg4[%get3A_20, %get3A_21] : memref<10x128xf32, #tpu.memory_space<vmem>>, vector<1x128xf32>
    %get3A_23 = arith.constant 8 : index
    %get3A_24 = arith.constant 0 : index
    %get3A_25 = vector.load %arg4[%get3A_23, %get3A_24] : memref<10x128xf32, #tpu.memory_space<vmem>>, vector<1x128xf32>
    %get3A_26 = arith.constant 9 : index
    %get3A_27 = arith.constant 0 : index
    %get3A_28 = vector.load %arg4[%get3A_26, %get3A_27] : memref<10x128xf32, #tpu.memory_space<vmem>>, vector<1x128xf32>
    %get3A_29 = arith.constant 0 : index
    %get3A_30 = arith.constant 0 : index
    %get3A_31 = vector.load %arg2[%get3A_29, %get3A_30] : memref<1000x64xf32, #tpu.memory_space<vmem>>, vector<1000x64xf32>
    %get3A_32 = arith.constant 0 : index
    %get3A_33 = arith.constant 0 : index
    %get3A_34 = vector.load %arg3[%get3A_32, %get3A_33] : memref<1000x64xf32, #tpu.memory_space<vmem>>, vector<1000x64xf32>
    %concatenate3A = tpu.concatenate %get3A_31, %get3A_34 in 1 : vector<1000x64xf32>, vector<1000x64xf32> -> vector<1000x128xf32>
    %get3A_35 = arith.constant 0 : index
    %get3A_36 = arith.constant 0 : index
    %get3A_37 = vector.load %arg1[%get3A_35, %get3A_36] : memref<1000x128xf32, #tpu.memory_space<vmem>>, vector<1000x128xf32>
    %add3A = arith.addf %get3A_37, %concatenate3A : vector<1000x128xf32>
    %add3A_38 = vector.broadcast %get3A_1 : vector<1x128xf32> to vector<1000x128xf32>
    %add3A_39 = arith.addf %add3A, %add3A_38 : vector<1000x128xf32>
    %sub3A = vector.broadcast %get3A_10 : vector<1x128xf32> to vector<1000x128xf32>
    %sub3A_40 = arith.subf %add3A_39, %sub3A : vector<1000x128xf32>
    %add3A_41 = arith.constant 9.99999974E-6 : f32
    %add3A_42 = vector.broadcast %add3A_41 : f32 to vector<1x128xf32>
    %add3A_43 = arith.addf %get3A_13, %add3A_42 : vector<1x128xf32>
    %rsqrt3A = math.rsqrt %add3A_43 : vector<1x128xf32>
    %mul3A = vector.broadcast %rsqrt3A : vector<1x128xf32> to vector<1000x128xf32>
    %mul3A_44 = arith.mulf %sub3A_40, %mul3A : vector<1000x128xf32>
    %mul3A_45 = vector.broadcast %get3A_4 : vector<1x128xf32> to vector<1000x128xf32>
    %mul3A_46 = arith.mulf %mul3A_44, %mul3A_45 : vector<1000x128xf32>
    %add3A_47 = vector.broadcast %get3A_7 : vector<1x128xf32> to vector<1000x128xf32>
    %add3A_48 = arith.addf %mul3A_46, %add3A_47 : vector<1000x128xf32>
    %get3A_49 = arith.constant 0 : index
    %get3A_50 = arith.constant 0 : index
    %get3A_51 = vector.load %arg5[%get3A_49, %get3A_50] : memref<128x512xf32, #tpu.memory_space<vmem>>, vector<128x512xf32>
    %dot_general3A = arith.constant dense<0.000000e+00> : vector<1000x512xf32>
    %dot_general3A_52 = tpu.matmul %add3A_48, %get3A_51, %dot_general3A {dimension_numbers = #tpu.dot_dimension_numbers<[1], [0], [0], [1], [0, 0, 1, 1], [], []>, transpose_lhs_hint = false} : vector<1000x128xf32>, vector<128x512xf32>, vector<1000x512xf32> -> vector<1000x512xf32>
    %get3A_53 = arith.constant 0 : index
    %get3A_54 = arith.constant 0 : index
    %get3A_55 = vector.load %arg6[%get3A_53, %get3A_54] : memref<1x512xf32, #tpu.memory_space<vmem>>, vector<1x512xf32>
    %add3A_56 = vector.broadcast %get3A_55 : vector<1x512xf32> to vector<1000x512xf32>
    %add3A_57 = arith.addf %dot_general3A_52, %add3A_56 : vector<1000x512xf32>
    %max3A = arith.constant 0.000000e+00 : f32
    %max3A_58 = vector.broadcast %max3A : f32 to vector<1000x512xf32>
    %max3A_59 = arith.maximumf %add3A_57, %max3A_58 : vector<1000x512xf32>
    %get3A_60 = arith.constant 0 : index
    %get3A_61 = arith.constant 0 : index
    %get3A_62 = vector.load %arg7[%get3A_60, %get3A_61] : memref<512x128xf32, #tpu.memory_space<vmem>>, vector<512x128xf32>
    %dot_general3A_63 = arith.constant dense<0.000000e+00> : vector<1000x128xf32>
    %dot_general3A_64 = tpu.matmul %max3A_59, %get3A_62, %dot_general3A_63 {dimension_numbers = #tpu.dot_dimension_numbers<[1], [0], [0], [1], [0, 0, 1, 1], [], []>, transpose_lhs_hint = false} : vector<1000x512xf32>, vector<512x128xf32>, vector<1000x128xf32> -> vector<1000x128xf32>
    %add3A_65 = vector.broadcast %get3A_16 : vector<1x128xf32> to vector<1000x128xf32>
    %add3A_66 = arith.addf %dot_general3A_64, %add3A_65 : vector<1000x128xf32>
    %add3A_67 = arith.addf %add3A_48, %add3A_66 : vector<1000x128xf32>
    %sub3A_68 = vector.broadcast %get3A_25 : vector<1x128xf32> to vector<1000x128xf32>
    %sub3A_69 = arith.subf %add3A_67, %sub3A_68 : vector<1000x128xf32>
    %add3A_70 = arith.constant 9.99999974E-6 : f32
    %add3A_71 = vector.broadcast %add3A_70 : f32 to vector<1x128xf32>
    %add3A_72 = arith.addf %get3A_28, %add3A_71 : vector<1x128xf32>
    %rsqrt3A_73 = math.rsqrt %add3A_72 : vector<1x128xf32>
    %mul3A_74 = vector.broadcast %rsqrt3A_73 : vector<1x128xf32> to vector<1000x128xf32>
    %mul3A_75 = arith.mulf %sub3A_69, %mul3A_74 : vector<1000x128xf32>
    %mul3A_76 = vector.broadcast %get3A_19 : vector<1x128xf32> to vector<1000x128xf32>
    %mul3A_77 = arith.mulf %mul3A_75, %mul3A_76 : vector<1000x128xf32>
    %add3A_78 = vector.broadcast %get3A_22 : vector<1x128xf32> to vector<1000x128xf32>
    %add3A_79 = arith.addf %mul3A_77, %add3A_78 : vector<1000x128xf32>
    %swap3A = arith.constant 0 : index
    %swap3A_80 = arith.constant 0 : index
    %swap3A_81 = vector.load %arg8[%swap3A, %swap3A_80] : memref<1000x128xf32, #tpu.memory_space<vmem>>, vector<1000x128xf32>
    tpu.vector_store %arg8[%swap3A, %swap3A_80], %add3A_79 {strides = array<i32>} : memref<1000x128xf32, #tpu.memory_space<vmem>>, vector<1000x128xf32>,
    return
  }
  func.func @transform_0(%arg0: i32) -> (i32, i32) {
    %c0_i32 = arith.constant 0 : i32
    %c0_i32_0 = arith.constant 0 : i32
    return %arg0, %c0_i32 : i32, i32
  }
  func.func @transform_1(%arg0: i32) -> (i32, i32) {
    %c0_i32 = arith.constant 0 : i32
    %c0_i32_0 = arith.constant 0 : i32
    return %arg0, %c0_i32 : i32, i32
  }
  func.func @transform_2(%arg0: i32) -> (i32, i32) {
    %c0_i32 = arith.constant 0 : i32
    %c0_i32_0 = arith.constant 0 : i32
    return %arg0, %c0_i32 : i32, i32
  }
  func.func @transform_3(%arg0: i32) -> (i32, i32) {
    %c0_i32 = arith.constant 0 : i32
    %c0_i32_0 = arith.constant 0 : i32
    %c0_i32_1 = arith.constant 0 : i32
    return %c0_i32, %c0_i32_0 : i32, i32
  }
  func.func @transform_4(%arg0: i32) -> (i32, i32) {
    %c0_i32 = arith.constant 0 : i32
    %c0_i32_0 = arith.constant 0 : i32
    %c0_i32_1 = arith.constant 0 : i32
    return %c0_i32, %c0_i32_0 : i32, i32
  }
  func.func @transform_5(%arg0: i32) -> (i32, i32) {
    %c0_i32 = arith.constant 0 : i32
    %c0_i32_0 = arith.constant 0 : i32
    %c0_i32_1 = arith.constant 0 : i32
    return %c0_i32, %c0_i32_0 : i32, i32
  }
  func.func @transform_6(%arg0: i32) -> (i32, i32) {
    %c0_i32 = arith.constant 0 : i32
    %c0_i32_0 = arith.constant 0 : i32
    %c0_i32_1 = arith.constant 0 : i32
    return %c0_i32, %c0_i32_0 : i32, i32
  }
  func.func @transform_7(%arg0: i32) -> (i32, i32) {
    %c0_i32 = arith.constant 0 : i32
    %c0_i32_0 = arith.constant 0 : i32
    return %arg0, %c0_i32 : i32, i32
  }
}

</mosaic_0001>

<sc_bundles>
// kernel: kernel.6.cloned.1.call-start
scs
__scs_entry_jumppad:
0x0: {  	(pc) =	sbr.rel $0x88, $3  }
0x1: {  	(tag) =	ssettag $0x0;
	lr =	simm.s32 $0x1  }
0x2: {  	[smem:$0x3F8D] =	sst lr;
	_ =	strace $0xD0000000  }
0x3: {  	_ = 	snop  }
0x4: {  	_ = 	snop  }
0x5: {  	_ = 	snop  }
0x6: {  	_ = 	snop  }
0x7: {  	_ = 	snop  }
__scs_overlays_trampoline_lowered:
0x8: {  	[smem:$0x3F9C] =	sst s0  }
0x9: {  	[smem:$0x3F9D] =	sst s1  }
0xa: {  	[smem:$0x3F9E] =	sst s2  }
0xb: {  	[smem:$0x3F9F] =	sst s3  }
0xc: {  	[smem:$0x3FA0] =	sst s4  }
0xd: {  	[smem:$0x3FA1] =	sst s5  }
0xe: {  	[smem:$0x3FA2] =	sst s6  }
0xf: {  	[smem:$0x3FA3] =	sst s7  }
0x10: {  	[smem:$0x3FA4] =	sst s8  }
0x11: {  	[smem:$0x3FA5] =	sst s9;
	s0 =	simm.s32 @!p0 $0x0  }
0x12: {  	s1 =	sld [smem:$0x3F8B];
	s0 =	simm.s32 @p0 $0x1  }
0x13: {  	[smem:$0x3FA6] =	sst s0;
	s0 =	simm.s32 @!p1 $0x0  }
0x14: {  	s2 =	sld [smem:$0x3F8A];
	s0 =	simm.s32 @p1 $0x1  }
0x15: {  	[smem:$0x3FA7] =	sst s0;
	s0 =	simm.s32 @!p2 $0x0  }
0x16: {  	s3 =	sld [smem:$0x3FDB];
	s0 =	simm.s32 @p2 $0x1  }
0x17: {  	s4 =	simm.s32 $0x1BF5;
	[smem:$0x3FA9] =	sst s0  }
0x18: {  	s0 =	sld [smem:$0x3F8C];
	_ =	swait.ge [sflag:s4], $0x0  }
0x19: {  	s7 =	sld [smem:$0x3F8D]  }
0x1a: {  	s8 =	sadd.s32 $0xFFFFE003, lr  }
0x1b: {  	s9 =	sadd.s32 $0xFFFFFEF7, lr;
	s5 =	simm.s32 $0xFFFFFFFF;
	p2 =	slt.u32 s8, $0xFFFFF086  }
0x1c: {  	p1 =	slt.u32 s9, $0xF7A;
	s5 =	simm.s32 @!p2 $0x0  }
0x1d: {  	s5 =	simm.s32 @p1 $0x1;
	p0 =	seq.s32 s7, s2  }
0x1e: {  	s7 =	smul.u32 @!p0 $0xF7A, s2;
	p2 =	seq.s32 @!p0 s5, $0x0  }
0x1f: {  	s9 =	smul.u32 $0xF7A, s1;
	s8 =	simm.s32 @!p0 $0x1BF5;
	p2 =	por !p2, p0  }
0x20: {  	[sflag:s8] =	ssyncset.s32 @!p0 $0xFFFFF086;
	s6 =	sadd.s32 @!p0 s3, s7;
	s7 =	simm.s32 @!p0 $0x108  }
0x21: {  	s3 =	sadd.s32 s3, s9;
	s6 =	sadd.s32 @!p0 $0x88, s6;
	s7 =	simm.s32 @p2 $0x1082  }
0x22: {  	[simem:s7], [sflag:s8] =	dma.local @!p0 [hbm:s6], $0xF7A  }
0x23: {  	s9 =	sor.u32 $0xD0000000, s2;
	s6 =	simm.s32 $0x108;
	_ =	swait.ge @!p0 [sflag:s8], $0x0  }
0x24: {  	s3 =	sadd.s32 $0x88, s3;
	s6 =	simm.s32 @!p1 $0x1082;
	[sflag:s4] =	ssyncset.s32 $0xFFFFF086  }
0x25: {  	[simem:s6], [sflag:s4] =	dma.local [hbm:s3], $0xF7A  }
0x26: {  	[smem:$0x3F8D] =	sst s1;
	(tag) =	ssettag s2;
	_ =	strace s9  }
0x27: {  	s1 =	sld [smem:$0x3F9D]  }
0x28: {  	s2 =	sld [smem:$0x3F9E]  }
0x29: {  	s4 =	sld [smem:$0x3FA0]  }
0x2a: {  	p0 =	seq.s32 s5, $0x0;
	s5 =	sld [smem:$0x3FA1]  }
0x2b: {  	s6 =	sld [smem:$0x3FA2]  }
0x2c: {  	s7 =	sld [smem:$0x3FA3]  }
0x2d: {  	s3 =	simm.s32 $0x108;
	s8 =	sld [smem:$0x3FA4]  }
0x2e: {  	s3 =	simm.s32 @!p0 $0x1082;
	s9 =	sld [smem:$0x3FA5]  }
0x2f: {  	lr =	sadd.s32 s0, s3;
	s0 =	sld [smem:$0x3F9C]  }
0x30: {  	s3 =	sld [smem:$0x3F9F]  }
0x31: {  	[smem:$0x3FA8] =	sst s10  }
0x32: {  	s10 =	sld [smem:$0x3FA6];
	_ =	sdelay $0x3  }
0x33: {  	p0 =	seq.s32 s10, $0x1;
	s10 =	sld [smem:$0x3FA8];
	_ =	sdelay $0x3  }
0x34: {  	[smem:$0x3FA8] =	sst s10  }
0x35: {  	s10 =	sld [smem:$0x3FA7];
	_ =	sdelay $0x3  }
0x36: {  	p1 =	seq.s32 s10, $0x1;
	s10 =	sld [smem:$0x3FA8];
	_ =	sdelay $0x3  }
0x37: {  	[smem:$0x3FA8] =	sst s10  }
0x38: {  	s10 =	sld [smem:$0x3FA9]  }
0x39: {  	_ = 	snop;
	(pc) =	sbr.ind lr, $3  }
0x3a: {  	_ = 	snop  }
0x3b: {  	_ = 	snop  }
0x3c: {  	p2 =	seq.s32 s10, $0x1;
	s10 =	sld [smem:$0x3FA8]  }
0x3d: {  	_ =	shalt  }
0x3e: {  	_ =	shalt  }
0x3f: {  	_ =	shalt  }
0x40: {  	_ =	shalt  }
0x41: {  	_ =	shalt  }
0x42: {  	_ =	shalt  }
0x43: {  	_ =	shalt  }
0x44: {  	_ =	shalt  }
0x45: {  	_ =	shalt  }
0x46: {  	_ =	shalt  }
0x47: {  	_ =	shalt  }
0x48: {  	_ =	shalt  }
0x49: {  	_ =	shalt  }
0x4a: {  	_ =	shalt  }
0x4b: {  	_ =	shalt  }
0x4c: {  	_ =	shalt  }
0x4d: {  	_ =	shalt  }
0x4e: {  	_ =	shalt  }
0x4f: {  	_ =	shalt  }
0x50: {  	_ =	shalt  }
0x51: {  	_ =	shalt  }
0x52: {  	_ =	shalt  }
0x53: {  	_ =	shalt  }
0x54: {  	_ =	shalt  }
0x55: {  	_ =	shalt  }
0x56: {  	_ =	shalt  }
0x57: {  	_ =	shalt  }
0x58: {  	_ =	shalt  }
0x59: {  	_ =	shalt  }
0x5a: {  	_ =	shalt  }
0x5b: {  	_ =	shalt  }
0x5c: {  	_ =	shalt  }
0x5d: {  	_ =	shalt  }
0x5e: {  	_ =	shalt  }
0x5f: {  	_ =	shalt  }
0x60: {  	_ =	shalt  }
0x61: {  	_ =	shalt  }
0x62: {  	_ =	shalt  }
0x63: {  	_ =	shalt  }
0x64: {  	_ =	shalt  }
0x65: {  	_ =	shalt  }
0x66: {  	_ =	shalt  }
0x67: {  	_ =	shalt  }
0x68: {  	_ =	shalt  }
0x69: {  	_ =	shalt  }
0x6a: {  	_ =	shalt  }
0x6b: {  	_ =	shalt  }
0x6c: {  	_ =	shalt  }
0x6d: {  	_ =	shalt  }
0x6e: {  	_ =	shalt  }
0x6f: {  	_ =	shalt  }
0x70: {  	_ =	shalt  }
0x71: {  	_ =	shalt  }
0x72: {  	_ =	shalt  }
0x73: {  	_ =	shalt  }
0x74: {  	_ =	shalt  }
0x75: {  	_ =	shalt  }
0x76: {  	_ =	shalt  }
0x77: {  	_ =	shalt  }
0x78: {  	_ =	shalt  }
0x79: {  	_ =	shalt  }
0x7a: {  	_ =	shalt  }
0x7b: {  	_ =	shalt  }
0x7c: {  	_ =	shalt  }
0x7d: {  	_ =	shalt  }
0x7e: {  	_ =	shalt  }
0x7f: {  	_ =	shalt  }
0x80: {  	_ =	shalt  }
0x81: {  	_ =	shalt  }
0x82: {  	_ =	shalt  }
0x83: {  	_ =	shalt  }
0x84: {  	_ =	shalt  }
0x85: {  	_ =	shalt  }
0x86: {  	_ =	shalt  }
0x87: {  	_ =	shalt  }
.Lfunc_end0:
.L_simem_size_0:
called_computation.1_lowered:
.L_overlay_start_0:
0x88: {  	s2 =	sld [smem:$0x3FD9]  }
0x89: {  	s3 =	sld [smem:$0x3FFE];
	_ =	sdelay $0x1  }
0x8a: {  	s1 =	srdreg.scid  }
0x8b: {  	s0 =	sand.u32 $0x1, s1  }
0x8c: {  	s17 =	sshll.u32 s0, $0xA;
	s2 =	sadd.s32 s3, s2  }
0x8d: {  	s2 =	sadd.s32 s2, s17  }
0x8e: {  	[smem:$0x3FB4] =	sst s2  }
0x8f: {  	_ = 	snop  }
0x90: {  	s2 =	sld [smem:$0x3FC3];
	(tm) =	ssettm $0x1  }
0x91: {  	s18 =	sld [smem:$0x3FFB];
	_ =	sdelay $0x3  }
0x92: {  	_ =	strace s18  }
0x93: {  	s3 =	sld [smem:$0x3FFC];
	_ =	sdelay $0x3  }
0x94: {  	_ =	strace s3  }
0x95: {  	s3 =	sld [smem:$0x3FFD];
	_ =	sdelay $0x3  }
0x96: {  	_ =	strace s3  }
0x97: {  	_ =	strace $0x8FFFFFFF  }
0x98: {  	s19 =	sld [smem:$0x3FDB];
	_ =	sdelay $0x1  }
0x99: {  	s4 =	simm.s32 $_scs_section_size  }
0x9a: {  	s5 =	simm.s32 $_size__tile_overlayer_lowered;
	s6 =	simm.s32 $_tile_overlayer_lowered  }
0x9b: {  	s22 =	simm.s32 $0x1BFF;
	s21 =	sshll.u32 s6, $0x1;
	s3 =	sadd.s32 s4, s19  }
0x9c: {  	s7 =	simm.s32 $0x0;
	s20 =	sshll.u32 s5, $0x1;
	s5 =	sadd.s32 s21, s3  }
0x9d: {  	[timem:s7], [sflag:s22] =	dma.local [hbm:s5], s20  }
0x9e: {  	_ =	swait.ge [sflag:s22], s20  }
0x9f: {  	s4 =	ssub.s32 $0x0, s20;
	[sflag:s22] =	ssyncset.done $0x0  }
0xa0: {  	[sflag:s22] =	ssyncadd.s32 s4;
	_ =	sdelay $0x1  }
0xa1: {  	s23 =	simm.s32 $0x1B8B  }
0xa2: {  	_ =	swait.ge [sflag:s23], $0x1  }
0xa3: {  	[sflag:s23] =	ssyncset.done $0x0  }
0xa4: {  	s25 =	simm.s32 $0x1B8E;
	s24 =	sld [smem:$0x3FFE];
	[sflag:s23] =	ssyncadd.s32 $0xFFFFFFFF  }
0xa5: {  	s26 =	simm.s32 $execute0_lowered;
	[smem:$0x3FD2] =	sst s25  }
0xa6: {  	s5 =	sshll.u32 s26, $0x1;
	_ =	strace $0x80000049;
	[dreg:$0x1] =	wrdreg $0xFFFFFFFF  }
0xa7: {  	s28 =	simm.s32 $_size_execute0_lowered;
	s3 =	sadd.s32 s3, s5;
	[dreg:$0x0] =	wrdreg $0x0  }
0xa8: {  	s5 =	sshll.u32 s28, $0x1;
	[dreg:$0x2] =	wrdreg s3  }
0xa9: {  	[dreg:$0x3] =	wrdreg s5  }
0xaa: {  	[dreg:$0x4] =	wrdreg $0xC0  }
0xab: {  	_ =	task [dreg:s7], $0x5FFFF  }
0xac: {  	[dreg:$0x1] =	wrdreg $0xFFFFFFFF  }
0xad: {  	[dreg:$0x0] =	wrdreg $0x60  }
0xae: {  	[dreg:$0x2] =	wrdreg s24  }
0xaf: {  	[dreg:$0x3] =	wrdreg s2  }
0xb0: {  	[dreg:$0x4] =	wrdreg $0xD1800  }
0xb1: {  	[dreg:$0x5] =	wrdreg $0x9  }
0xb2: {  	_ =	task.clear_ibuf [dreg:s7], $0x6FFFF;
	_ =	strace $0x90000049  }
0xb3: {  	s29 =	simm.s32 $0x9;
	_ =	strace $0x8000004B  }
0xb4: {  	_ =	swait.ge [sflag:s29], $0x1  }
0xb5: {  	[sflag:s29] =	ssyncadd.s32 $0xFFFFFFFF  }
0xb6: {  	_ =	strace $0x9000004B  }
0xb7: {  	_ =	sfence  }
0xb8: {  	s30 =	sld [smem:$0x0];
	_ =	sdelay $0x2  }
0xb9: {  	s31 =	sshll.u32 s1, $0xD;
	s1 =	sshrl.u32 s1, $0x2  }
0xba: {  	s3 =	sand.u32 $0x4000, s31;
	s1 =	sadd.s32 s1, s30  }
0xbb: {  	s0 =	sor.u32 s3, s0;
	s1 =	sshll.u32 s1, $0x11  }
0xbc: {  	s0 =	sor.u32 s1, s0  }
0xbd: {  	s0 =	sadd.s32 $0x8F2B, s0  }
0xbe: {  	[sflag:s0] =	ssyncadd.remote.s32 $0x1  }
0xbf: {  	_ =	sfence.sel $0xFFFF  }
0xc0: {  	[dreg:$0x0] =	wrdreg $0xFFFFFFFF;
	(pc) =	sbr.abs _section_cstart, $3  }
0xc1: {  	[dreg:$0x1] =	wrdreg $0xFFFFFFFF  }
0xc2: {  	_ =	task.clear_ibuf [dreg:s7], $0x2FFFF;
	_ =	strace $0x9FFFFFFF  }
0xc3: {  	(tm) =	ssettm $0x7FFFFFFF  }
tec
execute0_lowered:
.L_overlay_start_1:
0x0: {  	(tag) =	ssettag $0x1  }
0x1: {  	s0 =	rddreg [dreg:$0x0]  }
0x2: {  	s12 =	rddreg [dreg:$0x2];
	s2 =	simm.s32 $0x0;
	s1 =	srdreg.scid  }
0x3: {  	s15 =	stileid.u32;
	s17 =	simm.s32 $0xCD80;
	s18 =	simm.s32 $0x4  }
0x4: {  	s20 =	simm.s32 $0x80;
	s21 =	simm.s32 $0x100;
	s22 =	simm.s32 $0x1  }
0x5: {  	s28 =	simm.s32 $0x2;
	s29 =	simm.s32 $0x3;
	s30 =	simm.s32 $0xA180  }
0x6: {  	s31 =	simm.s32 $0x28;
	[smem:$0x7FF] =	sst s2;
	s5 =	sadd.s32 $0x1F8000, s0  }
0x7: {  	s3 =	smul.u32 $0x14000, s15;
	s6 =	sadd.s32 $0x3200, s0;
	s8 =	sadd.s32 $0x15BC00, s0  }
0x8: {  	s1 =	sand.u32 $0x1, s1;
	s9 =	sadd.s32 $0x202200, s0;
	s10 =	sadd.s32 $0x29E600, s0  }
0x9: {  	s7 =	sadd.s32 $0x17600, s0;
	s4 =	smul.u32 $0x50000, s15;
	s13 =	sadd.s32 $0x15BD00, s0  }
0xa: {  	s14 =	sadd.s32 $0x202300, s0;
	p0 =	sgt.u32 s15, $0x1;
	s23 =	smul.u32 $0x28000, s1  }
0xb: {  	_ =	strace $0x8000004A;
	s24 =	ssub.s32 $0x2, s1;
	s1 =	sshll.u32 s1, $0x4  }
0xc: {  	s11 =	sshrl.u32 s24, $0x1;
	s1 =	sor.u32 s15, s1;
	s4 =	sshrl.u32 s4, $0x2  }
0xd: {  	v0 =	vlaneseq.u32;
	v1 =	vimm.f32 $0.0e+00;
	vm0 =	vmmov $0xffff;
	s2 =	sadd.s32 s3, s23;
	s3 =	ssub.s32 s24, s11;
	s11 =	sadd.s32 s4, s12  }
0xe: {  	vm1 =	vmmov $0x1;
	vm2 =	vcmask $0x320;
	vm3 =	vcmask $0x720;
	s12 =	smul.u32 $0x2850, s1;
	s24 =	simm.s32 $0x8980;
	s2 =	sshrl.u32 s2, $0x3  }
0xf: {  	vm4 =	vcmask $0xB20;
	vm5 =	vcmask $0xF20;
	vm6 =	vcmask $0x1320;
	s26 =	smax.u32 s3, $0x1;
	s3 =	simm.s32 $0x0;
	s2 =	sadd.s32 s2, s0  }
0x10: {  	vm7 =	vcmask $0x1720;
	vm8 =	vcmask $0x1B20;
	v3 =	vshrl.u32 v0, $0x3;
	[dreg:$0x5] =	wrdreg s26;
	s26 =	simm.s32 $0x9980;
	s25 =	sadd.s32 $0xBDC00, s2  }
0x11: {  	v2 =	vand.u32 $0x7, v0;
	v4 =	vor.u32 $0x8, v0;
	v3 =	vmul.u32 $0x8, v3;
	s0 =	simm.s32 $0xB580;
	[dreg:$0x4] =	wrdreg s25;
	s25 =	simm.s32 $0x9180  }
.LBB2_1:
0x12: {  	[tilespmem:$0xCD80] =	vst v1  }
0x13: {  	[tilespmem:$0xCD90] =	vst v1  }
0x14: {  	[tilespmem:$0xCDA0] =	vst v1  }
0x15: {  	[tilespmem:$0xCDB0] =	vst v1  }
0x16: {  	[tilespmem:$0xCDC0] =	vst v1  }
0x17: {  	[tilespmem:$0xCDD0] =	vst v1  }
0x18: {  	[tilespmem:$0xCDE0] =	vst v1  }
0x19: {  	[tilespmem:$0xCDF0] =	vst v1  }
0x1a: {  	[tilespmem:$0xCE00] =	vst v1  }
0x1b: {  	[tilespmem:$0xCE10] =	vst v1  }
0x1c: {  	[tilespmem:$0xCE20] =	vst v1  }
0x1d: {  	[tilespmem:$0xCE30] =	vst v1  }
0x1e: {  	[tilespmem:$0xCE40] =	vst v1  }
0x1f: {  	[tilespmem:$0xCE50] =	vst v1  }
0x20: {  	[tilespmem:$0xCE60] =	vst v1  }
0x21: {  	[tilespmem:$0xCE70] =	vst v1  }
0x22: {  	[tilespmem:$0xCE80] =	vst v1  }
0x23: {  	[tilespmem:$0xCE90] =	vst v1  }
0x24: {  	[tilespmem:$0xCEA0] =	vst v1  }
0x25: {  	[tilespmem:$0xCEB0] =	vst v1  }
0x26: {  	[tilespmem:$0xCEC0] =	vst v1  }
0x27: {  	[tilespmem:$0xCED0] =	vst v1  }
0x28: {  	[tilespmem:$0xCEE0] =	vst v1  }
0x29: {  	[tilespmem:$0xCEF0] =	vst v1  }
0x2a: {  	[tilespmem:$0xCF00] =	vst v1  }
0x2b: {  	[tilespmem:$0xCF10] =	vst v1  }
0x2c: {  	[tilespmem:$0xCF20] =	vst v1  }
0x2d: {  	[tilespmem:$0xCF30] =	vst v1  }
0x2e: {  	[tilespmem:$0xCF40] =	vst v1  }
0x2f: {  	[tilespmem:$0xCF50] =	vst v1  }
0x30: {  	[tilespmem:$0xCF60] =	vst v1  }
0x31: {  	[tilespmem:$0xCF70] =	vst v1  }
0x32: {  	[tilespmem:$0xCF80] =	vst v1  }
0x33: {  	[tilespmem:$0xCF90] =	vst v1  }
0x34: {  	[tilespmem:$0xCFA0] =	vst v1  }
0x35: {  	[tilespmem:$0xCFB0] =	vst v1  }
0x36: {  	[tilespmem:$0xCFC0] =	vst v1  }
0x37: {  	[tilespmem:$0xCFD0] =	vst v1  }
0x38: {  	[tilespmem:$0xCFE0] =	vst v1  }
0x39: {  	[tilespmem:$0xCFF0] =	vst v1  }
0x3a: {  	[tilespmem:$0xD000] =	vst v1  }
0x3b: {  	[tilespmem:$0xD010] =	vst v1  }
0x3c: {  	[tilespmem:$0xD020] =	vst v1  }
0x3d: {  	[tilespmem:$0xD030] =	vst v1  }
0x3e: {  	[tilespmem:$0xD040] =	vst v1  }
0x3f: {  	[tilespmem:$0xD050] =	vst v1  }
0x40: {  	[tilespmem:$0xD060] =	vst v1  }
0x41: {  	[tilespmem:$0xD070] =	vst v1  }
0x42: {  	[tilespmem:$0xD080] =	vst v1  }
0x43: {  	[tilespmem:$0xD090] =	vst v1  }
0x44: {  	[tilespmem:$0xD0A0] =	vst v1  }
0x45: {  	[tilespmem:$0xD0B0] =	vst v1  }
0x46: {  	[tilespmem:$0xD0C0] =	vst v1  }
0x47: {  	[tilespmem:$0xD0D0] =	vst v1  }
0x48: {  	[tilespmem:$0xD0E0] =	vst v1  }
0x49: {  	[tilespmem:$0xD0F0] =	vst v1  }
0x4a: {  	[tilespmem:$0xD100] =	vst v1  }
0x4b: {  	[tilespmem:$0xD110] =	vst v1  }
0x4c: {  	[tilespmem:$0xD120] =	vst v1  }
.Ltmp0:
0x4d: {  	[tilespmem:$0xD130] =	vst v1;
	(pc) =	sbr.rel @p0 .LBB2_5-.Ltmp0, $4  }
0x4e: {  	[tilespmem:$0xD140] =	vst v1  }
0x4f: {  	[tilespmem:$0xD150] =	vst v1  }
0x50: {  	[tilespmem:$0xD160] =	vst v1  }
0x51: {  	[tilespmem:$0xD170] =	vst v1  }
0x52: {  	s1 =	sadd.s32 $0x0, s11  }
0x53: {  	[spmem:s1] =	stream.linear.scatter [tilespmem:s17], [sflag:$0x4], $0x400, $0x38;
	[tilespmem:$0xF980] =	vst v63  }
0x54: {  	s1 =	simm.s32 $0x1000;
	_ =	swait.ge [sflag:s18], $0x400  }
.LBB2_3:
0x55: {  	s2 =	sshra.s32 s1, $0x2;
	[sflag:s18] =	ssyncset.done $0x0;
	p1 =	sne.s32 s1, $0x4F000  }
.Ltmp1:
0x56: {  	s2 =	sadd.s32 s2, s11;
	[sflag:s18] =	ssyncadd.s32 $0xFFFFFC00;
	(pc) =	sbr.rel @p1 .LBB2_3-.Ltmp1, $3  }
0x57: {  	[spmem:s2] =	stream.linear.scatter [tilespmem:s17], [sflag:$0x4], $0x400, $0x38;
	[tilespmem:$0xF980] =	vst v63  }
0x58: {  	s1 =	sadd.s32 $0x1000, s1;
	_ =	sdelay $0x1  }
0x59: {  	_ =	swait.ge [sflag:s18], $0x400  }
0x5a: {  	[sflag:s18] =	ssyncset.done $0x0  }
0x5b: {  	[sflag:s18] =	ssyncadd.s32 $0xFFFFFC00  }
.LBB2_5:
0x5c: {  	[dreg:$0x6] =	wrdreg s3  }
0x5d: {  	s1 =	simm.s32 $0x0;
	s2 =	rddreg [dreg:$0x1];
	s23 =	simm.s32 $0xC980  }
0x5e: {  	[tilespmem:s23], [sflag:$0x4] =	stream.linear.gather [hbm4b:s2+s1], $0x400, $0x38;
	[tilespmem:$0xF980] =	vst v63  }
0x5f: {  	_ =	swait.ge [sflag:s18], $0x400  }
0x60: {  	[sflag:s18] =	ssyncset.done $0x0  }
0x61: {  	[sflag:s18] =	ssyncadd.s32 $0xFFFFFC00  }
0x62: {  	s19 =	simm.s32 $0x0;
	[bflag:$0x0] =	sbarrier.arrive $0xFFFF  }
.LBB2_6:
0x63: {  	s2 =	smul.u32 $0x28, s19;
	_ =	sdelay $0x1  }
0x64: {  	s3 =	sadd.s32 s12, s2  }
0x65: {  	s2 =	sshrl.u32 s3, $0x3  }
0x66: {  	s4 =	sadd.s32 s5, s2  }
0x67: {  	[tilespmem:s1], [sflag:$0x1] =	stream.linear.gather [hbm4b:s4+s1], $0x28, $0x38;
	[tilespmem:$0xF980] =	vst v63  }
0x68: {  	s16 =	sadd.s32 s6, s2  }
0x69: {  	[tilespmem:s20], [sflag:$0x1] =	stream.linear.gather [hbm4b:s16+s1], $0x28, $0x38;
	[tilespmem:$0xF980] =	vst v63  }
0x6a: {  	s2 =	sadd.s32 s7, s2  }
0x6b: {  	[tilespmem:s21], [sflag:$0x1] =	stream.linear.gather [hbm4b:s2+s1], $0x28, $0x38;
	[tilespmem:$0xF980] =	vst v63  }
0x6c: {  	_ =	swait.ge [sflag:s22], $0x28  }
0x6d: {  	[sflag:s22] =	ssyncset.done $0x0  }
0x6e: {  	[sflag:s22] =	ssyncadd.s32 $0xFFFFFFD8  }
0x6f: {  	_ =	swait.ge [sflag:s22], $0x28  }
0x70: {  	[sflag:s22] =	ssyncset.done $0x0  }
0x71: {  	[sflag:s22] =	ssyncadd.s32 $0xFFFFFFD8  }
0x72: {  	_ =	swait.ge [sflag:s22], $0x28  }
0x73: {  	[sflag:s22] =	ssyncset.done $0x0  }
0x74: {  	[sflag:s22] =	ssyncadd.s32 $0xFFFFFFD8  }
0x75: {  	v5 =	vld [tilespmem:$0x0];
	_ =	sdelay $0x4  }
0x76: {  	v6 =	vshll.u32 v5, $0x2  }
0x77: {  	v5 =	vand.u32 $0x7, v5;
	v6 =	vand.u32 $0xFFFFFFE0, v6  }
0x78: {  	v5 =	vor.u32 v5, v6  }
0x79: {  	v6 =	vperm.xlane v5, v2;
	_ =	sdelay $0x1  }
0x7a: {  	v6 =	vadd.s32 v3, v6;
	_ =	sdelay $0x1  }
0x7b: {  	v5 =	vperm.xlane v5, v4;
	_ =	sdelay $0x1  }
0x7c: {  	s23 =	simm.s32 $0x180;
	v5 =	vadd.s32 v3, v5  }
0x7d: {  	[tilespmem:s23], [sflag:$0x2] =	stream.indirect_vreg.gather [hbm4b:s8+s1], $0x80, v6, vm0, $0xb8;
	[tilespmem:$0xF980] =	vst v63  }
0x7e: {  	s4 =	simm.s32 $0x980  }
0x7f: {  	[tilespmem:s4], [sflag:$0x2] =	stream.indirect_vreg.gather [hbm4b:s13+s1], $0x80, v6, vm0, $0xb8;
	[tilespmem:$0xF980] =	vst v63  }
0x80: {  	s15 =	simm.s32 $0x1180  }
0x81: {  	[tilespmem:s15], [sflag:$0x2] =	stream.indirect_vreg.gather [hbm4b:s8+s1], $0x80, v5, vm0, $0xb8;
	[tilespmem:$0xF980] =	vst v63  }
0x82: {  	s16 =	simm.s32 $0x1980  }
0x83: {  	[tilespmem:s16], [sflag:$0x2] =	stream.indirect_vreg.gather [hbm4b:s13+s1], $0x80, v5, vm0, $0xb8;
	[tilespmem:$0xF980] =	vst v63  }
0x84: {  	v5 =	vld [tilespmem:$0x10];
	_ =	sdelay $0x4  }
0x85: {  	v6 =	vshll.u32 v5, $0x2  }
0x86: {  	v5 =	vand.u32 $0x7, v5;
	v6 =	vand.u32 $0xFFFFFFE0, v6  }
0x87: {  	v5 =	vor.u32 v5, v6  }
0x88: {  	v6 =	vperm.xlane v5, v2;
	_ =	sdelay $0x1  }
0x89: {  	v6 =	vadd.s32 v3, v6;
	_ =	sdelay $0x1  }
0x8a: {  	v5 =	vperm.xlane v5, v4;
	_ =	sdelay $0x1  }
0x8b: {  	s23 =	simm.s32 $0x2180;
	v5 =	vadd.s32 v3, v5  }
0x8c: {  	[tilespmem:s23], [sflag:$0x2] =	stream.indirect_vreg.gather [hbm4b:s8+s1], $0x80, v6, vm0, $0xb8;
	[tilespmem:$0xF980] =	vst v63  }
0x8d: {  	s4 =	simm.s32 $0x2980  }
0x8e: {  	[tilespmem:s4], [sflag:$0x2] =	stream.indirect_vreg.gather [hbm4b:s13+s1], $0x80, v6, vm0, $0xb8;
	[tilespmem:$0xF980] =	vst v63  }
0x8f: {  	s15 =	simm.s32 $0x3180  }
0x90: {  	[tilespmem:s15], [sflag:$0x2] =	stream.indirect_vreg.gather [hbm4b:s8+s1], $0x80, v5, vm0, $0xb8;
	[tilespmem:$0xF980] =	vst v63  }
0x91: {  	s16 =	simm.s32 $0x3980  }
0x92: {  	[tilespmem:s16], [sflag:$0x2] =	stream.indirect_vreg.gather [hbm4b:s13+s1], $0x80, v5, vm0, $0xb8;
	[tilespmem:$0xF980] =	vst v63  }
0x93: {  	v5 =	vld.msk [tilespmem:$0x20], $0xff;
	_ =	sdelay $0x4  }
0x94: {  	v6 =	vshll.u32 v5, $0x2  }
0x95: {  	v5 =	vand.u32 $0x7, v5;
	v6 =	vand.u32 $0xFFFFFFE0, v6  }
0x96: {  	v5 =	vor.u32 v5, v6  }
0x97: {  	v5 =	vperm.xlane v5, v2;
	_ =	sdelay $0x1  }
0x98: {  	v5 =	vadd.s32 v3, v5;
	_ =	sdelay $0x3  }
0x99: {  	s23 =	simm.s32 $0x4180  }
0x9a: {  	[tilespmem:s23], [sflag:$0x2] =	stream.indirect_vreg.gather [hbm4b:s8+s1], $0x80, v5, vm0, $0xb8;
	[tilespmem:$0xF980] =	vst v63  }
0x9b: {  	s4 =	simm.s32 $0x4980  }
0x9c: {  	[tilespmem:s4], [sflag:$0x2] =	stream.indirect_vreg.gather [hbm4b:s13+s1], $0x80, v5, vm0, $0xb8;
	[tilespmem:$0xF980] =	vst v63  }
0x9d: {  	v5 =	vld [tilespmem:$0x80];
	_ =	sdelay $0x4  }
0x9e: {  	v6 =	vshll.u32 v5, $0x2  }
0x9f: {  	v5 =	vand.u32 $0x7, v5;
	v6 =	vand.u32 $0xFFFFFFE0, v6  }
0xa0: {  	v5 =	vor.u32 v5, v6  }
0xa1: {  	v6 =	vperm.xlane v5, v2;
	_ =	sdelay $0x1  }
0xa2: {  	v6 =	vadd.s32 v3, v6;
	_ =	sdelay $0x1  }
0xa3: {  	v5 =	vperm.xlane v5, v4;
	_ =	sdelay $0x1  }
0xa4: {  	s15 =	simm.s32 $0x5180;
	v5 =	vadd.s32 v3, v5  }
0xa5: {  	[tilespmem:s15], [sflag:$0x3] =	stream.indirect_vreg.gather [hbm4b:s9+s1], $0x80, v6, vm0, $0xb8;
	[tilespmem:$0xF980] =	vst v63  }
0xa6: {  	s16 =	simm.s32 $0x5980  }
0xa7: {  	[tilespmem:s16], [sflag:$0x3] =	stream.indirect_vreg.gather [hbm4b:s14+s1], $0x80, v6, vm0, $0xb8;
	[tilespmem:$0xF980] =	vst v63  }
0xa8: {  	s23 =	simm.s32 $0x6180  }
0xa9: {  	[tilespmem:s23], [sflag:$0x3] =	stream.indirect_vreg.gather [hbm4b:s9+s1], $0x80, v5, vm0, $0xb8;
	[tilespmem:$0xF980] =	vst v63  }
0xaa: {  	s4 =	simm.s32 $0x6980  }
0xab: {  	[tilespmem:s4], [sflag:$0x3] =	stream.indirect_vreg.gather [hbm4b:s14+s1], $0x80, v5, vm0, $0xb8;
	[tilespmem:$0xF980] =	vst v63  }
0xac: {  	v5 =	vld [tilespmem:$0x90];
	_ =	sdelay $0x4  }
0xad: {  	v6 =	vshll.u32 v5, $0x2  }
0xae: {  	v5 =	vand.u32 $0x7, v5;
	v6 =	vand.u32 $0xFFFFFFE0, v6  }
0xaf: {  	v5 =	vor.u32 v5, v6  }
0xb0: {  	v6 =	vperm.xlane v5, v2;
	_ =	sdelay $0x1  }
0xb1: {  	v6 =	vadd.s32 v3, v6;
	_ =	sdelay $0x1  }
0xb2: {  	v5 =	vperm.xlane v5, v4;
	_ =	sdelay $0x1  }
0xb3: {  	s15 =	simm.s32 $0x7180;
	v5 =	vadd.s32 v3, v5  }
0xb4: {  	[tilespmem:s15], [sflag:$0x3] =	stream.indirect_vreg.gather [hbm4b:s9+s1], $0x80, v6, vm0, $0xb8;
	[tilespmem:$0xF980] =	vst v63  }
0xb5: {  	s16 =	simm.s32 $0x7980  }
0xb6: {  	[tilespmem:s16], [sflag:$0x3] =	stream.indirect_vreg.gather [hbm4b:s14+s1], $0x80, v6, vm0, $0xb8;
	[tilespmem:$0xF980] =	vst v63  }
0xb7: {  	s23 =	simm.s32 $0x8180  }
0xb8: {  	[tilespmem:s23], [sflag:$0x3] =	stream.indirect_vreg.gather [hbm4b:s9+s1], $0x80, v5, vm0, $0xb8;
	[tilespmem:$0xF980] =	vst v63  }
0xb9: {  	_ = 	snop  }
0xba: {  	[tilespmem:s24], [sflag:$0x3] =	stream.indirect_vreg.gather [hbm4b:s14+s1], $0x80, v5, vm0, $0xb8;
	[tilespmem:$0xF980] =	vst v63  }
0xbb: {  	v5 =	vld.msk [tilespmem:$0xA0], $0xff;
	_ =	sdelay $0x4  }
0xbc: {  	v6 =	vshll.u32 v5, $0x2  }
0xbd: {  	v5 =	vand.u32 $0x7, v5;
	v6 =	vand.u32 $0xFFFFFFE0, v6  }
0xbe: {  	v5 =	vor.u32 v5, v6  }
0xbf: {  	v5 =	vperm.xlane v5, v2;
	_ =	sdelay $0x1  }
0xc0: {  	v5 =	vadd.s32 v3, v5;
	_ =	sdelay $0x4  }
0xc1: {  	[tilespmem:s25], [sflag:$0x3] =	stream.indirect_vreg.gather [hbm4b:s9+s1], $0x80, v5, vm0, $0xb8;
	[tilespmem:$0xF980] =	vst v63  }
0xc2: {  	_ = 	snop  }
0xc3: {  	[tilespmem:s26], [sflag:$0x3] =	stream.indirect_vreg.gather [hbm4b:s14+s1], $0x80, v5, vm0, $0xb8;
	[tilespmem:$0xF980] =	vst v63  }
0xc4: {  	_ =	swait.ge [sflag:s28], $0x5000  }
0xc5: {  	[sflag:s28] =	ssyncset.done $0x0  }
0xc6: {  	[sflag:s28] =	ssyncadd.s32 $0xFFFFB000  }
0xc7: {  	_ =	swait.ge [sflag:s29], $0x5000  }
0xc8: {  	s2 =	simm.s32 $0x0;
	[sflag:s29] =	ssyncset.done $0x0  }
0xc9: {  	s15 =	simm.s32 $0x0;
	s16 =	simm.s32 $0x0;
	[sflag:s29] =	ssyncadd.s32 $0xFFFFB000  }
.LBB2_7:
0xca: {  	s4 =	sand.u32 $0x7000, s16;
	s23 =	sand.u32 $0x380, s15  }
0xcb: {  	s4 =	sor.u32 s23, s4  }
0xcc: {  	v5 =	vld [tilespmem:s4+$0x180]  }
0xcd: {  	v6 =	vld [tilespmem:s4+$0x5180]  }
0xce: {  	v37 =	vld [tilespmem:s4+$0x190]  }
0xcf: {  	v10 =	vld [tilespmem:s4+$0x5190]  }
0xd0: {  	v39 =	vld [tilespmem:s4+$0x51A0]  }
0xd1: {  	v50 =	vld [tilespmem:s4+$0x1C0]  }
0xd2: {  	v51 =	vld [tilespmem:s4+$0x51C0]  }
0xd3: {  	v53 =	vld [tilespmem:s4+$0x51B0]  }
0xd4: {  	v61 =	vld [tilespmem:s4+$0x1E0]  }
0xd5: {  	v63 =	vld [tilespmem:s4+$0x51E0];
	v7 =	vshll.u32 v5, $0x10;
	v8 =	vshll.u32 v6, $0x10  }
0xd6: {  	v57 =	vld [tilespmem:s4+$0x1D0];
	v5 =	vand.u32 $0xFFFF0000, v5;
	v6 =	vand.u32 $0xFFFF0000, v6;
	v13 =	vshll.u32 v37, $0x10  }
0xd7: {  	v58 =	vld [tilespmem:s4+$0x51D0];
	v14 =	vshll.u32 v10, $0x10;
	v42 =	vand.u32 $0xFFFF0000, v10;
	v45 =	vshll.u32 v39, $0x10  }
0xd8: {  	v9 =	vld [tilespmem:$0xC980];
	v55 =	vshll.u32 v50, $0x10;
	v56 =	vshll.u32 v51, $0x10;
	v15 =	vshll.u32 v53, $0x10  }
0xd9: {  	v38 =	vld [tilespmem:s4+$0x1A0];
	v10 =	vand.u32 $0xFFFF0000, v53;
	v20 =	vshll.u32 v61, $0x10;
	v7 =	vadd.f32 v8, v7  }
0xda: {  	v33 =	vld [tilespmem:s4+$0x51F0];
	v21 =	vshll.u32 v63, $0x10;
	v5 =	vadd.f32 v6, v5;
	v40 =	vadd.f32 v14, v13  }
0xdb: {  	v24 =	vshll.u32 v57, $0x10;
	v6 =	vld [tilespmem:$0xC990];
	v30 =	vadd.f32 v21, v20;
	v11 =	vmul.f32 $2.000000030e-01, v7  }
0xdc: {  	v41 =	vld [tilespmem:$0xC9A0];
	v17 =	vshll.u32 v58, $0x10;
	v12 =	vmul.f32 $2.000000030e-01, v5;
	v43 =	vmul.f32 $2.000000030e-01, v40  }
0xdd: {  	v31 =	vld [tilespmem:s4+$0x1F0];
	v14 =	vand.u32 $0xFFFF0000, v57;
	v34 =	vmul.f32 $2.000000030e-01, v30;
	v7 =	vmax.f32 v7, v11  }
0xde: {  	v5 =	vmax.f32 v5, v12;
	v8 =	vmax.f32 v40, v43;
	v11 =	vand.u32 $0xFFFF0000, v38  }
0xdf: {  	v12 =	vand.u32 $0xFFFF0000, v50;
	v43 =	vshll.u32 v33, $0x10;
	v7 =	vmul.f32 v7, v9  }
0xe0: {  	v22 =	vld [tilespmem:$0xCA40];
	v5 =	vmul.f32 v5, v6;
	v6 =	vand.u32 $0xFFFF0000, v37;
	v9 =	vand.u32 $0xFFFF0000, v39  }
0xe1: {  	v8 =	vmul.f32 v8, v41;
	v37 =	vld [tilespmem:s4+$0x5580];
	v6 =	vadd.f32 v42, v6;
	v9 =	vadd.f32 v9, v11  }
0xe2: {  	v44 =	vld [tilespmem:$0xC9B0];
	v11 =	vand.u32 $0xFFFF0000, v58;
	v42 =	vshll.u32 v31, $0x10;
	v7 =	vadd.f32 $0.0e+00, v7  }
0xe3: {  	v35 =	vld [tilespmem:s4+$0x580];
	v26 =	vadd.f32 v11, v14;
	v11 =	vmax.f32 v30, v34;
	v46 =	vmul.f32 $2.000000030e-01, v6  }
0xe4: {  	v52 =	vmul.f32 $2.000000030e-01, v9;
	v5 =	vadd.f32 v7, v5;
	v7 =	vshll.u32 v38, $0x10  }
0xe5: {  	v47 =	vld [tilespmem:$0xC9C0];
	v11 =	vmul.f32 v11, v22;
	v29 =	vmul.f32 $2.000000030e-01, v26;
	v7 =	vadd.f32 v45, v7  }
0xe6: {  	v30 =	vld [tilespmem:s4+$0x5B0];
	v6 =	vmax.f32 v6, v46;
	v9 =	vmax.f32 v9, v52;
	v45 =	vshll.u32 v37, $0x10  }
0xe7: {  	v48 =	vld [tilespmem:$0xC9D0];
	v5 =	vadd.f32 v8, v5;
	v8 =	vand.u32 $0xFFFF0000, v51;
	v49 =	vmul.f32 $2.000000030e-01, v7  }
0xe8: {  	v16 =	vld [tilespmem:$0xCA10];
	v6 =	vmul.f32 v6, v44;
	v44 =	vshll.u32 v35, $0x10;
	v8 =	vadd.f32 v8, v12  }
0xe9: {  	v46 =	vld [tilespmem:$0xCA80];
	v32 =	vmax.f32 v26, v29;
	v14 =	vadd.f32 v45, v44;
	v7 =	vmax.f32 v7, v49  }
0xea: {  	v5 =	vadd.f32 v5, v6;
	v62 =	vmul.f32 $2.000000030e-01, v8;
	v6 =	vmul.f32 v7, v47;
	v7 =	vld [tilespmem:s4+$0x1B0]  }
0xeb: {  	v12 =	vand.u32 $0xFFFF0000, v63;
	v45 =	vand.u32 $0xFFFF0000, v30;
	v50 =	vmul.f32 $2.000000030e-01, v14;
	v47 =	vld [tilespmem:s4+$0x590]  }
0xec: {  	v8 =	vmax.f32 v8, v62;
	v5 =	vadd.f32 v6, v5;
	v6 =	vmul.f32 v9, v48  }
0xed: {  	v25 =	vld [tilespmem:$0xCA20];
	v14 =	vmax.f32 v14, v50;
	v9 =	vadd.f32 v17, v24;
	v8 =	vmul.f32 v8, v16  }
0xee: {  	v44 =	vld [tilespmem:s4+$0x5D0];
	v17 =	vand.u32 $0xFFFF0000, v35;
	v14 =	vmul.f32 v14, v46;
	v5 =	vadd.f32 v5, v6  }
0xef: {  	v48 =	vld [tilespmem:s4+$0x5590];
	v6 =	vadd.f32 v56, v55;
	v27 =	vmul.f32 $2.000000030e-01, v9;
	v59 =	vshll.u32 v7, $0x10  }
0xf0: {  	v54 =	vld [tilespmem:$0xCA00];
	v7 =	vand.u32 $0xFFFF0000, v7;
	v58 =	vshll.u32 v47, $0x10;
	v16 =	vand.u32 $0xFFFF0000, v47  }
0xf1: {  	v46 =	vld [tilespmem:s4+$0x55D0];
	v60 =	vmul.f32 $2.000000030e-01, v6;
	v13 =	vadd.f32 v15, v59;
	v7 =	vadd.f32 v10, v7  }
0xf2: {  	v56 =	vld [tilespmem:s4+$0x55A0];
	v9 =	vmax.f32 v9, v27;
	v15 =	vand.u32 $0xFFFF0000, v61;
	v10 =	vand.u32 $0xFFFF0000, v33  }
0xf3: {  	v9 =	vmul.f32 v9, v25;
	v36 =	vadd.f32 v12, v15;
	v12 =	vand.u32 $0xFFFF0000, v37  }
0xf4: {  	v19 =	vld [tilespmem:$0xC9E0];
	v59 =	vshll.u32 v48, $0x10;
	v15 =	vand.u32 $0xFFFF0000, v44;
	v6 =	vmax.f32 v6, v60  }
0xf5: {  	v41 =	vld [tilespmem:$0xC9F0];
	v18 =	vmul.f32 $2.000000030e-01, v13;
	v38 =	vmul.f32 $2.000000030e-01, v7;
	v12 =	vadd.f32 v12, v17  }
0xf6: {  	v28 =	vld [tilespmem:$0xCA30];
	v60 =	vadd.f32 $0.0e+00, v14;
	v61 =	vadd.f32 v59, v58;
	v58 =	vshll.u32 v46, $0x10  }
0xf7: {  	v52 =	vld [tilespmem:$0xCA90];
	v6 =	vmul.f32 v6, v54;
	v39 =	vmul.f32 $2.000000030e-01, v36;
	v27 =	vshll.u32 v56, $0x10  }
0xf8: {  	v62 =	vld [tilespmem:$0xCAA0];
	v13 =	vmax.f32 v13, v18;
	v7 =	vmax.f32 v7, v38;
	v18 =	vand.u32 $0xFFFF0000, v31  }
0xf9: {  	v54 =	vld [tilespmem:s4+$0x5A0];
	v55 =	vmul.f32 $2.000000030e-01, v12;
	v24 =	vmul.f32 $2.000000030e-01, v61;
	v6 =	vadd.f32 $0.0e+00, v6  }
0xfa: {  	v34 =	vld [tilespmem:s4+$0x5C0];
	v13 =	vmul.f32 v13, v19;
	v10 =	vadd.f32 v10, v18;
	v7 =	vmul.f32 v7, v41  }
0xfb: {  	v31 =	vld [tilespmem:s4+$0x55B0];
	v19 =	vand.u32 $0xFFFF0000, v56;
	v12 =	vmax.f32 v12, v55;
	v14 =	vmax.f32 v61, v24  }
0xfc: {  	v35 =	vld [tilespmem:s4+$0x55C0];
	v6 =	vadd.f32 v6, v8;
	v8 =	vmul.f32 v32, v28;
	v53 =	vmul.f32 $2.000000030e-01, v10  }
0xfd: {  	v5 =	vadd.f32 v13, v5;
	v12 =	vmul.f32 v12, v52;
	v14 =	vmul.f32 v14, v62  }
0xfe: {  	v40 =	vld [tilespmem:$0xCA50];
	v26 =	vshll.u32 v54, $0x10;
	v6 =	vadd.f32 v9, v6;
	v9 =	vadd.f32 v43, v42  }
0xff: {  	v55 =	vld [tilespmem:s4+$0x55E0];
	v18 =	vand.u32 $0xFFFF0000, v54;
	v12 =	vadd.f32 v60, v12;
	v13 =	vadd.f32 v27, v26  }
0x100: {  	v32 =	vadd.f32 v19, v18;
	v41 =	vshll.u32 v31, $0x10;
	v47 =	vand.u32 $0xFFFF0000, v31  }
0x101: {  	v42 =	vshll.u32 v34, $0x10;
	v43 =	vshll.u32 v35, $0x10;
	v52 =	vadd.f32 v47, v45  }
0x102: {  	v49 =	vld [tilespmem:$0xCA60];
	v6 =	vadd.f32 v6, v8;
	v8 =	vmax.f32 v36, v39;
	v51 =	vmul.f32 $2.000000030e-01, v9  }
0x103: {  	v25 =	vld [tilespmem:$0xCAC0];
	v33 =	vmul.f32 $2.000000030e-01, v13;
	v37 =	vmul.f32 $2.000000030e-01, v32;
	v39 =	vshll.u32 v30, $0x10  }
0x104: {  	v57 =	vld [tilespmem:$0xCA70];
	v24 =	vshll.u32 v55, $0x10;
	v17 =	vand.u32 $0xFFFF0000, v55;
	v8 =	vmul.f32 v8, v40  }
0x105: {  	v30 =	vld [tilespmem:s4+$0x980];
	v60 =	vmul.f32 $2.000000030e-01, v52;
	v6 =	vadd.f32 v11, v6;
	v9 =	vmax.f32 v9, v51  }
0x106: {  	v11 =	vand.u32 $0xFFFF0000, v48;
	v36 =	vmax.f32 v13, v33;
	v13 =	vadd.f32 v43, v42  }
0x107: {  	v63 =	vld [tilespmem:$0xCAB0];
	v9 =	vmul.f32 v9, v49;
	v11 =	vadd.f32 v11, v16;
	v6 =	vadd.f32 v6, v8  }
0x108: {  	v42 =	vld [tilespmem:s4+$0x990];
	v8 =	vmax.f32 v10, v53;
	v10 =	vmul.f32 v36, v25;
	v50 =	vmul.f32 $2.000000030e-01, v13  }
0x109: {  	v48 =	vand.u32 $0xFFFF0000, v34;
	v29 =	vmul.f32 $2.000000030e-01, v11;
	v8 =	vmul.f32 v8, v57  }
0x10a: {  	v53 =	vld [tilespmem:s4+$0x5E0];
	v57 =	vshll.u32 v44, $0x10;
	v18 =	vand.u32 $0xFFFF0000, v30;
	v9 =	vadd.f32 v9, v6  }
0x10b: {  	v61 =	vld [tilespmem:$0xCAF0];
	v6 =	vadd.f32 v14, v12;
	v12 =	vand.u32 $0xFFFF0000, v35;
	v11 =	vmax.f32 v11, v29  }
0x10c: {  	v28 =	vld [tilespmem:$0xCAD0];
	v14 =	vand.u32 $0xFFFF0000, v46;
	v12 =	vadd.f32 v12, v48;
	v11 =	vmul.f32 v11, v63  }
0x10d: {  	v13 =	vmax.f32 v13, v50;
	v35 =	vld [tilespmem:s4+$0x5F0];
	v14 =	vadd.f32 v14, v15;
	v50 =	vshll.u32 v42, $0x10  }
0x10e: {  	v40 =	vld [tilespmem:$0xCB00];
	v21 =	vand.u32 $0xFFFF0000, v42;
	v54 =	vmul.f32 $2.000000030e-01, v12;
	v11 =	vadd.f32 v6, v11  }
0x10f: {  	v51 =	vld [tilespmem:$0xCB10];
	v23 =	vshll.u32 v53, $0x10;
	v6 =	vadd.f32 v5, v7;
	v5 =	vadd.f32 v9, v8  }
0x110: {  	v44 =	vld [tilespmem:s4+$0x5990];
	v7 =	vmax.f32 v32, v37;
	v9 =	vadd.f32 v41, v39;
	v29 =	vadd.f32 v24, v23  }
0x111: {  	v8 =	vmax.f32 v52, v60;
	v7 =	vmul.f32 v7, v28;
	v12 =	vmax.f32 v12, v54  }
0x112: {  	v28 =	vmul.f32 $2.000000030e-01, v14;
	v8 =	vmul.f32 v8, v61;
	v45 =	vshll.u32 v35, $0x10  }
0x113: {  	v56 =	vld [tilespmem:$0xCAE0];
	v38 =	vadd.f32 v10, v11;
	v49 =	vmul.f32 $2.000000030e-01, v9;
	v10 =	vmul.f32 v13, v40  }
0x114: {  	v32 =	vld [tilespmem:s4+$0x5980];
	v13 =	vadd.f32 v58, v57;
	v12 =	vmul.f32 v12, v51;
	v11 =	vand.u32 $0xFFFF0000, v53  }
0x115: {  	v37 =	vld [tilespmem:s4+$0x55F0];
	v33 =	vmul.f32 $2.000000030e-01, v29;
	v40 =	vshll.u32 v30, $0x10;
	v51 =	vshll.u32 v44, $0x10  }
0x116: {  	v59 =	vld [tilespmem:$0xCB20];
	v31 =	vmax.f32 v14, v28;
	v11 =	vadd.f32 v17, v11;
	v53 =	vadd.f32 v51, v50  }
0x117: {  	v63 =	vld [tilespmem:$0xCB30];
	v7 =	vadd.f32 v38, v7;
	v9 =	vmax.f32 v9, v49;
	v10 =	vadd.f32 $0.0e+00, v10  }
0x118: {  	v54 =	vld [tilespmem:s4+$0x9A0];
	v62 =	vmul.f32 $2.000000030e-01, v13;
	v36 =	vmax.f32 v29, v33;
	v9 =	vmul.f32 v9, v56  }
0x119: {  	v25 =	vld [tilespmem:$0xCB40];
	v38 =	vmul.f32 $2.000000030e-01, v11;
	v41 =	vshll.u32 v32, $0x10;
	v14 =	vand.u32 $0xFFFF0000, v32  }
0x11a: {  	v34 =	vld [tilespmem:$0xCB50];
	v46 =	vshll.u32 v37, $0x10;
	v15 =	vand.u32 $0xFFFF0000, v37;
	v58 =	vmul.f32 $2.000000030e-01, v53  }
0x11b: {  	v13 =	vmax.f32 v13, v62;
	v10 =	vadd.f32 v10, v12;
	v43 =	vadd.f32 v41, v40  }
0x11c: {  	v29 =	vld [tilespmem:s4+$0x59B0];
	v12 =	vmul.f32 v31, v63;
	v14 =	vadd.f32 v14, v18;
	v17 =	vadd.f32 v46, v45  }
0x11d: {  	v48 =	vld [tilespmem:$0xCB90];
	v28 =	vshll.u32 v54, $0x10;
	v16 =	vand.u32 $0xFFFF0000, v54;
	v13 =	vmul.f32 v13, v59  }
0x11e: {  	v56 =	vld [tilespmem:s4+$0x59A0];
	v7 =	vadd.f32 v9, v7;
	v9 =	vmul.f32 v36, v25;
	v11 =	vmax.f32 v11, v38  }
0x11f: {  	v32 =	vld [tilespmem:s4+$0x59C0];
	v62 =	vmax.f32 v53, v58;
	v47 =	vmul.f32 $2.000000030e-01, v43;
	v11 =	vmul.f32 v11, v34  }
0x120: {  	v63 =	vld [tilespmem:s4+$0x9B0];
	v49 =	vmul.f32 $2.000000030e-01, v14;
	v55 =	vmul.f32 $2.000000030e-01, v17;
	v10 =	vadd.f32 v13, v10  }
0x121: {  	v31 =	vld [tilespmem:s4+$0x9C0];
	v13 =	vand.u32 $0xFFFF0000, v35;
	v7 =	vadd.f32 v7, v8;
	v40 =	vshll.u32 v29, $0x10  }
0x122: {  	v46 =	vld [tilespmem:s4+$0x59D0];
	v23 =	vand.u32 $0xFFFF0000, v29;
	v13 =	vadd.f32 v15, v13;
	v14 =	vmax.f32 v14, v49  }
0x123: {  	v59 =	vmax.f32 v17, v55;
	v30 =	vshll.u32 v56, $0x10;
	v19 =	vand.u32 $0xFFFF0000, v56  }
0x124: {  	v58 =	vld [tilespmem:s4+$0x9E0];
	v42 =	vshll.u32 v32, $0x10;
	v10 =	vadd.f32 v10, v12;
	v14 =	vmul.f32 v14, v48  }
0x125: {  	v12 =	vand.u32 $0xFFFF0000, v44;
	v20 =	vadd.f32 v30, v28;
	v16 =	vadd.f32 v19, v16  }
0x126: {  	v39 =	vld [tilespmem:$0xCB80];
	v38 =	vshll.u32 v63, $0x10;
	v41 =	vshll.u32 v31, $0x10;
	v15 =	vand.u32 $0xFFFF0000, v63  }
0x127: {  	v27 =	vld [tilespmem:$0xCBF0];
	v19 =	vand.u32 $0xFFFF0000, v32;
	v18 =	vand.u32 $0xFFFF0000, v46;
	v12 =	vadd.f32 v12, v21  }
0x128: {  	v52 =	vld [tilespmem:$0xCBA0];
	v61 =	vmul.f32 $2.000000030e-01, v13;
	v44 =	vadd.f32 v40, v38;
	v45 =	vadd.f32 v42, v41  }
0x129: {  	v57 =	vld [tilespmem:$0xCB60];
	v51 =	vadd.f32 v23, v15;
	v30 =	vshll.u32 v58, $0x10;
	v9 =	vadd.f32 v9, v10  }
0x12a: {  	v33 =	vld [tilespmem:$0xCBC0];
	v10 =	vmax.f32 v43, v47;
	v34 =	vmul.f32 $2.000000030e-01, v20;
	v35 =	vmul.f32 $2.000000030e-01, v16  }
0x12b: {  	v36 =	vld [tilespmem:$0xCBD0];
	v47 =	vand.u32 $0xFFFF0000, v31;
	v10 =	vmul.f32 v10, v39;
	v21 =	vmul.f32 $2.000000030e-01, v12  }
0x12c: {  	v48 =	vld [tilespmem:$0xCB70];
	v13 =	vmax.f32 v13, v61;
	v19 =	vadd.f32 v19, v47;
	v49 =	vmul.f32 $2.000000030e-01, v45  }
0x12d: {  	v60 =	vld [tilespmem:$0xCBB0];
	v53 =	vmul.f32 $2.000000030e-01, v44;
	v26 =	vmul.f32 $2.000000030e-01, v51;
	v9 =	vadd.f32 v9, v11  }
0x12e: {  	v43 =	vld [tilespmem:s4+$0x9D0];
	v11 =	vmul.f32 v59, v57;
	v8 =	vmax.f32 v20, v34;
	v37 =	vmax.f32 v16, v35  }
0x12f: {  	v32 =	vld [tilespmem:s4+$0xD80];
	v57 =	vshll.u32 v46, $0x10;
	v35 =	vand.u32 $0xFFFF0000, v58;
	v10 =	vadd.f32 $0.0e+00, v10  }
0x130: {  	v42 =	vld [tilespmem:s4+$0x59F0];
	v12 =	vmax.f32 v12, v21;
	v8 =	vmul.f32 v8, v33;
	v50 =	vmul.f32 v37, v36  }
0x131: {  	v39 =	vld [tilespmem:$0xCC00];
	v16 =	vmax.f32 v45, v49;
	v54 =	vmul.f32 $2.000000030e-01, v19;
	v13 =	vmul.f32 v13, v48  }
0x132: {  	v59 =	vld [tilespmem:s4+$0x59E0];
	v12 =	vmul.f32 v12, v60;
	v9 =	vadd.f32 v11, v9;
	v11 =	vmax.f32 v51, v26  }
0x133: {  	v34 =	vld [tilespmem:s4+$0x5D80];
	v10 =	vadd.f32 v10, v14;
	v14 =	vmul.f32 v62, v52;
	v56 =	vshll.u32 v43, $0x10  }
0x134: {  	v55 =	vld [tilespmem:$0xCC20];
	v19 =	vmax.f32 v19, v54;
	v22 =	vand.u32 $0xFFFF0000, v43;
	v62 =	vmax.f32 v44, v53  }
0x135: {  	v47 =	vld [tilespmem:s4+$0xD90];
	v38 =	vmul.f32 v11, v27;
	v43 =	vshll.u32 v32, $0x10;
	v54 =	vshll.u32 v42, $0x10  }
0x136: {  	v52 =	vld [tilespmem:$0xCC10];
	v16 =	vmul.f32 v16, v39;
	v17 =	vadd.f32 v57, v56;
	v18 =	vadd.f32 v18, v22  }
0x137: {  	v49 =	vld [tilespmem:s4+$0x5D90];
	v9 =	vadd.f32 v9, v13;
	v10 =	vadd.f32 v14, v10;
	v31 =	vshll.u32 v59, $0x10  }
0x138: {  	v60 =	vld [tilespmem:$0xCBE0];
	v20 =	vand.u32 $0xFFFF0000, v59;
	v44 =	vshll.u32 v34, $0x10;
	v51 =	vand.u32 $0xFFFF0000, v34  }
0x139: {  	v39 =	vld [tilespmem:s4+$0x9F0];
	v16 =	vadd.f32 $0.0e+00, v16;
	v61 =	vmul.f32 $2.000000030e-01, v17;
	v28 =	vmul.f32 $2.000000030e-01, v18  }
0x13a: {  	v57 =	vld [tilespmem:s4+$0xDA0];
	v33 =	vadd.f32 v31, v30;
	v46 =	vadd.f32 v44, v43;
	v31 =	vand.u32 $0xFFFF0000, v47  }
0x13b: {  	v10 =	vadd.f32 v10, v12;
	v12 =	vmul.f32 v19, v52;
	v26 =	vmax.f32 v17, v61  }
0x13c: {  	v63 =	vld [tilespmem:$0xCC30];
	v36 =	vmul.f32 $2.000000030e-01, v33;
	v52 =	vmul.f32 $2.000000030e-01, v46;
	v61 =	vshll.u32 v49, $0x10  }
0x13d: {  	v59 =	vld [tilespmem:s4+$0x5DA0];
	v8 =	vadd.f32 v8, v10;
	v15 =	vmul.f32 v26, v55;
	v10 =	vmul.f32 v62, v60  }
0x13e: {  	v45 =	vld [tilespmem:$0xCC80];
	v53 =	vshll.u32 v39, $0x10;
	v11 =	vand.u32 $0xFFFF0000, v39;
	v60 =	vshll.u32 v47, $0x10  }
0x13f: {  	v43 =	vld [tilespmem:s4+$0x5DC0];
	v19 =	vand.u32 $0xFFFF0000, v57;
	v12 =	vadd.f32 v16, v12;
	v16 =	vmax.f32 v18, v28  }
0x140: {  	v40 =	vmax.f32 v33, v36;
	v56 =	vadd.f32 v54, v53;
	v13 =	vmax.f32 v46, v52  }
0x141: {  	v18 =	vand.u32 $0xFFFF0000, v42;
	v62 =	vadd.f32 v61, v60;
	v36 =	vshll.u32 v57, $0x10  }
0x142: {  	v29 =	vld [tilespmem:$0xCC40];
	v22 =	vand.u32 $0xFFFF0000, v59;
	v8 =	vadd.f32 v8, v50;
	v14 =	vmul.f32 v16, v63  }
0x143: {  	v47 =	vld [tilespmem:s4+$0x5DB0];
	v50 =	vand.u32 $0xFFFF0000, v32;
	v13 =	vmul.f32 v13, v45;
	v19 =	vadd.f32 v22, v19  }
0x144: {  	v42 =	vld [tilespmem:s4+$0xDC0];
	v11 =	vadd.f32 v18, v11;
	v54 =	vshll.u32 v43, $0x10;
	v12 =	vadd.f32 v15, v12  }
0x145: {  	v52 =	vld [tilespmem:s4+$0x5DD0];
	v15 =	vadd.f32 v20, v35;
	v32 =	vmul.f32 $2.000000030e-01, v56;
	v33 =	vmul.f32 $2.000000030e-01, v62  }
0x146: {  	v37 =	vld [tilespmem:$0xCC50];
	v8 =	vadd.f32 v10, v8;
	v13 =	vadd.f32 $0.0e+00, v13;
	v44 =	vmul.f32 $2.000000030e-01, v19  }
0x147: {  	v63 =	vld [tilespmem:$0xCCA0];
	v46 =	vmul.f32 $2.000000030e-01, v11;
	v12 =	vadd.f32 v12, v14;
	v41 =	vmul.f32 $2.000000030e-01, v15  }
0x148: {  	v45 =	vld [tilespmem:s4+$0xDB0];
	v14 =	vmul.f32 v40, v29;
	v16 =	vmax.f32 v62, v33;
	v17 =	vmax.f32 v56, v32  }
0x149: {  	v30 =	vld [tilespmem:$0xCC60];
	v21 =	vand.u32 $0xFFFF0000, v47;
	v8 =	vadd.f32 v8, v38;
	v11 =	vmax.f32 v11, v46  }
0x14a: {  	v35 =	vld [tilespmem:$0xCC70];
	v53 =	vshll.u32 v42, $0x10;
	v57 =	vand.u32 $0xFFFF0000, v42;
	v62 =	vshll.u32 v52, $0x10  }
0x14b: {  	v55 =	vld [tilespmem:$0xCC90];
	v48 =	vmax.f32 v15, v41;
	v12 =	vadd.f32 v14, v12;
	v15 =	vadd.f32 v51, v50  }
0x14c: {  	v40 =	vld [tilespmem:$0xCCD0];
	v14 =	vand.u32 $0xFFFF0000, v49;
	v16 =	vmul.f32 v16, v63;
	v49 =	vmax.f32 v19, v44  }
0x14d: {  	v56 =	vshll.u32 v45, $0x10;
	v33 =	vand.u32 $0xFFFF0000, v45;
	v10 =	vmul.f32 v48, v37  }
0x14e: {  	v34 =	vld [tilespmem:$0xCCB0];
	v14 =	vadd.f32 v14, v31;
	v37 =	vshll.u32 v59, $0x10;
	v58 =	vmul.f32 $2.000000030e-01, v15  }
0x14f: {  	v50 =	vld [tilespmem:s4+$0xDD0];
	v48 =	vmul.f32 v17, v30;
	v11 =	vmul.f32 v11, v35;
	v19 =	vadd.f32 v21, v33  }
0x150: {  	v29 =	vld [tilespmem:s4+$0xDE0];
	v38 =	vmul.f32 $2.000000030e-01, v14;
	v10 =	vadd.f32 v12, v10;
	v15 =	vmax.f32 v15, v58  }
0x151: {  	v51 =	vmul.f32 v49, v40;
	v12 =	vadd.f32 v54, v53;
	v15 =	vmul.f32 v15, v55  }
0x152: {  	v31 =	vld [tilespmem:s4+$0x5DE0];
	v58 =	vshll.u32 v47, $0x10;
	v14 =	vmax.f32 v14, v38;
	v10 =	vadd.f32 v48, v10  }
0x153: {  	v39 =	vld [tilespmem:$0xCCC0];
	v59 =	vmul.f32 $2.000000030e-01, v12;
	v13 =	vadd.f32 v13, v15;
	v15 =	vadd.f32 v37, v36  }
0x154: {  	v17 =	vadd.f32 v58, v56;
	v61 =	vshll.u32 v50, $0x10;
	v30 =	vand.u32 $0xFFFF0000, v50  }
0x155: {  	v55 =	vld [tilespmem:$0xCD00];
	v38 =	vshll.u32 v29, $0x10;
	v14 =	vmul.f32 v14, v34;
	v41 =	vmul.f32 $2.000000030e-01, v15  }
0x156: {  	v22 =	vadd.f32 v62, v61;
	v13 =	vadd.f32 v16, v13;
	v16 =	vand.u32 $0xFFFF0000, v43  }
0x157: {  	v60 =	vld [tilespmem:$0xCD10];
	v18 =	vand.u32 $0xFFFF0000, v31;
	v16 =	vadd.f32 v16, v57;
	v15 =	vmax.f32 v15, v41  }
0x158: {  	v40 =	vmul.f32 $2.000000030e-01, v17;
	v13 =	vadd.f32 v13, v14;
	v15 =	vmul.f32 v15, v39  }
0x159: {  	v63 =	vld [tilespmem:$0xCD20];
	v12 =	vmax.f32 v12, v59;
	v32 =	vmul.f32 $2.000000030e-01, v22;
	v28 =	vmul.f32 $2.000000030e-01, v16  }
0x15a: {  	v36 =	vld [tilespmem:s4+$0xDF0];
	v12 =	vmul.f32 v12, v55;
	v13 =	vadd.f32 v15, v13;
	v15 =	vand.u32 $0xFFFF0000, v52  }
0x15b: {  	v34 =	vld [tilespmem:$0xCD30];
	v43 =	vand.u32 $0xFFFF0000, v29;
	v16 =	vmax.f32 v16, v28;
	v14 =	vadd.f32 v15, v30  }
0x15c: {  	v37 =	vld [tilespmem:s4+$0x5DF0];
	v17 =	vmax.f32 v17, v40;
	v12 =	vadd.f32 $0.0e+00, v12;
	v16 =	vmul.f32 v16, v60  }
0x15d: {  	v39 =	vshll.u32 v31, $0x10;
	v15 =	vmax.f32 v22, v32;
	v35 =	vmul.f32 $2.000000030e-01, v14  }
0x15e: {  	v42 =	vld [tilespmem:$0xCD40];
	v41 =	vadd.f32 v39, v38;
	v15 =	vmul.f32 v15, v63;
	v12 =	vadd.f32 v12, v16  }
0x15f: {  	v18 =	vadd.f32 v18, v43;
	v47 =	vshll.u32 v36, $0x10;
	v14 =	vmax.f32 v14, v35  }
0x160: {  	v45 =	vld [tilespmem:$0xCD50];
	v44 =	vmul.f32 $2.000000030e-01, v41;
	v12 =	vadd.f32 v15, v12;
	v14 =	vmul.f32 v14, v34  }
0x161: {  	v46 =	vld [tilespmem:$0xCCE0];
	v48 =	vshll.u32 v37, $0x10;
	v49 =	vmul.f32 $2.000000030e-01, v18;
	v23 =	vand.u32 $0xFFFF0000, v36  }
0x162: {  	v50 =	vld [tilespmem:$0xCD60];
	v15 =	vmax.f32 v41, v44;
	v12 =	vadd.f32 v12, v14;
	v14 =	vadd.f32 v48, v47  }
0x163: {  	v13 =	vadd.f32 v13, v51;
	v51 =	vld [tilespmem:$0xCCF0];
	v16 =	vand.u32 $0xFFFF0000, v37;
	v15 =	vmul.f32 v15, v42  }
0x164: {  	v53 =	vld [tilespmem:$0xCD70];
	v18 =	vmax.f32 v18, v49;
	v16 =	vadd.f32 v16, v23;
	v52 =	vmul.f32 $2.000000030e-01, v14  }
0x165: {  	v55 =	vmul.f32 $2.000000030e-01, v19;
	v54 =	vmul.f32 v18, v45;
	v12 =	vadd.f32 v15, v12  }
0x166: {  	(xrf2) =	vadd.scan.msk.f32 $0xffff, v6;
	v6 =	vmul.f32 v17, v46;
	v56 =	vmul.f32 $2.000000030e-01, v16;
	v14 =	vmax.f32 v14, v52  }
0x167: {  	(xrf2) =	vadd.scan.msk.f32 $0xffff, v5;
	v5 =	vmax.f32 v19, v55;
	v12 =	vadd.f32 v12, v54;
	v14 =	vmul.f32 v14, v50  }
0x168: {  	(xrf2) =	vadd.scan.msk.f32 $0xffff, v7;
	v6 =	vadd.f32 v6, v13;
	v5 =	vmul.f32 v5, v51;
	v7 =	vmax.f32 v16, v56  }
0x169: {  	(xrf2) =	vadd.scan.msk.f32 $0xffff, v9;
	v57 =	vadd.f32 v10, v11;
	v7 =	vmul.f32 v7, v53;
	v58 =	vadd.f32 v14, v12  }
0x16a: {  	(xrf2) =	vadd.scan.msk.f32 $0xffff, v8;
	v5 =	vadd.f32 v6, v5  }
0x16b: {  	(xrf2) =	vadd.scan.msk.f32 $0xffff, v57;
	v6 =	vadd.f32 v58, v7  }
0x16c: {  	(xrf2) =	vadd.scan.msk.f32 $0xffff, v5  }
0x16d: {  	(xrf2) =	vadd.scan.msk.f32 $0xffff, v6;
	_ =	sdelay $0x2  }
0x16e: {  	v5, _, _ =	vpop (xrf2)  }
0x16f: {  	v5 =	vbroadcast v5, $0xF;
	v6, _, _ =	vpop (xrf2)  }
0x170: {  	v7, _, _ =	vpop (xrf2);
	v6 =	vbroadcast v6, $0xF  }
0x171: {  	v5 =	vnsel vm1, $0xF149F2CA, v5;
	v59, _, _ =	vpop (xrf2);
	v7 =	vbroadcast v7, $0xF  }
0x172: {  	v60, _, _ =	vpop (xrf2);
	v5 =	vsel vm2, v5, v6;
	v6 =	vbroadcast v59, $0xF  }
0x173: {  	v61, _, _ =	vpop (xrf2);
	v5 =	vsel vm3, v5, v7;
	v7 =	vbroadcast v60, $0xF  }
0x174: {  	v62, _, _ =	vpop (xrf2);
	v5 =	vsel vm4, v5, v6;
	v6 =	vbroadcast v61, $0xF  }
0x175: {  	v5 =	vsel vm5, v5, v7;
	v7 =	vbroadcast v62, $0xF;
	v63, _, _ =	vpop (xrf2)  }
0x176: {  	v5 =	vsel vm6, v5, v6;
	v6 =	vbroadcast v63, $0xF  }
0x177: {  	v5 =	vsel vm7, v5, v7  }
0x178: {  	v5 =	vsel vm8, v5, v6  }
0x179: {  	v5 =	vmul.f32 $1.442695020e+00, v5;
	_ =	sdelay $0x1  }
0x17a: {  	(erf) = vpow2.f32 v5  }
0x17b: {  	s23 =	sshra.s32 s16, $0x2  }
0x17c: {  	[tilespmem:s23+$0xA180] =	vst v1  }
0x17d: {  	[tilespmem:s23+$0xA190] =	vst v1  }
0x17e: {  	[tilespmem:s23+$0xA1A0] =	vst v1  }
0x17f: {  	[tilespmem:s23+$0xA1B0] =	vst v1  }
0x180: {  	[tilespmem:s23+$0xA1C0] =	vst v1;
	v6 =	vmov s2  }
0x181: {  	[tilespmem:s23+$0xA1D0] =	vst v1  }
0x182: {  	[tilespmem:s23+$0xA1E0] =	vst v1  }
0x183: {  	[tilespmem:s23+$0xA1F0] =	vst v1;
	v5 =	vpop (erf)  }
0x184: {  	[tilespmem:s23+$0xB580] =	vst v5  }
0x185: {  	v7 =	vld.idx.msk [tilespmem:v6+s20+$0x0], $0xffff;
	_ =	sdelay $0x4  }
0x186: {  	v7 =	vshll.u32 v7, $0x4  }
0x187: {  	v6 =	vshll.u32 v6, $0x7;
	v7 =	vand.u32 $0x70, v7  }
0x188: {  	v6 =	vor.u32 v6, v7  }
0x189: {  	p1 =	sne.s32 s2, $0x27;
	v6 =	vor.u32 v0, v6  }
.Ltmp2:
0x18a: {  	_ = 	snop;
	(pc) =	sbr.rel @p1 .LBB2_7-.Ltmp2, $2  }
0x18b: {  	_ =	sdelay $0x2  }
0x18c: {  	s15 =	sadd.s32 $0x80, s15;
	s16 =	sadd.s32 $0x200, s16;
	s2 =	sadd.s32 $0x1, s2;
	[tilespmem:v6+s30+$0x0] =	vst.idx.msk $0xffff, v5  }
0x18d: {  	s2 =	rddreg [dreg:$0x2]  }
0x18e: {  	[spmem:s2] =	stream.indirect.scatter.add.f32 [tilespmem:s30], [sflag:$0x4], $0x80, s21, s31, $0xb8;
	[tilespmem:$0xF980] =	vst v63  }
0x18f: {  	s16 =	sshll.u32 s3, $0x4;
	s19 =	sadd.s32 $0x1, s19;
	_ =	swait.ge [sflag:s18], $0x1400  }
0x190: {  	s23 =	simm.s32 $0x0;
	p1 =	sne.s32 s19, $0x102;
	[sflag:s18] =	ssyncset.done $0x0  }
.Ltmp3:
0x191: {  	s2 =	sadd.s32 s10, s16;
	[sflag:s18] =	ssyncadd.s32 $0xFFFFEC00;
	(pc) =	sbr.rel @p1 .LBB2_6-.Ltmp3, $4  }
0x192: {  	[hbm4b:s2+s23] =	stream.linear.scatter [tilespmem:s0], [sflag:$0x4], $0x1400, $0x38;
	[tilespmem:$0xF980] =	vst v63  }
0x193: {  	_ =	swait.ge [sflag:s18], $0x1400  }
0x194: {  	[sflag:s18] =	ssyncset.done $0x0  }
0x195: {  	[sflag:s18] =	ssyncadd.s32 $0xFFFFEC00  }
0x196: {  	s1 =	stileid.u32  }
0x197: {  	[bflag:$0x0] =	sbarrier.arrive $0xFFFF;
	s1 =	sshll.u32 @!p0 s1, $0x6  }
0x198: {  	s2 =	sshrl.u32 @!p0 s11, $0x3;
	s3 =	rddreg [dreg:$0x4];
	s1 =	sor.u32 @!p0 $0x1C04, s1  }
0x199: {  	[hbm:s3], [sflag:s1] =	dma.local @!p0 [spmem:s2], $0x2800  }
0x19a: {  	s1 =	simm.s32 @!p0 $0x4  }
0x19b: {  	_ =	swait.ge @!p0 [sflag:s1], $0x2800  }
0x19c: {  	s19 =	rddreg [dreg:$0x6]  }
0x19d: {  	s23 =	rddreg [dreg:$0x5];
	s3 =	sadd.s32 $0x1, s19  }
0x19e: {  	p1 =	sne.s32 s3, s23  }
.Ltmp4:
0x19f: {  	_ = 	snop;
	(pc) =	sbr.rel @p1 .LBB2_1-.Ltmp4, $3  }
0x1a0: {  	_ =	sdelay $0x1  }
0x1a1: {  	[sflag:s1] =	ssyncset.done @!p0 $0x0  }
0x1a2: {  	[sflag:s1] =	ssyncadd.s32 @!p0 $0xFFFFD800  }
0x1a3: {  	_ =	sfence.sel $0x180000  }
0x1a4: {  	[bflag:$0x0] =	sbarrier.arrive $0xFFFF  }
0x1a5: {  	_ =	strace $0x9000004A  }
0x1a6: {  	s0 =	stileid.u32;
	[bflag:$0x2] =	sbarrier.arrive $0xFFFF  }
0x1a7: {  	p0 =	sne.s32 s0, $0x0;
	s0 =	rddreg [dreg:$0x3]  }
0x1a8: {  	s0 =	sadd.s32 @!p0 $0x100000, s0  }
0x1a9: {  	[sflag:s0] =	ssyncadd.tile.s32 @!p0 $0x1;
	_ =	shalt  }
.Lfunc_end2:
_tile_overlayer_lowered:
.L_overlay_start_2:
0x1aa: {  	(tag) =	ssettag $0x2  }
0x1ab: {  	s0 =	rddreg [dreg:$0x0];
	s2 =	stileid.u32  }
0x1ac: {  	s1 =	rddreg [dreg:$0x1];
	p0 =	sne.s32 s2, $0x0  }
0x1ad: {  	s3 =	rddreg [dreg:$0x2];
	[bflag:$0x3] =	sbarrier.arrive $0xFFFF;
	s2 =	simm.s32 @!p0 $0x1C04  }
0x1ae: {  	[timem:s3], [sflag:s2] =	dma.local @!p0 [hbm:s0], s1  }
0x1af: {  	s0 =	simm.s32 @!p0 $0x4  }
0x1b0: {  	_ =	swait.ge @!p0 [sflag:s0], s1  }
0x1b1: {  	s1 =	ssub.s32 @!p0 $0x0, s1;
	[sflag:s0] =	ssyncset.done @!p0 $0x0  }
0x1b2: {  	[sflag:s0] =	ssyncadd.s32 @!p0 s1  }
0x1b3: {  	[bflag:$0x3] =	sbarrier.arrive $0xFFFF  }
0x1b4: {  	_ =	shalt  }

// kernel: kernel.9.cloned.1.call-start
scs
__scs_entry_jumppad:
0x0: {  	(pc) =	sbr.rel $0x88, $3  }
0x1: {  	(tag) =	ssettag $0x0;
	lr =	simm.s32 $0x1  }
0x2: {  	[smem:$0x3F8D] =	sst lr;
	_ =	strace $0xD0000000  }
0x3: {  	_ = 	snop  }
0x4: {  	_ = 	snop  }
0x5: {  	_ = 	snop  }
0x6: {  	_ = 	snop  }
0x7: {  	_ = 	snop  }
__scs_overlays_trampoline_lowered:
0x8: {  	[smem:$0x3F9C] =	sst s0  }
0x9: {  	[smem:$0x3F9D] =	sst s1  }
0xa: {  	[smem:$0x3F9E] =	sst s2  }
0xb: {  	[smem:$0x3F9F] =	sst s3  }
0xc: {  	[smem:$0x3FA0] =	sst s4  }
0xd: {  	[smem:$0x3FA1] =	sst s5  }
0xe: {  	[smem:$0x3FA2] =	sst s6  }
0xf: {  	[smem:$0x3FA3] =	sst s7  }
0x10: {  	[smem:$0x3FA4] =	sst s8  }
0x11: {  	[smem:$0x3FA5] =	sst s9;
	s0 =	simm.s32 @!p0 $0x0  }
0x12: {  	s1 =	sld [smem:$0x3F8B];
	s0 =	simm.s32 @p0 $0x1  }
0x13: {  	[smem:$0x3FA6] =	sst s0;
	s0 =	simm.s32 @!p1 $0x0  }
0x14: {  	s2 =	sld [smem:$0x3F8A];
	s0 =	simm.s32 @p1 $0x1  }
0x15: {  	[smem:$0x3FA7] =	sst s0;
	s0 =	simm.s32 @!p2 $0x0  }
0x16: {  	s3 =	sld [smem:$0x3FDB];
	s0 =	simm.s32 @p2 $0x1  }
0x17: {  	s4 =	simm.s32 $0x1BF5;
	[smem:$0x3FA9] =	sst s0  }
0x18: {  	s0 =	sld [smem:$0x3F8C];
	_ =	swait.ge [sflag:s4], $0x0  }
0x19: {  	s7 =	sld [smem:$0x3F8D]  }
0x1a: {  	s8 =	sadd.s32 $0xFFFFE003, lr  }
0x1b: {  	s9 =	sadd.s32 $0xFFFFFEF7, lr;
	s5 =	simm.s32 $0xFFFFFFFF;
	p2 =	slt.u32 s8, $0xFFFFF086  }
0x1c: {  	p1 =	slt.u32 s9, $0xF7A;
	s5 =	simm.s32 @!p2 $0x0  }
0x1d: {  	s5 =	simm.s32 @p1 $0x1;
	p0 =	seq.s32 s7, s2  }
0x1e: {  	s7 =	smul.u32 @!p0 $0xF7A, s2;
	p2 =	seq.s32 @!p0 s5, $0x0  }
0x1f: {  	s9 =	smul.u32 $0xF7A, s1;
	s8 =	simm.s32 @!p0 $0x1BF5;
	p2 =	por !p2, p0  }
0x20: {  	[sflag:s8] =	ssyncset.s32 @!p0 $0xFFFFF086;
	s6 =	sadd.s32 @!p0 s3, s7;
	s7 =	simm.s32 @!p0 $0x108  }
0x21: {  	s3 =	sadd.s32 s3, s9;
	s6 =	sadd.s32 @!p0 $0x88, s6;
	s7 =	simm.s32 @p2 $0x1082  }
0x22: {  	[simem:s7], [sflag:s8] =	dma.local @!p0 [hbm:s6], $0xF7A  }
0x23: {  	s9 =	sor.u32 $0xD0000000, s2;
	s6 =	simm.s32 $0x108;
	_ =	swait.ge @!p0 [sflag:s8], $0x0  }
0x24: {  	s3 =	sadd.s32 $0x88, s3;
	s6 =	simm.s32 @!p1 $0x1082;
	[sflag:s4] =	ssyncset.s32 $0xFFFFF086  }
0x25: {  	[simem:s6], [sflag:s4] =	dma.local [hbm:s3], $0xF7A  }
0x26: {  	[smem:$0x3F8D] =	sst s1;
	(tag) =	ssettag s2;
	_ =	strace s9  }
0x27: {  	s1 =	sld [smem:$0x3F9D]  }
0x28: {  	s2 =	sld [smem:$0x3F9E]  }
0x29: {  	s4 =	sld [smem:$0x3FA0]  }
0x2a: {  	p0 =	seq.s32 s5, $0x0;
	s5 =	sld [smem:$0x3FA1]  }
0x2b: {  	s6 =	sld [smem:$0x3FA2]  }
0x2c: {  	s7 =	sld [smem:$0x3FA3]  }
0x2d: {  	s3 =	simm.s32 $0x108;
	s8 =	sld [smem:$0x3FA4]  }
0x2e: {  	s3 =	simm.s32 @!p0 $0x1082;
	s9 =	sld [smem:$0x3FA5]  }
0x2f: {  	lr =	sadd.s32 s0, s3;
	s0 =	sld [smem:$0x3F9C]  }
0x30: {  	s3 =	sld [smem:$0x3F9F]  }
0x31: {  	[smem:$0x3FA8] =	sst s10  }
0x32: {  	s10 =	sld [smem:$0x3FA6];
	_ =	sdelay $0x3  }
0x33: {  	p0 =	seq.s32 s10, $0x1;
	s10 =	sld [smem:$0x3FA8];
	_ =	sdelay $0x3  }
0x34: {  	[smem:$0x3FA8] =	sst s10  }
0x35: {  	s10 =	sld [smem:$0x3FA7];
	_ =	sdelay $0x3  }
0x36: {  	p1 =	seq.s32 s10, $0x1;
	s10 =	sld [smem:$0x3FA8];
	_ =	sdelay $0x3  }
0x37: {  	[smem:$0x3FA8] =	sst s10  }
0x38: {  	s10 =	sld [smem:$0x3FA9]  }
0x39: {  	_ = 	snop;
	(pc) =	sbr.ind lr, $3  }
0x3a: {  	_ = 	snop  }
0x3b: {  	_ = 	snop  }
0x3c: {  	p2 =	seq.s32 s10, $0x1;
	s10 =	sld [smem:$0x3FA8]  }
0x3d: {  	_ =	shalt  }
0x3e: {  	_ =	shalt  }
0x3f: {  	_ =	shalt  }
0x40: {  	_ =	shalt  }
0x41: {  	_ =	shalt  }
0x42: {  	_ =	shalt  }
0x43: {  	_ =	shalt  }
0x44: {  	_ =	shalt  }
0x45: {  	_ =	shalt  }
0x46: {  	_ =	shalt  }
0x47: {  	_ =	shalt  }
0x48: {  	_ =	shalt  }
0x49: {  	_ =	shalt  }
0x4a: {  	_ =	shalt  }
0x4b: {  	_ =	shalt  }
0x4c: {  	_ =	shalt  }
0x4d: {  	_ =	shalt  }
0x4e: {  	_ =	shalt  }
0x4f: {  	_ =	shalt  }
0x50: {  	_ =	shalt  }
0x51: {  	_ =	shalt  }
0x52: {  	_ =	shalt  }
0x53: {  	_ =	shalt  }
0x54: {  	_ =	shalt  }
0x55: {  	_ =	shalt  }
0x56: {  	_ =	shalt  }
0x57: {  	_ =	shalt  }
0x58: {  	_ =	shalt  }
0x59: {  	_ =	shalt  }
0x5a: {  	_ =	shalt  }
0x5b: {  	_ =	shalt  }
0x5c: {  	_ =	shalt  }
0x5d: {  	_ =	shalt  }
0x5e: {  	_ =	shalt  }
0x5f: {  	_ =	shalt  }
0x60: {  	_ =	shalt  }
0x61: {  	_ =	shalt  }
0x62: {  	_ =	shalt  }
0x63: {  	_ =	shalt  }
0x64: {  	_ =	shalt  }
0x65: {  	_ =	shalt  }
0x66: {  	_ =	shalt  }
0x67: {  	_ =	shalt  }
0x68: {  	_ =	shalt  }
0x69: {  	_ =	shalt  }
0x6a: {  	_ =	shalt  }
0x6b: {  	_ =	shalt  }
0x6c: {  	_ =	shalt  }
0x6d: {  	_ =	shalt  }
0x6e: {  	_ =	shalt  }
0x6f: {  	_ =	shalt  }
0x70: {  	_ =	shalt  }
0x71: {  	_ =	shalt  }
0x72: {  	_ =	shalt  }
0x73: {  	_ =	shalt  }
0x74: {  	_ =	shalt  }
0x75: {  	_ =	shalt  }
0x76: {  	_ =	shalt  }
0x77: {  	_ =	shalt  }
0x78: {  	_ =	shalt  }
0x79: {  	_ =	shalt  }
0x7a: {  	_ =	shalt  }
0x7b: {  	_ =	shalt  }
0x7c: {  	_ =	shalt  }
0x7d: {  	_ =	shalt  }
0x7e: {  	_ =	shalt  }
0x7f: {  	_ =	shalt  }
0x80: {  	_ =	shalt  }
0x81: {  	_ =	shalt  }
0x82: {  	_ =	shalt  }
0x83: {  	_ =	shalt  }
0x84: {  	_ =	shalt  }
0x85: {  	_ =	shalt  }
0x86: {  	_ =	shalt  }
0x87: {  	_ =	shalt  }
.Lfunc_end0:
.L_simem_size_0:
called_computation.2_lowered:
.L_overlay_start_0:
0x88: {  	s2 =	sld [smem:$0x3FD9]  }
0x89: {  	s3 =	sld [smem:$0x3FFE];
	_ =	sdelay $0x1  }
0x8a: {  	s1 =	srdreg.scid  }
0x8b: {  	s0 =	sand.u32 $0x1, s1  }
0x8c: {  	s17 =	sshll.u32 s0, $0xA;
	s2 =	sadd.s32 s3, s2  }
0x8d: {  	s2 =	sadd.s32 s2, s17  }
0x8e: {  	[smem:$0x3FB4] =	sst s2  }
0x8f: {  	_ = 	snop  }
0x90: {  	s2 =	sld [smem:$0x3FD0];
	(tm) =	ssettm $0x1  }
0x91: {  	s18 =	sld [smem:$0x3FFB];
	_ =	sdelay $0x3  }
0x92: {  	_ =	strace s18  }
0x93: {  	s3 =	sld [smem:$0x3FFC];
	_ =	sdelay $0x3  }
0x94: {  	_ =	strace s3  }
0x95: {  	s3 =	sld [smem:$0x3FFD];
	_ =	sdelay $0x3  }
0x96: {  	_ =	strace s3  }
0x97: {  	_ =	strace $0x8FFFFFFF  }
0x98: {  	s19 =	sld [smem:$0x3FDB];
	_ =	sdelay $0x1  }
0x99: {  	s4 =	simm.s32 $_scs_section_size  }
0x9a: {  	s5 =	simm.s32 $_size__tile_overlayer_lowered;
	s6 =	simm.s32 $_tile_overlayer_lowered  }
0x9b: {  	s22 =	simm.s32 $0x1BFF;
	s21 =	sshll.u32 s6, $0x1;
	s3 =	sadd.s32 s4, s19  }
0x9c: {  	s7 =	simm.s32 $0x0;
	s20 =	sshll.u32 s5, $0x1;
	s5 =	sadd.s32 s21, s3  }
0x9d: {  	[timem:s7], [sflag:s22] =	dma.local [hbm:s5], s20  }
0x9e: {  	_ =	swait.ge [sflag:s22], s20  }
0x9f: {  	s4 =	ssub.s32 $0x0, s20;
	[sflag:s22] =	ssyncset.done $0x0  }
0xa0: {  	[sflag:s22] =	ssyncadd.s32 s4;
	_ =	sdelay $0x1  }
0xa1: {  	s23 =	simm.s32 $0x1B8B  }
0xa2: {  	_ =	swait.ge [sflag:s23], $0x1  }
0xa3: {  	[sflag:s23] =	ssyncset.done $0x0  }
0xa4: {  	s25 =	simm.s32 $0x1B8E;
	s24 =	sld [smem:$0x3FFE];
	[sflag:s23] =	ssyncadd.s32 $0xFFFFFFFF  }
0xa5: {  	s26 =	simm.s32 $execute0_lowered;
	[smem:$0x3FD2] =	sst s25  }
0xa6: {  	s5 =	sshll.u32 s26, $0x1;
	_ =	strace $0x8000004C;
	[dreg:$0x1] =	wrdreg $0xFFFFFFFF  }
0xa7: {  	s28 =	simm.s32 $_size_execute0_lowered;
	s3 =	sadd.s32 s3, s5;
	[dreg:$0x0] =	wrdreg $0x0  }
0xa8: {  	s5 =	sshll.u32 s28, $0x1;
	[dreg:$0x2] =	wrdreg s3  }
0xa9: {  	[dreg:$0x3] =	wrdreg s5  }
0xaa: {  	[dreg:$0x4] =	wrdreg $0xC0  }
0xab: {  	_ =	task [dreg:s7], $0x5FFFF  }
0xac: {  	[dreg:$0x1] =	wrdreg $0xFFFFFFFF  }
0xad: {  	[dreg:$0x0] =	wrdreg $0x60  }
0xae: {  	[dreg:$0x2] =	wrdreg s2  }
0xaf: {  	[dreg:$0x3] =	wrdreg s24  }
0xb0: {  	[dreg:$0x4] =	wrdreg $0x7E000  }
0xb1: {  	[dreg:$0x5] =	wrdreg $0x9  }
0xb2: {  	_ =	task.clear_ibuf [dreg:s7], $0x6FFFF;
	_ =	strace $0x9000004C  }
0xb3: {  	s29 =	simm.s32 $0x9;
	_ =	strace $0x8000004E  }
0xb4: {  	_ =	swait.ge [sflag:s29], $0x1  }
0xb5: {  	[sflag:s29] =	ssyncadd.s32 $0xFFFFFFFF  }
0xb6: {  	_ =	strace $0x9000004E  }
0xb7: {  	_ =	sfence  }
0xb8: {  	s30 =	sld [smem:$0x0];
	_ =	sdelay $0x2  }
0xb9: {  	s31 =	sshll.u32 s1, $0xD;
	s1 =	sshrl.u32 s1, $0x2  }
0xba: {  	s3 =	sand.u32 $0x4000, s31;
	s1 =	sadd.s32 s1, s30  }
0xbb: {  	s0 =	sor.u32 s3, s0;
	s1 =	sshll.u32 s1, $0x11  }
0xbc: {  	s0 =	sor.u32 s1, s0  }
0xbd: {  	s0 =	sadd.s32 $0x8F2B, s0  }
0xbe: {  	[sflag:s0] =	ssyncadd.remote.s32 $0x1  }
0xbf: {  	_ =	sfence.sel $0xFFFF  }
0xc0: {  	[dreg:$0x0] =	wrdreg $0xFFFFFFFF;
	(pc) =	sbr.abs _section_cstart, $3  }
0xc1: {  	[dreg:$0x1] =	wrdreg $0xFFFFFFFF  }
0xc2: {  	_ =	task.clear_ibuf [dreg:s7], $0x2FFFF;
	_ =	strace $0x9FFFFFFF  }
0xc3: {  	(tm) =	ssettm $0x7FFFFFFF  }
tec
execute0_lowered:
.L_overlay_start_1:
0x0: {  	(tag) =	ssettag $0x1  }
0x1: {  	s0 =	rddreg [dreg:$0x1]  }
0x2: {  	s12 =	rddreg [dreg:$0x2]  }
0x3: {  	s14 =	simm.s32 $0x0;
	s1 =	srdreg.scid;
	s11 =	stileid.u32  }
0x4: {  	s16 =	simm.s32 $0x7A00;
	s17 =	simm.s32 $0x4;
	s18 =	simm.s32 $0x80  }
0x5: {  	s19 =	simm.s32 $0x100;
	s20 =	simm.s32 $0x180;
	s21 =	simm.s32 $0x1  }
0x6: {  	s28 =	simm.s32 $0x2A00;
	s29 =	simm.s32 $0x30;
	s30 =	simm.s32 $0x4A00  }
0x7: {  	s31 =	simm.s32 $0x2;
	[smem:$0x7FF] =	sst s14;
	s1 =	sand.u32 $0x1, s1  }
0x8: {  	s3 =	smul.u32 $0xA000, s11;
	s5 =	sadd.s32 $0x3200, s0;
	s6 =	sadd.s32 $0x17600, s0  }
0x9: {  	s7 =	sadd.s32 $0xD400, s0;
	s8 =	sadd.s32 $0x29E600, s0;
	s2 =	smul.u32 $0xA0000, s1  }
0xa: {  	v0 =	vlaneseq.u32;
	s9 =	sadd.s32 $0x21800, s0;
	s4 =	smul.u32 $0x28000, s11;
	s10 =	sadd.s32 $0xC7C00, s0  }
0xb: {  	v1 =	vimm.f32 $0.0e+00;
	vm0 =	vmmov $0xffff;
	v5 =	vimm.s32 $0x4;
	s11 =	smul.u32 $0x50A0, s11;
	_ =	strace $0x8000004D;
	s2 =	sadd.s32 s3, s2  }
0xc: {  	v6 =	vimm.s32 $0x7;
	v7 =	vimm.s32 $0x0;
	v8 =	vimm.s32 $0x1;
	s23 =	ssub.s32 $0x2, s1;
	s13 =	smul.u32 $0x50A00, s1;
	s2 =	sshrl.u32 s2, $0x3  }
0xd: {  	v9 =	vimm.s32 $0x2;
	v10 =	vimm.s32 $0x3;
	v11 =	vimm.s32 $0x5;
	s24 =	sshrl.u32 s23, $0x1;
	s25 =	sshrl.u32 s4, $0x2;
	s0 =	sadd.s32 s2, s0  }
0xe: {  	v12 =	vimm.s32 $0x6;
	v2 =	vand.u32 $0x7, v0;
	v3 =	vshrl.u32 v0, $0x3;
	s12 =	sadd.s32 s25, s12;
	s2 =	ssub.s32 s23, s24;
	s0 =	sadd.s32 $0xCCC00, s0  }
0xf: {  	v4 =	vor.u32 $0x8, v0;
	v13 =	vor.u32 $0x40, v0;
	v14 =	vor.u32 $0x10, v0;
	s3 =	simm.s32 $0x6200;
	s26 =	smax.u32 s2, $0x1;
	[dreg:$0x5] =	wrdreg s0  }
0x10: {  	v15 =	vor.u32 $0x20, v0;
	v16 =	vor.u32 $0x30, v0;
	v3 =	vmul.u32 $0x8, v3;
	[dreg:$0x6] =	wrdreg s26;
	s26 =	simm.s32 $0x2200;
	s0 =	simm.s32 $0x3  }
.LBB2_1:
0x11: {  	[tilespmem:$0x7A00] =	vst v1  }
0x12: {  	[tilespmem:$0x7A10] =	vst v1  }
0x13: {  	[tilespmem:$0x7A20] =	vst v1  }
0x14: {  	[tilespmem:$0x7A30] =	vst v1  }
0x15: {  	[tilespmem:$0x7A40] =	vst v1  }
0x16: {  	[tilespmem:$0x7A50] =	vst v1  }
0x17: {  	[tilespmem:$0x7A60] =	vst v1  }
0x18: {  	[tilespmem:$0x7A70] =	vst v1  }
0x19: {  	[tilespmem:$0x7A80] =	vst v1  }
0x1a: {  	[tilespmem:$0x7A90] =	vst v1  }
0x1b: {  	[tilespmem:$0x7AA0] =	vst v1  }
0x1c: {  	[tilespmem:$0x7AB0] =	vst v1  }
0x1d: {  	[tilespmem:$0x7AC0] =	vst v1  }
0x1e: {  	[tilespmem:$0x7AD0] =	vst v1  }
0x1f: {  	[tilespmem:$0x7AE0] =	vst v1  }
0x20: {  	[tilespmem:$0x7AF0] =	vst v1  }
0x21: {  	[tilespmem:$0x7B00] =	vst v1  }
0x22: {  	[tilespmem:$0x7B10] =	vst v1  }
0x23: {  	[tilespmem:$0x7B20] =	vst v1  }
0x24: {  	[tilespmem:$0x7B30] =	vst v1  }
0x25: {  	[tilespmem:$0x7B40] =	vst v1  }
0x26: {  	[tilespmem:$0x7B50] =	vst v1  }
0x27: {  	[tilespmem:$0x7B60] =	vst v1  }
0x28: {  	[tilespmem:$0x7B70] =	vst v1  }
0x29: {  	[tilespmem:$0x7B80] =	vst v1  }
0x2a: {  	[tilespmem:$0x7B90] =	vst v1  }
0x2b: {  	[tilespmem:$0x7BA0] =	vst v1  }
0x2c: {  	[tilespmem:$0x7BB0] =	vst v1  }
0x2d: {  	[tilespmem:$0x7BC0] =	vst v1  }
0x2e: {  	[tilespmem:$0x7BD0] =	vst v1  }
0x2f: {  	[tilespmem:$0x7BE0] =	vst v1  }
0x30: {  	[tilespmem:$0x7BF0] =	vst v1  }
0x31: {  	[tilespmem:$0x7C00] =	vst v1  }
0x32: {  	[tilespmem:$0x7C10] =	vst v1  }
0x33: {  	[tilespmem:$0x7C20] =	vst v1  }
0x34: {  	[tilespmem:$0x7C30] =	vst v1  }
0x35: {  	[tilespmem:$0x7C40] =	vst v1  }
0x36: {  	[tilespmem:$0x7C50] =	vst v1  }
0x37: {  	[tilespmem:$0x7C60] =	vst v1  }
0x38: {  	[tilespmem:$0x7C70] =	vst v1  }
0x39: {  	[tilespmem:$0x7C80] =	vst v1  }
0x3a: {  	[tilespmem:$0x7C90] =	vst v1  }
0x3b: {  	[tilespmem:$0x7CA0] =	vst v1  }
0x3c: {  	[tilespmem:$0x7CB0] =	vst v1  }
0x3d: {  	[tilespmem:$0x7CC0] =	vst v1  }
0x3e: {  	[tilespmem:$0x7CD0] =	vst v1  }
0x3f: {  	[tilespmem:$0x7CE0] =	vst v1  }
0x40: {  	[tilespmem:$0x7CF0] =	vst v1  }
0x41: {  	[tilespmem:$0x7D00] =	vst v1  }
0x42: {  	[tilespmem:$0x7D10] =	vst v1  }
0x43: {  	[tilespmem:$0x7D20] =	vst v1  }
0x44: {  	[tilespmem:$0x7D30] =	vst v1  }
0x45: {  	[tilespmem:$0x7D40] =	vst v1  }
0x46: {  	[tilespmem:$0x7D50] =	vst v1  }
0x47: {  	[tilespmem:$0x7D60] =	vst v1  }
0x48: {  	[tilespmem:$0x7D70] =	vst v1  }
0x49: {  	[tilespmem:$0x7D80] =	vst v1  }
0x4a: {  	[tilespmem:$0x7D90] =	vst v1  }
0x4b: {  	[tilespmem:$0x7DA0] =	vst v1  }
0x4c: {  	[tilespmem:$0x7DB0] =	vst v1  }
0x4d: {  	[tilespmem:$0x7DC0] =	vst v1  }
0x4e: {  	[tilespmem:$0x7DD0] =	vst v1  }
0x4f: {  	[tilespmem:$0x7DE0] =	vst v1  }
0x50: {  	[dreg:$0x4] =	wrdreg s14;
	[tilespmem:$0x7DF0] =	vst v1;
	s1 =	sadd.s32 $0x0, s12  }
0x51: {  	[spmem:s1] =	stream.linear.scatter [tilespmem:s16], [sflag:$0x4], $0x400, $0x38;
	[tilespmem:$0x11E00] =	vst v63  }
0x52: {  	s1 =	simm.s32 $0x1000;
	_ =	swait.ge [sflag:s17], $0x400  }
.LBB2_2:
0x53: {  	s2 =	sshra.s32 s1, $0x2;
	[sflag:s17] =	ssyncset.done $0x0;
	p0 =	sne.s32 s1, $0x27000  }
.Ltmp0:
0x54: {  	s2 =	sadd.s32 s2, s12;
	[sflag:s17] =	ssyncadd.s32 $0xFFFFFC00;
	(pc) =	sbr.rel @p0 .LBB2_2-.Ltmp0, $3  }
0x55: {  	[spmem:s2] =	stream.linear.scatter [tilespmem:s16], [sflag:$0x4], $0x400, $0x38;
	[tilespmem:$0x11E00] =	vst v63  }
0x56: {  	s1 =	sadd.s32 $0x1000, s1;
	_ =	sdelay $0x1  }
0x57: {  	_ =	swait.ge [sflag:s17], $0x400  }
0x58: {  	[sflag:s17] =	ssyncset.done $0x0  }
0x59: {  	[sflag:s17] =	ssyncadd.s32 $0xFFFFFC00  }
0x5a: {  	s14 =	simm.s32 $0x0;
	s15 =	simm.s32 $0x0;
	[bflag:$0x0] =	sbarrier.arrive $0xFFFF  }
.LBB2_4:
0x5b: {  	s1 =	smul.u32 $0x30, s15;
	_ =	sdelay $0x1  }
0x5c: {  	s1 =	sadd.s32 s11, s1  }
0x5d: {  	s2 =	sadd.s32 s13, s1  }
0x5e: {  	s4 =	rddreg [dreg:$0x0];
	s2 =	sshrl.u32 s2, $0x3  }
0x5f: {  	s24 =	sshrl.u32 s1, $0x3;
	s2 =	sadd.s32 s4, s2  }
0x60: {  	[tilespmem:s14], [sflag:$0x1] =	stream.linear.gather [hbm4b:s2+s14], $0x30, $0x38;
	[tilespmem:$0x11E00] =	vst v63  }
0x61: {  	s25 =	sadd.s32 s5, s24  }
0x62: {  	[tilespmem:s18], [sflag:$0x1] =	stream.linear.gather [hbm4b:s25+s14], $0x30, $0x38;
	[tilespmem:$0x11E00] =	vst v63  }
0x63: {  	s22 =	sadd.s32 s6, s24  }
0x64: {  	[tilespmem:s19], [sflag:$0x1] =	stream.linear.gather [hbm4b:s22+s14], $0x30, $0x38;
	[tilespmem:$0x11E00] =	vst v63  }
0x65: {  	s1 =	sshll.u32 s1, $0x4;
	s2 =	sadd.s32 s7, s24  }
0x66: {  	[tilespmem:s20], [sflag:$0x1] =	stream.linear.gather [hbm4b:s2+s14], $0x30, $0x38;
	[tilespmem:$0x11E00] =	vst v63  }
0x67: {  	s23 =	sadd.s32 s8, s1;
	s1 =	simm.s32 $0x3200  }
0x68: {  	[tilespmem:s1], [sflag:$0x1] =	stream.linear.gather [hbm4b:s23+s14], $0x1800, $0x38;
	[tilespmem:$0x11E00] =	vst v63  }
0x69: {  	_ =	swait.ge [sflag:s21], $0x30  }
0x6a: {  	[sflag:s21] =	ssyncset.done $0x0  }
0x6b: {  	[sflag:s21] =	ssyncadd.s32 $0xFFFFFFD0  }
0x6c: {  	_ =	swait.ge [sflag:s21], $0x30  }
0x6d: {  	[sflag:s21] =	ssyncset.done $0x0  }
0x6e: {  	[sflag:s21] =	ssyncadd.s32 $0xFFFFFFD0  }
0x6f: {  	_ =	swait.ge [sflag:s21], $0x30  }
0x70: {  	[sflag:s21] =	ssyncset.done $0x0  }
0x71: {  	[sflag:s21] =	ssyncadd.s32 $0xFFFFFFD0  }
0x72: {  	_ =	swait.ge [sflag:s21], $0x1800  }
0x73: {  	[sflag:s21] =	ssyncset.done $0x0  }
0x74: {  	[sflag:s21] =	ssyncadd.s32 $0xFFFFE800  }
0x75: {  	_ =	swait.ge [sflag:s21], $0x30  }
0x76: {  	[sflag:s21] =	ssyncset.done $0x0  }
0x77: {  	[sflag:s21] =	ssyncadd.s32 $0xFFFFFFD0  }
0x78: {  	v17 =	vld [tilespmem:$0x0];
	_ =	sdelay $0x4  }
0x79: {  	v18 =	vshll.u32 v17, $0x1  }
0x7a: {  	v17 =	vand.u32 $0x7, v17;
	v18 =	vand.u32 $0xFFFFFFF0, v18  }
0x7b: {  	v17 =	vor.u32 v17, v18  }
0x7c: {  	v18 =	vperm.xlane v17, v2;
	_ =	sdelay $0x1  }
0x7d: {  	v17 =	vperm.xlane v17, v4;
	v18 =	vadd.s32 v3, v18;
	_ =	sdelay $0x1  }
0x7e: {  	v17 =	vadd.s32 v3, v17;
	_ =	sdelay $0x1  }
0x7f: {  	s24 =	simm.s32 $0x200  }
0x80: {  	[tilespmem:s24], [sflag:$0x2] =	stream.indirect_vreg.gather [hbm4b:s9+s14], $0x80, v18, vm0, $0xb8;
	[tilespmem:$0x11E00] =	vst v63  }
0x81: {  	s25 =	simm.s32 $0xA00  }
0x82: {  	[tilespmem:s25], [sflag:$0x2] =	stream.indirect_vreg.gather [hbm4b:s9+s14], $0x80, v17, vm0, $0xb8;
	[tilespmem:$0x11E00] =	vst v63  }
0x83: {  	v17 =	vld [tilespmem:$0x10];
	_ =	sdelay $0x4  }
0x84: {  	v18 =	vshll.u32 v17, $0x1  }
0x85: {  	v17 =	vand.u32 $0x7, v17;
	v18 =	vand.u32 $0xFFFFFFF0, v18  }
0x86: {  	v17 =	vor.u32 v17, v18  }
0x87: {  	v18 =	vperm.xlane v17, v2;
	_ =	sdelay $0x1  }
0x88: {  	v17 =	vperm.xlane v17, v4;
	v18 =	vadd.s32 v3, v18;
	_ =	sdelay $0x1  }
0x89: {  	v17 =	vadd.s32 v3, v17;
	_ =	sdelay $0x1  }
0x8a: {  	s4 =	simm.s32 $0x1200  }
0x8b: {  	[tilespmem:s4], [sflag:$0x2] =	stream.indirect_vreg.gather [hbm4b:s9+s14], $0x80, v18, vm0, $0xb8;
	[tilespmem:$0x11E00] =	vst v63  }
0x8c: {  	s22 =	simm.s32 $0x1A00  }
0x8d: {  	[tilespmem:s22], [sflag:$0x2] =	stream.indirect_vreg.gather [hbm4b:s9+s14], $0x80, v17, vm0, $0xb8;
	[tilespmem:$0x11E00] =	vst v63  }
0x8e: {  	v17 =	vld [tilespmem:$0x20];
	_ =	sdelay $0x4  }
0x8f: {  	v18 =	vshll.u32 v17, $0x1  }
0x90: {  	v17 =	vand.u32 $0x7, v17;
	v18 =	vand.u32 $0xFFFFFFF0, v18  }
0x91: {  	v17 =	vor.u32 v17, v18  }
0x92: {  	v18 =	vperm.xlane v17, v2;
	_ =	sdelay $0x1  }
0x93: {  	v17 =	vperm.xlane v17, v4;
	v18 =	vadd.s32 v3, v18;
	_ =	sdelay $0x1  }
0x94: {  	v17 =	vadd.s32 v3, v17;
	_ =	sdelay $0x2  }
0x95: {  	[tilespmem:s26], [sflag:$0x2] =	stream.indirect_vreg.gather [hbm4b:s9+s14], $0x80, v18, vm0, $0xb8;
	[tilespmem:$0x11E00] =	vst v63  }
0x96: {  	_ = 	snop  }
0x97: {  	[tilespmem:s28], [sflag:$0x2] =	stream.indirect_vreg.gather [hbm4b:s9+s14], $0x80, v17, vm0, $0xb8;
	[tilespmem:$0x11E00] =	vst v63  }
0x98: {  	_ = 	snop  }
0x99: {  	[tilespmem:s30], [sflag:$0x3] =	stream.indirect.gather [hbm4b:s10+s29], $0x80, s19, s29, $0xb8;
	[tilespmem:$0x11E00] =	vst v63  }
0x9a: {  	_ =	swait.ge [sflag:s31], $0x3000  }
0x9b: {  	v17 =	vmov s14;
	[sflag:s31] =	ssyncset.done $0x0  }
0x9c: {  	[sflag:s31] =	ssyncadd.s32 $0xFFFFD000  }
0x9d: {  	_ =	swait.ge [sflag:s0], $0x1800  }
0x9e: {  	[sflag:s0] =	ssyncset.done $0x0  }
0x9f: {  	[sflag:s0] =	ssyncadd.s32 $0xFFFFE800  }
0xa0: {  	v18 =	vld.idx.msk [tilespmem:v17+s18+$0x0], $0xffff;
	_ =	sdelay $0x4  }
0xa1: {  	v19 =	vshll.u32 v18, $0x4  }
0xa2: {  	v25 =	vshll.u32 v17, $0x7;
	v17 =	vand.u32 $0x70, v19  }
0xa3: {  	v17 =	vor.u32 v17, v25  }
0xa4: {  	v17 =	vor.u32 v0, v17;
	_ =	sdelay $0x4  }
0xa5: {  	v17 =	vld.idx.msk [tilespmem:v17+s30+$0x0], $0xffff;
	_ =	sdelay $0x4  }
0xa6: {  	v17 =	vadd.f32 $1.000000020e-16, v17;
	_ =	sdelay $0x1  }
0xa7: {  	(erf) = vrcp.f32 v17;
	_ =	sdelay $0x1  }
0xa8: {  	s23 =	sand.u32 $0x3800, s14;
	s24 =	sand.u32 $0x380, s14  }
0xa9: {  	s22 =	sor.u32 s24, s23  }
0xaa: {  	v20 =	vld [tilespmem:s22+$0x220]  }
0xab: {  	v17 =	vld [tilespmem:s1+$0x0]  }
0xac: {  	v21 =	vld [tilespmem:s22+$0x240]  }
0xad: {  	v23 =	vld [tilespmem:s22+$0x260]  }
0xae: {  	v24 =	vld [tilespmem:s22+$0x600]  }
0xaf: {  	v38 =	vld [tilespmem:s22+$0x660];
	v22 =	vpop (erf)  }
0xb0: {  	v19 =	vld [tilespmem:s22+$0x200];
	v22 =	vmul.f32 v22, v17  }
0xb1: {  	v18 =	vshll.u32 v18, $0x6;
	v28 =	vshll.u32 v20, $0x10  }
0xb2: {  	v29 =	vand.u32 $0xFFFF0000, v20;
	v30 =	vand.u32 $0xFFFF0000, v21;
	v26 =	vmul.f32 $1.250000000e-01, v22  }
0xb3: {  	v21 =	vshll.u32 v21, $0x10;
	v33 =	vand.u32 $0xFFFF0000, v23;
	v23 =	vshll.u32 v23, $0x10  }
0xb4: {  	v35 =	vshll.u32 v24, $0x10;
	v37 =	vand.u32 $0xFFFF0000, v24;
	v32 =	vperm.xlane v26, v7  }
0xb5: {  	v59 =	vshll.u32 v38, $0x10;
	v27 =	vand.u32 $0xFFFF0000, v19;
	v22 =	vshll.u32 v19, $0x10  }
0xb6: {  	v31 =	vld [tilespmem:s22+$0x620];
	v17 =	vand.u32 $0x40, v18;
	v34 =	vperm.xlane v26, v8;
	v22 =	vmul.f32 v22, v32  }
0xb7: {  	v60 =	vand.u32 $0xFFFF0000, v38;
	v18 =	vxor.u32 v13, v17;
	v27 =	vmul.f32 v27, v32  }
0xb8: {  	v20 =	vperm.xlane v26, v9;
	v24 =	vmul.f32 v28, v34;
	v22 =	vadd.f32 $0.0e+00, v22  }
0xb9: {  	v17 =	vor.u32 v25, v17;
	v28 =	vmul.f32 v29, v34;
	v27 =	vadd.f32 $0.0e+00, v27  }
0xba: {  	v36 =	vld [tilespmem:s22+$0x640];
	v19 =	vperm.xlane v26, v10;
	v21 =	vmul.f32 v21, v20;
	v22 =	vadd.f32 v24, v22  }
0xbb: {  	v29 =	vshll.u32 v31, $0x10;
	v30 =	vmul.f32 v30, v20;
	v27 =	vadd.f32 v28, v27  }
0xbc: {  	v23 =	vmul.f32 v23, v19;
	v24 =	vperm.xlane v26, v5;
	v21 =	vadd.f32 v21, v22  }
0xbd: {  	v31 =	vand.u32 $0xFFFF0000, v31;
	v33 =	vmul.f32 v33, v19;
	v27 =	vadd.f32 v30, v27  }
0xbe: {  	v22 =	vperm.xlane v26, v11;
	v30 =	vmul.f32 v35, v24;
	v21 =	vadd.f32 v23, v21  }
0xbf: {  	v28 =	vshll.u32 v36, $0x10;
	v37 =	vmul.f32 v37, v24;
	v27 =	vadd.f32 v33, v27  }
0xc0: {  	v23 =	vperm.xlane v26, v12;
	v29 =	vmul.f32 v29, v22;
	v30 =	vadd.f32 v30, v21  }
0xc1: {  	v36 =	vand.u32 $0xFFFF0000, v36;
	v31 =	vmul.f32 v31, v22;
	v27 =	vadd.f32 v37, v27  }
0xc2: {  	v21 =	vperm.xlane v26, v6;
	v28 =	vmul.f32 v28, v23;
	v26 =	vadd.f32 v29, v30  }
0xc3: {  	v27 =	vadd.f32 v31, v27;
	v29 =	vmul.f32 v36, v23;
	v30 =	vor.u32 v0, v17  }
0xc4: {  	v31 =	vor.u32 v14, v17;
	v26 =	vadd.f32 v28, v26;
	v28 =	vmul.f32 v59, v21  }
0xc5: {  	v18 =	vor.u32 v25, v18;
	v25 =	vadd.f32 v29, v27;
	v27 =	vmul.f32 v60, v21  }
0xc6: {  	v29 =	vor.u32 $0x10, v18;
	v26 =	vadd.f32 v28, v26  }
0xc7: {  	v25 =	vadd.f32 v27, v25  }
0xc8: {  	[tilespmem:v30+s3+$0x0] =	vst.idx.msk $0xffff, v26  }
0xc9: {  	[tilespmem:v31+s3+$0x0] =	vst.idx.msk $0xffff, v25  }
0xca: {  	[tilespmem:v18+s3+$0x0] =	vst.idx.msk $0xffff, v1  }
0xcb: {  	[tilespmem:v29+s3+$0x0] =	vst.idx.msk $0xffff, v1  }
0xcc: {  	v25 =	vld [tilespmem:s22+$0x210]  }
0xcd: {  	v28 =	vld [tilespmem:s22+$0x230]  }
0xce: {  	v61 =	vld [tilespmem:s22+$0x250]  }
0xcf: {  	v27 =	vld [tilespmem:s22+$0x630];
	_ =	sdelay $0x1  }
0xd0: {  	s25 =	simm.s32 $0x1;
	v26 =	vor.u32 v16, v17;
	v29 =	vshll.u32 v25, $0x10;
	v30 =	vand.u32 $0xFFFF0000, v25  }
0xd1: {  	v25 =	vmov s25;
	v62 =	vshll.u32 v28, $0x10;
	v31 =	vmul.f32 v29, v32  }
0xd2: {  	v63 =	vand.u32 $0xFFFF0000, v28;
	v36 =	vshll.u32 v61, $0x10;
	v32 =	vmul.f32 v30, v32;
	v29 =	vld [tilespmem:s22+$0x270]  }
0xd3: {  	s2 =	simm.s32 $0x0;
	v30 =	vshll.u32 v27, $0x10;
	v35 =	vmul.f32 v62, v34;
	v33 =	vadd.f32 $0.0e+00, v31  }
0xd4: {  	s4 =	simm.s32 $0x3280;
	s23 =	simm.s32 $0x2;
	s1 =	simm.s32 $0x0;
	v28 =	vld [tilespmem:s22+$0x610];
	v31 =	vadd.f32 $0.0e+00, v32;
	v32 =	vmul.f32 v63, v34;
	v34 =	vand.u32 $0xFFFF0000, v61  }
.LBB2_5:
0xd5: {  	s1 =	sadd.s32 $0x80, s1  }
0xd6: {  	v33 =	vadd.f32 v35, v33;
	v35 =	vmul.f32 v36, v20;
	v30 =	vmul.f32 v30, v22;
	s2 =	sadd.s32 $0x100, s2;
	s24 =	smov.u32 s23;
	s25 =	sadd.s32 $0x1, s23  }
0xd7: {  	p0 =	sne.s32 s23, $0x2F;
	v20 =	vmul.f32 v34, v20;
	v31 =	vadd.f32 v32, v31;
	v32 =	vshll.u32 v29, $0x10  }
0xd8: {  	v29 =	vand.u32 $0xFFFF0000, v29;
	v33 =	vadd.f32 v35, v33;
	v32 =	vmul.f32 v32, v19;
	v34 =	vld [tilespmem:s22+$0x650]  }
0xd9: {  	v19 =	vmul.f32 v29, v19;
	v20 =	vadd.f32 v20, v31;
	v29 =	vshll.u32 v28, $0x10  }
0xda: {  	v28 =	vand.u32 $0xFFFF0000, v28;
	v31 =	vadd.f32 v32, v33;
	v29 =	vmul.f32 v29, v24;
	v32 =	vld [tilespmem:s22+$0x670]  }
0xdb: {  	v19 =	vadd.f32 v19, v20;
	v20 =	vmul.f32 v28, v24;
	v24 =	vand.u32 $0xFFFF0000, v27  }
0xdc: {  	v17 =	vor.u32 v15, v17;
	v27 =	vadd.f32 v29, v31;
	v22 =	vmul.f32 v24, v22  }
0xdd: {  	v19 =	vadd.f32 v20, v19;
	v20 =	vshll.u32 v34, $0x10;
	v24 =	vand.u32 $0xFFFF0000, v34  }
0xde: {  	v28 =	vshll.u32 v25, $0x7;
	v27 =	vadd.f32 v30, v27;
	v20 =	vmul.f32 v20, v23  }
0xdf: {  	v19 =	vadd.f32 v22, v19;
	v22 =	vmul.f32 v24, v23;
	v23 =	vshll.u32 v32, $0x10  }
0xe0: {  	v24 =	vand.u32 $0xFFFF0000, v32;
	v20 =	vadd.f32 v20, v27;
	v23 =	vmul.f32 v23, v21  }
0xe1: {  	v21 =	vmul.f32 v24, v21;
	v19 =	vadd.f32 v22, v19;
	v22 =	vor.u32 $0x20, v18  }
0xe2: {  	v18 =	vor.u32 $0x30, v18;
	v20 =	vadd.f32 v23, v20  }
0xe3: {  	v19 =	vadd.f32 v21, v19  }
0xe4: {  	[tilespmem:v17+s3+$0x0] =	vst.idx.msk $0xffff, v20  }
0xe5: {  	[tilespmem:v26+s3+$0x0] =	vst.idx.msk $0xffff, v19  }
0xe6: {  	[tilespmem:v22+s3+$0x0] =	vst.idx.msk $0xffff, v1  }
0xe7: {  	[tilespmem:v18+s3+$0x0] =	vst.idx.msk $0xffff, v1  }
0xe8: {  	v17 =	vld.idx.msk [tilespmem:v25+s18+$0x0], $0xffff;
	_ =	sdelay $0x5  }
0xe9: {  	v18 =	vshll.u32 v17, $0x4;
	v17 =	vshll.u32 v17, $0x6  }
0xea: {  	v18 =	vand.u32 $0x70, v18;
	v17 =	vand.u32 $0x40, v17  }
0xeb: {  	v18 =	vor.u32 v18, v28;
	v21 =	vxor.u32 v13, v17;
	v17 =	vor.u32 v28, v17  }
0xec: {  	v18 =	vor.u32 v0, v18;
	_ =	sdelay $0x3  }
0xed: {  	s23 =	sand.u32 $0x380, s1;
	s22 =	sand.u32 $0x3800, s2  }
0xee: {  	s22 =	sor.u32 s23, s22;
	v18 =	vld.idx.msk [tilespmem:v18+s30+$0x0], $0xffff  }
0xef: {  	v19 =	vld [tilespmem:s22+$0x200];
	_ =	sdelay $0x4  }
0xf0: {  	v18 =	vadd.f32 $1.000000020e-16, v18;
	v22 =	vshll.u32 v19, $0x10  }
0xf1: {  	v23 =	vand.u32 $0xFFFF0000, v19  }
0xf2: {  	(erf) = vrcp.f32 v18  }
0xf3: {  	v18 =	vld [tilespmem:s22+$0x220];
	_ =	sdelay $0x1  }
0xf4: {  	v19 =	vld [tilespmem:s22+$0x240]  }
0xf5: {  	v20 =	vld [tilespmem:s4+$0x0]  }
0xf6: {  	v24 =	vld [tilespmem:s22+$0x260]  }
0xf7: {  	v25 =	vshll.u32 v18, $0x10  }
0xf8: {  	v18 =	vand.u32 $0xFFFF0000, v18  }
0xf9: {  	v26 =	vand.u32 $0xFFFF0000, v19  }
0xfa: {  	v27 =	vshll.u32 v19, $0x10;
	v19 =	vpop (erf)  }
0xfb: {  	v19 =	vmul.f32 v19, v20;
	v29 =	vand.u32 $0xFFFF0000, v24;
	v30 =	vld [tilespmem:s22+$0x600]  }
0xfc: {  	v24 =	vshll.u32 v24, $0x10  }
0xfd: {  	v31 =	vmul.f32 $1.250000000e-01, v19;
	v32 =	vld [tilespmem:s22+$0x620];
	_ =	sdelay $0x1  }
0xfe: {  	v33 =	vperm.xlane v31, v7;
	v34 =	vperm.xlane v31, v8  }
0xff: {  	v20 =	vperm.xlane v31, v9;
	v19 =	vperm.xlane v31, v10;
	v35 =	vshll.u32 v30, $0x10;
	v36 =	vld [tilespmem:s22+$0x640]  }
0x100: {  	v30 =	vand.u32 $0xFFFF0000, v30;
	v22 =	vmul.f32 v22, v33;
	v23 =	vmul.f32 v23, v33  }
0x101: {  	v25 =	vmul.f32 v25, v34;
	v37 =	vmul.f32 v18, v34;
	v18 =	vor.u32 v28, v21;
	v38 =	vld [tilespmem:s22+$0x660]  }
0x102: {  	v28 =	vshll.u32 v32, $0x10;
	v32 =	vand.u32 $0xFFFF0000, v32;
	v21 =	vadd.f32 $0.0e+00, v22  }
0x103: {  	v26 =	vmul.f32 v26, v20;
	v22 =	vadd.f32 $0.0e+00, v23;
	v23 =	vmul.f32 v27, v20  }
0x104: {  	v21 =	vadd.f32 v25, v21;
	v25 =	vmul.f32 v24, v19;
	v27 =	vshll.u32 v36, $0x10  }
0x105: {  	v29 =	vmul.f32 v29, v19;
	v37 =	vadd.f32 v37, v22;
	v36 =	vand.u32 $0xFFFF0000, v36  }
0x106: {  	v24 =	vperm.xlane v31, v5;
	v22 =	vperm.xlane v31, v11;
	v21 =	vadd.f32 v23, v21  }
0x107: {  	v23 =	vadd.f32 v26, v37;
	v26 =	vshll.u32 v38, $0x10;
	v37 =	vand.u32 $0xFFFF0000, v38  }
0x108: {  	v30 =	vmul.f32 v30, v24;
	v21 =	vadd.f32 v25, v21;
	v25 =	vmul.f32 v35, v24  }
0x109: {  	v29 =	vadd.f32 v29, v23;
	v35 =	vor.u32 $0x10, v18  }
0x10a: {  	v28 =	vmul.f32 v28, v22;
	v23 =	vperm.xlane v31, v12;
	v25 =	vadd.f32 v25, v21  }
0x10b: {  	v29 =	vadd.f32 v30, v29;
	v30 =	vmul.f32 v32, v22  }
0x10c: {  	v21 =	vperm.xlane v31, v6;
	v27 =	vmul.f32 v27, v23;
	v25 =	vadd.f32 v28, v25  }
0x10d: {  	v28 =	vadd.f32 v30, v29;
	v29 =	vmul.f32 v36, v23;
	v30 =	vor.u32 v0, v17  }
0x10e: {  	v26 =	vmul.f32 v26, v21;
	v25 =	vadd.f32 v27, v25;
	v27 =	vor.u32 v14, v17  }
0x10f: {  	v28 =	vadd.f32 v29, v28;
	v29 =	vmul.f32 v37, v21  }
0x110: {  	v25 =	vadd.f32 v26, v25  }
0x111: {  	v26 =	vadd.f32 v29, v28  }
0x112: {  	[tilespmem:v30+s3+$0x0] =	vst.idx.msk $0xffff, v25  }
0x113: {  	[tilespmem:v27+s3+$0x0] =	vst.idx.msk $0xffff, v26  }
0x114: {  	[tilespmem:v18+s3+$0x0] =	vst.idx.msk $0xffff, v1  }
0x115: {  	[tilespmem:v35+s3+$0x0] =	vst.idx.msk $0xffff, v1  }
0x116: {  	v25 =	vld [tilespmem:s22+$0x210]  }
0x117: {  	v27 =	vld [tilespmem:s22+$0x630]  }
0x118: {  	v28 =	vld [tilespmem:s22+$0x230];
	_ =	sdelay $0x1  }
0x119: {  	v37 =	vld [tilespmem:s22+$0x250]  }
.Ltmp1:
0x11a: {  	v26 =	vor.u32 v16, v17;
	v29 =	vshll.u32 v25, $0x10;
	v30 =	vand.u32 $0xFFFF0000, v25;
	(pc) =	sbr.rel @p0 .LBB2_5-.Ltmp1, $4  }
0x11b: {  	v25 =	vmov s24;
	v31 =	vmul.f32 v29, v33;
	v32 =	vmul.f32 v30, v33;
	v29 =	vld [tilespmem:s22+$0x270]  }
0x11c: {  	v30 =	vshll.u32 v27, $0x10;
	v35 =	vshll.u32 v28, $0x10;
	v36 =	vand.u32 $0xFFFF0000, v28  }
0x11d: {  	v33 =	vadd.f32 $0.0e+00, v31;
	v31 =	vadd.f32 $0.0e+00, v32;
	v35 =	vmul.f32 v35, v34;
	v28 =	vld [tilespmem:s22+$0x610]  }
0x11e: {  	s23 =	smov.u32 s25;
	s4 =	sadd.s32 $0x80, s4;
	v32 =	vmul.f32 v36, v34;
	v36 =	vshll.u32 v37, $0x10;
	v34 =	vand.u32 $0xFFFF0000, v37  }
0x11f: {  	v33 =	vadd.f32 v35, v33;
	v49 =	vmul.f32 v36, v20  }
0x120: {  	v50 =	vmul.f32 v34, v20;
	v31 =	vadd.f32 v32, v31;
	v51 =	vshll.u32 v29, $0x10  }
0x121: {  	v53 =	vld [tilespmem:s22+$0x650];
	v52 =	vand.u32 $0xFFFF0000, v29;
	v33 =	vadd.f32 v49, v33;
	v32 =	vmul.f32 v51, v19  }
0x122: {  	v19 =	vmul.f32 v52, v19;
	v20 =	vadd.f32 v50, v31;
	v54 =	vshll.u32 v28, $0x10  }
0x123: {  	v57 =	vld [tilespmem:s22+$0x670];
	v56 =	vand.u32 $0xFFFF0000, v28;
	v55 =	vadd.f32 v32, v33;
	v29 =	vmul.f32 v54, v24  }
0x124: {  	v59 =	vand.u32 $0xFFFF0000, v27;
	v58 =	vmul.f32 v56, v24;
	v19 =	vadd.f32 v19, v20  }
0x125: {  	v60 =	vmul.f32 v30, v22;
	v17 =	vor.u32 v15, v17;
	v61 =	vadd.f32 v29, v55  }
0x126: {  	v62 =	vmul.f32 v59, v22;
	v63 =	vshll.u32 v53, $0x10;
	v19 =	vadd.f32 v58, v19  }
0x127: {  	v30 =	vand.u32 $0xFFFF0000, v53;
	v20 =	vmul.f32 v63, v23;
	v27 =	vadd.f32 v60, v61  }
0x128: {  	v33 =	vshll.u32 v57, $0x10;
	v31 =	vmul.f32 v30, v23;
	v19 =	vadd.f32 v62, v19  }
0x129: {  	v34 =	vand.u32 $0xFFFF0000, v57;
	v23 =	vmul.f32 v33, v21;
	v20 =	vadd.f32 v20, v27  }
0x12a: {  	v36 =	vor.u32 $0x20, v18;
	v35 =	vmul.f32 v34, v21;
	v19 =	vadd.f32 v31, v19  }
0x12b: {  	v18 =	vor.u32 $0x30, v18;
	v20 =	vadd.f32 v23, v20  }
0x12c: {  	v19 =	vadd.f32 v35, v19  }
0x12d: {  	[tilespmem:v17+s3+$0x0] =	vst.idx.msk $0xffff, v20  }
0x12e: {  	[tilespmem:v26+s3+$0x0] =	vst.idx.msk $0xffff, v19  }
0x12f: {  	[tilespmem:v36+s3+$0x0] =	vst.idx.msk $0xffff, v1  }
0x130: {  	[tilespmem:v18+s3+$0x0] =	vst.idx.msk $0xffff, v1  }
0x131: {  	v17 =	vld.idx.msk [tilespmem:v25+s18+$0x0], $0xffff;
	_ =	sdelay $0x4  }
0x132: {  	v18 =	vshll.u32 v17, $0x4  }
0x133: {  	v19 =	vshll.u32 v25, $0x7;
	v18 =	vand.u32 $0x70, v18  }
0x134: {  	v18 =	vor.u32 v18, v19  }
0x135: {  	v18 =	vor.u32 v0, v18;
	_ =	sdelay $0x4  }
0x136: {  	v18 =	vld.idx.msk [tilespmem:v18+s30+$0x0], $0xffff;
	_ =	sdelay $0x4  }
0x137: {  	v18 =	vadd.f32 $1.000000020e-16, v18;
	_ =	sdelay $0x1  }
0x138: {  	(erf) = vrcp.f32 v18  }
0x139: {  	s1 =	sadd.s32 $0x80, s1;
	s2 =	sadd.s32 $0x100, s2  }
0x13a: {  	s2 =	sand.u32 $0x3800, s2;
	s1 =	sand.u32 $0x380, s1  }
0x13b: {  	s1 =	sor.u32 s1, s2  }
0x13c: {  	v20 =	vld [tilespmem:s1+$0x200]  }
0x13d: {  	v18 =	vld [tilespmem:s4+$0x0]  }
0x13e: {  	v37 =	vld [tilespmem:s1+$0x220]  }
0x13f: {  	v22 =	vld [tilespmem:s1+$0x240]  }
0x140: {  	v39 =	vld [tilespmem:s1+$0x260]  }
0x141: {  	v41 =	vld [tilespmem:s1+$0x600];
	v38 =	vpop (erf)  }
0x142: {  	v45 =	vld [tilespmem:s1+$0x620];
	v18 =	vmul.f32 v38, v18  }
0x143: {  	v17 =	vshll.u32 v17, $0x6;
	v42 =	vshll.u32 v20, $0x10  }
0x144: {  	v51 =	vld [tilespmem:s1+$0x640];
	v20 =	vand.u32 $0xFFFF0000, v20;
	v43 =	vshll.u32 v37, $0x10;
	v18 =	vmul.f32 $1.250000000e-01, v18  }
0x145: {  	v21 =	vand.u32 $0xFFFF0000, v37;
	v44 =	vand.u32 $0xFFFF0000, v22;
	v22 =	vshll.u32 v22, $0x10  }
0x146: {  	v47 =	vand.u32 $0xFFFF0000, v39;
	v24 =	vshll.u32 v39, $0x10;
	v46 =	vperm.xlane v18, v7  }
0x147: {  	v50 =	vshll.u32 v41, $0x10;
	v25 =	vand.u32 $0xFFFF0000, v41;
	v37 =	vshll.u32 v45, $0x10  }
0x148: {  	v29 =	vand.u32 $0xFFFF0000, v45;
	v48 =	vperm.xlane v18, v8;
	v26 =	vmul.f32 v42, v46  }
0x149: {  	v53 =	vshll.u32 v51, $0x10;
	v55 =	vand.u32 $0xFFFF0000, v51;
	v20 =	vmul.f32 v20, v46  }
0x14a: {  	v49 =	vperm.xlane v18, v9;
	v27 =	vmul.f32 v43, v48;
	v26 =	vadd.f32 $0.0e+00, v26  }
0x14b: {  	v17 =	vand.u32 $0x40, v17;
	v21 =	vmul.f32 v21, v48;
	v20 =	vadd.f32 $0.0e+00, v20  }
0x14c: {  	v34 =	vperm.xlane v18, v10;
	v22 =	vmul.f32 v22, v49;
	v26 =	vadd.f32 v27, v26  }
0x14d: {  	v40 =	vxor.u32 v13, v17;
	v52 =	vmul.f32 v44, v49;
	v20 =	vadd.f32 v21, v20  }
0x14e: {  	v28 =	vperm.xlane v18, v5;
	v24 =	vmul.f32 v24, v34;
	v22 =	vadd.f32 v22, v26  }
0x14f: {  	v17 =	vor.u32 v19, v17;
	v54 =	vmul.f32 v47, v34;
	v20 =	vadd.f32 v52, v20  }
0x150: {  	v38 =	vld [tilespmem:s1+$0x660];
	v56 =	vmul.f32 v50, v28;
	v27 =	vperm.xlane v18, v11;
	v22 =	vadd.f32 v24, v22  }
0x151: {  	v62 =	vor.u32 v0, v17;
	v25 =	vmul.f32 v25, v28;
	v20 =	vadd.f32 v54, v20  }
0x152: {  	v26 =	vperm.xlane v18, v12;
	v58 =	vmul.f32 v37, v27;
	v22 =	vadd.f32 v56, v22  }
0x153: {  	v35 =	vor.u32 v14, v17;
	v60 =	vmul.f32 v29, v27;
	v20 =	vadd.f32 v25, v20  }
0x154: {  	v18 =	vperm.xlane v18, v6;
	v21 =	vmul.f32 v53, v26;
	v22 =	vadd.f32 v58, v22  }
0x155: {  	v57 =	vshll.u32 v38, $0x10;
	v61 =	vmul.f32 v55, v26;
	v20 =	vadd.f32 v60, v20  }
0x156: {  	v59 =	vand.u32 $0xFFFF0000, v38;
	v63 =	vmul.f32 v57, v18;
	v21 =	vadd.f32 v21, v22  }
0x157: {  	v19 =	vor.u32 v19, v40;
	v36 =	vmul.f32 v59, v18;
	v20 =	vadd.f32 v61, v20  }
0x158: {  	v37 =	vor.u32 $0x10, v19;
	v21 =	vadd.f32 v63, v21  }
0x159: {  	v20 =	vadd.f32 v36, v20  }
0x15a: {  	[tilespmem:v62+s3+$0x0] =	vst.idx.msk $0xffff, v21  }
0x15b: {  	[tilespmem:v35+s3+$0x0] =	vst.idx.msk $0xffff, v20  }
0x15c: {  	[tilespmem:v19+s3+$0x0] =	vst.idx.msk $0xffff, v1  }
0x15d: {  	[tilespmem:v37+s3+$0x0] =	vst.idx.msk $0xffff, v1  }
0x15e: {  	v20 =	vld [tilespmem:s1+$0x210];
	_ =	sdelay $0x1  }
0x15f: {  	v21 =	vld [tilespmem:s1+$0x230];
	_ =	sdelay $0x1  }
0x160: {  	v39 =	vld [tilespmem:s1+$0x250]  }
0x161: {  	v40 =	vshll.u32 v20, $0x10  }
0x162: {  	v41 =	vor.u32 v16, v17;
	v29 =	vld [tilespmem:s1+$0x270];
	v20 =	vand.u32 $0xFFFF0000, v20;
	v24 =	vmul.f32 v40, v46  }
0x163: {  	v17 =	vor.u32 v15, v17;
	v42 =	vshll.u32 v21, $0x10;
	v20 =	vmul.f32 v20, v46  }
0x164: {  	v44 =	vld [tilespmem:s1+$0x610];
	v21 =	vand.u32 $0xFFFF0000, v21;
	v30 =	vmul.f32 v42, v48;
	v24 =	vadd.f32 $0.0e+00, v24  }
0x165: {  	v45 =	vshll.u32 v39, $0x10;
	v21 =	vmul.f32 v21, v48;
	v20 =	vadd.f32 $0.0e+00, v20  }
0x166: {  	v38 =	vld [tilespmem:s1+$0x630];
	v23 =	vand.u32 $0xFFFF0000, v39;
	v46 =	vmul.f32 v45, v49;
	v24 =	vadd.f32 v30, v24  }
0x167: {  	v47 =	vmul.f32 v23, v49;
	v48 =	vshll.u32 v29, $0x10;
	v20 =	vadd.f32 v21, v20  }
0x168: {  	v29 =	vand.u32 $0xFFFF0000, v29;
	v49 =	vld [tilespmem:s1+$0x650];
	v23 =	vmul.f32 v48, v34;
	v24 =	vadd.f32 v46, v24  }
0x169: {  	v51 =	vshll.u32 v44, $0x10;
	v50 =	vmul.f32 v29, v34;
	v20 =	vadd.f32 v47, v20  }
0x16a: {  	v54 =	vld [tilespmem:s1+$0x670];
	v53 =	vand.u32 $0xFFFF0000, v44;
	v52 =	vmul.f32 v51, v28;
	v23 =	vadd.f32 v23, v24  }
0x16b: {  	v43 =	vshll.u32 v38, $0x10;
	v55 =	vmul.f32 v53, v28;
	v20 =	vadd.f32 v50, v20  }
0x16c: {  	v22 =	vand.u32 $0xFFFF0000, v38;
	v56 =	vmul.f32 v43, v27;
	v23 =	vadd.f32 v52, v23  }
0x16d: {  	v22 =	vmul.f32 v22, v27;
	v57 =	vshll.u32 v49, $0x10;
	v20 =	vadd.f32 v55, v20  }
0x16e: {  	v58 =	vand.u32 $0xFFFF0000, v49;
	v21 =	vmul.f32 v57, v26;
	v23 =	vadd.f32 v56, v23  }
0x16f: {  	v60 =	vshll.u32 v54, $0x10;
	v59 =	vmul.f32 v58, v26;
	v20 =	vadd.f32 v22, v20  }
0x170: {  	v62 =	vand.u32 $0xFFFF0000, v54;
	v61 =	vmul.f32 v60, v18;
	v21 =	vadd.f32 v21, v23  }
0x171: {  	v63 =	vor.u32 $0x20, v19;
	v18 =	vmul.f32 v62, v18;
	v20 =	vadd.f32 v59, v20  }
0x172: {  	v19 =	vor.u32 $0x30, v19;
	v21 =	vadd.f32 v61, v21  }
0x173: {  	v18 =	vadd.f32 v18, v20  }
0x174: {  	[tilespmem:v17+s3+$0x0] =	vst.idx.msk $0xffff, v21  }
0x175: {  	s15 =	sadd.s32 $0x1, s15;
	[tilespmem:v41+s3+$0x0] =	vst.idx.msk $0xffff, v18  }
0x176: {  	p0 =	sne.s32 s15, $0x1AE;
	[tilespmem:v63+s3+$0x0] =	vst.idx.msk $0xffff, v1  }
.Ltmp2:
0x177: {  	s25 =	rddreg [dreg:$0x2];
	[tilespmem:v19+s3+$0x0] =	vst.idx.msk $0xffff, v1;
	(pc) =	sbr.rel @p0 .LBB2_4-.Ltmp2, $4  }
0x178: {  	[spmem:s25] =	stream.indirect.scatter.add.f32 [tilespmem:s3], [sflag:$0x4], $0x80, s20, s29, $0xb8;
	[tilespmem:$0x11E00] =	vst v63  }
0x179: {  	_ =	swait.ge [sflag:s17], $0x1800  }
0x17a: {  	[sflag:s17] =	ssyncset.done $0x0  }
0x17b: {  	[sflag:s17] =	ssyncadd.s32 $0xFFFFE800  }
0x17c: {  	s1 =	stileid.u32  }
0x17d: {  	[bflag:$0x0] =	sbarrier.arrive $0xFFFF;
	s1 =	sshll.u32 s1, $0x6  }
0x17e: {  	s2 =	sshrl.u32 s12, $0x3;
	s4 =	rddreg [dreg:$0x5];
	s1 =	sor.u32 $0x1C04, s1  }
0x17f: {  	[hbm:s4], [sflag:s1] =	dma.local [spmem:s2], $0x1400  }
0x180: {  	_ =	swait.ge [sflag:s17], $0x1400  }
0x181: {  	s14 =	rddreg [dreg:$0x4]  }
0x182: {  	s25 =	rddreg [dreg:$0x6];
	s14 =	sadd.s32 $0x1, s14  }
0x183: {  	p0 =	sne.s32 s14, s25  }
.Ltmp3:
0x184: {  	_ = 	snop;
	(pc) =	sbr.rel @p0 .LBB2_1-.Ltmp3, $3  }
0x185: {  	_ =	sdelay $0x1  }
0x186: {  	[sflag:s17] =	ssyncset.done $0x0  }
0x187: {  	[sflag:s17] =	ssyncadd.s32 $0xFFFFEC00  }
0x188: {  	_ =	sfence.sel $0x180000  }
0x189: {  	[bflag:$0x0] =	sbarrier.arrive $0xFFFF  }
0x18a: {  	_ =	strace $0x9000004D  }
0x18b: {  	s0 =	stileid.u32;
	[bflag:$0x2] =	sbarrier.arrive $0xFFFF  }
0x18c: {  	p0 =	sne.s32 s0, $0x0;
	s0 =	rddreg [dreg:$0x3]  }
0x18d: {  	s0 =	sadd.s32 @!p0 $0x100000, s0  }
0x18e: {  	[sflag:s0] =	ssyncadd.tile.s32 @!p0 $0x1;
	_ =	shalt  }
.Lfunc_end2:
_tile_overlayer_lowered:
.L_overlay_start_2:
0x18f: {  	(tag) =	ssettag $0x2  }
0x190: {  	s0 =	rddreg [dreg:$0x0];
	s2 =	stileid.u32  }
0x191: {  	s1 =	rddreg [dreg:$0x1];
	p0 =	sne.s32 s2, $0x0  }
0x192: {  	s3 =	rddreg [dreg:$0x2];
	[bflag:$0x3] =	sbarrier.arrive $0xFFFF;
	s2 =	simm.s32 @!p0 $0x1C04  }
0x193: {  	[timem:s3], [sflag:s2] =	dma.local @!p0 [hbm:s0], s1  }
0x194: {  	s0 =	simm.s32 @!p0 $0x4  }
0x195: {  	_ =	swait.ge @!p0 [sflag:s0], s1  }
0x196: {  	s1 =	ssub.s32 @!p0 $0x0, s1;
	[sflag:s0] =	ssyncset.done @!p0 $0x0  }
0x197: {  	[sflag:s0] =	ssyncadd.s32 @!p0 s1  }
0x198: {  	[bflag:$0x3] =	sbarrier.arrive $0xFFFF  }
0x199: {  	_ =	shalt  }

// kernel: sparse-core-data-format-call.cloned.1.call-start
scs
called_computation_lowered:
.L_overlay_start_0:
0x0: {  	s1 =	sld [smem:$0x3FD9]  }
0x1: {  	s2 =	sld [smem:$0x3FFE];
	_ =	sdelay $0x1  }
0x2: {  	s3 =	srdreg.scid  }
0x3: {  	s0 =	sand.u32 $0x1, s3  }
0x4: {  	s17 =	sshll.u32 s0, $0xA;
	s1 =	sadd.s32 s2, s1  }
0x5: {  	s1 =	sadd.s32 s1, s17  }
0x6: {  	[smem:$0x3FB4] =	sst s1  }
0x7: {  	_ = 	snop  }
0x8: {  	(tm) =	ssettm $0x1  }
0x9: {  	s18 =	sld [smem:$0x3FFB];
	_ =	sdelay $0x3  }
0xa: {  	_ =	strace s18  }
0xb: {  	s1 =	sld [smem:$0x3FFC];
	_ =	sdelay $0x3  }
0xc: {  	_ =	strace s1  }
0xd: {  	s1 =	sld [smem:$0x3FFD];
	_ =	sdelay $0x3  }
0xe: {  	_ =	strace s1  }
0xf: {  	_ =	strace $0x8FFFFFFF  }
0x10: {  	s19 =	sld [smem:$0x3FDB];
	_ =	sdelay $0x1  }
0x11: {  	s20 =	simm.s32 $_scs_section_size  }
0x12: {  	s4 =	simm.s32 $_size__tile_overlayer_lowered;
	s5 =	simm.s32 $_tile_overlayer_lowered  }
0x13: {  	s23 =	simm.s32 $0x1BFF;
	s22 =	sshll.u32 s5, $0x1;
	s1 =	sadd.s32 s20, s19  }
0x14: {  	s6 =	simm.s32 $0x0;
	s21 =	sshll.u32 s4, $0x1;
	s4 =	sadd.s32 s22, s1  }
0x15: {  	[timem:s6], [sflag:s23] =	dma.local [hbm:s4], s21  }
0x16: {  	_ =	swait.ge [sflag:s23], s21  }
0x17: {  	s2 =	ssub.s32 $0x0, s21;
	[sflag:s23] =	ssyncset.done $0x0  }
0x18: {  	[sflag:s23] =	ssyncadd.s32 s2;
	_ =	sdelay $0x1  }
0x19: {  	s24 =	simm.s32 $0x1B8B  }
0x1a: {  	_ =	swait.ge [sflag:s24], $0x1  }
0x1b: {  	[sflag:s24] =	ssyncset.done $0x0  }
0x1c: {  	s26 =	simm.s32 $0x1B8E;
	s25 =	sld [smem:$0x3FFE];
	[sflag:s24] =	ssyncadd.s32 $0xFFFFFFFF  }
0x1d: {  	s27 =	simm.s32 $execute0_lowered;
	[smem:$0x3FD2] =	sst s26  }
0x1e: {  	s4 =	sshll.u32 s27, $0x1;
	_ =	strace $0x80000046;
	[dreg:$0x1] =	wrdreg $0xFFFFFFFF  }
0x1f: {  	s28 =	simm.s32 $_size_execute0_lowered;
	s1 =	sadd.s32 s1, s4;
	[dreg:$0x0] =	wrdreg $0x0  }
0x20: {  	s4 =	sshll.u32 s28, $0x1;
	[dreg:$0x2] =	wrdreg s1  }
0x21: {  	[dreg:$0x3] =	wrdreg s4  }
0x22: {  	[dreg:$0x4] =	wrdreg $0xC0  }
0x23: {  	_ =	task [dreg:s6], $0x5FFFF  }
0x24: {  	[dreg:$0x1] =	wrdreg $0xFFFFFFFF  }
0x25: {  	[dreg:$0x0] =	wrdreg $0x60  }
0x26: {  	[dreg:$0x2] =	wrdreg s25  }
0x27: {  	[dreg:$0x3] =	wrdreg $0x9  }
0x28: {  	_ =	task.clear_ibuf [dreg:s6], $0x4FFFF;
	_ =	strace $0x90000046  }
0x29: {  	s29 =	simm.s32 $0x9;
	_ =	strace $0x80000048  }
0x2a: {  	_ =	swait.ge [sflag:s29], $0x1  }
0x2b: {  	[sflag:s29] =	ssyncadd.s32 $0xFFFFFFFF  }
0x2c: {  	_ =	strace $0x90000048  }
0x2d: {  	_ =	sfence  }
0x2e: {  	s30 =	sld [smem:$0x0];
	_ =	sdelay $0x2  }
0x2f: {  	s31 =	sshll.u32 s3, $0xD;
	s3 =	sshrl.u32 s3, $0x2  }
0x30: {  	s2 =	sand.u32 $0x4000, s31;
	s1 =	sadd.s32 s3, s30  }
0x31: {  	s0 =	sor.u32 s2, s0;
	s1 =	sshll.u32 s1, $0x11  }
0x32: {  	s0 =	sor.u32 s1, s0  }
0x33: {  	s0 =	sadd.s32 $0x8F2B, s0  }
0x34: {  	[sflag:s0] =	ssyncadd.remote.s32 $0x1  }
0x35: {  	_ =	sfence.sel $0xFFFF  }
0x36: {  	[dreg:$0x0] =	wrdreg $0xFFFFFFFF;
	(pc) =	sbr.abs _section_cstart, $3  }
0x37: {  	[dreg:$0x1] =	wrdreg $0xFFFFFFFF  }
0x38: {  	_ =	task.clear_ibuf [dreg:s6], $0x2FFFF;
	_ =	strace $0x9FFFFFFF  }
0x39: {  	(tm) =	ssettm $0x7FFFFFFF  }
tec
execute0_lowered:
.L_overlay_start_1:
0x0: {  	(tag) =	ssettag $0x1  }
0x1: {  	s0 =	srdreg.scid  }
0x2: {  	s1 =	sshll.u32 s0, $0x4  }
0x3: {  	s7 =	rddreg [dreg:$0x0];
	s0 =	stileid.u32;
	s1 =	sand.u32 $0x10, s1  }
0x4: {  	s31 =	simm.s32 $0x2;
	s14 =	simm.s32 $0x0;
	s8 =	sor.u32 s0, s1  }
0x5: {  	s13 =	simm.s32 $0x0;
	s12 =	simm.s32 $0x0;
	s2 =	sshll.u32 s8, $0x5  }
0x6: {  	s3 =	sadd.s32 $0x274200, s7;
	s4 =	sshll.u32 s0, $0x7;
	s2 =	sand.u32 $0x380, s2  }
0x7: {  	s1 =	rddreg [dreg:$0x1];
	s4 =	sand.u32 $0x180, s4;
	s5 =	ssub.s32 $0x400, s2  }
0x8: {  	_ =	strace $0x80000047;
	s9 =	ssub.s32 $0x2700, s4;
	s6 =	sand.u32 $0x380, s5  }
0x9: {  	s9 =	sshrl.u32 s9, $0x9;
	p0 =	sne.s32 s6, $0x0;
	s6 =	simm.s32 $0x1  }
.Ltmp0:
0xa: {  	s10 =	sshrl.u32 s5, $0xA;
	s6 =	simm.s32 @!p0 $0x0;
	(pc) =	sbr.rel .LBB1_1-.Ltmp0, $4  }
0xb: {  	s9 =	sadd.s32 $0x1, s9;
	s5 =	simm.s32 $0x1;
	s6 =	sadd.s32 s6, s10  }
0xc: {  	s7 =	sadd.s32 $0x3ACA00, s7;
	[sflag:s5] =	ssyncpa.u1 $0x0;
	s6 =	smul.u32 s9, s6  }
0xd: {  	s8 =	sshll.u32 s8, $0x8;
	s11 =	smov.u32 s4;
	[sflag:s31] =	ssyncpa.u1 $0x0  }
0xe: {  	p0 =	por $0x0, $0x0;
	s10 =	simm.s32 $0x13C00;
	s9 =	sadd.s32 $0x1, s6  }
.LBB1_4:
0xf: {  	s14 =	sshrl.u32 s14, $0x3  }
0x10: {  	s20 =	sshll.u32 s13, $0x3;
	s14 =	smul.u32 $0x13C00, s14  }
0x11: {  	v5 =	vld [tilespmem:s18+$0xFFFFFFD0];
	[tilespmem:s17+$0x2040 ss:$0x81] =	vst.msk $0xffff, v4;
	s20 =	sand.u32 $0xFFFFFC00, s20  }
0x12: {  	v58 =	vld [tilespmem:s18+$0xFFFFFFE0];
	[tilespmem:s17+$0x2850 ss:$0x81] =	vst.msk $0xffff, v3;
	s30 =	sand.u32 $0x7F, s13;
	s14 =	sadd.s32 s20, s14  }
0x13: {  	s19 =	sshra.s32 s19, $0x2;
	v59 =	vld [tilespmem:s18+$0xFFFFFFF0];
	[tilespmem:s17+$0x3060 ss:$0x81] =	vst.msk $0xffff, v2;
	s13 =	sor.u32 s30, s14  }
0x14: {  	v60 =	vld [tilespmem:s18+$0x0];
	[tilespmem:s17+$0x0 ss:$0x81] =	vst.msk $0xffff, v0;
	s16 =	sadd.s32 s19, s16;
	s31 =	smulhi.u32 $0xCF6474A9, s13  }
0x15: {  	v61 =	vld [tilespmem:s18+$0x10];
	[tilespmem:s16+$0x3870 ss:$0x81] =	vst.msk $0xffff, v1  }
0x16: {  	v62 =	vld [tilespmem:s18+$0x20];
	s14 =	smulhi.u32 $0xCF6474A9, s14;
	[tilespmem:s16+$0x810 ss:$0x81] =	vst.msk $0xffff, v5;
	s17 =	sshrl.u32 s31, $0xD  }
0x17: {  	v63 =	vld [tilespmem:s18+$0xFFFFFFC0];
	[tilespmem:s16+$0x1020 ss:$0x81] =	vst.msk $0xffff, v58;
	s17 =	smul.u32 $0x2780, s17  }
0x18: {  	[tilespmem:s16+$0x1830 ss:$0x81] =	vst.msk $0xffff, v59;
	s14 =	sshrl.u32 s14, $0xD  }
0x19: {  	[tilespmem:s16+$0x2040 ss:$0x81] =	vst.msk $0xffff, v60;
	s14 =	sand.u32 $0x3FF, s14;
	s13 =	ssub.s32 s13, s17  }
0x1a: {  	[tilespmem:s16+$0x2850 ss:$0x81] =	vst.msk $0xffff, v61;
	s14 =	smul.u32 $0x4F0, s14;
	s17 =	sshrl.u32 s13, $0x3;
	s13 =	sand.u32 $0x7, s13  }
0x1b: {  	[tilespmem:s16+$0x3060 ss:$0x81] =	vst.msk $0xffff, v62;
	s17 =	sadd.s32 s7, s17;
	s13 =	sshll.u32 s13, $0x12  }
0x1c: {  	[tilespmem:s16+$0x0 ss:$0x81] =	vst.msk $0xffff, v63;
	s14 =	sadd.s32 s14, s17;
	s13 =	sor.u32 $0x400, s13  }
0x1d: {  	[hbm4b:s14+s13] =	stream.strided.scatter [tilespmem:s15], [sflag:$0x2], $0x4000, s10, s13, $0x20;
	[tilespmem:$0x10100] =	vst v63  }
.LBB1_5:
0x1e: {  	s15 =	sadd.s32 $0x200, s11  }
0x1f: {  	p2 =	sgt.s32 s15, $0x270F  }
0x20: {  	s15 =	smov.u32 @p2 s4;
	p2 =	sne.s32 s12, s9  }
.Ltmp1:
0x21: {  	p1 =	slt.u32 s12, $0x2;
	(pc) =	sbr.rel @!p2 .LBB1_6-.Ltmp1, $4  }
0x22: {  	s14 =	simm.s32 @!p1 $0x2  }
0x23: {  	s16 =	sadd.s32 $0x1, s12;
	s13 =	smov.u32 s11;
	_ =	swait.ge @!p1 [sflag:s14], $0x4000  }
0x24: {  	p0 =	por !p0, !p0;
	s12 =	smov.u32 s16;
	[sflag:s14] =	ssyncset.done @!p1 $0x0  }
0x25: {  	s11 =	smov.u32 s15;
	[sflag:s14] =	ssyncadd.s32 @!p1 $0xFFFFC000;
	s14 =	smov.u32 s2  }
.LBB1_1:
0x26: {  	p1 =	sge.u32 s12, s6  }
0x27: {  	s15 =	sshll.u32 @!p1 s11, $0xA  }
0x28: {  	s15 =	sand.u32 @!p1 $0xFFFFE000, s15  }
0x29: {  	s15 =	sor.u32 @!p1 s8, s15  }
0x2a: {  	s17 =	smov.u32 s11;
	p2 =	sgt.s32 @!p1 s11, $0x2690;
	s15 =	sshrl.u32 @!p1 s15, $0xA  }
0x2b: {  	s18 =	sshra.s32 @!p1 s11, $0x1F;
	p2 =	por !p2, p1;
	s16 =	smulhi.u32 @!p1 $0x1A36E3, s15  }
0x2c: {  	s31 =	sadd.s32 $0xFFFFFFFF, s12;
	s18 =	sand.u32 @!p1 s18, s11;
	s17 =	simm.s32 @p2 $0x2690  }
0x2d: {  	s19 =	sxor.u32 @!p1 $0xFFFFFFFF, s12;
	s17 =	ssub.s32 @!p1 s17, s18;
	s16 =	sshrl.u32 @!p1 s16, $0x2  }
0x2e: {  	s18 =	sshll.u32 @!p1 s19, $0xE;
	s17 =	sadd.s32 @!p1 $0xFFFFD970, s17;
	s16 =	smul.u32 @!p1 $0x2710, s16  }
0x2f: {  	s19 =	simm.s32 @!p1 $0x2000;
	s18 =	sand.u32 @!p1 $0x4000, s18;
	p2 =	sgt.s32 @!p1 s17, $0x7F  }
0x30: {  	s15 =	ssub.s32 @!p1 s15, s16;
	s16 =	sshll.u32 @!p1 s17, $0x7;
	s17 =	sshll.u32 @!p1 s11, $0x4  }
0x31: {  	p2 =	por !p2, p1;
	s16 =	ssub.s32 @!p1 $0x4000, s16;
	s17 =	sand.u32 @!p1 $0x70, s17  }
0x32: {  	s15 =	sshll.u32 @!p1 s15, $0x7;
	s16 =	sand.u32 @!p1 $0x3FFFFF80, s16;
	s17 =	sadd.s32 @!p1 s3, s17  }
0x33: {  	s16 =	simm.s32 @!p2 $0x0;
	s15 =	sadd.s32 @!p1 s15, s17;
	s17 =	simm.s32 @!p1 $0x400  }
0x34: {  	[tilespmem:s18], [sflag:$0x1] =	stream.strided.gather @!p1 [hbm4b:s15+s17], s16, s19, s17, $0x38;
	[tilespmem:$0x10100] =	vst v63  }
0x35: {  	p1 =	sge.u32 s31, s6  }
.Ltmp2:
0x36: {  	_ = 	snop;
	(pc) =	sbr.rel @p1 .LBB1_5-.Ltmp2, $1  }
0x37: {  	_ =	sdelay $0x3  }
0x38: {  	p1 =	sgt.s32 s13, $0x2690;
	s15 =	smov.u32 s13;
	s16 =	sshra.s32 s13, $0x1F  }
0x39: {  	s15 =	simm.s32 @!p1 $0x2690;
	s16 =	sand.u32 s16, s13  }
0x3a: {  	s15 =	ssub.s32 s15, s16  }
0x3b: {  	s15 =	sadd.s32 $0xFFFFD970, s15  }
0x3c: {  	s29 =	sshll.u32 s15, $0x7  }
0x3d: {  	s16 =	ssub.s32 $0x4000, s29  }
0x3e: {  	p1 =	sgt.s32 s15, $0x7F;
	s15 =	sand.u32 $0x3FFFFF80, s16  }
0x3f: {  	s16 =	simm.s32 $0x1;
	s15 =	simm.s32 @p1 $0x0  }
0x40: {  	s16 =	simm.s32 @!p0 $0x0;
	_ =	swait.ge [sflag:s5], s15  }
0x41: {  	s17 =	sshll.u32 s16, $0xE;
	s15 =	ssub.s32 $0x0, s15;
	[sflag:s5] =	ssyncset.done $0x0  }
0x42: {  	s18 =	sor.u32 $0x40, s17;
	[sflag:s5] =	ssyncadd.s32 s15  }
0x43: {  	s30 =	smul.u32 $0x10200, s16;
	v0 =	vld [tilespmem:s18+$0x30]  }
0x44: {  	v1 =	vld [tilespmem:s18+$0xFFFFFFD0]  }
0x45: {  	s15 =	sshrl.u32 s30, $0x2;
	v5 =	vld [tilespmem:s18+$0xFFFFFFE0]  }
0x46: {  	s16 =	sor.u32 $0x8000, s15;
	v6 =	vld [tilespmem:s18+$0xFFFFFFF0]  }
0x47: {  	s31 =	sand.u32 $0x1, s12;
	v4 =	vld [tilespmem:s18+$0x0];
	s17 =	sadd.s32 $0x0, s16  }
0x48: {  	s15 =	smul.u32 $0x10200, s31;
	v3 =	vld [tilespmem:s18+$0x10];
	[tilespmem:s17+$0x3870 ss:$0x81] =	vst.msk $0xffff, v0  }
0x49: {  	v2 =	vld [tilespmem:s18+$0x20];
	[tilespmem:s17+$0x810 ss:$0x81] =	vst.msk $0xffff, v1  }
0x4a: {  	s15 =	sshrl.u32 s15, $0x2;
	v0 =	vld [tilespmem:s18+$0xFFFFFFC0];
	[tilespmem:s17+$0x1020 ss:$0x81] =	vst.msk $0xffff, v5;
	s18 =	sadd.s32 $0x80, s18  }
0x4b: {  	s19 =	simm.s32 $0x4;
	s20 =	simm.s32 $0x8;
	s15 =	sor.u32 $0x8000, s15;
	[tilespmem:s17+$0x1830 ss:$0x81] =	vst.msk $0xffff, v6;
	v1 =	vld [tilespmem:s18+$0x30]  }
.LBB1_3:
0x4c: {  	p1 =	sne.s32 s20, $0x1FC;
	v5 =	vld [tilespmem:s18+$0xFFFFFFD0];
	[tilespmem:s17+$0x2040 ss:$0x81] =	vst.msk $0xffff, v4  }
0x4d: {  	v6 =	vld [tilespmem:s18+$0xFFFFFFE0];
	[tilespmem:s17+$0x2850 ss:$0x81] =	vst.msk $0xffff, v3  }
0x4e: {  	s21 =	sshra.s32 s19, $0x2;
	s19 =	smov.u32 s20;
	v7 =	vld [tilespmem:s18+$0xFFFFFFF0];
	[tilespmem:s17+$0x3060 ss:$0x81] =	vst.msk $0xffff, v2  }
.Ltmp3:
0x4f: {  	v4 =	vld [tilespmem:s18+$0x0];
	[tilespmem:s17+$0x0 ss:$0x81] =	vst.msk $0xffff, v0;
	s17 =	sadd.s32 s21, s16;
	(pc) =	sbr.rel @p1 .LBB1_3-.Ltmp3, $4  }
0x50: {  	v3 =	vld [tilespmem:s18+$0x10];
	[tilespmem:s17+$0x3870 ss:$0x81] =	vst.msk $0xffff, v1  }
0x51: {  	[tilespmem:s17+$0x810 ss:$0x81] =	vst.msk $0xffff, v5;
	v2 =	vld [tilespmem:s18+$0x20]  }
0x52: {  	v0 =	vld [tilespmem:s18+$0xFFFFFFC0];
	[tilespmem:s17+$0x1020 ss:$0x81] =	vst.msk $0xffff, v6;
	s18 =	sadd.s32 $0x80, s18  }
0x53: {  	s20 =	sadd.s32 $0x4, s20;
	v1 =	vld [tilespmem:s18+$0x30];
	[tilespmem:s17+$0x1830 ss:$0x81] =	vst.msk $0xffff, v7  }
.Ltmp4:
0x54: {  	_ = 	snop;
	(pc) =	sbr.rel .LBB1_4-.Ltmp4, $1  }
0x55: {  	_ =	sdelay $0x3  }
.LBB1_6:
0x56: {  	_ =	sfence.sel $0x180000  }
0x57: {  	s2 =	simm.s32 $0x1;
	[bflag:$0x0] =	sbarrier.arrive $0xFFFF  }
0x58: {  	s31 =	simm.s32 $0x2;
	[sflag:s2] =	ssyncpa.u1 $0x1  }
0x59: {  	[sflag:s31] =	ssyncpa.u1 $0x1  }
0x5a: {  	p0 =	sne.s32 s0, $0x0;
	_ =	strace $0x90000047  }
0x5b: {  	s0 =	sadd.s32 @!p0 $0x100000, s1;
	[bflag:$0x2] =	sbarrier.arrive $0xFFFF  }
0x5c: {  	[sflag:s0] =	ssyncadd.tile.s32 @!p0 $0x1;
	_ =	shalt  }
.Lfunc_end1:
_tile_overlayer_lowered:
.L_overlay_start_2:
0x5d: {  	(tag) =	ssettag $0x2  }
0x5e: {  	s0 =	rddreg [dreg:$0x0];
	s2 =	stileid.u32  }
0x5f: {  	s1 =	rddreg [dreg:$0x1];
	p0 =	sne.s32 s2, $0x0  }
0x60: {  	s3 =	rddreg [dreg:$0x2];
	[bflag:$0x3] =	sbarrier.arrive $0xFFFF;
	s2 =	simm.s32 @!p0 $0x1C01  }
0x61: {  	[timem:s3], [sflag:s2] =	dma.local @!p0 [hbm:s0], s1  }
0x62: {  	s0 =	simm.s32 @!p0 $0x1  }
0x63: {  	_ =	swait.ge @!p0 [sflag:s0], s1  }
0x64: {  	s1 =	ssub.s32 @!p0 $0x0, s1;
	[sflag:s0] =	ssyncset.done @!p0 $0x0  }
0x65: {  	[sflag:s0] =	ssyncadd.s32 @!p0 s1  }
0x66: {  	[bflag:$0x3] =	sbarrier.arrive $0xFFFF  }
0x67: {  	_ =	shalt  }

</sc_bundles>
